<compile_context>
chip_gen: v7x
topology: tpu7x:2x2x1
jax: 0.10.2.dev20260603
libtpu: 0.0.44.dev20260713+nightly
codegen_flags: <defaults>
</compile_context>

<pallas_src>
import functools

import jax
import jax.numpy as jnp
from jax import lax
from jax.experimental import pallas as pl
from jax.experimental.pallas import tpu as pltpu
from jax.experimental.pallas import tpu_sc as plsc

B, N = 4, 4096
C = 64
K = 16
G = 6
NCLS = 13
EPS = 1e-5
ROWS = B * N
RT = 2048
NR = ROWS // RT
T = 256
NT = N // T

_HI = jax.lax.Precision.HIGHEST


def _bdot(a, b):
    return jnp.dot(a.astype(jnp.bfloat16), b.astype(jnp.bfloat16),
                   preferred_element_type=jnp.float32)


def _full(shape):
    return pl.BlockSpec(shape, lambda *args: (0,) * len(shape))


def _rows(shape):
    return pl.BlockSpec(shape, lambda i: (i, 0))


def _k1(feat_ref, w_ref, b_ref, y1_ref, s_ref):
    y1 = _bdot(feat_ref[...], w_ref[...]) + b_ref[...]
    y1_ref[...] = y1

    @pl.when(pl.program_id(0) == 0)
    def _():
        s_ref[...] = jnp.zeros_like(s_ref)

    s_ref[0:1, :] += jnp.sum(y1, axis=0, keepdims=True)
    s_ref[1:2, :] += jnp.sum(y1 * y1, axis=0, keepdims=True)


def _k2(y1_ref, a1_ref, w_ref, b_ref, y2_ref, s_ref):
    h = jnp.maximum(y1_ref[...] * a1_ref[0:1, :] + a1_ref[1:2, :], 0.0)
    y2 = _bdot(h, w_ref[...]) + b_ref[...]
    y2_ref[...] = y2

    @pl.when(pl.program_id(0) == 0)
    def _():
        s_ref[...] = jnp.zeros_like(s_ref)

    s_ref[0:1, :] += jnp.sum(y2, axis=0, keepdims=True)
    s_ref[1:2, :] += jnp.sum(y2 * y2, axis=0, keepdims=True)


def _k3(y2_ref, feat_ref, a2_ref, scw_ref, shw_ref, qw_ref, kw_ref,
        bdw_ref, rp2_ref, geom_ref, q_ref, kf_ref, qw2_ref, y3_ref, s_ref):
    g0 = jnp.maximum(y2_ref[...] * a2_ref[0:1, :] + a2_ref[1:2, :], 0.0)
    f = feat_ref[...]
    scale = _bdot(f, scw_ref[...]) + a2_ref[2:3, :]
    shift = _bdot(f, shw_ref[...]) + a2_ref[3:4, :]
    geom = g0 * (scale + 1.0) + shift
    geom_ref[...] = geom
    q = _bdot(geom, qw_ref[...]) + a2_ref[4:5, :]
    q_ref[...] = q
    kf_ref[...] = _bdot(geom, kw_ref[...]) + a2_ref[5:6, :]
    qw2_ref[...] = jnp.dot(q, rp2_ref[...], precision=_HI)
    y3 = _bdot(geom, bdw_ref[...]) + a2_ref[6:7, 0:32]
    y3_ref[...] = y3

    @pl.when(pl.program_id(0) == 0)
    def _():
        s_ref[...] = jnp.zeros_like(s_ref)

    s_ref[0:1, :] += jnp.sum(y3, axis=0, keepdims=True)
    s_ref[1:2, :] += jnp.sum(y3 * y3, axis=0, keepdims=True)


def _k5(xt_ref, xall_ref, q_ref, kft_ref,
        kidx_ref, kidxg_ref, aq_ref):
    xt = xt_ref[0]
    xa = xall_ref[0]
    sq_t = (xt[:, 0:1] * xt[:, 0:1] + xt[:, 1:2] * xt[:, 1:2]) \
        + xt[:, 2:3] * xt[:, 2:3]
    sq_a = (xa[0:1, :] * xa[0:1, :] + xa[1:2, :] * xa[1:2, :]) \
        + xa[2:3, :] * xa[2:3, :]
    e = _bdot(xt, xa)
    d2 = (sq_t + sq_a) - 2.0 * e
    s_attn = _bdot(q_ref[0], kft_ref[0])

    lanef = jax.lax.broadcasted_iota(jnp.int32, (T, N), 1).astype(jnp.float32)
    lane16 = jax.lax.broadcasted_iota(jnp.int32, (T, K), 1)

    def body(k, carry):
        d2, kidxf, aq = carry
        mv = jnp.min(d2, axis=1, keepdims=True)
        cand = jnp.where(d2 == mv, lanef, jnp.inf)
        idxk = jnp.min(cand, axis=1, keepdims=True)
        onehot = cand == idxk
        aqk = jnp.sum(jnp.where(onehot, s_attn, 0.0), axis=1, keepdims=True)
        colk = lane16 == k
        kidxf = jnp.where(colk, idxk, kidxf)
        aq = jnp.where(colk, aqk, aq)
        d2 = jnp.where(onehot, jnp.inf, d2)
        return d2, kidxf, aq

    zf = jnp.zeros((T, K), jnp.float32)
    _, kidxf, aq = jax.lax.fori_loop(
        0, K, body,
        (d2, zf, zf))

    kidx = kidxf.astype(jnp.int32)
    kidx_ref[0] = kidx
    kidxg_ref[0] = kidx + pl.program_id(0) * N
    aq_ref[0] = aq


PW = (B * N * K) // 32


def _sc_gather(x0_hbm, x1_hbm, x2_hbm, idx_hbm, o0_hbm, o1_hbm, o2_hbm,
               x0_v, x1_v, x2_v, idx_v, o0_v, o1_v, o2_v):
    wid = lax.axis_index("s") * 2 + lax.axis_index("c")
    base = wid * PW
    pltpu.sync_copy(x0_hbm, x0_v)
    pltpu.sync_copy(x1_hbm, x1_v)
    pltpu.sync_copy(x2_hbm, x2_v)
    pltpu.sync_copy(idx_hbm.at[pl.ds(base, PW)], idx_v)

    def body(j, _):
        for u in range(4):
            s = pl.ds(j * 64 + u * 16, 16)
            iv = idx_v[s]
            o0_v[s] = plsc.load_gather(x0_v, [iv])
            o1_v[s] = plsc.load_gather(x1_v, [iv])
            o2_v[s] = plsc.load_gather(x2_v, [iv])
        return 0

    lax.fori_loop(0, PW // 64, body, 0)
    pltpu.sync_copy(o0_v, o0_hbm.at[pl.ds(base, PW)])
    pltpu.sync_copy(o1_v, o1_hbm.at[pl.ds(base, PW)])
    pltpu.sync_copy(o2_v, o2_hbm.at[pl.ds(base, PW)])


CH = 16384


def _sc_gather2(gco_hbm, idx_hbm, val_hbm, t0_v, t1_v, idx_v, o0_v, o1_v):
    wid = lax.axis_index("s") * 2 + lax.axis_index("c")
    c0 = wid * 2
    pltpu.sync_copy(gco_hbm.at[c0], t0_v)
    pltpu.sync_copy(gco_hbm.at[c0 + 1], t1_v)
    for cc in range(16):
        base = cc * CH
        pltpu.sync_copy(idx_hbm.at[pl.ds(base, CH)], idx_v)

        def gbody(j, _):
            for u in range(4):
                s = pl.ds(j * 64 + u * 16, 16)
                iv = idx_v[s]
                o0_v[s] = plsc.load_gather(t0_v, [iv])
                o1_v[s] = plsc.load_gather(t1_v, [iv])
            return 0

        lax.fori_loop(0, CH // 64, gbody, 0)
        pltpu.sync_copy(o0_v, val_hbm.at[c0, pl.ds(base, CH)])
        pltpu.sync_copy(o1_v, val_hbm.at[c0 + 1, pl.ds(base, CH)])


def _k5b(xt_ref, x0_ref, x1_ref, x2_ref, xg_ref, st_ref):
    xt = xt_ref[0]
    xg0 = x0_ref[0]
    xg1 = x1_ref[0]
    xg2 = x2_ref[0]
    xg_ref[0, 0] = xg0
    xg_ref[0, 1] = xg1
    xg_ref[0, 2] = xg2

    rx = xt[:, 0:1] - xg0
    ry = xt[:, 1:2] - xg1
    rz = xt[:, 2:3] - xg2

    @pl.when((pl.program_id(0) == 0) & (pl.program_id(1) == 0))
    def _():
        st_ref[...] = jnp.zeros_like(st_ref)

    def acc(j, v):
        st_ref[j:j + 1, :] += jnp.broadcast_to(jnp.sum(v), (1, 128))

    acc(0, rx)
    acc(1, ry)
    acc(2, rz)
    acc(3, rx * rx)
    acc(4, ry * ry)
    acc(5, rz * rz)
    acc(6, rx * ry)
    acc(7, rx * rz)
    acc(8, ry * rz)


def _k6(xt_ref, xg_ref, aq_ref, qw2_ref, val_ref, y3_ref,
        pep_ref, bdp_ref, clw_ref, clb_ref,
        aff_ref, oft_ref, lgt_ref, bd_ref):
    xt = xt_ref[0]
    rx = xt[:, 0:1] - xg_ref[0, 0]
    ry = xt[:, 1:2] - xg_ref[0, 1]
    rz = xt[:, 2:3] - xg_ref[0, 2]
    a0 = pep_ref[0:1, :].reshape(1, 1, C)
    a1 = pep_ref[1:2, :].reshape(1, 1, C)
    a2 = pep_ref[2:3, :].reshape(1, 1, C)
    dv = pep_ref[3:4, :].reshape(1, 1, C)
    pe = rx[:, :, None] * a0 + ry[:, :, None] * a1
    pe = pe + rz[:, :, None] * a2 + dv
    pe = jnp.maximum(pe, 0.0)
    qw2 = qw2_ref[0]
    posq = jnp.sum(pe * qw2[:, None, :], axis=2)
    attn = (aq_ref[0] + posq) * 0.125
    attn = attn - jnp.max(attn, axis=1, keepdims=True)
    ex = jnp.exp(attn)
    aff = ex / jnp.sum(ex, axis=1, keepdims=True)
    aff_ref[0] = aff

    val = val_ref[:, 0]
    oft = jnp.sum(val * aff[None, :, :], axis=2)
    oft_ref[0] = oft
    lgt_ref[0] = _bdot(clw_ref[...], oft) + clb_ref[...]

    bh = jnp.maximum(y3_ref[0] * bdp_ref[0:1, :] + bdp_ref[1:2, :], 0.0)
    bd = jnp.sum(bh * bdp_ref[2:3, :], axis=1) + bdp_ref[3, 0]
    bd_ref[0, 0] = bd


def _bn_affine(sums, g, be, count):
    mean = sums[0] / count
    var = sums[1] / count - mean * mean
    s = g / jnp.sqrt(var + EPS)
    return s, be - mean * s


@jax.jit
def kernel(xyz, feat, params):
    p = params
    f32 = jnp.float32
    xyz_pad = jnp.pad(xyz, ((0, 0), (0, 0), (0, 5)))
    xyzT = jnp.transpose(xyz_pad, (0, 2, 1))
    feat_pad = jnp.pad(feat.reshape(ROWS, G), ((0, 0), (0, 2)))

    w1t = jnp.pad(p['g_w1'].T, ((0, 2), (0, 0)))
    y1, sums1 = pl.pallas_call(
        _k1,
        grid=(NR,),
        in_specs=[_rows((RT, 8)), _full((8, C)), _full((1, C))],
        out_specs=[_rows((RT, C)), _full((2, C))],
        out_shape=[jax.ShapeDtypeStruct((ROWS, C), f32),
                   jax.ShapeDtypeStruct((2, C), f32)],
    )(feat_pad, w1t, p['g_b1'][None, :])

    s1, t1 = _bn_affine(sums1, p['g_g1'], p['g_be1'], ROWS)
    a1 = jnp.stack([s1, t1])

    y2, sums2 = pl.pallas_call(
        _k2,
        grid=(NR,),
        in_specs=[_rows((RT, C)), _full((2, C)), _full((C, C)), _full((1, C))],
        out_specs=[_rows((RT, C)), _full((2, C))],
        out_shape=[jax.ShapeDtypeStruct((ROWS, C), f32),
                   jax.ShapeDtypeStruct((2, C), f32)],
    )(y1, a1, p['g_w2'].T, p['g_b2'][None, :])

    s2, t2 = _bn_affine(sums2, p['g_g2'], p['g_be2'], ROWS)
    a2 = jnp.stack([s2, t2, p['sc_b'], p['sh_b'], p['q_b'], p['k_b'],
                    jnp.pad(p['bd_b1'], (0, 32))])

    scw = jnp.pad(p['sc_w'].T, ((0, 2), (0, 0)))
    shw = jnp.pad(p['sh_w'].T, ((0, 2), (0, 0)))
    geom, q, kf, qw2, y3, sums3 = pl.pallas_call(
        _k3,
        grid=(NR,),
        in_specs=[_rows((RT, C)), _rows((RT, 8)), _full((7, C)),
                  _full((8, C)), _full((8, C)), _full((C, C)), _full((C, C)),
                  _full((C, 32)), _full((C, C))],
        out_specs=[_rows((RT, C)), _rows((RT, C)), _rows((RT, C)),
                   _rows((RT, C)), _rows((RT, 32)), _full((2, 32))],
        out_shape=[jax.ShapeDtypeStruct((ROWS, C), f32),
                   jax.ShapeDtypeStruct((ROWS, C), f32),
                   jax.ShapeDtypeStruct((ROWS, C), f32),
                   jax.ShapeDtypeStruct((ROWS, C), f32),
                   jax.ShapeDtypeStruct((ROWS, 32), f32),
                   jax.ShapeDtypeStruct((2, 32), f32)],
    )(y2, feat_pad, a2, scw, shw, p['q_w'].T, p['k_w'].T,
      p['bd_w1'].T, p['rp_w2'])

    s3, t3 = _bn_affine(sums3, p['bd_g'], p['bd_be'], ROWS)

    q_b = q.reshape(B, N, C)
    kfT = jnp.transpose(kf.reshape(B, N, C), (0, 2, 1))
    geom_b = geom.reshape(B, N, C)
    qw2_b = qw2.reshape(B, N, C)
    y3_b = y3.reshape(B, N, 32)

    kidx, kidxg, aq = pl.pallas_call(
        _k5,
        grid=(B, NT),
        in_specs=[
            pl.BlockSpec((1, T, 8), lambda b, i: (b, i, 0)),
            pl.BlockSpec((1, 8, N), lambda b, i: (b, 0, 0)),
            pl.BlockSpec((1, T, C), lambda b, i: (b, i, 0)),
            pl.BlockSpec((1, C, N), lambda b, i: (b, 0, 0)),
        ],
        out_specs=[
            pl.BlockSpec((1, T, K), lambda b, i: (b, i, 0)),
            pl.BlockSpec((1, T, K), lambda b, i: (b, i, 0)),
            pl.BlockSpec((1, T, K), lambda b, i: (b, i, 0)),
        ],
        out_shape=[jax.ShapeDtypeStruct((B, N, K), jnp.int32),
                   jax.ShapeDtypeStruct((B, N, K), jnp.int32),
                   jax.ShapeDtypeStruct((B, N, K), f32)],
    )(xyz_pad, xyzT, q_b, kfT)

    BNK = ROWS * K
    xcol = xyz.reshape(ROWS, 3)
    gat = pl.kernel(
        _sc_gather,
        mesh=plsc.VectorSubcoreMesh(core_axis_name="c", subcore_axis_name="s"),
        compiler_params=pltpu.CompilerParams(needs_layout_passes=False),
        out_type=[jax.ShapeDtypeStruct((BNK,), f32)] * 3,
        scratch_types=[
            pltpu.VMEM((ROWS,), f32),
            pltpu.VMEM((ROWS,), f32),
            pltpu.VMEM((ROWS,), f32),
            pltpu.VMEM((PW,), jnp.int32),
            pltpu.VMEM((PW,), f32),
            pltpu.VMEM((PW,), f32),
            pltpu.VMEM((PW,), f32),
        ],
    )
    g0, g1, g2 = gat(xcol[:, 0], xcol[:, 1], xcol[:, 2],
                     kidxg.reshape(BNK))

    xg, rps = pl.pallas_call(
        _k5b,
        grid=(B, NT),
        in_specs=[
            pl.BlockSpec((1, T, 8), lambda b, i: (b, i, 0)),
            pl.BlockSpec((1, T, K), lambda b, i: (b, i, 0)),
            pl.BlockSpec((1, T, K), lambda b, i: (b, i, 0)),
            pl.BlockSpec((1, T, K), lambda b, i: (b, i, 0)),
        ],
        out_specs=[
            pl.BlockSpec((1, 3, T, K), lambda b, i: (b, 0, i, 0)),
            pl.BlockSpec((16, 128), lambda b, i: (0, 0)),
        ],
        out_shape=[jax.ShapeDtypeStruct((B, 3, N, K), f32),
                   jax.ShapeDtypeStruct((16, 128), f32)],
    )(xyz_pad, g0.reshape(B, N, K), g1.reshape(B, N, K),
      g2.reshape(B, N, K))

    cnt = float(B * N * K)
    st = rps[:, 0]
    mu = st[0:3] / cnt
    m2 = jnp.array([[st[3], st[6], st[7]],
                    [st[6], st[4], st[8]],
                    [st[7], st[8], st[5]]]) / cnt
    cov = m2 - mu[:, None] * mu[None, :]
    w1 = p['rp_w1']
    mean_c = w1 @ mu + p['rp_b1']
    var_c = jnp.sum((w1 @ cov) * w1, axis=1)
    sc = p['rp_g'] / jnp.sqrt(var_c + EPS)
    dc = p['rp_b1'] * sc + p['rp_be'] - mean_c * sc
    pep = jnp.concatenate([w1.T * sc[None, :], dc[None, :],
                           jnp.zeros((4, C), f32)], axis=0)

    bdp = jnp.stack([s3, t3, p['bd_w2'][0],
                     jnp.broadcast_to(p['bd_b2'], (32,))])

    val = pl.kernel(
        _sc_gather2,
        mesh=plsc.VectorSubcoreMesh(core_axis_name="c", subcore_axis_name="s"),
        compiler_params=pltpu.CompilerParams(needs_layout_passes=False),
        out_type=jax.ShapeDtypeStruct((C, BNK), f32),
        scratch_types=[
            pltpu.VMEM((ROWS,), f32),
            pltpu.VMEM((ROWS,), f32),
            pltpu.VMEM((CH,), jnp.int32),
            pltpu.VMEM((CH,), f32),
            pltpu.VMEM((CH,), f32),
        ],
    )(jnp.transpose(geom.reshape(ROWS, C)), kidxg.reshape(BNK))
    val_b = val.reshape(C, B, N, K)

    aff, oft, lgt, bdy = pl.pallas_call(
        _k6,
        grid=(B, NT),
        in_specs=[
            pl.BlockSpec((1, T, 8), lambda b, i: (b, i, 0)),
            pl.BlockSpec((1, 3, T, K), lambda b, i: (b, 0, i, 0)),
            pl.BlockSpec((1, T, K), lambda b, i: (b, i, 0)),
            pl.BlockSpec((1, T, C), lambda b, i: (b, i, 0)),
            pl.BlockSpec((C, 1, T, K), lambda b, i: (0, b, i, 0)),
            pl.BlockSpec((1, T, 32), lambda b, i: (b, i, 0)),
            _full((8, C)), _full((4, 32)), _full((NCLS, C)), _full((NCLS, 1)),
        ],
        out_specs=[
            pl.BlockSpec((1, T, K), lambda b, i: (b, i, 0)),
            pl.BlockSpec((1, C, T), lambda b, i: (b, 0, i)),
            pl.BlockSpec((1, NCLS, T), lambda b, i: (b, 0, i)),
            pl.BlockSpec((1, 1, T), lambda b, i: (b, 0, i)),
        ],
        out_shape=[jax.ShapeDtypeStruct((B, N, K), f32),
                   jax.ShapeDtypeStruct((B, C, N), f32),
                   jax.ShapeDtypeStruct((B, NCLS, N), f32),
                   jax.ShapeDtypeStruct((B, 1, N), f32)],
    )(xyz_pad, xg, aq, qw2_b, val_b, y3_b,
      pep, bdp, p['cls_w'], p['cls_b'][:, None])

    out_flat = jnp.transpose(oft, (0, 2, 1)).reshape(ROWS, C)
    logits = jnp.transpose(lgt, (0, 2, 1)).reshape(ROWS, NCLS)
    return (logits, aff, kidx, out_flat, bdy)

# --- scband reference (transcript-rebuilt; emitter-appended) ---
"""Pipeline reference for scband-decoupled-point-jafar-52132313039153 (READ-ONLY COPY).

The authoritative reference and input builder live on the scoring server;
editing this copy changes nothing except your own understanding.
"""

import jax, jax.numpy as jnp
import numpy as np

B, N = 4, 4096
QK_DIM, K_NN, GEO_DIM, NUM_CLASSES = 64, 16, 6, 13
EPS = 1e-5

def _conv1d(x, w, b):
    return jnp.einsum('oc,bcn->bon', w, x) + b[None, :, None]

def _bn1d(x, g, be):
    m = jnp.mean(x, axis=(0, 2), keepdims=True)
    v = jnp.var(x, axis=(0, 2), keepdims=True)
    return (x - m) / jnp.sqrt(v + EPS) * g[None, :, None] + be[None, :, None]

def _conv2d(x, w, b):
    return jnp.einsum('oc,bcnk->bonk', w, x) + b[None, :, None, None]

def _bn2d(x, g, be):
    m = jnp.mean(x, axis=(0, 2, 3), keepdims=True)
    v = jnp.var(x, axis=(0, 2, 3), keepdims=True)
    return (x - m) / jnp.sqrt(v + EPS) * g[None, :, None, None] + be[None, :, None, None]

def _knn(xyz, k):
    sq = jnp.sum(xyz * xyz, axis=-1)
    d2 = sq[:, :, None] + sq[:, None, :] - 2.0 * jnp.einsum('bnd,bmd->bnm', xyz, xyz)
    _, idx = jax.lax.top_k(-d2, k)
    return idx

def _gather(tensor, idx):
    t = jnp.transpose(tensor, (0, 2, 1))
    v = t[jnp.arange(t.shape[0])[:, None, None], idx]
    return jnp.transpose(v, (0, 3, 1, 2))

def _forward_core(xyz, feat, p, k_idx):
    feat_t = jnp.transpose(feat, (0, 2, 1))
    xyz_t = jnp.transpose(xyz, (0, 2, 1))
    h = jax.nn.relu(_bn1d(_conv1d(feat_t, p['g_w1'], p['g_b1']), p['g_g1'], p['g_be1']))
    geom = jax.nn.relu(_bn1d(_conv1d(h, p['g_w2'], p['g_b2']), p['g_g2'], p['g_be2']))
    scale = _conv1d(feat_t, p['sc_w'], p['sc_b'])
    shift = _conv1d(feat_t, p['sh_w'], p['sh_b'])
    geom = geom * (scale + 1.0) + shift
    bh = jax.nn.relu(_bn1d(_conv1d(geom, p['bd_w1'], p['bd_b1']), p['bd_g'], p['bd_be']))
    bdy_logits = _conv1d(bh, p['bd_w2'], p['bd_b2'])
    Q = _conv1d(geom, p['q_w'], p['q_b'])
    Kf = _conv1d(geom, p['k_w'], p['k_b'])
    K_g = _gather(Kf, k_idx)
    xyz_g = _gather(xyz_t, k_idx)
    val_g = _gather(geom, k_idx)
    rel_pos = xyz_t[:, :, :, None] - xyz_g
    pe = jax.nn.relu(_bn2d(_conv2d(rel_pos, p['rp_w1'], p['rp_b1']), p['rp_g'], p['rp_be']))
    pos_enc = _conv2d(pe, p['rp_w2'], p['rp_b2'])
    attn = jnp.sum(Q[:, :, :, None] * (K_g + pos_enc), axis=1) / (QK_DIM ** 0.5)
    affinity = jax.nn.softmax(attn, axis=-1)
    out_feat = jnp.sum(affinity[:, None, :, :] * val_g, axis=-1)
    out_flat = jnp.transpose(out_feat, (0, 2, 1)).reshape(-1, QK_DIM)
    logits = out_flat @ p['cls_w'].T + p['cls_b'][None, :]
    return logits, affinity, out_flat, bdy_logits

def _mk_params(key):
    ks = jax.random.split(key, 12)
    def w(k, shape):
        return jax.random.normal(k, shape, dtype=jnp.float32) * 0.05
    return {
        'g_w1': w(ks[0], (QK_DIM, GEO_DIM)), 'g_b1': jnp.zeros((QK_DIM,), jnp.float32),
        'g_g1': jnp.ones((QK_DIM,), jnp.float32), 'g_be1': jnp.zeros((QK_DIM,), jnp.float32),
        'g_w2': w(ks[1], (QK_DIM, QK_DIM)), 'g_b2': jnp.zeros((QK_DIM,), jnp.float32),
        'g_g2': jnp.ones((QK_DIM,), jnp.float32), 'g_be2': jnp.zeros((QK_DIM,), jnp.float32),
        'sc_w': w(ks[2], (QK_DIM, GEO_DIM)), 'sc_b': jnp.zeros((QK_DIM,), jnp.float32),
        'sh_w': w(ks[3], (QK_DIM, GEO_DIM)), 'sh_b': jnp.zeros((QK_DIM,), jnp.float32),
        'q_w': w(ks[4], (QK_DIM, QK_DIM)), 'q_b': jnp.zeros((QK_DIM,), jnp.float32),
        'k_w': w(ks[5], (QK_DIM, QK_DIM)), 'k_b': jnp.zeros((QK_DIM,), jnp.float32),
        'bd_w1': w(ks[6], (32, QK_DIM)), 'bd_b1': jnp.zeros((32,), jnp.float32),
        'bd_g': jnp.ones((32,), jnp.float32), 'bd_be': jnp.zeros((32,), jnp.float32),
        'bd_w2': w(ks[7], (1, 32)), 'bd_b2': jnp.zeros((1,), jnp.float32),
        'rp_w1': w(ks[8], (QK_DIM, 3)), 'rp_b1': jnp.zeros((QK_DIM,), jnp.float32),
        'rp_g': jnp.ones((QK_DIM,), jnp.float32), 'rp_be': jnp.zeros((QK_DIM,), jnp.float32),
        'rp_w2': w(ks[9], (QK_DIM, QK_DIM)), 'rp_b2': jnp.zeros((QK_DIM,), jnp.float32),
        'cls_w': w(ks[10], (NUM_CLASSES, QK_DIM)), 'cls_b': jnp.zeros((NUM_CLASSES,), jnp.float32),
    }

def setup_inputs(seed: int = 0):
    key = jax.random.key(seed)
    k1, k2, k3 = jax.random.split(key, 3)
    xyz = jax.random.uniform(k1, (B, N, 3), dtype=jnp.float32)
    feat = jax.random.normal(k2, (B, N, GEO_DIM), dtype=jnp.float32)
    params = _mk_params(k3)
    return {'xyz': xyz, 'feat': feat, 'params': params}

def reference(xyz, feat, params):
    k_idx = _knn(xyz, K_NN)
    logits, affinity, out_flat, bdy_logits = _forward_core(xyz, feat, params, k_idx)
    return (logits, affinity, k_idx, out_flat, bdy_logits)

if __name__ == "__main__":
    import jax
    _d = setup_inputs()
    print(jax.jit(kernel)(*tuple(_d.values())))

</pallas_src>

<mosaic_0001>
#map = affine_map<(d0, d1) -> (0)>
module attributes {stable_mosaic.version = 14 : i64} {
  func.func @_sc_gather(%arg0: i32, %arg1: i32, %arg2: memref<16384xf32, #tpu.memory_space<hbm>>, %arg3: memref<16384xf32, #tpu.memory_space<hbm>>, %arg4: memref<16384xf32, #tpu.memory_space<hbm>>, %arg5: memref<262144xi32, #tpu.memory_space<hbm>>, %arg6: memref<262144xf32, #tpu.memory_space<hbm>>, %arg7: memref<262144xf32, #tpu.memory_space<hbm>>, %arg8: memref<262144xf32, #tpu.memory_space<hbm>>, %arg9: memref<16384xf32, #tpu.memory_space<vmem>>, %arg10: memref<16384xf32, #tpu.memory_space<vmem>>, %arg11: memref<16384xf32, #tpu.memory_space<vmem>>, %arg12: memref<8192xi32, #tpu.memory_space<vmem>>, %arg13: memref<8192xf32, #tpu.memory_space<vmem>>, %arg14: memref<8192xf32, #tpu.memory_space<vmem>>, %arg15: memref<8192xf32, #tpu.memory_space<vmem>>) attributes {dimension_semantics = [#tpu.dimension_semantics<core_parallel>, #tpu.dimension_semantics<subcore_parallel>], iteration_bounds = array<i64: 2, 16>, scalar_prefetch = 0 : i64, scratch_operands = 7 : i64, tpu.core_type = #tpu.core_type<sc_vector_subcore>, window_params = [{transform_indices = #map}, {transform_indices = #map}, {transform_indices = #map}, {transform_indices = #map}, {transform_indices = #map}, {transform_indices = #map}, {transform_indices = #map}]} {
    %mul3A = arith.constant 2 : i32
    %mul3A_0 = arith.muli %arg1, %mul3A : i32
    %add3A = arith.addi %mul3A_0, %arg0 : i32
    %mul3A_1 = arith.constant 8192 : i32
    %mul3A_2 = arith.muli %add3A, %mul3A_1 : i32
    "tpu.region"() ({
      %run_scoped3A = tpu.sem_alloc : memref<!tpu.dma_semaphore, #tpu.memory_space<semaphore_mem>>
      tpu.enqueue_dma source(%arg2 : memref<16384xf32, #tpu.memory_space<hbm>>) target(%arg9 : memref<16384xf32, #tpu.memory_space<vmem>>) target_semaphore(%run_scoped3A : memref<!tpu.dma_semaphore, #tpu.memory_space<semaphore_mem>>)
      tpu.wait_dma2 semaphore(%run_scoped3A : memref<!tpu.dma_semaphore, #tpu.memory_space<semaphore_mem>>) src(%arg2 : memref<16384xf32, #tpu.memory_space<hbm>>) dst(%arg9 : memref<16384xf32, #tpu.memory_space<vmem>>)
      tpu.yield
    }) : () -> ()
    "tpu.region"() ({
      %run_scoped3A = tpu.sem_alloc : memref<!tpu.dma_semaphore, #tpu.memory_space<semaphore_mem>>
      tpu.enqueue_dma source(%arg3 : memref<16384xf32, #tpu.memory_space<hbm>>) target(%arg10 : memref<16384xf32, #tpu.memory_space<vmem>>) target_semaphore(%run_scoped3A : memref<!tpu.dma_semaphore, #tpu.memory_space<semaphore_mem>>)
      tpu.wait_dma2 semaphore(%run_scoped3A : memref<!tpu.dma_semaphore, #tpu.memory_space<semaphore_mem>>) src(%arg3 : memref<16384xf32, #tpu.memory_space<hbm>>) dst(%arg10 : memref<16384xf32, #tpu.memory_space<vmem>>)
      tpu.yield
    }) : () -> ()
    "tpu.region"() ({
      %run_scoped3A = tpu.sem_alloc : memref<!tpu.dma_semaphore, #tpu.memory_space<semaphore_mem>>
      tpu.enqueue_dma source(%arg4 : memref<16384xf32, #tpu.memory_space<hbm>>) target(%arg11 : memref<16384xf32, #tpu.memory_space<vmem>>) target_semaphore(%run_scoped3A : memref<!tpu.dma_semaphore, #tpu.memory_space<semaphore_mem>>)
      tpu.wait_dma2 semaphore(%run_scoped3A : memref<!tpu.dma_semaphore, #tpu.memory_space<semaphore_mem>>) src(%arg4 : memref<16384xf32, #tpu.memory_space<hbm>>) dst(%arg11 : memref<16384xf32, #tpu.memory_space<vmem>>)
      tpu.yield
    }) : () -> ()
    "tpu.region"() ({
      %run_scoped3A = tpu.sem_alloc : memref<!tpu.dma_semaphore, #tpu.memory_space<semaphore_mem>>
      %dma_start3A = tpu.memref_slice %arg5[%mul3A_2] : memref<262144xi32, #tpu.memory_space<hbm>> -> memref<8192xi32, #tpu.memory_space<hbm>>
      %dma_start3A_9 = tpu.memref_slice %arg5[%mul3A_2] : memref<262144xi32, #tpu.memory_space<hbm>> -> memref<8192xi32, #tpu.memory_space<hbm>>
      tpu.enqueue_dma source(%dma_start3A_9 : memref<8192xi32, #tpu.memory_space<hbm>>) target(%arg12 : memref<8192xi32, #tpu.memory_space<vmem>>) target_semaphore(%run_scoped3A : memref<!tpu.dma_semaphore, #tpu.memory_space<semaphore_mem>>)
      %dma_wait3A = tpu.memref_slice %arg5[%mul3A_2] : memref<262144xi32, #tpu.memory_space<hbm>> -> memref<8192xi32, #tpu.memory_space<hbm>>
      %dma_wait3A_10 = tpu.memref_slice %arg5[%mul3A_2] : memref<262144xi32, #tpu.memory_space<hbm>> -> memref<8192xi32, #tpu.memory_space<hbm>>
      tpu.wait_dma2 semaphore(%run_scoped3A : memref<!tpu.dma_semaphore, #tpu.memory_space<semaphore_mem>>) src(%dma_wait3A_10 : memref<8192xi32, #tpu.memory_space<hbm>>) dst(%arg12 : memref<8192xi32, #tpu.memory_space<vmem>>)
      tpu.yield
    }) : () -> ()
    %scan3A = arith.constant 0 : i32
    %scan3A_3 = arith.constant 0 : i32
    %scan3A_4 = arith.constant 128 : i32
    %scan3A_5 = arith.addi %scan3A_3, %scan3A_4 : i32
    %scan3A_6 = arith.constant 1 : i32
    %scan3A_7 = scf.for %scan3A_9 = %scan3A_3 to %scan3A_5 step %scan3A_6 iter_args(%scan3A_10 = %scan3A) -> (i32)  : i32 {
      %mul3A_11 = arith.constant 64 : i32
      %mul3A_12 = arith.muli %scan3A_9, %mul3A_11 : i32
      %add3A_13 = arith.constant 0 : i32
      %add3A_14 = arith.addi %mul3A_12, %add3A_13 : i32
      %get3A = arith.index_cast %add3A_14 : i32 to index
      %get3A_15 = tpu.vector_load %arg12[%get3A] {strides = array<i32>} : memref<8192xi32, #tpu.memory_space<vmem>>, vector<16xi32>,
      %gather3A = tpu.vector_load_idx %arg9[%get3A_15] : memref<16384xf32, #tpu.memory_space<vmem>>[vector<16xi32>], vector<16xf32>,
      %swap3A = arith.index_cast %add3A_14 : i32 to index
      %swap3A_16 = tpu.vector_load %arg13[%swap3A] {strides = array<i32>} : memref<8192xf32, #tpu.memory_space<vmem>>, vector<16xf32>,
      tpu.vector_store %arg13[%swap3A], %gather3A {strides = array<i32>} : memref<8192xf32, #tpu.memory_space<vmem>>, vector<16xf32>,
      %gather3A_17 = tpu.vector_load_idx %arg10[%get3A_15] : memref<16384xf32, #tpu.memory_space<vmem>>[vector<16xi32>], vector<16xf32>,
      %swap3A_18 = arith.index_cast %add3A_14 : i32 to index
      %swap3A_19 = tpu.vector_load %arg14[%swap3A_18] {strides = array<i32>} : memref<8192xf32, #tpu.memory_space<vmem>>, vector<16xf32>,
      tpu.vector_store %arg14[%swap3A_18], %gather3A_17 {strides = array<i32>} : memref<8192xf32, #tpu.memory_space<vmem>>, vector<16xf32>,
      %gather3A_20 = tpu.vector_load_idx %arg11[%get3A_15] : memref<16384xf32, #tpu.memory_space<vmem>>[vector<16xi32>], vector<16xf32>,
      %swap3A_21 = arith.index_cast %add3A_14 : i32 to index
      %swap3A_22 = tpu.vector_load %arg15[%swap3A_21] {strides = array<i32>} : memref<8192xf32, #tpu.memory_space<vmem>>, vector<16xf32>,
      tpu.vector_store %arg15[%swap3A_21], %gather3A_20 {strides = array<i32>} : memref<8192xf32, #tpu.memory_space<vmem>>, vector<16xf32>,
      %mul3A_23 = arith.constant 64 : i32
      %mul3A_24 = arith.muli %scan3A_9, %mul3A_23 : i32
      %add3A_25 = arith.constant 16 : i32
      %add3A_26 = arith.addi %mul3A_24, %add3A_25 : i32
      %get3A_27 = arith.index_cast %add3A_26 : i32 to index
      %get3A_28 = tpu.vector_load %arg12[%get3A_27] {strides = array<i32>} : memref<8192xi32, #tpu.memory_space<vmem>>, vector<16xi32>,
      %gather3A_29 = tpu.vector_load_idx %arg9[%get3A_28] : memref<16384xf32, #tpu.memory_space<vmem>>[vector<16xi32>], vector<16xf32>,
      %swap3A_30 = arith.index_cast %add3A_26 : i32 to index
      %swap3A_31 = tpu.vector_load %arg13[%swap3A_30] {strides = array<i32>} : memref<8192xf32, #tpu.memory_space<vmem>>, vector<16xf32>,
      tpu.vector_store %arg13[%swap3A_30], %gather3A_29 {strides = array<i32>} : memref<8192xf32, #tpu.memory_space<vmem>>, vector<16xf32>,
      %gather3A_32 = tpu.vector_load_idx %arg10[%get3A_28] : memref<16384xf32, #tpu.memory_space<vmem>>[vector<16xi32>], vector<16xf32>,
      %swap3A_33 = arith.index_cast %add3A_26 : i32 to index
      %swap3A_34 = tpu.vector_load %arg14[%swap3A_33] {strides = array<i32>} : memref<8192xf32, #tpu.memory_space<vmem>>, vector<16xf32>,
      tpu.vector_store %arg14[%swap3A_33], %gather3A_32 {strides = array<i32>} : memref<8192xf32, #tpu.memory_space<vmem>>, vector<16xf32>,
      %gather3A_35 = tpu.vector_load_idx %arg11[%get3A_28] : memref<16384xf32, #tpu.memory_space<vmem>>[vector<16xi32>], vector<16xf32>,
      %swap3A_36 = arith.index_cast %add3A_26 : i32 to index
      %swap3A_37 = tpu.vector_load %arg15[%swap3A_36] {strides = array<i32>} : memref<8192xf32, #tpu.memory_space<vmem>>, vector<16xf32>,
      tpu.vector_store %arg15[%swap3A_36], %gather3A_35 {strides = array<i32>} : memref<8192xf32, #tpu.memory_space<vmem>>, vector<16xf32>,
      %mul3A_38 = arith.constant 64 : i32
      %mul3A_39 = arith.muli %scan3A_9, %mul3A_38 : i32
      %add3A_40 = arith.constant 32 : i32
      %add3A_41 = arith.addi %mul3A_39, %add3A_40 : i32
      %get3A_42 = arith.index_cast %add3A_41 : i32 to index
      %get3A_43 = tpu.vector_load %arg12[%get3A_42] {strides = array<i32>} : memref<8192xi32, #tpu.memory_space<vmem>>, vector<16xi32>,
      %gather3A_44 = tpu.vector_load_idx %arg9[%get3A_43] : memref<16384xf32, #tpu.memory_space<vmem>>[vector<16xi32>], vector<16xf32>,
      %swap3A_45 = arith.index_cast %add3A_41 : i32 to index
      %swap3A_46 = tpu.vector_load %arg13[%swap3A_45] {strides = array<i32>} : memref<8192xf32, #tpu.memory_space<vmem>>, vector<16xf32>,
      tpu.vector_store %arg13[%swap3A_45], %gather3A_44 {strides = array<i32>} : memref<8192xf32, #tpu.memory_space<vmem>>, vector<16xf32>,
      %gather3A_47 = tpu.vector_load_idx %arg10[%get3A_43] : memref<16384xf32, #tpu.memory_space<vmem>>[vector<16xi32>], vector<16xf32>,
      %swap3A_48 = arith.index_cast %add3A_41 : i32 to index
      %swap3A_49 = tpu.vector_load %arg14[%swap3A_48] {strides = array<i32>} : memref<8192xf32, #tpu.memory_space<vmem>>, vector<16xf32>,
      tpu.vector_store %arg14[%swap3A_48], %gather3A_47 {strides = array<i32>} : memref<8192xf32, #tpu.memory_space<vmem>>, vector<16xf32>,
      %gather3A_50 = tpu.vector_load_idx %arg11[%get3A_43] : memref<16384xf32, #tpu.memory_space<vmem>>[vector<16xi32>], vector<16xf32>,
      %swap3A_51 = arith.index_cast %add3A_41 : i32 to index
      %swap3A_52 = tpu.vector_load %arg15[%swap3A_51] {strides = array<i32>} : memref<8192xf32, #tpu.memory_space<vmem>>, vector<16xf32>,
      tpu.vector_store %arg15[%swap3A_51], %gather3A_50 {strides = array<i32>} : memref<8192xf32, #tpu.memory_space<vmem>>, vector<16xf32>,
      %mul3A_53 = arith.constant 64 : i32
      %mul3A_54 = arith.muli %scan3A_9, %mul3A_53 : i32
      %add3A_55 = arith.constant 48 : i32
      %add3A_56 = arith.addi %mul3A_54, %add3A_55 : i32
      %get3A_57 = arith.index_cast %add3A_56 : i32 to index
      %get3A_58 = tpu.vector_load %arg12[%get3A_57] {strides = array<i32>} : memref<8192xi32, #tpu.memory_space<vmem>>, vector<16xi32>,
      %gather3A_59 = tpu.vector_load_idx %arg9[%get3A_58] : memref<16384xf32, #tpu.memory_space<vmem>>[vector<16xi32>], vector<16xf32>,
      %swap3A_60 = arith.index_cast %add3A_56 : i32 to index
      %swap3A_61 = tpu.vector_load %arg13[%swap3A_60] {strides = array<i32>} : memref<8192xf32, #tpu.memory_space<vmem>>, vector<16xf32>,
      tpu.vector_store %arg13[%swap3A_60], %gather3A_59 {strides = array<i32>} : memref<8192xf32, #tpu.memory_space<vmem>>, vector<16xf32>,
      %gather3A_62 = tpu.vector_load_idx %arg10[%get3A_58] : memref<16384xf32, #tpu.memory_space<vmem>>[vector<16xi32>], vector<16xf32>,
      %swap3A_63 = arith.index_cast %add3A_56 : i32 to index
      %swap3A_64 = tpu.vector_load %arg14[%swap3A_63] {strides = array<i32>} : memref<8192xf32, #tpu.memory_space<vmem>>, vector<16xf32>,
      tpu.vector_store %arg14[%swap3A_63], %gather3A_62 {strides = array<i32>} : memref<8192xf32, #tpu.memory_space<vmem>>, vector<16xf32>,
      %gather3A_65 = tpu.vector_load_idx %arg11[%get3A_58] : memref<16384xf32, #tpu.memory_space<vmem>>[vector<16xi32>], vector<16xf32>,
      %swap3A_66 = arith.index_cast %add3A_56 : i32 to index
      %swap3A_67 = tpu.vector_load %arg15[%swap3A_66] {strides = array<i32>} : memref<8192xf32, #tpu.memory_space<vmem>>, vector<16xf32>,
      tpu.vector_store %arg15[%swap3A_66], %gather3A_65 {strides = array<i32>} : memref<8192xf32, #tpu.memory_space<vmem>>, vector<16xf32>,
      %scan3A_68 = arith.constant 0 : i32
      scf.yield %scan3A_68 : i32
    }
    %scan3A_8 = arith.constant 128 : i32
    "tpu.region"() ({
      %run_scoped3A = tpu.sem_alloc : memref<!tpu.dma_semaphore, #tpu.memory_space<semaphore_mem>>
      %dma_start3A = tpu.memref_slice %arg6[%mul3A_2] : memref<262144xf32, #tpu.memory_space<hbm>> -> memref<8192xf32, #tpu.memory_space<hbm>>
      %dma_start3A_9 = tpu.memref_slice %arg6[%mul3A_2] : memref<262144xf32, #tpu.memory_space<hbm>> -> memref<8192xf32, #tpu.memory_space<hbm>>
      tpu.enqueue_dma source(%arg13 : memref<8192xf32, #tpu.memory_space<vmem>>) target(%dma_start3A_9 : memref<8192xf32, #tpu.memory_space<hbm>>) target_semaphore(%run_scoped3A : memref<!tpu.dma_semaphore, #tpu.memory_space<semaphore_mem>>)
      %dma_wait3A = tpu.memref_slice %arg6[%mul3A_2] : memref<262144xf32, #tpu.memory_space<hbm>> -> memref<8192xf32, #tpu.memory_space<hbm>>
      %dma_wait3A_10 = tpu.memref_slice %arg6[%mul3A_2] : memref<262144xf32, #tpu.memory_space<hbm>> -> memref<8192xf32, #tpu.memory_space<hbm>>
      tpu.wait_dma2 semaphore(%run_scoped3A : memref<!tpu.dma_semaphore, #tpu.memory_space<semaphore_mem>>) src(%arg13 : memref<8192xf32, #tpu.memory_space<vmem>>) dst(%dma_wait3A_10 : memref<8192xf32, #tpu.memory_space<hbm>>)
      tpu.yield
    }) : () -> ()
    "tpu.region"() ({
      %run_scoped3A = tpu.sem_alloc : memref<!tpu.dma_semaphore, #tpu.memory_space<semaphore_mem>>
      %dma_start3A = tpu.memref_slice %arg7[%mul3A_2] : memref<262144xf32, #tpu.memory_space<hbm>> -> memref<8192xf32, #tpu.memory_space<hbm>>
      %dma_start3A_9 = tpu.memref_slice %arg7[%mul3A_2] : memref<262144xf32, #tpu.memory_space<hbm>> -> memref<8192xf32, #tpu.memory_space<hbm>>
      tpu.enqueue_dma source(%arg14 : memref<8192xf32, #tpu.memory_space<vmem>>) target(%dma_start3A_9 : memref<8192xf32, #tpu.memory_space<hbm>>) target_semaphore(%run_scoped3A : memref<!tpu.dma_semaphore, #tpu.memory_space<semaphore_mem>>)
      %dma_wait3A = tpu.memref_slice %arg7[%mul3A_2] : memref<262144xf32, #tpu.memory_space<hbm>> -> memref<8192xf32, #tpu.memory_space<hbm>>
      %dma_wait3A_10 = tpu.memref_slice %arg7[%mul3A_2] : memref<262144xf32, #tpu.memory_space<hbm>> -> memref<8192xf32, #tpu.memory_space<hbm>>
      tpu.wait_dma2 semaphore(%run_scoped3A : memref<!tpu.dma_semaphore, #tpu.memory_space<semaphore_mem>>) src(%arg14 : memref<8192xf32, #tpu.memory_space<vmem>>) dst(%dma_wait3A_10 : memref<8192xf32, #tpu.memory_space<hbm>>)
      tpu.yield
    }) : () -> ()
    "tpu.region"() ({
      %run_scoped3A = tpu.sem_alloc : memref<!tpu.dma_semaphore, #tpu.memory_space<semaphore_mem>>
      %dma_start3A = tpu.memref_slice %arg8[%mul3A_2] : memref<262144xf32, #tpu.memory_space<hbm>> -> memref<8192xf32, #tpu.memory_space<hbm>>
      %dma_start3A_9 = tpu.memref_slice %arg8[%mul3A_2] : memref<262144xf32, #tpu.memory_space<hbm>> -> memref<8192xf32, #tpu.memory_space<hbm>>
      tpu.enqueue_dma source(%arg15 : memref<8192xf32, #tpu.memory_space<vmem>>) target(%dma_start3A_9 : memref<8192xf32, #tpu.memory_space<hbm>>) target_semaphore(%run_scoped3A : memref<!tpu.dma_semaphore, #tpu.memory_space<semaphore_mem>>)
      %dma_wait3A = tpu.memref_slice %arg8[%mul3A_2] : memref<262144xf32, #tpu.memory_space<hbm>> -> memref<8192xf32, #tpu.memory_space<hbm>>
      %dma_wait3A_10 = tpu.memref_slice %arg8[%mul3A_2] : memref<262144xf32, #tpu.memory_space<hbm>> -> memref<8192xf32, #tpu.memory_space<hbm>>
      tpu.wait_dma2 semaphore(%run_scoped3A : memref<!tpu.dma_semaphore, #tpu.memory_space<semaphore_mem>>) src(%arg15 : memref<8192xf32, #tpu.memory_space<vmem>>) dst(%dma_wait3A_10 : memref<8192xf32, #tpu.memory_space<hbm>>)
      tpu.yield
    }) : () -> ()
    return
  }
}

#map = affine_map<(d0, d1) -> (0, 0)>
#map1 = affine_map<(d0, d1) -> (0)>
module attributes {stable_mosaic.version = 14 : i64} {
  func.func @_sc_gather2(%arg0: i32, %arg1: i32, %arg2: memref<64x16384xf32, #tpu.memory_space<hbm>>, %arg3: memref<262144xi32, #tpu.memory_space<hbm>>, %arg4: memref<64x262144xf32, #tpu.memory_space<hbm>>, %arg5: memref<16384xf32, #tpu.memory_space<vmem>>, %arg6: memref<16384xf32, #tpu.memory_space<vmem>>, %arg7: memref<16384xi32, #tpu.memory_space<vmem>>, %arg8: memref<16384xf32, #tpu.memory_space<vmem>>, %arg9: memref<16384xf32, #tpu.memory_space<vmem>>) attributes {dimension_semantics = [#tpu.dimension_semantics<core_parallel>, #tpu.dimension_semantics<subcore_parallel>], iteration_bounds = array<i64: 2, 16>, scalar_prefetch = 0 : i64, scratch_operands = 5 : i64, tpu.core_type = #tpu.core_type<sc_vector_subcore>, window_params = [{transform_indices = #map}, {transform_indices = #map1}, {transform_indices = #map}]} {
    %mul3A = arith.constant 2 : i32
    %mul3A_0 = arith.muli %arg1, %mul3A : i32
    %add3A = arith.addi %mul3A_0, %arg0 : i32
    %mul3A_1 = arith.constant 2 : i32
    %mul3A_2 = arith.muli %add3A, %mul3A_1 : i32
    "tpu.region"() ({
      %run_scoped3A = tpu.sem_alloc : memref<!tpu.dma_semaphore, #tpu.memory_space<semaphore_mem>>
      %dma_start3A = arith.constant 0 : i32
      %dma_start3A_148 = tpu.memref_slice %arg2[%mul3A_2, %dma_start3A] : memref<64x16384xf32, #tpu.memory_space<hbm>> -> memref<1x16384xf32, #tpu.memory_space<hbm>>
      %dma_start3A_149 = tpu.memref_squeeze %dma_start3A_148 : memref<1x16384xf32, #tpu.memory_space<hbm>> -> memref<16384xf32, #tpu.memory_space<hbm>>
      %dma_start3A_150 = arith.constant 0 : i32
      %dma_start3A_151 = tpu.memref_slice %arg2[%mul3A_2, %dma_start3A_150] : memref<64x16384xf32, #tpu.memory_space<hbm>> -> memref<1x16384xf32, #tpu.memory_space<hbm>>
      %dma_start3A_152 = tpu.memref_squeeze %dma_start3A_151 : memref<1x16384xf32, #tpu.memory_space<hbm>> -> memref<16384xf32, #tpu.memory_space<hbm>>
      tpu.enqueue_dma source(%dma_start3A_152 : memref<16384xf32, #tpu.memory_space<hbm>>) target(%arg5 : memref<16384xf32, #tpu.memory_space<vmem>>) target_semaphore(%run_scoped3A : memref<!tpu.dma_semaphore, #tpu.memory_space<semaphore_mem>>)
      %dma_wait3A = arith.constant 0 : i32
      %dma_wait3A_153 = tpu.memref_slice %arg2[%mul3A_2, %dma_wait3A] : memref<64x16384xf32, #tpu.memory_space<hbm>> -> memref<1x16384xf32, #tpu.memory_space<hbm>>
      %dma_wait3A_154 = tpu.memref_squeeze %dma_wait3A_153 : memref<1x16384xf32, #tpu.memory_space<hbm>> -> memref<16384xf32, #tpu.memory_space<hbm>>
      %dma_wait3A_155 = arith.constant 0 : i32
      %dma_wait3A_156 = tpu.memref_slice %arg2[%mul3A_2, %dma_wait3A_155] : memref<64x16384xf32, #tpu.memory_space<hbm>> -> memref<1x16384xf32, #tpu.memory_space<hbm>>
      %dma_wait3A_157 = tpu.memref_squeeze %dma_wait3A_156 : memref<1x16384xf32, #tpu.memory_space<hbm>> -> memref<16384xf32, #tpu.memory_space<hbm>>
      tpu.wait_dma2 semaphore(%run_scoped3A : memref<!tpu.dma_semaphore, #tpu.memory_space<semaphore_mem>>) src(%dma_wait3A_157 : memref<16384xf32, #tpu.memory_space<hbm>>) dst(%arg5 : memref<16384xf32, #tpu.memory_space<vmem>>)
      tpu.yield
    }) : () -> ()
    %add3A_3 = arith.constant 1 : i32
    %add3A_4 = arith.addi %mul3A_2, %add3A_3 : i32
    "tpu.region"() ({
      %run_scoped3A = tpu.sem_alloc : memref<!tpu.dma_semaphore, #tpu.memory_space<semaphore_mem>>
      %dma_start3A = arith.constant 0 : i32
      %dma_start3A_148 = tpu.memref_slice %arg2[%add3A_4, %dma_start3A] : memref<64x16384xf32, #tpu.memory_space<hbm>> -> memref<1x16384xf32, #tpu.memory_space<hbm>>
      %dma_start3A_149 = tpu.memref_squeeze %dma_start3A_148 : memref<1x16384xf32, #tpu.memory_space<hbm>> -> memref<16384xf32, #tpu.memory_space<hbm>>
      %dma_start3A_150 = arith.constant 0 : i32
      %dma_start3A_151 = tpu.memref_slice %arg2[%add3A_4, %dma_start3A_150] : memref<64x16384xf32, #tpu.memory_space<hbm>> -> memref<1x16384xf32, #tpu.memory_space<hbm>>
      %dma_start3A_152 = tpu.memref_squeeze %dma_start3A_151 : memref<1x16384xf32, #tpu.memory_space<hbm>> -> memref<16384xf32, #tpu.memory_space<hbm>>
      tpu.enqueue_dma source(%dma_start3A_152 : memref<16384xf32, #tpu.memory_space<hbm>>) target(%arg6 : memref<16384xf32, #tpu.memory_space<vmem>>) target_semaphore(%run_scoped3A : memref<!tpu.dma_semaphore, #tpu.memory_space<semaphore_mem>>)
      %dma_wait3A = arith.constant 0 : i32
      %dma_wait3A_153 = tpu.memref_slice %arg2[%add3A_4, %dma_wait3A] : memref<64x16384xf32, #tpu.memory_space<hbm>> -> memref<1x16384xf32, #tpu.memory_space<hbm>>
      %dma_wait3A_154 = tpu.memref_squeeze %dma_wait3A_153 : memref<1x16384xf32, #tpu.memory_space<hbm>> -> memref<16384xf32, #tpu.memory_space<hbm>>
      %dma_wait3A_155 = arith.constant 0 : i32
      %dma_wait3A_156 = tpu.memref_slice %arg2[%add3A_4, %dma_wait3A_155] : memref<64x16384xf32, #tpu.memory_space<hbm>> -> memref<1x16384xf32, #tpu.memory_space<hbm>>
      %dma_wait3A_157 = tpu.memref_squeeze %dma_wait3A_156 : memref<1x16384xf32, #tpu.memory_space<hbm>> -> memref<16384xf32, #tpu.memory_space<hbm>>
      tpu.wait_dma2 semaphore(%run_scoped3A : memref<!tpu.dma_semaphore, #tpu.memory_space<semaphore_mem>>) src(%dma_wait3A_157 : memref<16384xf32, #tpu.memory_space<hbm>>) dst(%arg6 : memref<16384xf32, #tpu.memory_space<vmem>>)
      tpu.yield
    }) : () -> ()
    "tpu.region"() ({
      %run_scoped3A = tpu.sem_alloc : memref<!tpu.dma_semaphore, #tpu.memory_space<semaphore_mem>>
      %dma_start3A = arith.constant 0 : i32
      %dma_start3A_148 = tpu.memref_slice %arg3[%dma_start3A] : memref<262144xi32, #tpu.memory_space<hbm>> -> memref<16384xi32, #tpu.memory_space<hbm>>
      %dma_start3A_149 = arith.constant 0 : i32
      %dma_start3A_150 = tpu.memref_slice %arg3[%dma_start3A_149] : memref<262144xi32, #tpu.memory_space<hbm>> -> memref<16384xi32, #tpu.memory_space<hbm>>
      tpu.enqueue_dma source(%dma_start3A_150 : memref<16384xi32, #tpu.memory_space<hbm>>) target(%arg7 : memref<16384xi32, #tpu.memory_space<vmem>>) target_semaphore(%run_scoped3A : memref<!tpu.dma_semaphore, #tpu.memory_space<semaphore_mem>>)
      %dma_wait3A = arith.constant 0 : i32
      %dma_wait3A_151 = tpu.memref_slice %arg3[%dma_wait3A] : memref<262144xi32, #tpu.memory_space<hbm>> -> memref<16384xi32, #tpu.memory_space<hbm>>
      %dma_wait3A_152 = arith.constant 0 : i32
      %dma_wait3A_153 = tpu.memref_slice %arg3[%dma_wait3A_152] : memref<262144xi32, #tpu.memory_space<hbm>> -> memref<16384xi32, #tpu.memory_space<hbm>>
      tpu.wait_dma2 semaphore(%run_scoped3A : memref<!tpu.dma_semaphore, #tpu.memory_space<semaphore_mem>>) src(%dma_wait3A_153 : memref<16384xi32, #tpu.memory_space<hbm>>) dst(%arg7 : memref<16384xi32, #tpu.memory_space<vmem>>)
      tpu.yield
    }) : () -> ()
    %scan3A = arith.constant 0 : i32
    %scan3A_5 = arith.constant 0 : i32
    %scan3A_6 = arith.constant 256 : i32
    %scan3A_7 = arith.addi %scan3A_5, %scan3A_6 : i32
    %scan3A_8 = arith.constant 1 : i32
    %scan3A_9 = scf.for %scan3A_148 = %scan3A_5 to %scan3A_7 step %scan3A_8 iter_args(%scan3A_149 = %scan3A) -> (i32)  : i32 {
      %mul3A_150 = arith.constant 64 : i32
      %mul3A_151 = arith.muli %scan3A_148, %mul3A_150 : i32
      %add3A_152 = arith.constant 0 : i32
      %add3A_153 = arith.addi %mul3A_151, %add3A_152 : i32
      %get3A = arith.index_cast %add3A_153 : i32 to index
      %get3A_154 = tpu.vector_load %arg7[%get3A] {strides = array<i32>} : memref<16384xi32, #tpu.memory_space<vmem>>, vector<16xi32>,
      %gather3A = tpu.vector_load_idx %arg5[%get3A_154] : memref<16384xf32, #tpu.memory_space<vmem>>[vector<16xi32>], vector<16xf32>,
      %swap3A = arith.index_cast %add3A_153 : i32 to index
      %swap3A_155 = tpu.vector_load %arg8[%swap3A] {strides = array<i32>} : memref<16384xf32, #tpu.memory_space<vmem>>, vector<16xf32>,
      tpu.vector_store %arg8[%swap3A], %gather3A {strides = array<i32>} : memref<16384xf32, #tpu.memory_space<vmem>>, vector<16xf32>,
      %gather3A_156 = tpu.vector_load_idx %arg6[%get3A_154] : memref<16384xf32, #tpu.memory_space<vmem>>[vector<16xi32>], vector<16xf32>,
      %swap3A_157 = arith.index_cast %add3A_153 : i32 to index
      %swap3A_158 = tpu.vector_load %arg9[%swap3A_157] {strides = array<i32>} : memref<16384xf32, #tpu.memory_space<vmem>>, vector<16xf32>,
      tpu.vector_store %arg9[%swap3A_157], %gather3A_156 {strides = array<i32>} : memref<16384xf32, #tpu.memory_space<vmem>>, vector<16xf32>,
      %mul3A_159 = arith.constant 64 : i32
      %mul3A_160 = arith.muli %scan3A_148, %mul3A_159 : i32
      %add3A_161 = arith.constant 16 : i32
      %add3A_162 = arith.addi %mul3A_160, %add3A_161 : i32
      %get3A_163 = arith.index_cast %add3A_162 : i32 to index
      %get3A_164 = tpu.vector_load %arg7[%get3A_163] {strides = array<i32>} : memref<16384xi32, #tpu.memory_space<vmem>>, vector<16xi32>,
      %gather3A_165 = tpu.vector_load_idx %arg5[%get3A_164] : memref<16384xf32, #tpu.memory_space<vmem>>[vector<16xi32>], vector<16xf32>,
      %swap3A_166 = arith.index_cast %add3A_162 : i32 to index
      %swap3A_167 = tpu.vector_load %arg8[%swap3A_166] {strides = array<i32>} : memref<16384xf32, #tpu.memory_space<vmem>>, vector<16xf32>,
      tpu.vector_store %arg8[%swap3A_166], %gather3A_165 {strides = array<i32>} : memref<16384xf32, #tpu.memory_space<vmem>>, vector<16xf32>,
      %gather3A_168 = tpu.vector_load_idx %arg6[%get3A_164] : memref<16384xf32, #tpu.memory_space<vmem>>[vector<16xi32>], vector<16xf32>,
      %swap3A_169 = arith.index_cast %add3A_162 : i32 to index
      %swap3A_170 = tpu.vector_load %arg9[%swap3A_169] {strides = array<i32>} : memref<16384xf32, #tpu.memory_space<vmem>>, vector<16xf32>,
      tpu.vector_store %arg9[%swap3A_169], %gather3A_168 {strides = array<i32>} : memref<16384xf32, #tpu.memory_space<vmem>>, vector<16xf32>,
      %mul3A_171 = arith.constant 64 : i32
      %mul3A_172 = arith.muli %scan3A_148, %mul3A_171 : i32
      %add3A_173 = arith.constant 32 : i32
      %add3A_174 = arith.addi %mul3A_172, %add3A_173 : i32
      %get3A_175 = arith.index_cast %add3A_174 : i32 to index
      %get3A_176 = tpu.vector_load %arg7[%get3A_175] {strides = array<i32>} : memref<16384xi32, #tpu.memory_space<vmem>>, vector<16xi32>,
      %gather3A_177 = tpu.vector_load_idx %arg5[%get3A_176] : memref<16384xf32, #tpu.memory_space<vmem>>[vector<16xi32>], vector<16xf32>,
      %swap3A_178 = arith.index_cast %add3A_174 : i32 to index
      %swap3A_179 = tpu.vector_load %arg8[%swap3A_178] {strides = array<i32>} : memref<16384xf32, #tpu.memory_space<vmem>>, vector<16xf32>,
      tpu.vector_store %arg8[%swap3A_178], %gather3A_177 {strides = array<i32>} : memref<16384xf32, #tpu.memory_space<vmem>>, vector<16xf32>,
      %gather3A_180 = tpu.vector_load_idx %arg6[%get3A_176] : memref<16384xf32, #tpu.memory_space<vmem>>[vector<16xi32>], vector<16xf32>,
      %swap3A_181 = arith.index_cast %add3A_174 : i32 to index
      %swap3A_182 = tpu.vector_load %arg9[%swap3A_181] {strides = array<i32>} : memref<16384xf32, #tpu.memory_space<vmem>>, vector<16xf32>,
      tpu.vector_store %arg9[%swap3A_181], %gather3A_180 {strides = array<i32>} : memref<16384xf32, #tpu.memory_space<vmem>>, vector<16xf32>,
      %mul3A_183 = arith.constant 64 : i32
      %mul3A_184 = arith.muli %scan3A_148, %mul3A_183 : i32
      %add3A_185 = arith.constant 48 : i32
      %add3A_186 = arith.addi %mul3A_184, %add3A_185 : i32
      %get3A_187 = arith.index_cast %add3A_186 : i32 to index
      %get3A_188 = tpu.vector_load %arg7[%get3A_187] {strides = array<i32>} : memref<16384xi32, #tpu.memory_space<vmem>>, vector<16xi32>,
      %gather3A_189 = tpu.vector_load_idx %arg5[%get3A_188] : memref<16384xf32, #tpu.memory_space<vmem>>[vector<16xi32>], vector<16xf32>,
      %swap3A_190 = arith.index_cast %add3A_186 : i32 to index
      %swap3A_191 = tpu.vector_load %arg8[%swap3A_190] {strides = array<i32>} : memref<16384xf32, #tpu.memory_space<vmem>>, vector<16xf32>,
      tpu.vector_store %arg8[%swap3A_190], %gather3A_189 {strides = array<i32>} : memref<16384xf32, #tpu.memory_space<vmem>>, vector<16xf32>,
      %gather3A_192 = tpu.vector_load_idx %arg6[%get3A_188] : memref<16384xf32, #tpu.memory_space<vmem>>[vector<16xi32>], vector<16xf32>,
      %swap3A_193 = arith.index_cast %add3A_186 : i32 to index
      %swap3A_194 = tpu.vector_load %arg9[%swap3A_193] {strides = array<i32>} : memref<16384xf32, #tpu.memory_space<vmem>>, vector<16xf32>,
      tpu.vector_store %arg9[%swap3A_193], %gather3A_192 {strides = array<i32>} : memref<16384xf32, #tpu.memory_space<vmem>>, vector<16xf32>,
      %scan3A_195 = arith.constant 0 : i32
      scf.yield %scan3A_195 : i32
    }
    %scan3A_10 = arith.constant 256 : i32
    "tpu.region"() ({
      %run_scoped3A = tpu.sem_alloc : memref<!tpu.dma_semaphore, #tpu.memory_space<semaphore_mem>>
      %dma_start3A = arith.constant 0 : i32
      %dma_start3A_148 = tpu.memref_slice %arg4[%mul3A_2, %dma_start3A] : memref<64x262144xf32, #tpu.memory_space<hbm>> -> memref<1x16384xf32, #tpu.memory_space<hbm>>
      %dma_start3A_149 = tpu.memref_squeeze %dma_start3A_148 : memref<1x16384xf32, #tpu.memory_space<hbm>> -> memref<16384xf32, #tpu.memory_space<hbm>>
      %dma_start3A_150 = arith.constant 0 : i32
      %dma_start3A_151 = tpu.memref_slice %arg4[%mul3A_2, %dma_start3A_150] : memref<64x262144xf32, #tpu.memory_space<hbm>> -> memref<1x16384xf32, #tpu.memory_space<hbm>>
      %dma_start3A_152 = tpu.memref_squeeze %dma_start3A_151 : memref<1x16384xf32, #tpu.memory_space<hbm>> -> memref<16384xf32, #tpu.memory_space<hbm>>
      tpu.enqueue_dma source(%arg8 : memref<16384xf32, #tpu.memory_space<vmem>>) target(%dma_start3A_152 : memref<16384xf32, #tpu.memory_space<hbm>>) target_semaphore(%run_scoped3A : memref<!tpu.dma_semaphore, #tpu.memory_space<semaphore_mem>>)
      %dma_wait3A = arith.constant 0 : i32
      %dma_wait3A_153 = tpu.memref_slice %arg4[%mul3A_2, %dma_wait3A] : memref<64x262144xf32, #tpu.memory_space<hbm>> -> memref<1x16384xf32, #tpu.memory_space<hbm>>
      %dma_wait3A_154 = tpu.memref_squeeze %dma_wait3A_153 : memref<1x16384xf32, #tpu.memory_space<hbm>> -> memref<16384xf32, #tpu.memory_space<hbm>>
      %dma_wait3A_155 = arith.constant 0 : i32
      %dma_wait3A_156 = tpu.memref_slice %arg4[%mul3A_2, %dma_wait3A_155] : memref<64x262144xf32, #tpu.memory_space<hbm>> -> memref<1x16384xf32, #tpu.memory_space<hbm>>
      %dma_wait3A_157 = tpu.memref_squeeze %dma_wait3A_156 : memref<1x16384xf32, #tpu.memory_space<hbm>> -> memref<16384xf32, #tpu.memory_space<hbm>>
      tpu.wait_dma2 semaphore(%run_scoped3A : memref<!tpu.dma_semaphore, #tpu.memory_space<semaphore_mem>>) src(%arg8 : memref<16384xf32, #tpu.memory_space<vmem>>) dst(%dma_wait3A_157 : memref<16384xf32, #tpu.memory_space<hbm>>)
      tpu.yield
    }) : () -> ()
    %add3A_11 = arith.constant 1 : i32
    %add3A_12 = arith.addi %mul3A_2, %add3A_11 : i32
    "tpu.region"() ({
      %run_scoped3A = tpu.sem_alloc : memref<!tpu.dma_semaphore, #tpu.memory_space<semaphore_mem>>
      %dma_start3A = arith.constant 0 : i32
      %dma_start3A_148 = tpu.memref_slice %arg4[%add3A_12, %dma_start3A] : memref<64x262144xf32, #tpu.memory_space<hbm>> -> memref<1x16384xf32, #tpu.memory_space<hbm>>
      %dma_start3A_149 = tpu.memref_squeeze %dma_start3A_148 : memref<1x16384xf32, #tpu.memory_space<hbm>> -> memref<16384xf32, #tpu.memory_space<hbm>>
      %dma_start3A_150 = arith.constant 0 : i32
      %dma_start3A_151 = tpu.memref_slice %arg4[%add3A_12, %dma_start3A_150] : memref<64x262144xf32, #tpu.memory_space<hbm>> -> memref<1x16384xf32, #tpu.memory_space<hbm>>
      %dma_start3A_152 = tpu.memref_squeeze %dma_start3A_151 : memref<1x16384xf32, #tpu.memory_space<hbm>> -> memref<16384xf32, #tpu.memory_space<hbm>>
      tpu.enqueue_dma source(%arg9 : memref<16384xf32, #tpu.memory_space<vmem>>) target(%dma_start3A_152 : memref<16384xf32, #tpu.memory_space<hbm>>) target_semaphore(%run_scoped3A : memref<!tpu.dma_semaphore, #tpu.memory_space<semaphore_mem>>)
      %dma_wait3A = arith.constant 0 : i32
      %dma_wait3A_153 = tpu.memref_slice %arg4[%add3A_12, %dma_wait3A] : memref<64x262144xf32, #tpu.memory_space<hbm>> -> memref<1x16384xf32, #tpu.memory_space<hbm>>
      %dma_wait3A_154 = tpu.memref_squeeze %dma_wait3A_153 : memref<1x16384xf32, #tpu.memory_space<hbm>> -> memref<16384xf32, #tpu.memory_space<hbm>>
      %dma_wait3A_155 = arith.constant 0 : i32
      %dma_wait3A_156 = tpu.memref_slice %arg4[%add3A_12, %dma_wait3A_155] : memref<64x262144xf32, #tpu.memory_space<hbm>> -> memref<1x16384xf32, #tpu.memory_space<hbm>>
      %dma_wait3A_157 = tpu.memref_squeeze %dma_wait3A_156 : memref<1x16384xf32, #tpu.memory_space<hbm>> -> memref<16384xf32, #tpu.memory_space<hbm>>
      tpu.wait_dma2 semaphore(%run_scoped3A : memref<!tpu.dma_semaphore, #tpu.memory_space<semaphore_mem>>) src(%arg9 : memref<16384xf32, #tpu.memory_space<vmem>>) dst(%dma_wait3A_157 : memref<16384xf32, #tpu.memory_space<hbm>>)
      tpu.yield
    }) : () -> ()
    "tpu.region"() ({
      %run_scoped3A = tpu.sem_alloc : memref<!tpu.dma_semaphore, #tpu.memory_space<semaphore_mem>>
      %dma_start3A = arith.constant 16384 : i32
      %dma_start3A_148 = tpu.memref_slice %arg3[%dma_start3A] : memref<262144xi32, #tpu.memory_space<hbm>> -> memref<16384xi32, #tpu.memory_space<hbm>>
      %dma_start3A_149 = arith.constant 16384 : i32
      %dma_start3A_150 = tpu.memref_slice %arg3[%dma_start3A_149] : memref<262144xi32, #tpu.memory_space<hbm>> -> memref<16384xi32, #tpu.memory_space<hbm>>
      tpu.enqueue_dma source(%dma_start3A_150 : memref<16384xi32, #tpu.memory_space<hbm>>) target(%arg7 : memref<16384xi32, #tpu.memory_space<vmem>>) target_semaphore(%run_scoped3A : memref<!tpu.dma_semaphore, #tpu.memory_space<semaphore_mem>>)
      %dma_wait3A = arith.constant 16384 : i32
      %dma_wait3A_151 = tpu.memref_slice %arg3[%dma_wait3A] : memref<262144xi32, #tpu.memory_space<hbm>> -> memref<16384xi32, #tpu.memory_space<hbm>>
      %dma_wait3A_152 = arith.constant 16384 : i32
      %dma_wait3A_153 = tpu.memref_slice %arg3[%dma_wait3A_152] : memref<262144xi32, #tpu.memory_space<hbm>> -> memref<16384xi32, #tpu.memory_space<hbm>>
      tpu.wait_dma2 semaphore(%run_scoped3A : memref<!tpu.dma_semaphore, #tpu.memory_space<semaphore_mem>>) src(%dma_wait3A_153 : memref<16384xi32, #tpu.memory_space<hbm>>) dst(%arg7 : memref<16384xi32, #tpu.memory_space<vmem>>)
      tpu.yield
    }) : () -> ()
    %scan3A_13 = arith.constant 0 : i32
    %scan3A_14 = arith.constant 0 : i32
    %scan3A_15 = arith.constant 256 : i32
    %scan3A_16 = arith.addi %scan3A_14, %scan3A_15 : i32
    %scan3A_17 = arith.constant 1 : i32
    %scan3A_18 = scf.for %scan3A_148 = %scan3A_14 to %scan3A_16 step %scan3A_17 iter_args(%scan3A_149 = %scan3A_13) -> (i32)  : i32 {
      %mul3A_150 = arith.constant 64 : i32
      %mul3A_151 = arith.muli %scan3A_148, %mul3A_150 : i32
      %add3A_152 = arith.constant 0 : i32
      %add3A_153 = arith.addi %mul3A_151, %add3A_152 : i32
      %get3A = arith.index_cast %add3A_153 : i32 to index
      %get3A_154 = tpu.vector_load %arg7[%get3A] {strides = array<i32>} : memref<16384xi32, #tpu.memory_space<vmem>>, vector<16xi32>,
      %gather3A = tpu.vector_load_idx %arg5[%get3A_154] : memref<16384xf32, #tpu.memory_space<vmem>>[vector<16xi32>], vector<16xf32>,
      %swap3A = arith.index_cast %add3A_153 : i32 to index
      %swap3A_155 = tpu.vector_load %arg8[%swap3A] {strides = array<i32>} : memref<16384xf32, #tpu.memory_space<vmem>>, vector<16xf32>,
      tpu.vector_store %arg8[%swap3A], %gather3A {strides = array<i32>} : memref<16384xf32, #tpu.memory_space<vmem>>, vector<16xf32>,
      %gather3A_156 = tpu.vector_load_idx %arg6[%get3A_154] : memref<16384xf32, #tpu.memory_space<vmem>>[vector<16xi32>], vector<16xf32>,
      %swap3A_157 = arith.index_cast %add3A_153 : i32 to index
      %swap3A_158 = tpu.vector_load %arg9[%swap3A_157] {strides = array<i32>} : memref<16384xf32, #tpu.memory_space<vmem>>, vector<16xf32>,
      tpu.vector_store %arg9[%swap3A_157], %gather3A_156 {strides = array<i32>} : memref<16384xf32, #tpu.memory_space<vmem>>, vector<16xf32>,
      %mul3A_159 = arith.constant 64 : i32
      %mul3A_160 = arith.muli %scan3A_148, %mul3A_159 : i32
      %add3A_161 = arith.constant 16 : i32
      %add3A_162 = arith.addi %mul3A_160, %add3A_161 : i32
      %get3A_163 = arith.index_cast %add3A_162 : i32 to index
      %get3A_164 = tpu.vector_load %arg7[%get3A_163] {strides = array<i32>} : memref<16384xi32, #tpu.memory_space<vmem>>, vector<16xi32>,
      %gather3A_165 = tpu.vector_load_idx %arg5[%get3A_164] : memref<16384xf32, #tpu.memory_space<vmem>>[vector<16xi32>], vector<16xf32>,
      %swap3A_166 = arith.index_cast %add3A_162 : i32 to index
      %swap3A_167 = tpu.vector_load %arg8[%swap3A_166] {strides = array<i32>} : memref<16384xf32, #tpu.memory_space<vmem>>, vector<16xf32>,
      tpu.vector_store %arg8[%swap3A_166], %gather3A_165 {strides = array<i32>} : memref<16384xf32, #tpu.memory_space<vmem>>, vector<16xf32>,
      %gather3A_168 = tpu.vector_load_idx %arg6[%get3A_164] : memref<16384xf32, #tpu.memory_space<vmem>>[vector<16xi32>], vector<16xf32>,
      %swap3A_169 = arith.index_cast %add3A_162 : i32 to index
      %swap3A_170 = tpu.vector_load %arg9[%swap3A_169] {strides = array<i32>} : memref<16384xf32, #tpu.memory_space<vmem>>, vector<16xf32>,
      tpu.vector_store %arg9[%swap3A_169], %gather3A_168 {strides = array<i32>} : memref<16384xf32, #tpu.memory_space<vmem>>, vector<16xf32>,
      %mul3A_171 = arith.constant 64 : i32
      %mul3A_172 = arith.muli %scan3A_148, %mul3A_171 : i32
      %add3A_173 = arith.constant 32 : i32
      %add3A_174 = arith.addi %mul3A_172, %add3A_173 : i32
      %get3A_175 = arith.index_cast %add3A_174 : i32 to index
      %get3A_176 = tpu.vector_load %arg7[%get3A_175] {strides = array<i32>} : memref<16384xi32, #tpu.memory_space<vmem>>, vector<16xi32>,
      %gather3A_177 = tpu.vector_load_idx %arg5[%get3A_176] : memref<16384xf32, #tpu.memory_space<vmem>>[vector<16xi32>], vector<16xf32>,
      %swap3A_178 = arith.index_cast %add3A_174 : i32 to index
      %swap3A_179 = tpu.vector_load %arg8[%swap3A_178] {strides = array<i32>} : memref<16384xf32, #tpu.memory_space<vmem>>, vector<16xf32>,
      tpu.vector_store %arg8[%swap3A_178], %gather3A_177 {strides = array<i32>} : memref<16384xf32, #tpu.memory_space<vmem>>, vector<16xf32>,
      %gather3A_180 = tpu.vector_load_idx %arg6[%get3A_176] : memref<16384xf32, #tpu.memory_space<vmem>>[vector<16xi32>], vector<16xf32>,
      %swap3A_181 = arith.index_cast %add3A_174 : i32 to index
      %swap3A_182 = tpu.vector_load %arg9[%swap3A_181] {strides = array<i32>} : memref<16384xf32, #tpu.memory_space<vmem>>, vector<16xf32>,
      tpu.vector_store %arg9[%swap3A_181], %gather3A_180 {strides = array<i32>} : memref<16384xf32, #tpu.memory_space<vmem>>, vector<16xf32>,
      %mul3A_183 = arith.constant 64 : i32
      %mul3A_184 = arith.muli %scan3A_148, %mul3A_183 : i32
      %add3A_185 = arith.constant 48 : i32
      %add3A_186 = arith.addi %mul3A_184, %add3A_185 : i32
      %get3A_187 = arith.index_cast %add3A_186 : i32 to index
      %get3A_188 = tpu.vector_load %arg7[%get3A_187] {strides = array<i32>} : memref<16384xi32, #tpu.memory_space<vmem>>, vector<16xi32>,
      %gather3A_189 = tpu.vector_load_idx %arg5[%get3A_188] : memref<16384xf32, #tpu.memory_space<vmem>>[vector<16xi32>], vector<16xf32>,
      %swap3A_190 = arith.index_cast %add3A_186 : i32 to index
      %swap3A_191 = tpu.vector_load %arg8[%swap3A_190] {strides = array<i32>} : memref<16384xf32, #tpu.memory_space<vmem>>, vector<16xf32>,
      tpu.vector_store %arg8[%swap3A_190], %gather3A_189 {strides = array<i32>} : memref<16384xf32, #tpu.memory_space<vmem>>, vector<16xf32>,
      %gather3A_192 = tpu.vector_load_idx %arg6[%get3A_188] : memref<16384xf32, #tpu.memory_space<vmem>>[vector<16xi32>], vector<16xf32>,
      %swap3A_193 = arith.index_cast %add3A_186 : i32 to index
      %swap3A_194 = tpu.vector_load %arg9[%swap3A_193] {strides = array<i32>} : memref<16384xf32, #tpu.memory_space<vmem>>, vector<16xf32>,
      tpu.vector_store %arg9[%swap3A_193], %gather3A_192 {strides = array<i32>} : memref<16384xf32, #tpu.memory_space<vmem>>, vector<16xf32>,
      %scan3A_195 = arith.constant 0 : i32
      scf.yield %scan3A_195 : i32
    }
    %scan3A_19 = arith.constant 256 : i32
    "tpu.region"() ({
      %run_scoped3A = tpu.sem_alloc : memref<!tpu.dma_semaphore, #tpu.memory_space<semaphore_mem>>
      %dma_start3A = arith.constant 16384 : i32
      %dma_start3A_148 = tpu.memref_slice %arg4[%mul3A_2, %dma_start3A] : memref<64x262144xf32, #tpu.memory_space<hbm>> -> memref<1x16384xf32, #tpu.memory_space<hbm>>
      %dma_start3A_149 = tpu.memref_squeeze %dma_start3A_148 : memref<1x16384xf32, #tpu.memory_space<hbm>> -> memref<16384xf32, #tpu.memory_space<hbm>>
      %dma_start3A_150 = arith.constant 16384 : i32
      %dma_start3A_151 = tpu.memref_slice %arg4[%mul3A_2, %dma_start3A_150] : memref<64x262144xf32, #tpu.memory_space<hbm>> -> memref<1x16384xf32, #tpu.memory_space<hbm>>
      %dma_start3A_152 = tpu.memref_squeeze %dma_start3A_151 : memref<1x16384xf32, #tpu.memory_space<hbm>> -> memref<16384xf32, #tpu.memory_space<hbm>>
      tpu.enqueue_dma source(%arg8 : memref<16384xf32, #tpu.memory_space<vmem>>) target(%dma_start3A_152 : memref<16384xf32, #tpu.memory_space<hbm>>) target_semaphore(%run_scoped3A : memref<!tpu.dma_semaphore, #tpu.memory_space<semaphore_mem>>)
      %dma_wait3A = arith.constant 16384 : i32
      %dma_wait3A_153 = tpu.memref_slice %arg4[%mul3A_2, %dma_wait3A] : memref<64x262144xf32, #tpu.memory_space<hbm>> -> memref<1x16384xf32, #tpu.memory_space<hbm>>
      %dma_wait3A_154 = tpu.memref_squeeze %dma_wait3A_153 : memref<1x16384xf32, #tpu.memory_space<hbm>> -> memref<16384xf32, #tpu.memory_space<hbm>>
      %dma_wait3A_155 = arith.constant 16384 : i32
      %dma_wait3A_156 = tpu.memref_slice %arg4[%mul3A_2, %dma_wait3A_155] : memref<64x262144xf32, #tpu.memory_space<hbm>> -> memref<1x16384xf32, #tpu.memory_space<hbm>>
      %dma_wait3A_157 = tpu.memref_squeeze %dma_wait3A_156 : memref<1x16384xf32, #tpu.memory_space<hbm>> -> memref<16384xf32, #tpu.memory_space<hbm>>
      tpu.wait_dma2 semaphore(%run_scoped3A : memref<!tpu.dma_semaphore, #tpu.memory_space<semaphore_mem>>) src(%arg8 : memref<16384xf32, #tpu.memory_space<vmem>>) dst(%dma_wait3A_157 : memref<16384xf32, #tpu.memory_space<hbm>>)
      tpu.yield
    }) : () -> ()
    %add3A_20 = arith.constant 1 : i32
    %add3A_21 = arith.addi %mul3A_2, %add3A_20 : i32
    "tpu.region"() ({
      %run_scoped3A = tpu.sem_alloc : memref<!tpu.dma_semaphore, #tpu.memory_space<semaphore_mem>>
      %dma_start3A = arith.constant 16384 : i32
      %dma_start3A_148 = tpu.memref_slice %arg4[%add3A_21, %dma_start3A] : memref<64x262144xf32, #tpu.memory_space<hbm>> -> memref<1x16384xf32, #tpu.memory_space<hbm>>
      %dma_start3A_149 = tpu.memref_squeeze %dma_start3A_148 : memref<1x16384xf32, #tpu.memory_space<hbm>> -> memref<16384xf32, #tpu.memory_space<hbm>>
      %dma_start3A_150 = arith.constant 16384 : i32
      %dma_start3A_151 = tpu.memref_slice %arg4[%add3A_21, %dma_start3A_150] : memref<64x262144xf32, #tpu.memory_space<hbm>> -> memref<1x16384xf32, #tpu.memory_space<hbm>>
      %dma_start3A_152 = tpu.memref_squeeze %dma_start3A_151 : memref<1x16384xf32, #tpu.memory_space<hbm>> -> memref<16384xf32, #tpu.memory_space<hbm>>
      tpu.enqueue_dma source(%arg9 : memref<16384xf32, #tpu.memory_space<vmem>>) target(%dma_start3A_152 : memref<16384xf32, #tpu.memory_space<hbm>>) target_semaphore(%run_scoped3A : memref<!tpu.dma_semaphore, #tpu.memory_space<semaphore_mem>>)
      %dma_wait3A = arith.constant 16384 : i32
      %dma_wait3A_153 = tpu.memref_slice %arg4[%add3A_21, %dma_wait3A] : memref<64x262144xf32, #tpu.memory_space<hbm>> -> memref<1x16384xf32, #tpu.memory_space<hbm>>
      %dma_wait3A_154 = tpu.memref_squeeze %dma_wait3A_153 : memref<1x16384xf32, #tpu.memory_space<hbm>> -> memref<16384xf32, #tpu.memory_space<hbm>>
      %dma_wait3A_155 = arith.constant 16384 : i32
      %dma_wait3A_156 = tpu.memref_slice %arg4[%add3A_21, %dma_wait3A_155] : memref<64x262144xf32, #tpu.memory_space<hbm>> -> memref<1x16384xf32, #tpu.memory_space<hbm>>
      %dma_wait3A_157 = tpu.memref_squeeze %dma_wait3A_156 : memref<1x16384xf32, #tpu.memory_space<hbm>> -> memref<16384xf32, #tpu.memory_space<hbm>>
      tpu.wait_dma2 semaphore(%run_scoped3A : memref<!tpu.dma_semaphore, #tpu.memory_space<semaphore_mem>>) src(%arg9 : memref<16384xf32, #tpu.memory_space<vmem>>) dst(%dma_wait3A_157 : memref<16384xf32, #tpu.memory_space<hbm>>)
      tpu.yield
    }) : () -> ()
    "tpu.region"() ({
      %run_scoped3A = tpu.sem_alloc : memref<!tpu.dma_semaphore, #tpu.memory_space<semaphore_mem>>
      %dma_start3A = arith.constant 32768 : i32
      %dma_start3A_148 = tpu.memref_slice %arg3[%dma_start3A] : memref<262144xi32, #tpu.memory_space<hbm>> -> memref<16384xi32, #tpu.memory_space<hbm>>
      %dma_start3A_149 = arith.constant 32768 : i32
      %dma_start3A_150 = tpu.memref_slice %arg3[%dma_start3A_149] : memref<262144xi32, #tpu.memory_space<hbm>> -> memref<16384xi32, #tpu.memory_space<hbm>>
      tpu.enqueue_dma source(%dma_start3A_150 : memref<16384xi32, #tpu.memory_space<hbm>>) target(%arg7 : memref<16384xi32, #tpu.memory_space<vmem>>) target_semaphore(%run_scoped3A : memref<!tpu.dma_semaphore, #tpu.memory_space<semaphore_mem>>)
      %dma_wait3A = arith.constant 32768 : i32
      %dma_wait3A_151 = tpu.memref_slice %arg3[%dma_wait3A] : memref<262144xi32, #tpu.memory_space<hbm>> -> memref<16384xi32, #tpu.memory_space<hbm>>
      %dma_wait3A_152 = arith.constant 32768 : i32
      %dma_wait3A_153 = tpu.memref_slice %arg3[%dma_wait3A_152] : memref<262144xi32, #tpu.memory_space<hbm>> -> memref<16384xi32, #tpu.memory_space<hbm>>
      tpu.wait_dma2 semaphore(%run_scoped3A : memref<!tpu.dma_semaphore, #tpu.memory_space<semaphore_mem>>) src(%dma_wait3A_153 : memref<16384xi32, #tpu.memory_space<hbm>>) dst(%arg7 : memref<16384xi32, #tpu.memory_space<vmem>>)
      tpu.yield
    }) : () -> ()
    %scan3A_22 = arith.constant 0 : i32
    %scan3A_23 = arith.constant 0 : i32
    %scan3A_24 = arith.constant 256 : i32
    %scan3A_25 = arith.addi %scan3A_23, %scan3A_24 : i32
    %scan3A_26 = arith.constant 1 : i32
    %scan3A_27 = scf.for %scan3A_148 = %scan3A_23 to %scan3A_25 step %scan3A_26 iter_args(%scan3A_149 = %scan3A_22) -> (i32)  : i32 {
      %mul3A_150 = arith.constant 64 : i32
      %mul3A_151 = arith.muli %scan3A_148, %mul3A_150 : i32
      %add3A_152 = arith.constant 0 : i32
      %add3A_153 = arith.addi %mul3A_151, %add3A_152 : i32
      %get3A = arith.index_cast %add3A_153 : i32 to index
      %get3A_154 = tpu.vector_load %arg7[%get3A] {strides = array<i32>} : memref<16384xi32, #tpu.memory_space<vmem>>, vector<16xi32>,
      %gather3A = tpu.vector_load_idx %arg5[%get3A_154] : memref<16384xf32, #tpu.memory_space<vmem>>[vector<16xi32>], vector<16xf32>,
      %swap3A = arith.index_cast %add3A_153 : i32 to index
      %swap3A_155 = tpu.vector_load %arg8[%swap3A] {strides = array<i32>} : memref<16384xf32, #tpu.memory_space<vmem>>, vector<16xf32>,
      tpu.vector_store %arg8[%swap3A], %gather3A {strides = array<i32>} : memref<16384xf32, #tpu.memory_space<vmem>>, vector<16xf32>,
      %gather3A_156 = tpu.vector_load_idx %arg6[%get3A_154] : memref<16384xf32, #tpu.memory_space<vmem>>[vector<16xi32>], vector<16xf32>,
      %swap3A_157 = arith.index_cast %add3A_153 : i32 to index
      %swap3A_158 = tpu.vector_load %arg9[%swap3A_157] {strides = array<i32>} : memref<16384xf32, #tpu.memory_space<vmem>>, vector<16xf32>,
      tpu.vector_store %arg9[%swap3A_157], %gather3A_156 {strides = array<i32>} : memref<16384xf32, #tpu.memory_space<vmem>>, vector<16xf32>,
      %mul3A_159 = arith.constant 64 : i32
      %mul3A_160 = arith.muli %scan3A_148, %mul3A_159 : i32
      %add3A_161 = arith.constant 16 : i32
      %add3A_162 = arith.addi %mul3A_160, %add3A_161 : i32
      %get3A_163 = arith.index_cast %add3A_162 : i32 to index
      %get3A_164 = tpu.vector_load %arg7[%get3A_163] {strides = array<i32>} : memref<16384xi32, #tpu.memory_space<vmem>>, vector<16xi32>,
      %gather3A_165 = tpu.vector_load_idx %arg5[%get3A_164] : memref<16384xf32, #tpu.memory_space<vmem>>[vector<16xi32>], vector<16xf32>,
      %swap3A_166 = arith.index_cast %add3A_162 : i32 to index
      %swap3A_167 = tpu.vector_load %arg8[%swap3A_166] {strides = array<i32>} : memref<16384xf32, #tpu.memory_space<vmem>>, vector<16xf32>,
      tpu.vector_store %arg8[%swap3A_166], %gather3A_165 {strides = array<i32>} : memref<16384xf32, #tpu.memory_space<vmem>>, vector<16xf32>,
      %gather3A_168 = tpu.vector_load_idx %arg6[%get3A_164] : memref<16384xf32, #tpu.memory_space<vmem>>[vector<16xi32>], vector<16xf32>,
      %swap3A_169 = arith.index_cast %add3A_162 : i32 to index
      %swap3A_170 = tpu.vector_load %arg9[%swap3A_169] {strides = array<i32>} : memref<16384xf32, #tpu.memory_space<vmem>>, vector<16xf32>,
      tpu.vector_store %arg9[%swap3A_169], %gather3A_168 {strides = array<i32>} : memref<16384xf32, #tpu.memory_space<vmem>>, vector<16xf32>,
      %mul3A_171 = arith.constant 64 : i32
      %mul3A_172 = arith.muli %scan3A_148, %mul3A_171 : i32
      %add3A_173 = arith.constant 32 : i32
      %add3A_174 = arith.addi %mul3A_172, %add3A_173 : i32
      %get3A_175 = arith.index_cast %add3A_174 : i32 to index
      %get3A_176 = tpu.vector_load %arg7[%get3A_175] {strides = array<i32>} : memref<16384xi32, #tpu.memory_space<vmem>>, vector<16xi32>,
      %gather3A_177 = tpu.vector_load_idx %arg5[%get3A_176] : memref<16384xf32, #tpu.memory_space<vmem>>[vector<16xi32>], vector<16xf32>,
      %swap3A_178 = arith.index_cast %add3A_174 : i32 to index
      %swap3A_179 = tpu.vector_load %arg8[%swap3A_178] {strides = array<i32>} : memref<16384xf32, #tpu.memory_space<vmem>>, vector<16xf32>,
      tpu.vector_store %arg8[%swap3A_178], %gather3A_177 {strides = array<i32>} : memref<16384xf32, #tpu.memory_space<vmem>>, vector<16xf32>,
      %gather3A_180 = tpu.vector_load_idx %arg6[%get3A_176] : memref<16384xf32, #tpu.memory_space<vmem>>[vector<16xi32>], vector<16xf32>,
      %swap3A_181 = arith.index_cast %add3A_174 : i32 to index
      %swap3A_182 = tpu.vector_load %arg9[%swap3A_181] {strides = array<i32>} : memref<16384xf32, #tpu.memory_space<vmem>>, vector<16xf32>,
      tpu.vector_store %arg9[%swap3A_181], %gather3A_180 {strides = array<i32>} : memref<16384xf32, #tpu.memory_space<vmem>>, vector<16xf32>,
      %mul3A_183 = arith.constant 64 : i32
      %mul3A_184 = arith.muli %scan3A_148, %mul3A_183 : i32
      %add3A_185 = arith.constant 48 : i32
      %add3A_186 = arith.addi %mul3A_184, %add3A_185 : i32
      %get3A_187 = arith.index_cast %add3A_186 : i32 to index
      %get3A_188 = tpu.vector_load %arg7[%get3A_187] {strides = array<i32>} : memref<16384xi32, #tpu.memory_space<vmem>>, vector<16xi32>,
      %gather3A_189 = tpu.vector_load_idx %arg5[%get3A_188] : memref<16384xf32, #tpu.memory_space<vmem>>[vector<16xi32>], vector<16xf32>,
      %swap3A_190 = arith.index_cast %add3A_186 : i32 to index
      %swap3A_191 = tpu.vector_load %arg8[%swap3A_190] {strides = array<i32>} : memref<16384xf32, #tpu.memory_space<vmem>>, vector<16xf32>,
      tpu.vector_store %arg8[%swap3A_190], %gather3A_189 {strides = array<i32>} : memref<16384xf32, #tpu.memory_space<vmem>>, vector<16xf32>,
      %gather3A_192 = tpu.vector_load_idx %arg6[%get3A_188] : memref<16384xf32, #tpu.memory_space<vmem>>[vector<16xi32>], vector<16xf32>,
      %swap3A_193 = arith.index_cast %add3A_186 : i32 to index
      %swap3A_194 = tpu.vector_load %arg9[%swap3A_193] {strides = array<i32>} : memref<16384xf32, #tpu.memory_space<vmem>>, vector<16xf32>,
      tpu.vector_store %arg9[%swap3A_193], %gather3A_192 {strides = array<i32>} : memref<16384xf32, #tpu.memory_space<vmem>>, vector<16xf32>,
      %scan3A_195 = arith.constant 0 : i32
      scf.yield %scan3A_195 : i32
    }
    %scan3A_28 = arith.constant 256 : i32
    "tpu.region"() ({
      %run_scoped3A = tpu.sem_alloc : memref<!tpu.dma_semaphore, #tpu.memory_space<semaphore_mem>>
      %dma_start3A = arith.constant 32768 : i32
      %dma_start3A_148 = tpu.memref_slice %arg4[%mul3A_2, %dma_start3A] : memref<64x262144xf32, #tpu.memory_space<hbm>> -> memref<1x16384xf32, #tpu.memory_space<hbm>>
      %dma_start3A_149 = tpu.memref_squeeze %dma_start3A_148 : memref<1x16384xf32, #tpu.memory_space<hbm>> -> memref<16384xf32, #tpu.memory_space<hbm>>
      %dma_start3A_150 = arith.constant 32768 : i32
      %dma_start3A_151 = tpu.memref_slice %arg4[%mul3A_2, %dma_start3A_150] : memref<64x262144xf32, #tpu.memory_space<hbm>> -> memref<1x16384xf32, #tpu.memory_space<hbm>>
      %dma_start3A_152 = tpu.memref_squeeze %dma_start3A_151 : memref<1x16384xf32, #tpu.memory_space<hbm>> -> memref<16384xf32, #tpu.memory_space<hbm>>
      tpu.enqueue_dma source(%arg8 : memref<16384xf32, #tpu.memory_space<vmem>>) target(%dma_start3A_152 : memref<16384xf32, #tpu.memory_space<hbm>>) target_semaphore(%run_scoped3A : memref<!tpu.dma_semaphore, #tpu.memory_space<semaphore_mem>>)
      %dma_wait3A = arith.constant 32768 : i32
      %dma_wait3A_153 = tpu.memref_slice %arg4[%mul3A_2, %dma_wait3A] : memref<64x262144xf32, #tpu.memory_space<hbm>> -> memref<1x16384xf32, #tpu.memory_space<hbm>>
      %dma_wait3A_154 = tpu.memref_squeeze %dma_wait3A_153 : memref<1x16384xf32, #tpu.memory_space<hbm>> -> memref<16384xf32, #tpu.memory_space<hbm>>
      %dma_wait3A_155 = arith.constant 32768 : i32
      %dma_wait3A_156 = tpu.memref_slice %arg4[%mul3A_2, %dma_wait3A_155] : memref<64x262144xf32, #tpu.memory_space<hbm>> -> memref<1x16384xf32, #tpu.memory_space<hbm>>
      %dma_wait3A_157 = tpu.memref_squeeze %dma_wait3A_156 : memref<1x16384xf32, #tpu.memory_space<hbm>> -> memref<16384xf32, #tpu.memory_space<hbm>>
      tpu.wait_dma2 semaphore(%run_scoped3A : memref<!tpu.dma_semaphore, #tpu.memory_space<semaphore_mem>>) src(%arg8 : memref<16384xf32, #tpu.memory_space<vmem>>) dst(%dma_wait3A_157 : memref<16384xf32, #tpu.memory_space<hbm>>)
      tpu.yield
    }) : () -> ()
    %add3A_29 = arith.constant 1 : i32
    %add3A_30 = arith.addi %mul3A_2, %add3A_29 : i32
    "tpu.region"() ({
      %run_scoped3A = tpu.sem_alloc : memref<!tpu.dma_semaphore, #tpu.memory_space<semaphore_mem>>
      %dma_start3A = arith.constant 32768 : i32
      %dma_start3A_148 = tpu.memref_slice %arg4[%add3A_30, %dma_start3A] : memref<64x262144xf32, #tpu.memory_space<hbm>> -> memref<1x16384xf32, #tpu.memory_space<hbm>>
      %dma_start3A_149 = tpu.memref_squeeze %dma_start3A_148 : memref<1x16384xf32, #tpu.memory_space<hbm>> -> memref<16384xf32, #tpu.memory_space<hbm>>
      %dma_start3A_150 = arith.constant 32768 : i32
      %dma_start3A_151 = tpu.memref_slice %arg4[%add3A_30, %dma_start3A_150] : memref<64x262144xf32, #tpu.memory_space<hbm>> -> memref<1x16384xf32, #tpu.memory_space<hbm>>
      %dma_start3A_152 = tpu.memref_squeeze %dma_start3A_151 : memref<1x16384xf32, #tpu.memory_space<hbm>> -> memref<16384xf32, #tpu.memory_space<hbm>>
      tpu.enqueue_dma source(%arg9 : memref<16384xf32, #tpu.memory_space<vmem>>) target(%dma_start3A_152 : memref<16384xf32, #tpu.memory_space<hbm>>) target_semaphore(%run_scoped3A : memref<!tpu.dma_semaphore, #tpu.memory_space<semaphore_mem>>)
      %dma_wait3A = arith.constant 32768 : i32
      %dma_wait3A_153 = tpu.memref_slice %arg4[%add3A_30, %dma_wait3A] : memref<64x262144xf32, #tpu.memory_space<hbm>> -> memref<1x16384xf32, #tpu.memory_space<hbm>>
      %dma_wait3A_154 = tpu.memref_squeeze %dma_wait3A_153 : memref<1x16384xf32, #tpu.memory_space<hbm>> -> memref<16384xf32, #tpu.memory_space<hbm>>
      %dma_wait3A_155 = arith.constant 32768 : i32
      %dma_wait3A_156 = tpu.memref_slice %arg4[%add3A_30, %dma_wait3A_155] : memref<64x262144xf32, #tpu.memory_space<hbm>> -> memref<1x16384xf32, #tpu.memory_space<hbm>>
      %dma_wait3A_157 = tpu.memref_squeeze %dma_wait3A_156 : memref<1x16384xf32, #tpu.memory_space<hbm>> -> memref<16384xf32, #tpu.memory_space<hbm>>
      tpu.wait_dma2 semaphore(%run_scoped3A : memref<!tpu.dma_semaphore, #tpu.memory_space<semaphore_mem>>) src(%arg9 : memref<16384xf32, #tpu.memory_space<vmem>>) dst(%dma_wait3A_157 : memref<16384xf32, #tpu.memory_space<hbm>>)
      tpu.yield
    }) : () -> ()
    "tpu.region"() ({
      %run_scoped3A = tpu.sem_alloc : memref<!tpu.dma_semaphore, #tpu.memory_space<semaphore_mem>>
      %dma_start3A = arith.constant 49152 : i32
      %dma_start3A_148 = tpu.memref_slice %arg3[%dma_start3A] : memref<262144xi32, #tpu.memory_space<hbm>> -> memref<16384xi32, #tpu.memory_space<hbm>>
      %dma_start3A_149 = arith.constant 49152 : i32
      %dma_start3A_150 = tpu.memref_slice %arg3[%dma_start3A_149] : memref<262144xi32, #tpu.memory_space<hbm>> -> memref<16384xi32, #tpu.memory_space<hbm>>
      tpu.enqueue_dma source(%dma_start3A_150 : memref<16384xi32, #tpu.memory_space<hbm>>) target(%arg7 : memref<16384xi32, #tpu.memory_space<vmem>>) target_semaphore(%run_scoped3A : memref<!tpu.dma_semaphore, #tpu.memory_space<semaphore_mem>>)
      %dma_wait3A = arith.constant 49152 : i32
      %dma_wait3A_151 = tpu.memref_slice %arg3[%dma_wait3A] : memref<262144xi32, #tpu.memory_space<hbm>> -> memref<16384xi32, #tpu.memory_space<hbm>>
      %dma_wait3A_152 = arith.constant 49152 : i32
      %dma_wait3A_153 = tpu.memref_slice %arg3[%dma_wait3A_152] : memref<262144xi32, #tpu.memory_space<hbm>> -> memref<16384xi32, #tpu.memory_space<hbm>>
      tpu.wait_dma2 semaphore(%run_scoped3A : memref<!tpu.dma_semaphore, #tpu.memory_space<semaphore_mem>>) src(%dma_wait3A_153 : memref<16384xi32, #tpu.memory_space<hbm>>) dst(%arg7 : memref<16384xi32, #tpu.memory_space<vmem>>)
      tpu.yield
    }) : () -> ()
    %scan3A_31 = arith.constant 0 : i32
    %scan3A_32 = arith.constant 0 : i32
    %scan3A_33 = arith.constant 256 : i32
    %scan3A_34 = arith.addi %scan3A_32, %scan3A_33 : i32
    %scan3A_35 = arith.constant 1 : i32
    %scan3A_36 = scf.for %scan3A_148 = %scan3A_32 to %scan3A_34 step %scan3A_35 iter_args(%scan3A_149 = %scan3A_31) -> (i32)  : i32 {
      %mul3A_150 = arith.constant 64 : i32
      %mul3A_151 = arith.muli %scan3A_148, %mul3A_150 : i32
      %add3A_152 = arith.constant 0 : i32
      %add3A_153 = arith.addi %mul3A_151, %add3A_152 : i32
      %get3A = arith.index_cast %add3A_153 : i32 to index
      %get3A_154 = tpu.vector_load %arg7[%get3A] {strides = array<i32>} : memref<16384xi32, #tpu.memory_space<vmem>>, vector<16xi32>,
      %gather3A = tpu.vector_load_idx %arg5[%get3A_154] : memref<16384xf32, #tpu.memory_space<vmem>>[vector<16xi32>], vector<16xf32>,
      %swap3A = arith.index_cast %add3A_153 : i32 to index
      %swap3A_155 = tpu.vector_load %arg8[%swap3A] {strides = array<i32>} : memref<16384xf32, #tpu.memory_space<vmem>>, vector<16xf32>,
      tpu.vector_store %arg8[%swap3A], %gather3A {strides = array<i32>} : memref<16384xf32, #tpu.memory_space<vmem>>, vector<16xf32>,
      %gather3A_156 = tpu.vector_load_idx %arg6[%get3A_154] : memref<16384xf32, #tpu.memory_space<vmem>>[vector<16xi32>], vector<16xf32>,
      %swap3A_157 = arith.index_cast %add3A_153 : i32 to index
      %swap3A_158 = tpu.vector_load %arg9[%swap3A_157] {strides = array<i32>} : memref<16384xf32, #tpu.memory_space<vmem>>, vector<16xf32>,
      tpu.vector_store %arg9[%swap3A_157], %gather3A_156 {strides = array<i32>} : memref<16384xf32, #tpu.memory_space<vmem>>, vector<16xf32>,
      %mul3A_159 = arith.constant 64 : i32
      %mul3A_160 = arith.muli %scan3A_148, %mul3A_159 : i32
      %add3A_161 = arith.constant 16 : i32
      %add3A_162 = arith.addi %mul3A_160, %add3A_161 : i32
      %get3A_163 = arith.index_cast %add3A_162 : i32 to index
      %get3A_164 = tpu.vector_load %arg7[%get3A_163] {strides = array<i32>} : memref<16384xi32, #tpu.memory_space<vmem>>, vector<16xi32>,
      %gather3A_165 = tpu.vector_load_idx %arg5[%get3A_164] : memref<16384xf32, #tpu.memory_space<vmem>>[vector<16xi32>], vector<16xf32>,
      %swap3A_166 = arith.index_cast %add3A_162 : i32 to index
      %swap3A_167 = tpu.vector_load %arg8[%swap3A_166] {strides = array<i32>} : memref<16384xf32, #tpu.memory_space<vmem>>, vector<16xf32>,
      tpu.vector_store %arg8[%swap3A_166], %gather3A_165 {strides = array<i32>} : memref<16384xf32, #tpu.memory_space<vmem>>, vector<16xf32>,
      %gather3A_168 = tpu.vector_load_idx %arg6[%get3A_164] : memref<16384xf32, #tpu.memory_space<vmem>>[vector<16xi32>], vector<16xf32>,
      %swap3A_169 = arith.index_cast %add3A_162 : i32 to index
      %swap3A_170 = tpu.vector_load %arg9[%swap3A_169] {strides = array<i32>} : memref<16384xf32, #tpu.memory_space<vmem>>, vector<16xf32>,
      tpu.vector_store %arg9[%swap3A_169], %gather3A_168 {strides = array<i32>} : memref<16384xf32, #tpu.memory_space<vmem>>, vector<16xf32>,
      %mul3A_171 = arith.constant 64 : i32
      %mul3A_172 = arith.muli %scan3A_148, %mul3A_171 : i32
      %add3A_173 = arith.constant 32 : i32
      %add3A_174 = arith.addi %mul3A_172, %add3A_173 : i32
      %get3A_175 = arith.index_cast %add3A_174 : i32 to index
      %get3A_176 = tpu.vector_load %arg7[%get3A_175] {strides = array<i32>} : memref<16384xi32, #tpu.memory_space<vmem>>, vector<16xi32>,
      %gather3A_177 = tpu.vector_load_idx %arg5[%get3A_176] : memref<16384xf32, #tpu.memory_space<vmem>>[vector<16xi32>], vector<16xf32>,
      %swap3A_178 = arith.index_cast %add3A_174 : i32 to index
      %swap3A_179 = tpu.vector_load %arg8[%swap3A_178] {strides = array<i32>} : memref<16384xf32, #tpu.memory_space<vmem>>, vector<16xf32>,
      tpu.vector_store %arg8[%swap3A_178], %gather3A_177 {strides = array<i32>} : memref<16384xf32, #tpu.memory_space<vmem>>, vector<16xf32>,
      %gather3A_180 = tpu.vector_load_idx %arg6[%get3A_176] : memref<16384xf32, #tpu.memory_space<vmem>>[vector<16xi32>], vector<16xf32>,
      %swap3A_181 = arith.index_cast %add3A_174 : i32 to index
      %swap3A_182 = tpu.vector_load %arg9[%swap3A_181] {strides = array<i32>} : memref<16384xf32, #tpu.memory_space<vmem>>, vector<16xf32>,
      tpu.vector_store %arg9[%swap3A_181], %gather3A_180 {strides = array<i32>} : memref<16384xf32, #tpu.memory_space<vmem>>, vector<16xf32>,
      %mul3A_183 = arith.constant 64 : i32
      %mul3A_184 = arith.muli %scan3A_148, %mul3A_183 : i32
      %add3A_185 = arith.constant 48 : i32
      %add3A_186 = arith.addi %mul3A_184, %add3A_185 : i32
      %get3A_187 = arith.index_cast %add3A_186 : i32 to index
      %get3A_188 = tpu.vector_load %arg7[%get3A_187] {strides = array<i32>} : memref<16384xi32, #tpu.memory_space<vmem>>, vector<16xi32>,
      %gather3A_189 = tpu.vector_load_idx %arg5[%get3A_188] : memref<16384xf32, #tpu.memory_space<vmem>>[vector<16xi32>], vector<16xf32>,
      %swap3A_190 = arith.index_cast %add3A_186 : i32 to index
      %swap3A_191 = tpu.vector_load %arg8[%swap3A_190] {strides = array<i32>} : memref<16384xf32, #tpu.memory_space<vmem>>, vector<16xf32>,
      tpu.vector_store %arg8[%swap3A_190], %gather3A_189 {strides = array<i32>} : memref<16384xf32, #tpu.memory_space<vmem>>, vector<16xf32>,
      %gather3A_192 = tpu.vector_load_idx %arg6[%get3A_188] : memref<16384xf32, #tpu.memory_space<vmem>>[vector<16xi32>], vector<16xf32>,
      %swap3A_193 = arith.index_cast %add3A_186 : i32 to index
      %swap3A_194 = tpu.vector_load %arg9[%swap3A_193] {strides = array<i32>} : memref<16384xf32, #tpu.memory_space<vmem>>, vector<16xf32>,
      tpu.vector_store %arg9[%swap3A_193], %gather3A_192 {strides = array<i32>} : memref<16384xf32, #tpu.memory_space<vmem>>, vector<16xf32>,
      %scan3A_195 = arith.constant 0 : i32
      scf.yield %scan3A_195 : i32
    }
    %scan3A_37 = arith.constant 256 : i32
    "tpu.region"() ({
      %run_scoped3A = tpu.sem_alloc : memref<!tpu.dma_semaphore, #tpu.memory_space<semaphore_mem>>
      %dma_start3A = arith.constant 49152 : i32
      %dma_start3A_148 = tpu.memref_slice %arg4[%mul3A_2, %dma_start3A] : memref<64x262144xf32, #tpu.memory_space<hbm>> -> memref<1x16384xf32, #tpu.memory_space<hbm>>
      %dma_start3A_149 = tpu.memref_squeeze %dma_start3A_148 : memref<1x16384xf32, #tpu.memory_space<hbm>> -> memref<16384xf32, #tpu.memory_space<hbm>>
      %dma_start3A_150 = arith.constant 49152 : i32
      %dma_start3A_151 = tpu.memref_slice %arg4[%mul3A_2, %dma_start3A_150] : memref<64x262144xf32, #tpu.memory_space<hbm>> -> memref<1x16384xf32, #tpu.memory_space<hbm>>
      %dma_start3A_152 = tpu.memref_squeeze %dma_start3A_151 : memref<1x16384xf32, #tpu.memory_space<hbm>> -> memref<16384xf32, #tpu.memory_space<hbm>>
      tpu.enqueue_dma source(%arg8 : memref<16384xf32, #tpu.memory_space<vmem>>) target(%dma_start3A_152 : memref<16384xf32, #tpu.memory_space<hbm>>) target_semaphore(%run_scoped3A : memref<!tpu.dma_semaphore, #tpu.memory_space<semaphore_mem>>)
      %dma_wait3A = arith.constant 49152 : i32
      %dma_wait3A_153 = tpu.memref_slice %arg4[%mul3A_2, %dma_wait3A] : memref<64x262144xf32, #tpu.memory_space<hbm>> -> memref<1x16384xf32, #tpu.memory_space<hbm>>
      %dma_wait3A_154 = tpu.memref_squeeze %dma_wait3A_153 : memref<1x16384xf32, #tpu.memory_space<hbm>> -> memref<16384xf32, #tpu.memory_space<hbm>>
      %dma_wait3A_155 = arith.constant 49152 : i32
      %dma_wait3A_156 = tpu.memref_slice %arg4[%mul3A_2, %dma_wait3A_155] : memref<64x262144xf32, #tpu.memory_space<hbm>> -> memref<1x16384xf32, #tpu.memory_space<hbm>>
      %dma_wait3A_157 = tpu.memref_squeeze %dma_wait3A_156 : memref<1x16384xf32, #tpu.memory_space<hbm>> -> memref<16384xf32, #tpu.memory_space<hbm>>
      tpu.wait_dma2 semaphore(%run_scoped3A : memref<!tpu.dma_semaphore, #tpu.memory_space<semaphore_mem>>) src(%arg8 : memref<16384xf32, #tpu.memory_space<vmem>>) dst(%dma_wait3A_157 : memref<16384xf32, #tpu.memory_space<hbm>>)
      tpu.yield
    }) : () -> ()
    %add3A_38 = arith.constant 1 : i32
    %add3A_39 = arith.addi %mul3A_2, %add3A_38 : i32
    "tpu.region"() ({
      %run_scoped3A = tpu.sem_alloc : memref<!tpu.dma_semaphore, #tpu.memory_space<semaphore_mem>>
      %dma_start3A = arith.constant 49152 : i32
      %dma_start3A_148 = tpu.memref_slice %arg4[%add3A_39, %dma_start3A] : memref<64x262144xf32, #tpu.memory_space<hbm>> -> memref<1x16384xf32, #tpu.memory_space<hbm>>
      %dma_start3A_149 = tpu.memref_squeeze %dma_start3A_148 : memref<1x16384xf32, #tpu.memory_space<hbm>> -> memref<16384xf32, #tpu.memory_space<hbm>>
      %dma_start3A_150 = arith.constant 49152 : i32
      %dma_start3A_151 = tpu.memref_slice %arg4[%add3A_39, %dma_start3A_150] : memref<64x262144xf32, #tpu.memory_space<hbm>> -> memref<1x16384xf32, #tpu.memory_space<hbm>>
      %dma_start3A_152 = tpu.memref_squeeze %dma_start3A_151 : memref<1x16384xf32, #tpu.memory_space<hbm>> -> memref<16384xf32, #tpu.memory_space<hbm>>
      tpu.enqueue_dma source(%arg9 : memref<16384xf32, #tpu.memory_space<vmem>>) target(%dma_start3A_152 : memref<16384xf32, #tpu.memory_space<hbm>>) target_semaphore(%run_scoped3A : memref<!tpu.dma_semaphore, #tpu.memory_space<semaphore_mem>>)
      %dma_wait3A = arith.constant 49152 : i32
      %dma_wait3A_153 = tpu.memref_slice %arg4[%add3A_39, %dma_wait3A] : memref<64x262144xf32, #tpu.memory_space<hbm>> -> memref<1x16384xf32, #tpu.memory_space<hbm>>
      %dma_wait3A_154 = tpu.memref_squeeze %dma_wait3A_153 : memref<1x16384xf32, #tpu.memory_space<hbm>> -> memref<16384xf32, #tpu.memory_space<hbm>>
      %dma_wait3A_155 = arith.constant 49152 : i32
      %dma_wait3A_156 = tpu.memref_slice %arg4[%add3A_39, %dma_wait3A_155] : memref<64x262144xf32, #tpu.memory_space<hbm>> -> memref<1x16384xf32, #tpu.memory_space<hbm>>
      %dma_wait3A_157 = tpu.memref_squeeze %dma_wait3A_156 : memref<1x16384xf32, #tpu.memory_space<hbm>> -> memref<16384xf32, #tpu.memory_space<hbm>>
      tpu.wait_dma2 semaphore(%run_scoped3A : memref<!tpu.dma_semaphore, #tpu.memory_space<semaphore_mem>>) src(%arg9 : memref<16384xf32, #tpu.memory_space<vmem>>) dst(%dma_wait3A_157 : memref<16384xf32, #tpu.memory_space<hbm>>)
      tpu.yield
    }) : () -> ()
    "tpu.region"() ({
      %run_scoped3A = tpu.sem_alloc : memref<!tpu.dma_semaphore, #tpu.memory_space<semaphore_mem>>
      %dma_start3A = arith.constant 65536 : i32
      %dma_start3A_148 = tpu.memref_slice %arg3[%dma_start3A] : memref<262144xi32, #tpu.memory_space<hbm>> -> memref<16384xi32, #tpu.memory_space<hbm>>
      %dma_start3A_149 = arith.constant 65536 : i32
      %dma_start3A_150 = tpu.memref_slice %arg3[%dma_start3A_149] : memref<262144xi32, #tpu.memory_space<hbm>> -> memref<16384xi32, #tpu.memory_space<hbm>>
      tpu.enqueue_dma source(%dma_start3A_150 : memref<16384xi32, #tpu.memory_space<hbm>>) target(%arg7 : memref<16384xi32, #tpu.memory_space<vmem>>) target_semaphore(%run_scoped3A : memref<!tpu.dma_semaphore, #tpu.memory_space<semaphore_mem>>)
      %dma_wait3A = arith.constant 65536 : i32
      %dma_wait3A_151 = tpu.memref_slice %arg3[%dma_wait3A] : memref<262144xi32, #tpu.memory_space<hbm>> -> memref<16384xi32, #tpu.memory_space<hbm>>
      %dma_wait3A_152 = arith.constant 65536 : i32
      %dma_wait3A_153 = tpu.memref_slice %arg3[%dma_wait3A_152] : memref<262144xi32, #tpu.memory_space<hbm>> -> memref<16384xi32, #tpu.memory_space<hbm>>
      tpu.wait_dma2 semaphore(%run_scoped3A : memref<!tpu.dma_semaphore, #tpu.memory_space<semaphore_mem>>) src(%dma_wait3A_153 : memref<16384xi32, #tpu.memory_space<hbm>>) dst(%arg7 : memref<16384xi32, #tpu.memory_space<vmem>>)
      tpu.yield
    }) : () -> ()
    %scan3A_40 = arith.constant 0 : i32
    %scan3A_41 = arith.constant 0 : i32
    %scan3A_42 = arith.constant 256 : i32
    %scan3A_43 = arith.addi %scan3A_41, %scan3A_42 : i32
    %scan3A_44 = arith.constant 1 : i32
    %scan3A_45 = scf.for %scan3A_148 = %scan3A_41 to %scan3A_43 step %scan3A_44 iter_args(%scan3A_149 = %scan3A_40) -> (i32)  : i32 {
      %mul3A_150 = arith.constant 64 : i32
      %mul3A_151 = arith.muli %scan3A_148, %mul3A_150 : i32
      %add3A_152 = arith.constant 0 : i32
      %add3A_153 = arith.addi %mul3A_151, %add3A_152 : i32
      %get3A = arith.index_cast %add3A_153 : i32 to index
      %get3A_154 = tpu.vector_load %arg7[%get3A] {strides = array<i32>} : memref<16384xi32, #tpu.memory_space<vmem>>, vector<16xi32>,
      %gather3A = tpu.vector_load_idx %arg5[%get3A_154] : memref<16384xf32, #tpu.memory_space<vmem>>[vector<16xi32>], vector<16xf32>,
      %swap3A = arith.index_cast %add3A_153 : i32 to index
      %swap3A_155 = tpu.vector_load %arg8[%swap3A] {strides = array<i32>} : memref<16384xf32, #tpu.memory_space<vmem>>, vector<16xf32>,
      tpu.vector_store %arg8[%swap3A], %gather3A {strides = array<i32>} : memref<16384xf32, #tpu.memory_space<vmem>>, vector<16xf32>,
      %gather3A_156 = tpu.vector_load_idx %arg6[%get3A_154] : memref<16384xf32, #tpu.memory_space<vmem>>[vector<16xi32>], vector<16xf32>,
      %swap3A_157 = arith.index_cast %add3A_153 : i32 to index
      %swap3A_158 = tpu.vector_load %arg9[%swap3A_157] {strides = array<i32>} : memref<16384xf32, #tpu.memory_space<vmem>>, vector<16xf32>,
      tpu.vector_store %arg9[%swap3A_157], %gather3A_156 {strides = array<i32>} : memref<16384xf32, #tpu.memory_space<vmem>>, vector<16xf32>,
      %mul3A_159 = arith.constant 64 : i32
      %mul3A_160 = arith.muli %scan3A_148, %mul3A_159 : i32
      %add3A_161 = arith.constant 16 : i32
      %add3A_162 = arith.addi %mul3A_160, %add3A_161 : i32
      %get3A_163 = arith.index_cast %add3A_162 : i32 to index
      %get3A_164 = tpu.vector_load %arg7[%get3A_163] {strides = array<i32>} : memref<16384xi32, #tpu.memory_space<vmem>>, vector<16xi32>,
      %gather3A_165 = tpu.vector_load_idx %arg5[%get3A_164] : memref<16384xf32, #tpu.memory_space<vmem>>[vector<16xi32>], vector<16xf32>,
      %swap3A_166 = arith.index_cast %add3A_162 : i32 to index
      %swap3A_167 = tpu.vector_load %arg8[%swap3A_166] {strides = array<i32>} : memref<16384xf32, #tpu.memory_space<vmem>>, vector<16xf32>,
      tpu.vector_store %arg8[%swap3A_166], %gather3A_165 {strides = array<i32>} : memref<16384xf32, #tpu.memory_space<vmem>>, vector<16xf32>,
      %gather3A_168 = tpu.vector_load_idx %arg6[%get3A_164] : memref<16384xf32, #tpu.memory_space<vmem>>[vector<16xi32>], vector<16xf32>,
      %swap3A_169 = arith.index_cast %add3A_162 : i32 to index
      %swap3A_170 = tpu.vector_load %arg9[%swap3A_169] {strides = array<i32>} : memref<16384xf32, #tpu.memory_space<vmem>>, vector<16xf32>,
      tpu.vector_store %arg9[%swap3A_169], %gather3A_168 {strides = array<i32>} : memref<16384xf32, #tpu.memory_space<vmem>>, vector<16xf32>,
      %mul3A_171 = arith.constant 64 : i32
      %mul3A_172 = arith.muli %scan3A_148, %mul3A_171 : i32
      %add3A_173 = arith.constant 32 : i32
      %add3A_174 = arith.addi %mul3A_172, %add3A_173 : i32
      %get3A_175 = arith.index_cast %add3A_174 : i32 to index
      %get3A_176 = tpu.vector_load %arg7[%get3A_175] {strides = array<i32>} : memref<16384xi32, #tpu.memory_space<vmem>>, vector<16xi32>,
      %gather3A_177 = tpu.vector_load_idx %arg5[%get3A_176] : memref<16384xf32, #tpu.memory_space<vmem>>[vector<16xi32>], vector<16xf32>,
      %swap3A_178 = arith.index_cast %add3A_174 : i32 to index
      %swap3A_179 = tpu.vector_load %arg8[%swap3A_178] {strides = array<i32>} : memref<16384xf32, #tpu.memory_space<vmem>>, vector<16xf32>,
      tpu.vector_store %arg8[%swap3A_178], %gather3A_177 {strides = array<i32>} : memref<16384xf32, #tpu.memory_space<vmem>>, vector<16xf32>,
      %gather3A_180 = tpu.vector_load_idx %arg6[%get3A_176] : memref<16384xf32, #tpu.memory_space<vmem>>[vector<16xi32>], vector<16xf32>,
      %swap3A_181 = arith.index_cast %add3A_174 : i32 to index
      %swap3A_182 = tpu.vector_load %arg9[%swap3A_181] {strides = array<i32>} : memref<16384xf32, #tpu.memory_space<vmem>>, vector<16xf32>,
      tpu.vector_store %arg9[%swap3A_181], %gather3A_180 {strides = array<i32>} : memref<16384xf32, #tpu.memory_space<vmem>>, vector<16xf32>,
      %mul3A_183 = arith.constant 64 : i32
      %mul3A_184 = arith.muli %scan3A_148, %mul3A_183 : i32
      %add3A_185 = arith.constant 48 : i32
      %add3A_186 = arith.addi %mul3A_184, %add3A_185 : i32
      %get3A_187 = arith.index_cast %add3A_186 : i32 to index
      %get3A_188 = tpu.vector_load %arg7[%get3A_187] {strides = array<i32>} : memref<16384xi32, #tpu.memory_space<vmem>>, vector<16xi32>,
      %gather3A_189 = tpu.vector_load_idx %arg5[%get3A_188] : memref<16384xf32, #tpu.memory_space<vmem>>[vector<16xi32>], vector<16xf32>,
      %swap3A_190 = arith.index_cast %add3A_186 : i32 to index
      %swap3A_191 = tpu.vector_load %arg8[%swap3A_190] {strides = array<i32>} : memref<16384xf32, #tpu.memory_space<vmem>>, vector<16xf32>,
      tpu.vector_store %arg8[%swap3A_190], %gather3A_189 {strides = array<i32>} : memref<16384xf32, #tpu.memory_space<vmem>>, vector<16xf32>,
      %gather3A_192 = tpu.vector_load_idx %arg6[%get3A_188] : memref<16384xf32, #tpu.memory_space<vmem>>[vector<16xi32>], vector<16xf32>,
      %swap3A_193 = arith.index_cast %add3A_186 : i32 to index
      %swap3A_194 = tpu.vector_load %arg9[%swap3A_193] {strides = array<i32>} : memref<16384xf32, #tpu.memory_space<vmem>>, vector<16xf32>,
      tpu.vector_store %arg9[%swap3A_193], %gather3A_192 {strides = array<i32>} : memref<16384xf32, #tpu.memory_space<vmem>>, vector<16xf32>,
      %scan3A_195 = arith.constant 0 : i32
      scf.yield %scan3A_195 : i32
    }
    %scan3A_46 = arith.constant 256 : i32
    "tpu.region"() ({
      %run_scoped3A = tpu.sem_alloc : memref<!tpu.dma_semaphore, #tpu.memory_space<semaphore_mem>>
      %dma_start3A = arith.constant 65536 : i32
      %dma_start3A_148 = tpu.memref_slice %arg4[%mul3A_2, %dma_start3A] : memref<64x262144xf32, #tpu.memory_space<hbm>> -> memref<1x16384xf32, #tpu.memory_space<hbm>>
      %dma_start3A_149 = tpu.memref_squeeze %dma_start3A_148 : memref<1x16384xf32, #tpu.memory_space<hbm>> -> memref<16384xf32, #tpu.memory_space<hbm>>
      %dma_start3A_150 = arith.constant 65536 : i32
      %dma_start3A_151 = tpu.memref_slice %arg4[%mul3A_2, %dma_start3A_150] : memref<64x262144xf32, #tpu.memory_space<hbm>> -> memref<1x16384xf32, #tpu.memory_space<hbm>>
      %dma_start3A_152 = tpu.memref_squeeze %dma_start3A_151 : memref<1x16384xf32, #tpu.memory_space<hbm>> -> memref<16384xf32, #tpu.memory_space<hbm>>
      tpu.enqueue_dma source(%arg8 : memref<16384xf32, #tpu.memory_space<vmem>>) target(%dma_start3A_152 : memref<16384xf32, #tpu.memory_space<hbm>>) target_semaphore(%run_scoped3A : memref<!tpu.dma_semaphore, #tpu.memory_space<semaphore_mem>>)
      %dma_wait3A = arith.constant 65536 : i32
      %dma_wait3A_153 = tpu.memref_slice %arg4[%mul3A_2, %dma_wait3A] : memref<64x262144xf32, #tpu.memory_space<hbm>> -> memref<1x16384xf32, #tpu.memory_space<hbm>>
      %dma_wait3A_154 = tpu.memref_squeeze %dma_wait3A_153 : memref<1x16384xf32, #tpu.memory_space<hbm>> -> memref<16384xf32, #tpu.memory_space<hbm>>
      %dma_wait3A_155 = arith.constant 65536 : i32
      %dma_wait3A_156 = tpu.memref_slice %arg4[%mul3A_2, %dma_wait3A_155] : memref<64x262144xf32, #tpu.memory_space<hbm>> -> memref<1x16384xf32, #tpu.memory_space<hbm>>
      %dma_wait3A_157 = tpu.memref_squeeze %dma_wait3A_156 : memref<1x16384xf32, #tpu.memory_space<hbm>> -> memref<16384xf32, #tpu.memory_space<hbm>>
      tpu.wait_dma2 semaphore(%run_scoped3A : memref<!tpu.dma_semaphore, #tpu.memory_space<semaphore_mem>>) src(%arg8 : memref<16384xf32, #tpu.memory_space<vmem>>) dst(%dma_wait3A_157 : memref<16384xf32, #tpu.memory_space<hbm>>)
      tpu.yield
    }) : () -> ()
    %add3A_47 = arith.constant 1 : i32
    %add3A_48 = arith.addi %mul3A_2, %add3A_47 : i32
    "tpu.region"() ({
      %run_scoped3A = tpu.sem_alloc : memref<!tpu.dma_semaphore, #tpu.memory_space<semaphore_mem>>
      %dma_start3A = arith.constant 65536 : i32
      %dma_start3A_148 = tpu.memref_slice %arg4[%add3A_48, %dma_start3A] : memref<64x262144xf32, #tpu.memory_space<hbm>> -> memref<1x16384xf32, #tpu.memory_space<hbm>>
      %dma_start3A_149 = tpu.memref_squeeze %dma_start3A_148 : memref<1x16384xf32, #tpu.memory_space<hbm>> -> memref<16384xf32, #tpu.memory_space<hbm>>
      %dma_start3A_150 = arith.constant 65536 : i32
      %dma_start3A_151 = tpu.memref_slice %arg4[%add3A_48, %dma_start3A_150] : memref<64x262144xf32, #tpu.memory_space<hbm>> -> memref<1x16384xf32, #tpu.memory_space<hbm>>
      %dma_start3A_152 = tpu.memref_squeeze %dma_start3A_151 : memref<1x16384xf32, #tpu.memory_space<hbm>> -> memref<16384xf32, #tpu.memory_space<hbm>>
      tpu.enqueue_dma source(%arg9 : memref<16384xf32, #tpu.memory_space<vmem>>) target(%dma_start3A_152 : memref<16384xf32, #tpu.memory_space<hbm>>) target_semaphore(%run_scoped3A : memref<!tpu.dma_semaphore, #tpu.memory_space<semaphore_mem>>)
      %dma_wait3A = arith.constant 65536 : i32
      %dma_wait3A_153 = tpu.memref_slice %arg4[%add3A_48, %dma_wait3A] : memref<64x262144xf32, #tpu.memory_space<hbm>> -> memref<1x16384xf32, #tpu.memory_space<hbm>>
      %dma_wait3A_154 = tpu.memref_squeeze %dma_wait3A_153 : memref<1x16384xf32, #tpu.memory_space<hbm>> -> memref<16384xf32, #tpu.memory_space<hbm>>
      %dma_wait3A_155 = arith.constant 65536 : i32
      %dma_wait3A_156 = tpu.memref_slice %arg4[%add3A_48, %dma_wait3A_155] : memref<64x262144xf32, #tpu.memory_space<hbm>> -> memref<1x16384xf32, #tpu.memory_space<hbm>>
      %dma_wait3A_157 = tpu.memref_squeeze %dma_wait3A_156 : memref<1x16384xf32, #tpu.memory_space<hbm>> -> memref<16384xf32, #tpu.memory_space<hbm>>
      tpu.wait_dma2 semaphore(%run_scoped3A : memref<!tpu.dma_semaphore, #tpu.memory_space<semaphore_mem>>) src(%arg9 : memref<16384xf32, #tpu.memory_space<vmem>>) dst(%dma_wait3A_157 : memref<16384xf32, #tpu.memory_space<hbm>>)
      tpu.yield
    }) : () -> ()
    "tpu.region"() ({
      %run_scoped3A = tpu.sem_alloc : memref<!tpu.dma_semaphore, #tpu.memory_space<semaphore_mem>>
      %dma_start3A = arith.constant 81920 : i32
      %dma_start3A_148 = tpu.memref_slice %arg3[%dma_start3A] : memref<262144xi32, #tpu.memory_space<hbm>> -> memref<16384xi32, #tpu.memory_space<hbm>>
      %dma_start3A_149 = arith.constant 81920 : i32
      %dma_start3A_150 = tpu.memref_slice %arg3[%dma_start3A_149] : memref<262144xi32, #tpu.memory_space<hbm>> -> memref<16384xi32, #tpu.memory_space<hbm>>
      tpu.enqueue_dma source(%dma_start3A_150 : memref<16384xi32, #tpu.memory_space<hbm>>) target(%arg7 : memref<16384xi32, #tpu.memory_space<vmem>>) target_semaphore(%run_scoped3A : memref<!tpu.dma_semaphore, #tpu.memory_space<semaphore_mem>>)
      %dma_wait3A = arith.constant 81920 : i32
      %dma_wait3A_151 = tpu.memref_slice %arg3[%dma_wait3A] : memref<262144xi32, #tpu.memory_space<hbm>> -> memref<16384xi32, #tpu.memory_space<hbm>>
      %dma_wait3A_152 = arith.constant 81920 : i32
      %dma_wait3A_153 = tpu.memref_slice %arg3[%dma_wait3A_152] : memref<262144xi32, #tpu.memory_space<hbm>> -> memref<16384xi32, #tpu.memory_space<hbm>>
      tpu.wait_dma2 semaphore(%run_scoped3A : memref<!tpu.dma_semaphore, #tpu.memory_space<semaphore_mem>>) src(%dma_wait3A_153 : memref<16384xi32, #tpu.memory_space<hbm>>) dst(%arg7 : memref<16384xi32, #tpu.memory_space<vmem>>)
      tpu.yield
    }) : () -> ()
    %scan3A_49 = arith.constant 0 : i32
    %scan3A_50 = arith.constant 0 : i32
    %scan3A_51 = arith.constant 256 : i32
    %scan3A_52 = arith.addi %scan3A_50, %scan3A_51 : i32
    %scan3A_53 = arith.constant 1 : i32
    %scan3A_54 = scf.for %scan3A_148 = %scan3A_50 to %scan3A_52 step %scan3A_53 iter_args(%scan3A_149 = %scan3A_49) -> (i32)  : i32 {
      %mul3A_150 = arith.constant 64 : i32
      %mul3A_151 = arith.muli %scan3A_148, %mul3A_150 : i32
      %add3A_152 = arith.constant 0 : i32
      %add3A_153 = arith.addi %mul3A_151, %add3A_152 : i32
      %get3A = arith.index_cast %add3A_153 : i32 to index
      %get3A_154 = tpu.vector_load %arg7[%get3A] {strides = array<i32>} : memref<16384xi32, #tpu.memory_space<vmem>>, vector<16xi32>,
      %gather3A = tpu.vector_load_idx %arg5[%get3A_154] : memref<16384xf32, #tpu.memory_space<vmem>>[vector<16xi32>], vector<16xf32>,
      %swap3A = arith.index_cast %add3A_153 : i32 to index
      %swap3A_155 = tpu.vector_load %arg8[%swap3A] {strides = array<i32>} : memref<16384xf32, #tpu.memory_space<vmem>>, vector<16xf32>,
      tpu.vector_store %arg8[%swap3A], %gather3A {strides = array<i32>} : memref<16384xf32, #tpu.memory_space<vmem>>, vector<16xf32>,
      %gather3A_156 = tpu.vector_load_idx %arg6[%get3A_154] : memref<16384xf32, #tpu.memory_space<vmem>>[vector<16xi32>], vector<16xf32>,
      %swap3A_157 = arith.index_cast %add3A_153 : i32 to index
      %swap3A_158 = tpu.vector_load %arg9[%swap3A_157] {strides = array<i32>} : memref<16384xf32, #tpu.memory_space<vmem>>, vector<16xf32>,
      tpu.vector_store %arg9[%swap3A_157], %gather3A_156 {strides = array<i32>} : memref<16384xf32, #tpu.memory_space<vmem>>, vector<16xf32>,
      %mul3A_159 = arith.constant 64 : i32
      %mul3A_160 = arith.muli %scan3A_148, %mul3A_159 : i32
      %add3A_161 = arith.constant 16 : i32
      %add3A_162 = arith.addi %mul3A_160, %add3A_161 : i32
      %get3A_163 = arith.index_cast %add3A_162 : i32 to index
      %get3A_164 = tpu.vector_load %arg7[%get3A_163] {strides = array<i32>} : memref<16384xi32, #tpu.memory_space<vmem>>, vector<16xi32>,
      %gather3A_165 = tpu.vector_load_idx %arg5[%get3A_164] : memref<16384xf32, #tpu.memory_space<vmem>>[vector<16xi32>], vector<16xf32>,
      %swap3A_166 = arith.index_cast %add3A_162 : i32 to index
      %swap3A_167 = tpu.vector_load %arg8[%swap3A_166] {strides = array<i32>} : memref<16384xf32, #tpu.memory_space<vmem>>, vector<16xf32>,
      tpu.vector_store %arg8[%swap3A_166], %gather3A_165 {strides = array<i32>} : memref<16384xf32, #tpu.memory_space<vmem>>, vector<16xf32>,
      %gather3A_168 = tpu.vector_load_idx %arg6[%get3A_164] : memref<16384xf32, #tpu.memory_space<vmem>>[vector<16xi32>], vector<16xf32>,
      %swap3A_169 = arith.index_cast %add3A_162 : i32 to index
      %swap3A_170 = tpu.vector_load %arg9[%swap3A_169] {strides = array<i32>} : memref<16384xf32, #tpu.memory_space<vmem>>, vector<16xf32>,
      tpu.vector_store %arg9[%swap3A_169], %gather3A_168 {strides = array<i32>} : memref<16384xf32, #tpu.memory_space<vmem>>, vector<16xf32>,
      %mul3A_171 = arith.constant 64 : i32
      %mul3A_172 = arith.muli %scan3A_148, %mul3A_171 : i32
      %add3A_173 = arith.constant 32 : i32
      %add3A_174 = arith.addi %mul3A_172, %add3A_173 : i32
      %get3A_175 = arith.index_cast %add3A_174 : i32 to index
      %get3A_176 = tpu.vector_load %arg7[%get3A_175] {strides = array<i32>} : memref<16384xi32, #tpu.memory_space<vmem>>, vector<16xi32>,
      %gather3A_177 = tpu.vector_load_idx %arg5[%get3A_176] : memref<16384xf32, #tpu.memory_space<vmem>>[vector<16xi32>], vector<16xf32>,
      %swap3A_178 = arith.index_cast %add3A_174 : i32 to index
      %swap3A_179 = tpu.vector_load %arg8[%swap3A_178] {strides = array<i32>} : memref<16384xf32, #tpu.memory_space<vmem>>, vector<16xf32>,
      tpu.vector_store %arg8[%swap3A_178], %gather3A_177 {strides = array<i32>} : memref<16384xf32, #tpu.memory_space<vmem>>, vector<16xf32>,
      %gather3A_180 = tpu.vector_load_idx %arg6[%get3A_176] : memref<16384xf32, #tpu.memory_space<vmem>>[vector<16xi32>], vector<16xf32>,
      %swap3A_181 = arith.index_cast %add3A_174 : i32 to index
      %swap3A_182 = tpu.vector_load %arg9[%swap3A_181] {strides = array<i32>} : memref<16384xf32, #tpu.memory_space<vmem>>, vector<16xf32>,
      tpu.vector_store %arg9[%swap3A_181], %gather3A_180 {strides = array<i32>} : memref<16384xf32, #tpu.memory_space<vmem>>, vector<16xf32>,
      %mul3A_183 = arith.constant 64 : i32
      %mul3A_184 = arith.muli %scan3A_148, %mul3A_183 : i32
      %add3A_185 = arith.constant 48 : i32
      %add3A_186 = arith.addi %mul3A_184, %add3A_185 : i32
      %get3A_187 = arith.index_cast %add3A_186 : i32 to index
      %get3A_188 = tpu.vector_load %arg7[%get3A_187] {strides = array<i32>} : memref<16384xi32, #tpu.memory_space<vmem>>, vector<16xi32>,
      %gather3A_189 = tpu.vector_load_idx %arg5[%get3A_188] : memref<16384xf32, #tpu.memory_space<vmem>>[vector<16xi32>], vector<16xf32>,
      %swap3A_190 = arith.index_cast %add3A_186 : i32 to index
      %swap3A_191 = tpu.vector_load %arg8[%swap3A_190] {strides = array<i32>} : memref<16384xf32, #tpu.memory_space<vmem>>, vector<16xf32>,
      tpu.vector_store %arg8[%swap3A_190], %gather3A_189 {strides = array<i32>} : memref<16384xf32, #tpu.memory_space<vmem>>, vector<16xf32>,
      %gather3A_192 = tpu.vector_load_idx %arg6[%get3A_188] : memref<16384xf32, #tpu.memory_space<vmem>>[vector<16xi32>], vector<16xf32>,
      %swap3A_193 = arith.index_cast %add3A_186 : i32 to index
      %swap3A_194 = tpu.vector_load %arg9[%swap3A_193] {strides = array<i32>} : memref<16384xf32, #tpu.memory_space<vmem>>, vector<16xf32>,
      tpu.vector_store %arg9[%swap3A_193], %gather3A_192 {strides = array<i32>} : memref<16384xf32, #tpu.memory_space<vmem>>, vector<16xf32>,
      %scan3A_195 = arith.constant 0 : i32
      scf.yield %scan3A_195 : i32
    }
    %scan3A_55 = arith.constant 256 : i32
    "tpu.region"() ({
      %run_scoped3A = tpu.sem_alloc : memref<!tpu.dma_semaphore, #tpu.memory_space<semaphore_mem>>
      %dma_start3A = arith.constant 81920 : i32
      %dma_start3A_148 = tpu.memref_slice %arg4[%mul3A_2, %dma_start3A] : memref<64x262144xf32, #tpu.memory_space<hbm>> -> memref<1x16384xf32, #tpu.memory_space<hbm>>
      %dma_start3A_149 = tpu.memref_squeeze %dma_start3A_148 : memref<1x16384xf32, #tpu.memory_space<hbm>> -> memref<16384xf32, #tpu.memory_space<hbm>>
      %dma_start3A_150 = arith.constant 81920 : i32
      %dma_start3A_151 = tpu.memref_slice %arg4[%mul3A_2, %dma_start3A_150] : memref<64x262144xf32, #tpu.memory_space<hbm>> -> memref<1x16384xf32, #tpu.memory_space<hbm>>
      %dma_start3A_152 = tpu.memref_squeeze %dma_start3A_151 : memref<1x16384xf32, #tpu.memory_space<hbm>> -> memref<16384xf32, #tpu.memory_space<hbm>>
      tpu.enqueue_dma source(%arg8 : memref<16384xf32, #tpu.memory_space<vmem>>) target(%dma_start3A_152 : memref<16384xf32, #tpu.memory_space<hbm>>) target_semaphore(%run_scoped3A : memref<!tpu.dma_semaphore, #tpu.memory_space<semaphore_mem>>)
      %dma_wait3A = arith.constant 81920 : i32
      %dma_wait3A_153 = tpu.memref_slice %arg4[%mul3A_2, %dma_wait3A] : memref<64x262144xf32, #tpu.memory_space<hbm>> -> memref<1x16384xf32, #tpu.memory_space<hbm>>
      %dma_wait3A_154 = tpu.memref_squeeze %dma_wait3A_153 : memref<1x16384xf32, #tpu.memory_space<hbm>> -> memref<16384xf32, #tpu.memory_space<hbm>>
      %dma_wait3A_155 = arith.constant 81920 : i32
      %dma_wait3A_156 = tpu.memref_slice %arg4[%mul3A_2, %dma_wait3A_155] : memref<64x262144xf32, #tpu.memory_space<hbm>> -> memref<1x16384xf32, #tpu.memory_space<hbm>>
      %dma_wait3A_157 = tpu.memref_squeeze %dma_wait3A_156 : memref<1x16384xf32, #tpu.memory_space<hbm>> -> memref<16384xf32, #tpu.memory_space<hbm>>
      tpu.wait_dma2 semaphore(%run_scoped3A : memref<!tpu.dma_semaphore, #tpu.memory_space<semaphore_mem>>) src(%arg8 : memref<16384xf32, #tpu.memory_space<vmem>>) dst(%dma_wait3A_157 : memref<16384xf32, #tpu.memory_space<hbm>>)
      tpu.yield
    }) : () -> ()
    %add3A_56 = arith.constant 1 : i32
    %add3A_57 = arith.addi %mul3A_2, %add3A_56 : i32
    "tpu.region"() ({
      %run_scoped3A = tpu.sem_alloc : memref<!tpu.dma_semaphore, #tpu.memory_space<semaphore_mem>>
      %dma_start3A = arith.constant 81920 : i32
      %dma_start3A_148 = tpu.memref_slice %arg4[%add3A_57, %dma_start3A] : memref<64x262144xf32, #tpu.memory_space<hbm>> -> memref<1x16384xf32, #tpu.memory_space<hbm>>
      %dma_start3A_149 = tpu.memref_squeeze %dma_start3A_148 : memref<1x16384xf32, #tpu.memory_space<hbm>> -> memref<16384xf32, #tpu.memory_space<hbm>>
      %dma_start3A_150 = arith.constant 81920 : i32
      %dma_start3A_151 = tpu.memref_slice %arg4[%add3A_57, %dma_start3A_150] : memref<64x262144xf32, #tpu.memory_space<hbm>> -> memref<1x16384xf32, #tpu.memory_space<hbm>>
      %dma_start3A_152 = tpu.memref_squeeze %dma_start3A_151 : memref<1x16384xf32, #tpu.memory_space<hbm>> -> memref<16384xf32, #tpu.memory_space<hbm>>
      tpu.enqueue_dma source(%arg9 : memref<16384xf32, #tpu.memory_space<vmem>>) target(%dma_start3A_152 : memref<16384xf32, #tpu.memory_space<hbm>>) target_semaphore(%run_scoped3A : memref<!tpu.dma_semaphore, #tpu.memory_space<semaphore_mem>>)
      %dma_wait3A = arith.constant 81920 : i32
      %dma_wait3A_153 = tpu.memref_slice %arg4[%add3A_57, %dma_wait3A] : memref<64x262144xf32, #tpu.memory_space<hbm>> -> memref<1x16384xf32, #tpu.memory_space<hbm>>
      %dma_wait3A_154 = tpu.memref_squeeze %dma_wait3A_153 : memref<1x16384xf32, #tpu.memory_space<hbm>> -> memref<16384xf32, #tpu.memory_space<hbm>>
      %dma_wait3A_155 = arith.constant 81920 : i32
      %dma_wait3A_156 = tpu.memref_slice %arg4[%add3A_57, %dma_wait3A_155] : memref<64x262144xf32, #tpu.memory_space<hbm>> -> memref<1x16384xf32, #tpu.memory_space<hbm>>
      %dma_wait3A_157 = tpu.memref_squeeze %dma_wait3A_156 : memref<1x16384xf32, #tpu.memory_space<hbm>> -> memref<16384xf32, #tpu.memory_space<hbm>>
      tpu.wait_dma2 semaphore(%run_scoped3A : memref<!tpu.dma_semaphore, #tpu.memory_space<semaphore_mem>>) src(%arg9 : memref<16384xf32, #tpu.memory_space<vmem>>) dst(%dma_wait3A_157 : memref<16384xf32, #tpu.memory_space<hbm>>)
      tpu.yield
    }) : () -> ()
    "tpu.region"() ({
      %run_scoped3A = tpu.sem_alloc : memref<!tpu.dma_semaphore, #tpu.memory_space<semaphore_mem>>
      %dma_start3A = arith.constant 98304 : i32
      %dma_start3A_148 = tpu.memref_slice %arg3[%dma_start3A] : memref<262144xi32, #tpu.memory_space<hbm>> -> memref<16384xi32, #tpu.memory_space<hbm>>
      %dma_start3A_149 = arith.constant 98304 : i32
      %dma_start3A_150 = tpu.memref_slice %arg3[%dma_start3A_149] : memref<262144xi32, #tpu.memory_space<hbm>> -> memref<16384xi32, #tpu.memory_space<hbm>>
      tpu.enqueue_dma source(%dma_start3A_150 : memref<16384xi32, #tpu.memory_space<hbm>>) target(%arg7 : memref<16384xi32, #tpu.memory_space<vmem>>) target_semaphore(%run_scoped3A : memref<!tpu.dma_semaphore, #tpu.memory_space<semaphore_mem>>)
      %dma_wait3A = arith.constant 98304 : i32
      %dma_wait3A_151 = tpu.memref_slice %arg3[%dma_wait3A] : memref<262144xi32, #tpu.memory_space<hbm>> -> memref<16384xi32, #tpu.memory_space<hbm>>
      %dma_wait3A_152 = arith.constant 98304 : i32
      %dma_wait3A_153 = tpu.memref_slice %arg3[%dma_wait3A_152] : memref<262144xi32, #tpu.memory_space<hbm>> -> memref<16384xi32, #tpu.memory_space<hbm>>
      tpu.wait_dma2 semaphore(%run_scoped3A : memref<!tpu.dma_semaphore, #tpu.memory_space<semaphore_mem>>) src(%dma_wait3A_153 : memref<16384xi32, #tpu.memory_space<hbm>>) dst(%arg7 : memref<16384xi32, #tpu.memory_space<vmem>>)
      tpu.yield
    }) : () -> ()
    %scan3A_58 = arith.constant 0 : i32
    %scan3A_59 = arith.constant 0 : i32
    %scan3A_60 = arith.constant 256 : i32
    %scan3A_61 = arith.addi %scan3A_59, %scan3A_60 : i32
    %scan3A_62 = arith.constant 1 : i32
    %scan3A_63 = scf.for %scan3A_148 = %scan3A_59 to %scan3A_61 step %scan3A_62 iter_args(%scan3A_149 = %scan3A_58) -> (i32)  : i32 {
      %mul3A_150 = arith.constant 64 : i32
      %mul3A_151 = arith.muli %scan3A_148, %mul3A_150 : i32
      %add3A_152 = arith.constant 0 : i32
      %add3A_153 = arith.addi %mul3A_151, %add3A_152 : i32
      %get3A = arith.index_cast %add3A_153 : i32 to index
      %get3A_154 = tpu.vector_load %arg7[%get3A] {strides = array<i32>} : memref<16384xi32, #tpu.memory_space<vmem>>, vector<16xi32>,
      %gather3A = tpu.vector_load_idx %arg5[%get3A_154] : memref<16384xf32, #tpu.memory_space<vmem>>[vector<16xi32>], vector<16xf32>,
      %swap3A = arith.index_cast %add3A_153 : i32 to index
      %swap3A_155 = tpu.vector_load %arg8[%swap3A] {strides = array<i32>} : memref<16384xf32, #tpu.memory_space<vmem>>, vector<16xf32>,
      tpu.vector_store %arg8[%swap3A], %gather3A {strides = array<i32>} : memref<16384xf32, #tpu.memory_space<vmem>>, vector<16xf32>,
      %gather3A_156 = tpu.vector_load_idx %arg6[%get3A_154] : memref<16384xf32, #tpu.memory_space<vmem>>[vector<16xi32>], vector<16xf32>,
      %swap3A_157 = arith.index_cast %add3A_153 : i32 to index
      %swap3A_158 = tpu.vector_load %arg9[%swap3A_157] {strides = array<i32>} : memref<16384xf32, #tpu.memory_space<vmem>>, vector<16xf32>,
      tpu.vector_store %arg9[%swap3A_157], %gather3A_156 {strides = array<i32>} : memref<16384xf32, #tpu.memory_space<vmem>>, vector<16xf32>,
      %mul3A_159 = arith.constant 64 : i32
      %mul3A_160 = arith.muli %scan3A_148, %mul3A_159 : i32
      %add3A_161 = arith.constant 16 : i32
      %add3A_162 = arith.addi %mul3A_160, %add3A_161 : i32
      %get3A_163 = arith.index_cast %add3A_162 : i32 to index
      %get3A_164 = tpu.vector_load %arg7[%get3A_163] {strides = array<i32>} : memref<16384xi32, #tpu.memory_space<vmem>>, vector<16xi32>,
      %gather3A_165 = tpu.vector_load_idx %arg5[%get3A_164] : memref<16384xf32, #tpu.memory_space<vmem>>[vector<16xi32>], vector<16xf32>,
      %swap3A_166 = arith.index_cast %add3A_162 : i32 to index
      %swap3A_167 = tpu.vector_load %arg8[%swap3A_166] {strides = array<i32>} : memref<16384xf32, #tpu.memory_space<vmem>>, vector<16xf32>,
      tpu.vector_store %arg8[%swap3A_166], %gather3A_165 {strides = array<i32>} : memref<16384xf32, #tpu.memory_space<vmem>>, vector<16xf32>,
      %gather3A_168 = tpu.vector_load_idx %arg6[%get3A_164] : memref<16384xf32, #tpu.memory_space<vmem>>[vector<16xi32>], vector<16xf32>,
      %swap3A_169 = arith.index_cast %add3A_162 : i32 to index
      %swap3A_170 = tpu.vector_load %arg9[%swap3A_169] {strides = array<i32>} : memref<16384xf32, #tpu.memory_space<vmem>>, vector<16xf32>,
      tpu.vector_store %arg9[%swap3A_169], %gather3A_168 {strides = array<i32>} : memref<16384xf32, #tpu.memory_space<vmem>>, vector<16xf32>,
      %mul3A_171 = arith.constant 64 : i32
      %mul3A_172 = arith.muli %scan3A_148, %mul3A_171 : i32
      %add3A_173 = arith.constant 32 : i32
      %add3A_174 = arith.addi %mul3A_172, %add3A_173 : i32
      %get3A_175 = arith.index_cast %add3A_174 : i32 to index
      %get3A_176 = tpu.vector_load %arg7[%get3A_175] {strides = array<i32>} : memref<16384xi32, #tpu.memory_space<vmem>>, vector<16xi32>,
      %gather3A_177 = tpu.vector_load_idx %arg5[%get3A_176] : memref<16384xf32, #tpu.memory_space<vmem>>[vector<16xi32>], vector<16xf32>,
      %swap3A_178 = arith.index_cast %add3A_174 : i32 to index
      %swap3A_179 = tpu.vector_load %arg8[%swap3A_178] {strides = array<i32>} : memref<16384xf32, #tpu.memory_space<vmem>>, vector<16xf32>,
      tpu.vector_store %arg8[%swap3A_178], %gather3A_177 {strides = array<i32>} : memref<16384xf32, #tpu.memory_space<vmem>>, vector<16xf32>,
      %gather3A_180 = tpu.vector_load_idx %arg6[%get3A_176] : memref<16384xf32, #tpu.memory_space<vmem>>[vector<16xi32>], vector<16xf32>,
      %swap3A_181 = arith.index_cast %add3A_174 : i32 to index
      %swap3A_182 = tpu.vector_load %arg9[%swap3A_181] {strides = array<i32>} : memref<16384xf32, #tpu.memory_space<vmem>>, vector<16xf32>,
      tpu.vector_store %arg9[%swap3A_181], %gather3A_180 {strides = array<i32>} : memref<16384xf32, #tpu.memory_space<vmem>>, vector<16xf32>,
      %mul3A_183 = arith.constant 64 : i32
      %mul3A_184 = arith.muli %scan3A_148, %mul3A_183 : i32
      %add3A_185 = arith.constant 48 : i32
      %add3A_186 = arith.addi %mul3A_184, %add3A_185 : i32
      %get3A_187 = arith.index_cast %add3A_186 : i32 to index
      %get3A_188 = tpu.vector_load %arg7[%get3A_187] {strides = array<i32>} : memref<16384xi32, #tpu.memory_space<vmem>>, vector<16xi32>,
      %gather3A_189 = tpu.vector_load_idx %arg5[%get3A_188] : memref<16384xf32, #tpu.memory_space<vmem>>[vector<16xi32>], vector<16xf32>,
      %swap3A_190 = arith.index_cast %add3A_186 : i32 to index
      %swap3A_191 = tpu.vector_load %arg8[%swap3A_190] {strides = array<i32>} : memref<16384xf32, #tpu.memory_space<vmem>>, vector<16xf32>,
      tpu.vector_store %arg8[%swap3A_190], %gather3A_189 {strides = array<i32>} : memref<16384xf32, #tpu.memory_space<vmem>>, vector<16xf32>,
      %gather3A_192 = tpu.vector_load_idx %arg6[%get3A_188] : memref<16384xf32, #tpu.memory_space<vmem>>[vector<16xi32>], vector<16xf32>,
      %swap3A_193 = arith.index_cast %add3A_186 : i32 to index
      %swap3A_194 = tpu.vector_load %arg9[%swap3A_193] {strides = array<i32>} : memref<16384xf32, #tpu.memory_space<vmem>>, vector<16xf32>,
      tpu.vector_store %arg9[%swap3A_193], %gather3A_192 {strides = array<i32>} : memref<16384xf32, #tpu.memory_space<vmem>>, vector<16xf32>,
      %scan3A_195 = arith.constant 0 : i32
      scf.yield %scan3A_195 : i32
    }
    %scan3A_64 = arith.constant 256 : i32
    "tpu.region"() ({
      %run_scoped3A = tpu.sem_alloc : memref<!tpu.dma_semaphore, #tpu.memory_space<semaphore_mem>>
      %dma_start3A = arith.constant 98304 : i32
      %dma_start3A_148 = tpu.memref_slice %arg4[%mul3A_2, %dma_start3A] : memref<64x262144xf32, #tpu.memory_space<hbm>> -> memref<1x16384xf32, #tpu.memory_space<hbm>>
      %dma_start3A_149 = tpu.memref_squeeze %dma_start3A_148 : memref<1x16384xf32, #tpu.memory_space<hbm>> -> memref<16384xf32, #tpu.memory_space<hbm>>
      %dma_start3A_150 = arith.constant 98304 : i32
      %dma_start3A_151 = tpu.memref_slice %arg4[%mul3A_2, %dma_start3A_150] : memref<64x262144xf32, #tpu.memory_space<hbm>> -> memref<1x16384xf32, #tpu.memory_space<hbm>>
      %dma_start3A_152 = tpu.memref_squeeze %dma_start3A_151 : memref<1x16384xf32, #tpu.memory_space<hbm>> -> memref<16384xf32, #tpu.memory_space<hbm>>
      tpu.enqueue_dma source(%arg8 : memref<16384xf32, #tpu.memory_space<vmem>>) target(%dma_start3A_152 : memref<16384xf32, #tpu.memory_space<hbm>>) target_semaphore(%run_scoped3A : memref<!tpu.dma_semaphore, #tpu.memory_space<semaphore_mem>>)
      %dma_wait3A = arith.constant 98304 : i32
      %dma_wait3A_153 = tpu.memref_slice %arg4[%mul3A_2, %dma_wait3A] : memref<64x262144xf32, #tpu.memory_space<hbm>> -> memref<1x16384xf32, #tpu.memory_space<hbm>>
      %dma_wait3A_154 = tpu.memref_squeeze %dma_wait3A_153 : memref<1x16384xf32, #tpu.memory_space<hbm>> -> memref<16384xf32, #tpu.memory_space<hbm>>
      %dma_wait3A_155 = arith.constant 98304 : i32
      %dma_wait3A_156 = tpu.memref_slice %arg4[%mul3A_2, %dma_wait3A_155] : memref<64x262144xf32, #tpu.memory_space<hbm>> -> memref<1x16384xf32, #tpu.memory_space<hbm>>
      %dma_wait3A_157 = tpu.memref_squeeze %dma_wait3A_156 : memref<1x16384xf32, #tpu.memory_space<hbm>> -> memref<16384xf32, #tpu.memory_space<hbm>>
      tpu.wait_dma2 semaphore(%run_scoped3A : memref<!tpu.dma_semaphore, #tpu.memory_space<semaphore_mem>>) src(%arg8 : memref<16384xf32, #tpu.memory_space<vmem>>) dst(%dma_wait3A_157 : memref<16384xf32, #tpu.memory_space<hbm>>)
      tpu.yield
    }) : () -> ()
    %add3A_65 = arith.constant 1 : i32
    %add3A_66 = arith.addi %mul3A_2, %add3A_65 : i32
    "tpu.region"() ({
      %run_scoped3A = tpu.sem_alloc : memref<!tpu.dma_semaphore, #tpu.memory_space<semaphore_mem>>
      %dma_start3A = arith.constant 98304 : i32
      %dma_start3A_148 = tpu.memref_slice %arg4[%add3A_66, %dma_start3A] : memref<64x262144xf32, #tpu.memory_space<hbm>> -> memref<1x16384xf32, #tpu.memory_space<hbm>>
      %dma_start3A_149 = tpu.memref_squeeze %dma_start3A_148 : memref<1x16384xf32, #tpu.memory_space<hbm>> -> memref<16384xf32, #tpu.memory_space<hbm>>
      %dma_start3A_150 = arith.constant 98304 : i32
      %dma_start3A_151 = tpu.memref_slice %arg4[%add3A_66, %dma_start3A_150] : memref<64x262144xf32, #tpu.memory_space<hbm>> -> memref<1x16384xf32, #tpu.memory_space<hbm>>
      %dma_start3A_152 = tpu.memref_squeeze %dma_start3A_151 : memref<1x16384xf32, #tpu.memory_space<hbm>> -> memref<16384xf32, #tpu.memory_space<hbm>>
      tpu.enqueue_dma source(%arg9 : memref<16384xf32, #tpu.memory_space<vmem>>) target(%dma_start3A_152 : memref<16384xf32, #tpu.memory_space<hbm>>) target_semaphore(%run_scoped3A : memref<!tpu.dma_semaphore, #tpu.memory_space<semaphore_mem>>)
      %dma_wait3A = arith.constant 98304 : i32
      %dma_wait3A_153 = tpu.memref_slice %arg4[%add3A_66, %dma_wait3A] : memref<64x262144xf32, #tpu.memory_space<hbm>> -> memref<1x16384xf32, #tpu.memory_space<hbm>>
      %dma_wait3A_154 = tpu.memref_squeeze %dma_wait3A_153 : memref<1x16384xf32, #tpu.memory_space<hbm>> -> memref<16384xf32, #tpu.memory_space<hbm>>
      %dma_wait3A_155 = arith.constant 98304 : i32
      %dma_wait3A_156 = tpu.memref_slice %arg4[%add3A_66, %dma_wait3A_155] : memref<64x262144xf32, #tpu.memory_space<hbm>> -> memref<1x16384xf32, #tpu.memory_space<hbm>>
      %dma_wait3A_157 = tpu.memref_squeeze %dma_wait3A_156 : memref<1x16384xf32, #tpu.memory_space<hbm>> -> memref<16384xf32, #tpu.memory_space<hbm>>
      tpu.wait_dma2 semaphore(%run_scoped3A : memref<!tpu.dma_semaphore, #tpu.memory_space<semaphore_mem>>) src(%arg9 : memref<16384xf32, #tpu.memory_space<vmem>>) dst(%dma_wait3A_157 : memref<16384xf32, #tpu.memory_space<hbm>>)
      tpu.yield
    }) : () -> ()
    "tpu.region"() ({
      %run_scoped3A = tpu.sem_alloc : memref<!tpu.dma_semaphore, #tpu.memory_space<semaphore_mem>>
      %dma_start3A = arith.constant 114688 : i32
      %dma_start3A_148 = tpu.memref_slice %arg3[%dma_start3A] : memref<262144xi32, #tpu.memory_space<hbm>> -> memref<16384xi32, #tpu.memory_space<hbm>>
      %dma_start3A_149 = arith.constant 114688 : i32
      %dma_start3A_150 = tpu.memref_slice %arg3[%dma_start3A_149] : memref<262144xi32, #tpu.memory_space<hbm>> -> memref<16384xi32, #tpu.memory_space<hbm>>
      tpu.enqueue_dma source(%dma_start3A_150 : memref<16384xi32, #tpu.memory_space<hbm>>) target(%arg7 : memref<16384xi32, #tpu.memory_space<vmem>>) target_semaphore(%run_scoped3A : memref<!tpu.dma_semaphore, #tpu.memory_space<semaphore_mem>>)
      %dma_wait3A = arith.constant 114688 : i32
      %dma_wait3A_151 = tpu.memref_slice %arg3[%dma_wait3A] : memref<262144xi32, #tpu.memory_space<hbm>> -> memref<16384xi32, #tpu.memory_space<hbm>>
      %dma_wait3A_152 = arith.constant 114688 : i32
      %dma_wait3A_153 = tpu.memref_slice %arg3[%dma_wait3A_152] : memref<262144xi32, #tpu.memory_space<hbm>> -> memref<16384xi32, #tpu.memory_space<hbm>>
      tpu.wait_dma2 semaphore(%run_scoped3A : memref<!tpu.dma_semaphore, #tpu.memory_space<semaphore_mem>>) src(%dma_wait3A_153 : memref<16384xi32, #tpu.memory_space<hbm>>) dst(%arg7 : memref<16384xi32, #tpu.memory_space<vmem>>)
      tpu.yield
    }) : () -> ()
    %scan3A_67 = arith.constant 0 : i32
    %scan3A_68 = arith.constant 0 : i32
    %scan3A_69 = arith.constant 256 : i32
    %scan3A_70 = arith.addi %scan3A_68, %scan3A_69 : i32
    %scan3A_71 = arith.constant 1 : i32
    %scan3A_72 = scf.for %scan3A_148 = %scan3A_68 to %scan3A_70 step %scan3A_71 iter_args(%scan3A_149 = %scan3A_67) -> (i32)  : i32 {
      %mul3A_150 = arith.constant 64 : i32
      %mul3A_151 = arith.muli %scan3A_148, %mul3A_150 : i32
      %add3A_152 = arith.constant 0 : i32
      %add3A_153 = arith.addi %mul3A_151, %add3A_152 : i32
      %get3A = arith.index_cast %add3A_153 : i32 to index
      %get3A_154 = tpu.vector_load %arg7[%get3A] {strides = array<i32>} : memref<16384xi32, #tpu.memory_space<vmem>>, vector<16xi32>,
      %gather3A = tpu.vector_load_idx %arg5[%get3A_154] : memref<16384xf32, #tpu.memory_space<vmem>>[vector<16xi32>], vector<16xf32>,
      %swap3A = arith.index_cast %add3A_153 : i32 to index
      %swap3A_155 = tpu.vector_load %arg8[%swap3A] {strides = array<i32>} : memref<16384xf32, #tpu.memory_space<vmem>>, vector<16xf32>,
      tpu.vector_store %arg8[%swap3A], %gather3A {strides = array<i32>} : memref<16384xf32, #tpu.memory_space<vmem>>, vector<16xf32>,
      %gather3A_156 = tpu.vector_load_idx %arg6[%get3A_154] : memref<16384xf32, #tpu.memory_space<vmem>>[vector<16xi32>], vector<16xf32>,
      %swap3A_157 = arith.index_cast %add3A_153 : i32 to index
      %swap3A_158 = tpu.vector_load %arg9[%swap3A_157] {strides = array<i32>} : memref<16384xf32, #tpu.memory_space<vmem>>, vector<16xf32>,
      tpu.vector_store %arg9[%swap3A_157], %gather3A_156 {strides = array<i32>} : memref<16384xf32, #tpu.memory_space<vmem>>, vector<16xf32>,
      %mul3A_159 = arith.constant 64 : i32
      %mul3A_160 = arith.muli %scan3A_148, %mul3A_159 : i32
      %add3A_161 = arith.constant 16 : i32
      %add3A_162 = arith.addi %mul3A_160, %add3A_161 : i32
      %get3A_163 = arith.index_cast %add3A_162 : i32 to index
      %get3A_164 = tpu.vector_load %arg7[%get3A_163] {strides = array<i32>} : memref<16384xi32, #tpu.memory_space<vmem>>, vector<16xi32>,
      %gather3A_165 = tpu.vector_load_idx %arg5[%get3A_164] : memref<16384xf32, #tpu.memory_space<vmem>>[vector<16xi32>], vector<16xf32>,
      %swap3A_166 = arith.index_cast %add3A_162 : i32 to index
      %swap3A_167 = tpu.vector_load %arg8[%swap3A_166] {strides = array<i32>} : memref<16384xf32, #tpu.memory_space<vmem>>, vector<16xf32>,
      tpu.vector_store %arg8[%swap3A_166], %gather3A_165 {strides = array<i32>} : memref<16384xf32, #tpu.memory_space<vmem>>, vector<16xf32>,
      %gather3A_168 = tpu.vector_load_idx %arg6[%get3A_164] : memref<16384xf32, #tpu.memory_space<vmem>>[vector<16xi32>], vector<16xf32>,
      %swap3A_169 = arith.index_cast %add3A_162 : i32 to index
      %swap3A_170 = tpu.vector_load %arg9[%swap3A_169] {strides = array<i32>} : memref<16384xf32, #tpu.memory_space<vmem>>, vector<16xf32>,
      tpu.vector_store %arg9[%swap3A_169], %gather3A_168 {strides = array<i32>} : memref<16384xf32, #tpu.memory_space<vmem>>, vector<16xf32>,
      %mul3A_171 = arith.constant 64 : i32
      %mul3A_172 = arith.muli %scan3A_148, %mul3A_171 : i32
      %add3A_173 = arith.constant 32 : i32
      %add3A_174 = arith.addi %mul3A_172, %add3A_173 : i32
      %get3A_175 = arith.index_cast %add3A_174 : i32 to index
      %get3A_176 = tpu.vector_load %arg7[%get3A_175] {strides = array<i32>} : memref<16384xi32, #tpu.memory_space<vmem>>, vector<16xi32>,
      %gather3A_177 = tpu.vector_load_idx %arg5[%get3A_176] : memref<16384xf32, #tpu.memory_space<vmem>>[vector<16xi32>], vector<16xf32>,
      %swap3A_178 = arith.index_cast %add3A_174 : i32 to index
      %swap3A_179 = tpu.vector_load %arg8[%swap3A_178] {strides = array<i32>} : memref<16384xf32, #tpu.memory_space<vmem>>, vector<16xf32>,
      tpu.vector_store %arg8[%swap3A_178], %gather3A_177 {strides = array<i32>} : memref<16384xf32, #tpu.memory_space<vmem>>, vector<16xf32>,
      %gather3A_180 = tpu.vector_load_idx %arg6[%get3A_176] : memref<16384xf32, #tpu.memory_space<vmem>>[vector<16xi32>], vector<16xf32>,
      %swap3A_181 = arith.index_cast %add3A_174 : i32 to index
      %swap3A_182 = tpu.vector_load %arg9[%swap3A_181] {strides = array<i32>} : memref<16384xf32, #tpu.memory_space<vmem>>, vector<16xf32>,
      tpu.vector_store %arg9[%swap3A_181], %gather3A_180 {strides = array<i32>} : memref<16384xf32, #tpu.memory_space<vmem>>, vector<16xf32>,
      %mul3A_183 = arith.constant 64 : i32
      %mul3A_184 = arith.muli %scan3A_148, %mul3A_183 : i32
      %add3A_185 = arith.constant 48 : i32
      %add3A_186 = arith.addi %mul3A_184, %add3A_185 : i32
      %get3A_187 = arith.index_cast %add3A_186 : i32 to index
      %get3A_188 = tpu.vector_load %arg7[%get3A_187] {strides = array<i32>} : memref<16384xi32, #tpu.memory_space<vmem>>, vector<16xi32>,
      %gather3A_189 = tpu.vector_load_idx %arg5[%get3A_188] : memref<16384xf32, #tpu.memory_space<vmem>>[vector<16xi32>], vector<16xf32>,
      %swap3A_190 = arith.index_cast %add3A_186 : i32 to index
      %swap3A_191 = tpu.vector_load %arg8[%swap3A_190] {strides = array<i32>} : memref<16384xf32, #tpu.memory_space<vmem>>, vector<16xf32>,
      tpu.vector_store %arg8[%swap3A_190], %gather3A_189 {strides = array<i32>} : memref<16384xf32, #tpu.memory_space<vmem>>, vector<16xf32>,
      %gather3A_192 = tpu.vector_load_idx %arg6[%get3A_188] : memref<16384xf32, #tpu.memory_space<vmem>>[vector<16xi32>], vector<16xf32>,
      %swap3A_193 = arith.index_cast %add3A_186 : i32 to index
      %swap3A_194 = tpu.vector_load %arg9[%swap3A_193] {strides = array<i32>} : memref<16384xf32, #tpu.memory_space<vmem>>, vector<16xf32>,
      tpu.vector_store %arg9[%swap3A_193], %gather3A_192 {strides = array<i32>} : memref<16384xf32, #tpu.memory_space<vmem>>, vector<16xf32>,
      %scan3A_195 = arith.constant 0 : i32
      scf.yield %scan3A_195 : i32
    }
    %scan3A_73 = arith.constant 256 : i32
    "tpu.region"() ({
      %run_scoped3A = tpu.sem_alloc : memref<!tpu.dma_semaphore, #tpu.memory_space<semaphore_mem>>
      %dma_start3A = arith.constant 114688 : i32
      %dma_start3A_148 = tpu.memref_slice %arg4[%mul3A_2, %dma_start3A] : memref<64x262144xf32, #tpu.memory_space<hbm>> -> memref<1x16384xf32, #tpu.memory_space<hbm>>
      %dma_start3A_149 = tpu.memref_squeeze %dma_start3A_148 : memref<1x16384xf32, #tpu.memory_space<hbm>> -> memref<16384xf32, #tpu.memory_space<hbm>>
      %dma_start3A_150 = arith.constant 114688 : i32
      %dma_start3A_151 = tpu.memref_slice %arg4[%mul3A_2, %dma_start3A_150] : memref<64x262144xf32, #tpu.memory_space<hbm>> -> memref<1x16384xf32, #tpu.memory_space<hbm>>
      %dma_start3A_152 = tpu.memref_squeeze %dma_start3A_151 : memref<1x16384xf32, #tpu.memory_space<hbm>> -> memref<16384xf32, #tpu.memory_space<hbm>>
      tpu.enqueue_dma source(%arg8 : memref<16384xf32, #tpu.memory_space<vmem>>) target(%dma_start3A_152 : memref<16384xf32, #tpu.memory_space<hbm>>) target_semaphore(%run_scoped3A : memref<!tpu.dma_semaphore, #tpu.memory_space<semaphore_mem>>)
      %dma_wait3A = arith.constant 114688 : i32
      %dma_wait3A_153 = tpu.memref_slice %arg4[%mul3A_2, %dma_wait3A] : memref<64x262144xf32, #tpu.memory_space<hbm>> -> memref<1x16384xf32, #tpu.memory_space<hbm>>
      %dma_wait3A_154 = tpu.memref_squeeze %dma_wait3A_153 : memref<1x16384xf32, #tpu.memory_space<hbm>> -> memref<16384xf32, #tpu.memory_space<hbm>>
      %dma_wait3A_155 = arith.constant 114688 : i32
      %dma_wait3A_156 = tpu.memref_slice %arg4[%mul3A_2, %dma_wait3A_155] : memref<64x262144xf32, #tpu.memory_space<hbm>> -> memref<1x16384xf32, #tpu.memory_space<hbm>>
      %dma_wait3A_157 = tpu.memref_squeeze %dma_wait3A_156 : memref<1x16384xf32, #tpu.memory_space<hbm>> -> memref<16384xf32, #tpu.memory_space<hbm>>
      tpu.wait_dma2 semaphore(%run_scoped3A : memref<!tpu.dma_semaphore, #tpu.memory_space<semaphore_mem>>) src(%arg8 : memref<16384xf32, #tpu.memory_space<vmem>>) dst(%dma_wait3A_157 : memref<16384xf32, #tpu.memory_space<hbm>>)
      tpu.yield
    }) : () -> ()
    %add3A_74 = arith.constant 1 : i32
    %add3A_75 = arith.addi %mul3A_2, %add3A_74 : i32
    "tpu.region"() ({
      %run_scoped3A = tpu.sem_alloc : memref<!tpu.dma_semaphore, #tpu.memory_space<semaphore_mem>>
      %dma_start3A = arith.constant 114688 : i32
      %dma_start3A_148 = tpu.memref_slice %arg4[%add3A_75, %dma_start3A] : memref<64x262144xf32, #tpu.memory_space<hbm>> -> memref<1x16384xf32, #tpu.memory_space<hbm>>
      %dma_start3A_149 = tpu.memref_squeeze %dma_start3A_148 : memref<1x16384xf32, #tpu.memory_space<hbm>> -> memref<16384xf32, #tpu.memory_space<hbm>>
      %dma_start3A_150 = arith.constant 114688 : i32
      %dma_start3A_151 = tpu.memref_slice %arg4[%add3A_75, %dma_start3A_150] : memref<64x262144xf32, #tpu.memory_space<hbm>> -> memref<1x16384xf32, #tpu.memory_space<hbm>>
      %dma_start3A_152 = tpu.memref_squeeze %dma_start3A_151 : memref<1x16384xf32, #tpu.memory_space<hbm>> -> memref<16384xf32, #tpu.memory_space<hbm>>
      tpu.enqueue_dma source(%arg9 : memref<16384xf32, #tpu.memory_space<vmem>>) target(%dma_start3A_152 : memref<16384xf32, #tpu.memory_space<hbm>>) target_semaphore(%run_scoped3A : memref<!tpu.dma_semaphore, #tpu.memory_space<semaphore_mem>>)
      %dma_wait3A = arith.constant 114688 : i32
      %dma_wait3A_153 = tpu.memref_slice %arg4[%add3A_75, %dma_wait3A] : memref<64x262144xf32, #tpu.memory_space<hbm>> -> memref<1x16384xf32, #tpu.memory_space<hbm>>
      %dma_wait3A_154 = tpu.memref_squeeze %dma_wait3A_153 : memref<1x16384xf32, #tpu.memory_space<hbm>> -> memref<16384xf32, #tpu.memory_space<hbm>>
      %dma_wait3A_155 = arith.constant 114688 : i32
      %dma_wait3A_156 = tpu.memref_slice %arg4[%add3A_75, %dma_wait3A_155] : memref<64x262144xf32, #tpu.memory_space<hbm>> -> memref<1x16384xf32, #tpu.memory_space<hbm>>
      %dma_wait3A_157 = tpu.memref_squeeze %dma_wait3A_156 : memref<1x16384xf32, #tpu.memory_space<hbm>> -> memref<16384xf32, #tpu.memory_space<hbm>>
      tpu.wait_dma2 semaphore(%run_scoped3A : memref<!tpu.dma_semaphore, #tpu.memory_space<semaphore_mem>>) src(%arg9 : memref<16384xf32, #tpu.memory_space<vmem>>) dst(%dma_wait3A_157 : memref<16384xf32, #tpu.memory_space<hbm>>)
      tpu.yield
    }) : () -> ()
    "tpu.region"() ({
      %run_scoped3A = tpu.sem_alloc : memref<!tpu.dma_semaphore, #tpu.memory_space<semaphore_mem>>
      %dma_start3A = arith.constant 131072 : i32
      %dma_start3A_148 = tpu.memref_slice %arg3[%dma_start3A] : memref<262144xi32, #tpu.memory_space<hbm>> -> memref<16384xi32, #tpu.memory_space<hbm>>
      %dma_start3A_149 = arith.constant 131072 : i32
      %dma_start3A_150 = tpu.memref_slice %arg3[%dma_start3A_149] : memref<262144xi32, #tpu.memory_space<hbm>> -> memref<16384xi32, #tpu.memory_space<hbm>>
      tpu.enqueue_dma source(%dma_start3A_150 : memref<16384xi32, #tpu.memory_space<hbm>>) target(%arg7 : memref<16384xi32, #tpu.memory_space<vmem>>) target_semaphore(%run_scoped3A : memref<!tpu.dma_semaphore, #tpu.memory_space<semaphore_mem>>)
      %dma_wait3A = arith.constant 131072 : i32
      %dma_wait3A_151 = tpu.memref_slice %arg3[%dma_wait3A] : memref<262144xi32, #tpu.memory_space<hbm>> -> memref<16384xi32, #tpu.memory_space<hbm>>
      %dma_wait3A_152 = arith.constant 131072 : i32
      %dma_wait3A_153 = tpu.memref_slice %arg3[%dma_wait3A_152] : memref<262144xi32, #tpu.memory_space<hbm>> -> memref<16384xi32, #tpu.memory_space<hbm>>
      tpu.wait_dma2 semaphore(%run_scoped3A : memref<!tpu.dma_semaphore, #tpu.memory_space<semaphore_mem>>) src(%dma_wait3A_153 : memref<16384xi32, #tpu.memory_space<hbm>>) dst(%arg7 : memref<16384xi32, #tpu.memory_space<vmem>>)
      tpu.yield
    }) : () -> ()
    %scan3A_76 = arith.constant 0 : i32
    %scan3A_77 = arith.constant 0 : i32
    %scan3A_78 = arith.constant 256 : i32
    %scan3A_79 = arith.addi %scan3A_77, %scan3A_78 : i32
    %scan3A_80 = arith.constant 1 : i32
    %scan3A_81 = scf.for %scan3A_148 = %scan3A_77 to %scan3A_79 step %scan3A_80 iter_args(%scan3A_149 = %scan3A_76) -> (i32)  : i32 {
      %mul3A_150 = arith.constant 64 : i32
      %mul3A_151 = arith.muli %scan3A_148, %mul3A_150 : i32
      %add3A_152 = arith.constant 0 : i32
      %add3A_153 = arith.addi %mul3A_151, %add3A_152 : i32
      %get3A = arith.index_cast %add3A_153 : i32 to index
      %get3A_154 = tpu.vector_load %arg7[%get3A] {strides = array<i32>} : memref<16384xi32, #tpu.memory_space<vmem>>, vector<16xi32>,
      %gather3A = tpu.vector_load_idx %arg5[%get3A_154] : memref<16384xf32, #tpu.memory_space<vmem>>[vector<16xi32>], vector<16xf32>,
      %swap3A = arith.index_cast %add3A_153 : i32 to index
      %swap3A_155 = tpu.vector_load %arg8[%swap3A] {strides = array<i32>} : memref<16384xf32, #tpu.memory_space<vmem>>, vector<16xf32>,
      tpu.vector_store %arg8[%swap3A], %gather3A {strides = array<i32>} : memref<16384xf32, #tpu.memory_space<vmem>>, vector<16xf32>,
      %gather3A_156 = tpu.vector_load_idx %arg6[%get3A_154] : memref<16384xf32, #tpu.memory_space<vmem>>[vector<16xi32>], vector<16xf32>,
      %swap3A_157 = arith.index_cast %add3A_153 : i32 to index
      %swap3A_158 = tpu.vector_load %arg9[%swap3A_157] {strides = array<i32>} : memref<16384xf32, #tpu.memory_space<vmem>>, vector<16xf32>,
      tpu.vector_store %arg9[%swap3A_157], %gather3A_156 {strides = array<i32>} : memref<16384xf32, #tpu.memory_space<vmem>>, vector<16xf32>,
      %mul3A_159 = arith.constant 64 : i32
      %mul3A_160 = arith.muli %scan3A_148, %mul3A_159 : i32
      %add3A_161 = arith.constant 16 : i32
      %add3A_162 = arith.addi %mul3A_160, %add3A_161 : i32
      %get3A_163 = arith.index_cast %add3A_162 : i32 to index
      %get3A_164 = tpu.vector_load %arg7[%get3A_163] {strides = array<i32>} : memref<16384xi32, #tpu.memory_space<vmem>>, vector<16xi32>,
      %gather3A_165 = tpu.vector_load_idx %arg5[%get3A_164] : memref<16384xf32, #tpu.memory_space<vmem>>[vector<16xi32>], vector<16xf32>,
      %swap3A_166 = arith.index_cast %add3A_162 : i32 to index
      %swap3A_167 = tpu.vector_load %arg8[%swap3A_166] {strides = array<i32>} : memref<16384xf32, #tpu.memory_space<vmem>>, vector<16xf32>,
      tpu.vector_store %arg8[%swap3A_166], %gather3A_165 {strides = array<i32>} : memref<16384xf32, #tpu.memory_space<vmem>>, vector<16xf32>,
      %gather3A_168 = tpu.vector_load_idx %arg6[%get3A_164] : memref<16384xf32, #tpu.memory_space<vmem>>[vector<16xi32>], vector<16xf32>,
      %swap3A_169 = arith.index_cast %add3A_162 : i32 to index
      %swap3A_170 = tpu.vector_load %arg9[%swap3A_169] {strides = array<i32>} : memref<16384xf32, #tpu.memory_space<vmem>>, vector<16xf32>,
      tpu.vector_store %arg9[%swap3A_169], %gather3A_168 {strides = array<i32>} : memref<16384xf32, #tpu.memory_space<vmem>>, vector<16xf32>,
      %mul3A_171 = arith.constant 64 : i32
      %mul3A_172 = arith.muli %scan3A_148, %mul3A_171 : i32
      %add3A_173 = arith.constant 32 : i32
      %add3A_174 = arith.addi %mul3A_172, %add3A_173 : i32
      %get3A_175 = arith.index_cast %add3A_174 : i32 to index
      %get3A_176 = tpu.vector_load %arg7[%get3A_175] {strides = array<i32>} : memref<16384xi32, #tpu.memory_space<vmem>>, vector<16xi32>,
      %gather3A_177 = tpu.vector_load_idx %arg5[%get3A_176] : memref<16384xf32, #tpu.memory_space<vmem>>[vector<16xi32>], vector<16xf32>,
      %swap3A_178 = arith.index_cast %add3A_174 : i32 to index
      %swap3A_179 = tpu.vector_load %arg8[%swap3A_178] {strides = array<i32>} : memref<16384xf32, #tpu.memory_space<vmem>>, vector<16xf32>,
      tpu.vector_store %arg8[%swap3A_178], %gather3A_177 {strides = array<i32>} : memref<16384xf32, #tpu.memory_space<vmem>>, vector<16xf32>,
      %gather3A_180 = tpu.vector_load_idx %arg6[%get3A_176] : memref<16384xf32, #tpu.memory_space<vmem>>[vector<16xi32>], vector<16xf32>,
      %swap3A_181 = arith.index_cast %add3A_174 : i32 to index
      %swap3A_182 = tpu.vector_load %arg9[%swap3A_181] {strides = array<i32>} : memref<16384xf32, #tpu.memory_space<vmem>>, vector<16xf32>,
      tpu.vector_store %arg9[%swap3A_181], %gather3A_180 {strides = array<i32>} : memref<16384xf32, #tpu.memory_space<vmem>>, vector<16xf32>,
      %mul3A_183 = arith.constant 64 : i32
      %mul3A_184 = arith.muli %scan3A_148, %mul3A_183 : i32
      %add3A_185 = arith.constant 48 : i32
      %add3A_186 = arith.addi %mul3A_184, %add3A_185 : i32
      %get3A_187 = arith.index_cast %add3A_186 : i32 to index
      %get3A_188 = tpu.vector_load %arg7[%get3A_187] {strides = array<i32>} : memref<16384xi32, #tpu.memory_space<vmem>>, vector<16xi32>,
      %gather3A_189 = tpu.vector_load_idx %arg5[%get3A_188] : memref<16384xf32, #tpu.memory_space<vmem>>[vector<16xi32>], vector<16xf32>,
      %swap3A_190 = arith.index_cast %add3A_186 : i32 to index
      %swap3A_191 = tpu.vector_load %arg8[%swap3A_190] {strides = array<i32>} : memref<16384xf32, #tpu.memory_space<vmem>>, vector<16xf32>,
      tpu.vector_store %arg8[%swap3A_190], %gather3A_189 {strides = array<i32>} : memref<16384xf32, #tpu.memory_space<vmem>>, vector<16xf32>,
      %gather3A_192 = tpu.vector_load_idx %arg6[%get3A_188] : memref<16384xf32, #tpu.memory_space<vmem>>[vector<16xi32>], vector<16xf32>,
      %swap3A_193 = arith.index_cast %add3A_186 : i32 to index
      %swap3A_194 = tpu.vector_load %arg9[%swap3A_193] {strides = array<i32>} : memref<16384xf32, #tpu.memory_space<vmem>>, vector<16xf32>,
      tpu.vector_store %arg9[%swap3A_193], %gather3A_192 {strides = array<i32>} : memref<16384xf32, #tpu.memory_space<vmem>>, vector<16xf32>,
      %scan3A_195 = arith.constant 0 : i32
      scf.yield %scan3A_195 : i32
    }
    %scan3A_82 = arith.constant 256 : i32
    "tpu.region"() ({
      %run_scoped3A = tpu.sem_alloc : memref<!tpu.dma_semaphore, #tpu.memory_space<semaphore_mem>>
      %dma_start3A = arith.constant 131072 : i32
      %dma_start3A_148 = tpu.memref_slice %arg4[%mul3A_2, %dma_start3A] : memref<64x262144xf32, #tpu.memory_space<hbm>> -> memref<1x16384xf32, #tpu.memory_space<hbm>>
      %dma_start3A_149 = tpu.memref_squeeze %dma_start3A_148 : memref<1x16384xf32, #tpu.memory_space<hbm>> -> memref<16384xf32, #tpu.memory_space<hbm>>
      %dma_start3A_150 = arith.constant 131072 : i32
      %dma_start3A_151 = tpu.memref_slice %arg4[%mul3A_2, %dma_start3A_150] : memref<64x262144xf32, #tpu.memory_space<hbm>> -> memref<1x16384xf32, #tpu.memory_space<hbm>>
      %dma_start3A_152 = tpu.memref_squeeze %dma_start3A_151 : memref<1x16384xf32, #tpu.memory_space<hbm>> -> memref<16384xf32, #tpu.memory_space<hbm>>
      tpu.enqueue_dma source(%arg8 : memref<16384xf32, #tpu.memory_space<vmem>>) target(%dma_start3A_152 : memref<16384xf32, #tpu.memory_space<hbm>>) target_semaphore(%run_scoped3A : memref<!tpu.dma_semaphore, #tpu.memory_space<semaphore_mem>>)
      %dma_wait3A = arith.constant 131072 : i32
      %dma_wait3A_153 = tpu.memref_slice %arg4[%mul3A_2, %dma_wait3A] : memref<64x262144xf32, #tpu.memory_space<hbm>> -> memref<1x16384xf32, #tpu.memory_space<hbm>>
      %dma_wait3A_154 = tpu.memref_squeeze %dma_wait3A_153 : memref<1x16384xf32, #tpu.memory_space<hbm>> -> memref<16384xf32, #tpu.memory_space<hbm>>
      %dma_wait3A_155 = arith.constant 131072 : i32
      %dma_wait3A_156 = tpu.memref_slice %arg4[%mul3A_2, %dma_wait3A_155] : memref<64x262144xf32, #tpu.memory_space<hbm>> -> memref<1x16384xf32, #tpu.memory_space<hbm>>
      %dma_wait3A_157 = tpu.memref_squeeze %dma_wait3A_156 : memref<1x16384xf32, #tpu.memory_space<hbm>> -> memref<16384xf32, #tpu.memory_space<hbm>>
      tpu.wait_dma2 semaphore(%run_scoped3A : memref<!tpu.dma_semaphore, #tpu.memory_space<semaphore_mem>>) src(%arg8 : memref<16384xf32, #tpu.memory_space<vmem>>) dst(%dma_wait3A_157 : memref<16384xf32, #tpu.memory_space<hbm>>)
      tpu.yield
    }) : () -> ()
    %add3A_83 = arith.constant 1 : i32
    %add3A_84 = arith.addi %mul3A_2, %add3A_83 : i32
    "tpu.region"() ({
      %run_scoped3A = tpu.sem_alloc : memref<!tpu.dma_semaphore, #tpu.memory_space<semaphore_mem>>
      %dma_start3A = arith.constant 131072 : i32
      %dma_start3A_148 = tpu.memref_slice %arg4[%add3A_84, %dma_start3A] : memref<64x262144xf32, #tpu.memory_space<hbm>> -> memref<1x16384xf32, #tpu.memory_space<hbm>>
      %dma_start3A_149 = tpu.memref_squeeze %dma_start3A_148 : memref<1x16384xf32, #tpu.memory_space<hbm>> -> memref<16384xf32, #tpu.memory_space<hbm>>
      %dma_start3A_150 = arith.constant 131072 : i32
      %dma_start3A_151 = tpu.memref_slice %arg4[%add3A_84, %dma_start3A_150] : memref<64x262144xf32, #tpu.memory_space<hbm>> -> memref<1x16384xf32, #tpu.memory_space<hbm>>
      %dma_start3A_152 = tpu.memref_squeeze %dma_start3A_151 : memref<1x16384xf32, #tpu.memory_space<hbm>> -> memref<16384xf32, #tpu.memory_space<hbm>>
      tpu.enqueue_dma source(%arg9 : memref<16384xf32, #tpu.memory_space<vmem>>) target(%dma_start3A_152 : memref<16384xf32, #tpu.memory_space<hbm>>) target_semaphore(%run_scoped3A : memref<!tpu.dma_semaphore, #tpu.memory_space<semaphore_mem>>)
      %dma_wait3A = arith.constant 131072 : i32
      %dma_wait3A_153 = tpu.memref_slice %arg4[%add3A_84, %dma_wait3A] : memref<64x262144xf32, #tpu.memory_space<hbm>> -> memref<1x16384xf32, #tpu.memory_space<hbm>>
      %dma_wait3A_154 = tpu.memref_squeeze %dma_wait3A_153 : memref<1x16384xf32, #tpu.memory_space<hbm>> -> memref<16384xf32, #tpu.memory_space<hbm>>
      %dma_wait3A_155 = arith.constant 131072 : i32
      %dma_wait3A_156 = tpu.memref_slice %arg4[%add3A_84, %dma_wait3A_155] : memref<64x262144xf32, #tpu.memory_space<hbm>> -> memref<1x16384xf32, #tpu.memory_space<hbm>>
      %dma_wait3A_157 = tpu.memref_squeeze %dma_wait3A_156 : memref<1x16384xf32, #tpu.memory_space<hbm>> -> memref<16384xf32, #tpu.memory_space<hbm>>
      tpu.wait_dma2 semaphore(%run_scoped3A : memref<!tpu.dma_semaphore, #tpu.memory_space<semaphore_mem>>) src(%arg9 : memref<16384xf32, #tpu.memory_space<vmem>>) dst(%dma_wait3A_157 : memref<16384xf32, #tpu.memory_space<hbm>>)
      tpu.yield
    }) : () -> ()
    "tpu.region"() ({
      %run_scoped3A = tpu.sem_alloc : memref<!tpu.dma_semaphore, #tpu.memory_space<semaphore_mem>>
      %dma_start3A = arith.constant 147456 : i32
      %dma_start3A_148 = tpu.memref_slice %arg3[%dma_start3A] : memref<262144xi32, #tpu.memory_space<hbm>> -> memref<16384xi32, #tpu.memory_space<hbm>>
      %dma_start3A_149 = arith.constant 147456 : i32
      %dma_start3A_150 = tpu.memref_slice %arg3[%dma_start3A_149] : memref<262144xi32, #tpu.memory_space<hbm>> -> memref<16384xi32, #tpu.memory_space<hbm>>
      tpu.enqueue_dma source(%dma_start3A_150 : memref<16384xi32, #tpu.memory_space<hbm>>) target(%arg7 : memref<16384xi32, #tpu.memory_space<vmem>>) target_semaphore(%run_scoped3A : memref<!tpu.dma_semaphore, #tpu.memory_space<semaphore_mem>>)
      %dma_wait3A = arith.constant 147456 : i32
      %dma_wait3A_151 = tpu.memref_slice %arg3[%dma_wait3A] : memref<262144xi32, #tpu.memory_space<hbm>> -> memref<16384xi32, #tpu.memory_space<hbm>>
      %dma_wait3A_152 = arith.constant 147456 : i32
      %dma_wait3A_153 = tpu.memref_slice %arg3[%dma_wait3A_152] : memref<262144xi32, #tpu.memory_space<hbm>> -> memref<16384xi32, #tpu.memory_space<hbm>>
      tpu.wait_dma2 semaphore(%run_scoped3A : memref<!tpu.dma_semaphore, #tpu.memory_space<semaphore_mem>>) src(%dma_wait3A_153 : memref<16384xi32, #tpu.memory_space<hbm>>) dst(%arg7 : memref<16384xi32, #tpu.memory_space<vmem>>)
      tpu.yield
    }) : () -> ()
    %scan3A_85 = arith.constant 0 : i32
    %scan3A_86 = arith.constant 0 : i32
    %scan3A_87 = arith.constant 256 : i32
    %scan3A_88 = arith.addi %scan3A_86, %scan3A_87 : i32
    %scan3A_89 = arith.constant 1 : i32
    %scan3A_90 = scf.for %scan3A_148 = %scan3A_86 to %scan3A_88 step %scan3A_89 iter_args(%scan3A_149 = %scan3A_85) -> (i32)  : i32 {
      %mul3A_150 = arith.constant 64 : i32
      %mul3A_151 = arith.muli %scan3A_148, %mul3A_150 : i32
      %add3A_152 = arith.constant 0 : i32
      %add3A_153 = arith.addi %mul3A_151, %add3A_152 : i32
      %get3A = arith.index_cast %add3A_153 : i32 to index
      %get3A_154 = tpu.vector_load %arg7[%get3A] {strides = array<i32>} : memref<16384xi32, #tpu.memory_space<vmem>>, vector<16xi32>,
      %gather3A = tpu.vector_load_idx %arg5[%get3A_154] : memref<16384xf32, #tpu.memory_space<vmem>>[vector<16xi32>], vector<16xf32>,
      %swap3A = arith.index_cast %add3A_153 : i32 to index
      %swap3A_155 = tpu.vector_load %arg8[%swap3A] {strides = array<i32>} : memref<16384xf32, #tpu.memory_space<vmem>>, vector<16xf32>,
      tpu.vector_store %arg8[%swap3A], %gather3A {strides = array<i32>} : memref<16384xf32, #tpu.memory_space<vmem>>, vector<16xf32>,
      %gather3A_156 = tpu.vector_load_idx %arg6[%get3A_154] : memref<16384xf32, #tpu.memory_space<vmem>>[vector<16xi32>], vector<16xf32>,
      %swap3A_157 = arith.index_cast %add3A_153 : i32 to index
      %swap3A_158 = tpu.vector_load %arg9[%swap3A_157] {strides = array<i32>} : memref<16384xf32, #tpu.memory_space<vmem>>, vector<16xf32>,
      tpu.vector_store %arg9[%swap3A_157], %gather3A_156 {strides = array<i32>} : memref<16384xf32, #tpu.memory_space<vmem>>, vector<16xf32>,
      %mul3A_159 = arith.constant 64 : i32
      %mul3A_160 = arith.muli %scan3A_148, %mul3A_159 : i32
      %add3A_161 = arith.constant 16 : i32
      %add3A_162 = arith.addi %mul3A_160, %add3A_161 : i32
      %get3A_163 = arith.index_cast %add3A_162 : i32 to index
      %get3A_164 = tpu.vector_load %arg7[%get3A_163] {strides = array<i32>} : memref<16384xi32, #tpu.memory_space<vmem>>, vector<16xi32>,
      %gather3A_165 = tpu.vector_load_idx %arg5[%get3A_164] : memref<16384xf32, #tpu.memory_space<vmem>>[vector<16xi32>], vector<16xf32>,
      %swap3A_166 = arith.index_cast %add3A_162 : i32 to index
      %swap3A_167 = tpu.vector_load %arg8[%swap3A_166] {strides = array<i32>} : memref<16384xf32, #tpu.memory_space<vmem>>, vector<16xf32>,
      tpu.vector_store %arg8[%swap3A_166], %gather3A_165 {strides = array<i32>} : memref<16384xf32, #tpu.memory_space<vmem>>, vector<16xf32>,
      %gather3A_168 = tpu.vector_load_idx %arg6[%get3A_164] : memref<16384xf32, #tpu.memory_space<vmem>>[vector<16xi32>], vector<16xf32>,
      %swap3A_169 = arith.index_cast %add3A_162 : i32 to index
      %swap3A_170 = tpu.vector_load %arg9[%swap3A_169] {strides = array<i32>} : memref<16384xf32, #tpu.memory_space<vmem>>, vector<16xf32>,
      tpu.vector_store %arg9[%swap3A_169], %gather3A_168 {strides = array<i32>} : memref<16384xf32, #tpu.memory_space<vmem>>, vector<16xf32>,
      %mul3A_171 = arith.constant 64 : i32
      %mul3A_172 = arith.muli %scan3A_148, %mul3A_171 : i32
      %add3A_173 = arith.constant 32 : i32
      %add3A_174 = arith.addi %mul3A_172, %add3A_173 : i32
      %get3A_175 = arith.index_cast %add3A_174 : i32 to index
      %get3A_176 = tpu.vector_load %arg7[%get3A_175] {strides = array<i32>} : memref<16384xi32, #tpu.memory_space<vmem>>, vector<16xi32>,
      %gather3A_177 = tpu.vector_load_idx %arg5[%get3A_176] : memref<16384xf32, #tpu.memory_space<vmem>>[vector<16xi32>], vector<16xf32>,
      %swap3A_178 = arith.index_cast %add3A_174 : i32 to index
      %swap3A_179 = tpu.vector_load %arg8[%swap3A_178] {strides = array<i32>} : memref<16384xf32, #tpu.memory_space<vmem>>, vector<16xf32>,
      tpu.vector_store %arg8[%swap3A_178], %gather3A_177 {strides = array<i32>} : memref<16384xf32, #tpu.memory_space<vmem>>, vector<16xf32>,
      %gather3A_180 = tpu.vector_load_idx %arg6[%get3A_176] : memref<16384xf32, #tpu.memory_space<vmem>>[vector<16xi32>], vector<16xf32>,
      %swap3A_181 = arith.index_cast %add3A_174 : i32 to index
      %swap3A_182 = tpu.vector_load %arg9[%swap3A_181] {strides = array<i32>} : memref<16384xf32, #tpu.memory_space<vmem>>, vector<16xf32>,
      tpu.vector_store %arg9[%swap3A_181], %gather3A_180 {strides = array<i32>} : memref<16384xf32, #tpu.memory_space<vmem>>, vector<16xf32>,
      %mul3A_183 = arith.constant 64 : i32
      %mul3A_184 = arith.muli %scan3A_148, %mul3A_183 : i32
      %add3A_185 = arith.constant 48 : i32
      %add3A_186 = arith.addi %mul3A_184, %add3A_185 : i32
      %get3A_187 = arith.index_cast %add3A_186 : i32 to index
      %get3A_188 = tpu.vector_load %arg7[%get3A_187] {strides = array<i32>} : memref<16384xi32, #tpu.memory_space<vmem>>, vector<16xi32>,
      %gather3A_189 = tpu.vector_load_idx %arg5[%get3A_188] : memref<16384xf32, #tpu.memory_space<vmem>>[vector<16xi32>], vector<16xf32>,
      %swap3A_190 = arith.index_cast %add3A_186 : i32 to index
      %swap3A_191 = tpu.vector_load %arg8[%swap3A_190] {strides = array<i32>} : memref<16384xf32, #tpu.memory_space<vmem>>, vector<16xf32>,
      tpu.vector_store %arg8[%swap3A_190], %gather3A_189 {strides = array<i32>} : memref<16384xf32, #tpu.memory_space<vmem>>, vector<16xf32>,
      %gather3A_192 = tpu.vector_load_idx %arg6[%get3A_188] : memref<16384xf32, #tpu.memory_space<vmem>>[vector<16xi32>], vector<16xf32>,
      %swap3A_193 = arith.index_cast %add3A_186 : i32 to index
      %swap3A_194 = tpu.vector_load %arg9[%swap3A_193] {strides = array<i32>} : memref<16384xf32, #tpu.memory_space<vmem>>, vector<16xf32>,
      tpu.vector_store %arg9[%swap3A_193], %gather3A_192 {strides = array<i32>} : memref<16384xf32, #tpu.memory_space<vmem>>, vector<16xf32>,
      %scan3A_195 = arith.constant 0 : i32
      scf.yield %scan3A_195 : i32
    }
    %scan3A_91 = arith.constant 256 : i32
    "tpu.region"() ({
      %run_scoped3A = tpu.sem_alloc : memref<!tpu.dma_semaphore, #tpu.memory_space<semaphore_mem>>
      %dma_start3A = arith.constant 147456 : i32
      %dma_start3A_148 = tpu.memref_slice %arg4[%mul3A_2, %dma_start3A] : memref<64x262144xf32, #tpu.memory_space<hbm>> -> memref<1x16384xf32, #tpu.memory_space<hbm>>
      %dma_start3A_149 = tpu.memref_squeeze %dma_start3A_148 : memref<1x16384xf32, #tpu.memory_space<hbm>> -> memref<16384xf32, #tpu.memory_space<hbm>>
      %dma_start3A_150 = arith.constant 147456 : i32
      %dma_start3A_151 = tpu.memref_slice %arg4[%mul3A_2, %dma_start3A_150] : memref<64x262144xf32, #tpu.memory_space<hbm>> -> memref<1x16384xf32, #tpu.memory_space<hbm>>
      %dma_start3A_152 = tpu.memref_squeeze %dma_start3A_151 : memref<1x16384xf32, #tpu.memory_space<hbm>> -> memref<16384xf32, #tpu.memory_space<hbm>>
      tpu.enqueue_dma source(%arg8 : memref<16384xf32, #tpu.memory_space<vmem>>) target(%dma_start3A_152 : memref<16384xf32, #tpu.memory_space<hbm>>) target_semaphore(%run_scoped3A : memref<!tpu.dma_semaphore, #tpu.memory_space<semaphore_mem>>)
      %dma_wait3A = arith.constant 147456 : i32
      %dma_wait3A_153 = tpu.memref_slice %arg4[%mul3A_2, %dma_wait3A] : memref<64x262144xf32, #tpu.memory_space<hbm>> -> memref<1x16384xf32, #tpu.memory_space<hbm>>
      %dma_wait3A_154 = tpu.memref_squeeze %dma_wait3A_153 : memref<1x16384xf32, #tpu.memory_space<hbm>> -> memref<16384xf32, #tpu.memory_space<hbm>>
      %dma_wait3A_155 = arith.constant 147456 : i32
      %dma_wait3A_156 = tpu.memref_slice %arg4[%mul3A_2, %dma_wait3A_155] : memref<64x262144xf32, #tpu.memory_space<hbm>> -> memref<1x16384xf32, #tpu.memory_space<hbm>>
      %dma_wait3A_157 = tpu.memref_squeeze %dma_wait3A_156 : memref<1x16384xf32, #tpu.memory_space<hbm>> -> memref<16384xf32, #tpu.memory_space<hbm>>
      tpu.wait_dma2 semaphore(%run_scoped3A : memref<!tpu.dma_semaphore, #tpu.memory_space<semaphore_mem>>) src(%arg8 : memref<16384xf32, #tpu.memory_space<vmem>>) dst(%dma_wait3A_157 : memref<16384xf32, #tpu.memory_space<hbm>>)
      tpu.yield
    }) : () -> ()
    %add3A_92 = arith.constant 1 : i32
    %add3A_93 = arith.addi %mul3A_2, %add3A_92 : i32
    "tpu.region"() ({
      %run_scoped3A = tpu.sem_alloc : memref<!tpu.dma_semaphore, #tpu.memory_space<semaphore_mem>>
      %dma_start3A = arith.constant 147456 : i32
      %dma_start3A_148 = tpu.memref_slice %arg4[%add3A_93, %dma_start3A] : memref<64x262144xf32, #tpu.memory_space<hbm>> -> memref<1x16384xf32, #tpu.memory_space<hbm>>
      %dma_start3A_149 = tpu.memref_squeeze %dma_start3A_148 : memref<1x16384xf32, #tpu.memory_space<hbm>> -> memref<16384xf32, #tpu.memory_space<hbm>>
      %dma_start3A_150 = arith.constant 147456 : i32
      %dma_start3A_151 = tpu.memref_slice %arg4[%add3A_93, %dma_start3A_150] : memref<64x262144xf32, #tpu.memory_space<hbm>> -> memref<1x16384xf32, #tpu.memory_space<hbm>>
      %dma_start3A_152 = tpu.memref_squeeze %dma_start3A_151 : memref<1x16384xf32, #tpu.memory_space<hbm>> -> memref<16384xf32, #tpu.memory_space<hbm>>
      tpu.enqueue_dma source(%arg9 : memref<16384xf32, #tpu.memory_space<vmem>>) target(%dma_start3A_152 : memref<16384xf32, #tpu.memory_space<hbm>>) target_semaphore(%run_scoped3A : memref<!tpu.dma_semaphore, #tpu.memory_space<semaphore_mem>>)
      %dma_wait3A = arith.constant 147456 : i32
      %dma_wait3A_153 = tpu.memref_slice %arg4[%add3A_93, %dma_wait3A] : memref<64x262144xf32, #tpu.memory_space<hbm>> -> memref<1x16384xf32, #tpu.memory_space<hbm>>
      %dma_wait3A_154 = tpu.memref_squeeze %dma_wait3A_153 : memref<1x16384xf32, #tpu.memory_space<hbm>> -> memref<16384xf32, #tpu.memory_space<hbm>>
      %dma_wait3A_155 = arith.constant 147456 : i32
      %dma_wait3A_156 = tpu.memref_slice %arg4[%add3A_93, %dma_wait3A_155] : memref<64x262144xf32, #tpu.memory_space<hbm>> -> memref<1x16384xf32, #tpu.memory_space<hbm>>
      %dma_wait3A_157 = tpu.memref_squeeze %dma_wait3A_156 : memref<1x16384xf32, #tpu.memory_space<hbm>> -> memref<16384xf32, #tpu.memory_space<hbm>>
      tpu.wait_dma2 semaphore(%run_scoped3A : memref<!tpu.dma_semaphore, #tpu.memory_space<semaphore_mem>>) src(%arg9 : memref<16384xf32, #tpu.memory_space<vmem>>) dst(%dma_wait3A_157 : memref<16384xf32, #tpu.memory_space<hbm>>)
      tpu.yield
    }) : () -> ()
    "tpu.region"() ({
      %run_scoped3A = tpu.sem_alloc : memref<!tpu.dma_semaphore, #tpu.memory_space<semaphore_mem>>
      %dma_start3A = arith.constant 163840 : i32
      %dma_start3A_148 = tpu.memref_slice %arg3[%dma_start3A] : memref<262144xi32, #tpu.memory_space<hbm>> -> memref<16384xi32, #tpu.memory_space<hbm>>
      %dma_start3A_149 = arith.constant 163840 : i32
      %dma_start3A_150 = tpu.memref_slice %arg3[%dma_start3A_149] : memref<262144xi32, #tpu.memory_space<hbm>> -> memref<16384xi32, #tpu.memory_space<hbm>>
      tpu.enqueue_dma source(%dma_start3A_150 : memref<16384xi32, #tpu.memory_space<hbm>>) target(%arg7 : memref<16384xi32, #tpu.memory_space<vmem>>) target_semaphore(%run_scoped3A : memref<!tpu.dma_semaphore, #tpu.memory_space<semaphore_mem>>)
      %dma_wait3A = arith.constant 163840 : i32
      %dma_wait3A_151 = tpu.memref_slice %arg3[%dma_wait3A] : memref<262144xi32, #tpu.memory_space<hbm>> -> memref<16384xi32, #tpu.memory_space<hbm>>
      %dma_wait3A_152 = arith.constant 163840 : i32
      %dma_wait3A_153 = tpu.memref_slice %arg3[%dma_wait3A_152] : memref<262144xi32, #tpu.memory_space<hbm>> -> memref<16384xi32, #tpu.memory_space<hbm>>
      tpu.wait_dma2 semaphore(%run_scoped3A : memref<!tpu.dma_semaphore, #tpu.memory_space<semaphore_mem>>) src(%dma_wait3A_153 : memref<16384xi32, #tpu.memory_space<hbm>>) dst(%arg7 : memref<16384xi32, #tpu.memory_space<vmem>>)
      tpu.yield
    }) : () -> ()
    %scan3A_94 = arith.constant 0 : i32
    %scan3A_95 = arith.constant 0 : i32
    %scan3A_96 = arith.constant 256 : i32
    %scan3A_97 = arith.addi %scan3A_95, %scan3A_96 : i32
    %scan3A_98 = arith.constant 1 : i32
    %scan3A_99 = scf.for %scan3A_148 = %scan3A_95 to %scan3A_97 step %scan3A_98 iter_args(%scan3A_149 = %scan3A_94) -> (i32)  : i32 {
      %mul3A_150 = arith.constant 64 : i32
      %mul3A_151 = arith.muli %scan3A_148, %mul3A_150 : i32
      %add3A_152 = arith.constant 0 : i32
      %add3A_153 = arith.addi %mul3A_151, %add3A_152 : i32
      %get3A = arith.index_cast %add3A_153 : i32 to index
      %get3A_154 = tpu.vector_load %arg7[%get3A] {strides = array<i32>} : memref<16384xi32, #tpu.memory_space<vmem>>, vector<16xi32>,
      %gather3A = tpu.vector_load_idx %arg5[%get3A_154] : memref<16384xf32, #tpu.memory_space<vmem>>[vector<16xi32>], vector<16xf32>,
      %swap3A = arith.index_cast %add3A_153 : i32 to index
      %swap3A_155 = tpu.vector_load %arg8[%swap3A] {strides = array<i32>} : memref<16384xf32, #tpu.memory_space<vmem>>, vector<16xf32>,
      tpu.vector_store %arg8[%swap3A], %gather3A {strides = array<i32>} : memref<16384xf32, #tpu.memory_space<vmem>>, vector<16xf32>,
      %gather3A_156 = tpu.vector_load_idx %arg6[%get3A_154] : memref<16384xf32, #tpu.memory_space<vmem>>[vector<16xi32>], vector<16xf32>,
      %swap3A_157 = arith.index_cast %add3A_153 : i32 to index
      %swap3A_158 = tpu.vector_load %arg9[%swap3A_157] {strides = array<i32>} : memref<16384xf32, #tpu.memory_space<vmem>>, vector<16xf32>,
      tpu.vector_store %arg9[%swap3A_157], %gather3A_156 {strides = array<i32>} : memref<16384xf32, #tpu.memory_space<vmem>>, vector<16xf32>,
      %mul3A_159 = arith.constant 64 : i32
      %mul3A_160 = arith.muli %scan3A_148, %mul3A_159 : i32
      %add3A_161 = arith.constant 16 : i32
      %add3A_162 = arith.addi %mul3A_160, %add3A_161 : i32
      %get3A_163 = arith.index_cast %add3A_162 : i32 to index
      %get3A_164 = tpu.vector_load %arg7[%get3A_163] {strides = array<i32>} : memref<16384xi32, #tpu.memory_space<vmem>>, vector<16xi32>,
      %gather3A_165 = tpu.vector_load_idx %arg5[%get3A_164] : memref<16384xf32, #tpu.memory_space<vmem>>[vector<16xi32>], vector<16xf32>,
      %swap3A_166 = arith.index_cast %add3A_162 : i32 to index
      %swap3A_167 = tpu.vector_load %arg8[%swap3A_166] {strides = array<i32>} : memref<16384xf32, #tpu.memory_space<vmem>>, vector<16xf32>,
      tpu.vector_store %arg8[%swap3A_166], %gather3A_165 {strides = array<i32>} : memref<16384xf32, #tpu.memory_space<vmem>>, vector<16xf32>,
      %gather3A_168 = tpu.vector_load_idx %arg6[%get3A_164] : memref<16384xf32, #tpu.memory_space<vmem>>[vector<16xi32>], vector<16xf32>,
      %swap3A_169 = arith.index_cast %add3A_162 : i32 to index
      %swap3A_170 = tpu.vector_load %arg9[%swap3A_169] {strides = array<i32>} : memref<16384xf32, #tpu.memory_space<vmem>>, vector<16xf32>,
      tpu.vector_store %arg9[%swap3A_169], %gather3A_168 {strides = array<i32>} : memref<16384xf32, #tpu.memory_space<vmem>>, vector<16xf32>,
      %mul3A_171 = arith.constant 64 : i32
      %mul3A_172 = arith.muli %scan3A_148, %mul3A_171 : i32
      %add3A_173 = arith.constant 32 : i32
      %add3A_174 = arith.addi %mul3A_172, %add3A_173 : i32
      %get3A_175 = arith.index_cast %add3A_174 : i32 to index
      %get3A_176 = tpu.vector_load %arg7[%get3A_175] {strides = array<i32>} : memref<16384xi32, #tpu.memory_space<vmem>>, vector<16xi32>,
      %gather3A_177 = tpu.vector_load_idx %arg5[%get3A_176] : memref<16384xf32, #tpu.memory_space<vmem>>[vector<16xi32>], vector<16xf32>,
      %swap3A_178 = arith.index_cast %add3A_174 : i32 to index
      %swap3A_179 = tpu.vector_load %arg8[%swap3A_178] {strides = array<i32>} : memref<16384xf32, #tpu.memory_space<vmem>>, vector<16xf32>,
      tpu.vector_store %arg8[%swap3A_178], %gather3A_177 {strides = array<i32>} : memref<16384xf32, #tpu.memory_space<vmem>>, vector<16xf32>,
      %gather3A_180 = tpu.vector_load_idx %arg6[%get3A_176] : memref<16384xf32, #tpu.memory_space<vmem>>[vector<16xi32>], vector<16xf32>,
      %swap3A_181 = arith.index_cast %add3A_174 : i32 to index
      %swap3A_182 = tpu.vector_load %arg9[%swap3A_181] {strides = array<i32>} : memref<16384xf32, #tpu.memory_space<vmem>>, vector<16xf32>,
      tpu.vector_store %arg9[%swap3A_181], %gather3A_180 {strides = array<i32>} : memref<16384xf32, #tpu.memory_space<vmem>>, vector<16xf32>,
      %mul3A_183 = arith.constant 64 : i32
      %mul3A_184 = arith.muli %scan3A_148, %mul3A_183 : i32
      %add3A_185 = arith.constant 48 : i32
      %add3A_186 = arith.addi %mul3A_184, %add3A_185 : i32
      %get3A_187 = arith.index_cast %add3A_186 : i32 to index
      %get3A_188 = tpu.vector_load %arg7[%get3A_187] {strides = array<i32>} : memref<16384xi32, #tpu.memory_space<vmem>>, vector<16xi32>,
      %gather3A_189 = tpu.vector_load_idx %arg5[%get3A_188] : memref<16384xf32, #tpu.memory_space<vmem>>[vector<16xi32>], vector<16xf32>,
      %swap3A_190 = arith.index_cast %add3A_186 : i32 to index
      %swap3A_191 = tpu.vector_load %arg8[%swap3A_190] {strides = array<i32>} : memref<16384xf32, #tpu.memory_space<vmem>>, vector<16xf32>,
      tpu.vector_store %arg8[%swap3A_190], %gather3A_189 {strides = array<i32>} : memref<16384xf32, #tpu.memory_space<vmem>>, vector<16xf32>,
      %gather3A_192 = tpu.vector_load_idx %arg6[%get3A_188] : memref<16384xf32, #tpu.memory_space<vmem>>[vector<16xi32>], vector<16xf32>,
      %swap3A_193 = arith.index_cast %add3A_186 : i32 to index
      %swap3A_194 = tpu.vector_load %arg9[%swap3A_193] {strides = array<i32>} : memref<16384xf32, #tpu.memory_space<vmem>>, vector<16xf32>,
      tpu.vector_store %arg9[%swap3A_193], %gather3A_192 {strides = array<i32>} : memref<16384xf32, #tpu.memory_space<vmem>>, vector<16xf32>,
      %scan3A_195 = arith.constant 0 : i32
      scf.yield %scan3A_195 : i32
    }
    %scan3A_100 = arith.constant 256 : i32
    "tpu.region"() ({
      %run_scoped3A = tpu.sem_alloc : memref<!tpu.dma_semaphore, #tpu.memory_space<semaphore_mem>>
      %dma_start3A = arith.constant 163840 : i32
      %dma_start3A_148 = tpu.memref_slice %arg4[%mul3A_2, %dma_start3A] : memref<64x262144xf32, #tpu.memory_space<hbm>> -> memref<1x16384xf32, #tpu.memory_space<hbm>>
      %dma_start3A_149 = tpu.memref_squeeze %dma_start3A_148 : memref<1x16384xf32, #tpu.memory_space<hbm>> -> memref<16384xf32, #tpu.memory_space<hbm>>
      %dma_start3A_150 = arith.constant 163840 : i32
      %dma_start3A_151 = tpu.memref_slice %arg4[%mul3A_2, %dma_start3A_150] : memref<64x262144xf32, #tpu.memory_space<hbm>> -> memref<1x16384xf32, #tpu.memory_space<hbm>>
      %dma_start3A_152 = tpu.memref_squeeze %dma_start3A_151 : memref<1x16384xf32, #tpu.memory_space<hbm>> -> memref<16384xf32, #tpu.memory_space<hbm>>
      tpu.enqueue_dma source(%arg8 : memref<16384xf32, #tpu.memory_space<vmem>>) target(%dma_start3A_152 : memref<16384xf32, #tpu.memory_space<hbm>>) target_semaphore(%run_scoped3A : memref<!tpu.dma_semaphore, #tpu.memory_space<semaphore_mem>>)
      %dma_wait3A = arith.constant 163840 : i32
      %dma_wait3A_153 = tpu.memref_slice %arg4[%mul3A_2, %dma_wait3A] : memref<64x262144xf32, #tpu.memory_space<hbm>> -> memref<1x16384xf32, #tpu.memory_space<hbm>>
      %dma_wait3A_154 = tpu.memref_squeeze %dma_wait3A_153 : memref<1x16384xf32, #tpu.memory_space<hbm>> -> memref<16384xf32, #tpu.memory_space<hbm>>
      %dma_wait3A_155 = arith.constant 163840 : i32
      %dma_wait3A_156 = tpu.memref_slice %arg4[%mul3A_2, %dma_wait3A_155] : memref<64x262144xf32, #tpu.memory_space<hbm>> -> memref<1x16384xf32, #tpu.memory_space<hbm>>
      %dma_wait3A_157 = tpu.memref_squeeze %dma_wait3A_156 : memref<1x16384xf32, #tpu.memory_space<hbm>> -> memref<16384xf32, #tpu.memory_space<hbm>>
      tpu.wait_dma2 semaphore(%run_scoped3A : memref<!tpu.dma_semaphore, #tpu.memory_space<semaphore_mem>>) src(%arg8 : memref<16384xf32, #tpu.memory_space<vmem>>) dst(%dma_wait3A_157 : memref<16384xf32, #tpu.memory_space<hbm>>)
      tpu.yield
    }) : () -> ()
    %add3A_101 = arith.constant 1 : i32
    %add3A_102 = arith.addi %mul3A_2, %add3A_101 : i32
    "tpu.region"() ({
      %run_scoped3A = tpu.sem_alloc : memref<!tpu.dma_semaphore, #tpu.memory_space<semaphore_mem>>
      %dma_start3A = arith.constant 163840 : i32
      %dma_start3A_148 = tpu.memref_slice %arg4[%add3A_102, %dma_start3A] : memref<64x262144xf32, #tpu.memory_space<hbm>> -> memref<1x16384xf32, #tpu.memory_space<hbm>>
      %dma_start3A_149 = tpu.memref_squeeze %dma_start3A_148 : memref<1x16384xf32, #tpu.memory_space<hbm>> -> memref<16384xf32, #tpu.memory_space<hbm>>
      %dma_start3A_150 = arith.constant 163840 : i32
      %dma_start3A_151 = tpu.memref_slice %arg4[%add3A_102, %dma_start3A_150] : memref<64x262144xf32, #tpu.memory_space<hbm>> -> memref<1x16384xf32, #tpu.memory_space<hbm>>
      %dma_start3A_152 = tpu.memref_squeeze %dma_start3A_151 : memref<1x16384xf32, #tpu.memory_space<hbm>> -> memref<16384xf32, #tpu.memory_space<hbm>>
      tpu.enqueue_dma source(%arg9 : memref<16384xf32, #tpu.memory_space<vmem>>) target(%dma_start3A_152 : memref<16384xf32, #tpu.memory_space<hbm>>) target_semaphore(%run_scoped3A : memref<!tpu.dma_semaphore, #tpu.memory_space<semaphore_mem>>)
      %dma_wait3A = arith.constant 163840 : i32
      %dma_wait3A_153 = tpu.memref_slice %arg4[%add3A_102, %dma_wait3A] : memref<64x262144xf32, #tpu.memory_space<hbm>> -> memref<1x16384xf32, #tpu.memory_space<hbm>>
      %dma_wait3A_154 = tpu.memref_squeeze %dma_wait3A_153 : memref<1x16384xf32, #tpu.memory_space<hbm>> -> memref<16384xf32, #tpu.memory_space<hbm>>
      %dma_wait3A_155 = arith.constant 163840 : i32
      %dma_wait3A_156 = tpu.memref_slice %arg4[%add3A_102, %dma_wait3A_155] : memref<64x262144xf32, #tpu.memory_space<hbm>> -> memref<1x16384xf32, #tpu.memory_space<hbm>>
      %dma_wait3A_157 = tpu.memref_squeeze %dma_wait3A_156 : memref<1x16384xf32, #tpu.memory_space<hbm>> -> memref<16384xf32, #tpu.memory_space<hbm>>
      tpu.wait_dma2 semaphore(%run_scoped3A : memref<!tpu.dma_semaphore, #tpu.memory_space<semaphore_mem>>) src(%arg9 : memref<16384xf32, #tpu.memory_space<vmem>>) dst(%dma_wait3A_157 : memref<16384xf32, #tpu.memory_space<hbm>>)
      tpu.yield
    }) : () -> ()
    "tpu.region"() ({
      %run_scoped3A = tpu.sem_alloc : memref<!tpu.dma_semaphore, #tpu.memory_space<semaphore_mem>>
      %dma_start3A = arith.constant 180224 : i32
      %dma_start3A_148 = tpu.memref_slice %arg3[%dma_start3A] : memref<262144xi32, #tpu.memory_space<hbm>> -> memref<16384xi32, #tpu.memory_space<hbm>>
      %dma_start3A_149 = arith.constant 180224 : i32
      %dma_start3A_150 = tpu.memref_slice %arg3[%dma_start3A_149] : memref<262144xi32, #tpu.memory_space<hbm>> -> memref<16384xi32, #tpu.memory_space<hbm>>
      tpu.enqueue_dma source(%dma_start3A_150 : memref<16384xi32, #tpu.memory_space<hbm>>) target(%arg7 : memref<16384xi32, #tpu.memory_space<vmem>>) target_semaphore(%run_scoped3A : memref<!tpu.dma_semaphore, #tpu.memory_space<semaphore_mem>>)
      %dma_wait3A = arith.constant 180224 : i32
      %dma_wait3A_151 = tpu.memref_slice %arg3[%dma_wait3A] : memref<262144xi32, #tpu.memory_space<hbm>> -> memref<16384xi32, #tpu.memory_space<hbm>>
      %dma_wait3A_152 = arith.constant 180224 : i32
      %dma_wait3A_153 = tpu.memref_slice %arg3[%dma_wait3A_152] : memref<262144xi32, #tpu.memory_space<hbm>> -> memref<16384xi32, #tpu.memory_space<hbm>>
      tpu.wait_dma2 semaphore(%run_scoped3A : memref<!tpu.dma_semaphore, #tpu.memory_space<semaphore_mem>>) src(%dma_wait3A_153 : memref<16384xi32, #tpu.memory_space<hbm>>) dst(%arg7 : memref<16384xi32, #tpu.memory_space<vmem>>)
      tpu.yield
    }) : () -> ()
    %scan3A_103 = arith.constant 0 : i32
    %scan3A_104 = arith.constant 0 : i32
    %scan3A_105 = arith.constant 256 : i32
    %scan3A_106 = arith.addi %scan3A_104, %scan3A_105 : i32
    %scan3A_107 = arith.constant 1 : i32
    %scan3A_108 = scf.for %scan3A_148 = %scan3A_104 to %scan3A_106 step %scan3A_107 iter_args(%scan3A_149 = %scan3A_103) -> (i32)  : i32 {
      %mul3A_150 = arith.constant 64 : i32
      %mul3A_151 = arith.muli %scan3A_148, %mul3A_150 : i32
      %add3A_152 = arith.constant 0 : i32
      %add3A_153 = arith.addi %mul3A_151, %add3A_152 : i32
      %get3A = arith.index_cast %add3A_153 : i32 to index
      %get3A_154 = tpu.vector_load %arg7[%get3A] {strides = array<i32>} : memref<16384xi32, #tpu.memory_space<vmem>>, vector<16xi32>,
      %gather3A = tpu.vector_load_idx %arg5[%get3A_154] : memref<16384xf32, #tpu.memory_space<vmem>>[vector<16xi32>], vector<16xf32>,
      %swap3A = arith.index_cast %add3A_153 : i32 to index
      %swap3A_155 = tpu.vector_load %arg8[%swap3A] {strides = array<i32>} : memref<16384xf32, #tpu.memory_space<vmem>>, vector<16xf32>,
      tpu.vector_store %arg8[%swap3A], %gather3A {strides = array<i32>} : memref<16384xf32, #tpu.memory_space<vmem>>, vector<16xf32>,
      %gather3A_156 = tpu.vector_load_idx %arg6[%get3A_154] : memref<16384xf32, #tpu.memory_space<vmem>>[vector<16xi32>], vector<16xf32>,
      %swap3A_157 = arith.index_cast %add3A_153 : i32 to index
      %swap3A_158 = tpu.vector_load %arg9[%swap3A_157] {strides = array<i32>} : memref<16384xf32, #tpu.memory_space<vmem>>, vector<16xf32>,
      tpu.vector_store %arg9[%swap3A_157], %gather3A_156 {strides = array<i32>} : memref<16384xf32, #tpu.memory_space<vmem>>, vector<16xf32>,
      %mul3A_159 = arith.constant 64 : i32
      %mul3A_160 = arith.muli %scan3A_148, %mul3A_159 : i32
      %add3A_161 = arith.constant 16 : i32
      %add3A_162 = arith.addi %mul3A_160, %add3A_161 : i32
      %get3A_163 = arith.index_cast %add3A_162 : i32 to index
      %get3A_164 = tpu.vector_load %arg7[%get3A_163] {strides = array<i32>} : memref<16384xi32, #tpu.memory_space<vmem>>, vector<16xi32>,
      %gather3A_165 = tpu.vector_load_idx %arg5[%get3A_164] : memref<16384xf32, #tpu.memory_space<vmem>>[vector<16xi32>], vector<16xf32>,
      %swap3A_166 = arith.index_cast %add3A_162 : i32 to index
      %swap3A_167 = tpu.vector_load %arg8[%swap3A_166] {strides = array<i32>} : memref<16384xf32, #tpu.memory_space<vmem>>, vector<16xf32>,
      tpu.vector_store %arg8[%swap3A_166], %gather3A_165 {strides = array<i32>} : memref<16384xf32, #tpu.memory_space<vmem>>, vector<16xf32>,
      %gather3A_168 = tpu.vector_load_idx %arg6[%get3A_164] : memref<16384xf32, #tpu.memory_space<vmem>>[vector<16xi32>], vector<16xf32>,
      %swap3A_169 = arith.index_cast %add3A_162 : i32 to index
      %swap3A_170 = tpu.vector_load %arg9[%swap3A_169] {strides = array<i32>} : memref<16384xf32, #tpu.memory_space<vmem>>, vector<16xf32>,
      tpu.vector_store %arg9[%swap3A_169], %gather3A_168 {strides = array<i32>} : memref<16384xf32, #tpu.memory_space<vmem>>, vector<16xf32>,
      %mul3A_171 = arith.constant 64 : i32
      %mul3A_172 = arith.muli %scan3A_148, %mul3A_171 : i32
      %add3A_173 = arith.constant 32 : i32
      %add3A_174 = arith.addi %mul3A_172, %add3A_173 : i32
      %get3A_175 = arith.index_cast %add3A_174 : i32 to index
      %get3A_176 = tpu.vector_load %arg7[%get3A_175] {strides = array<i32>} : memref<16384xi32, #tpu.memory_space<vmem>>, vector<16xi32>,
      %gather3A_177 = tpu.vector_load_idx %arg5[%get3A_176] : memref<16384xf32, #tpu.memory_space<vmem>>[vector<16xi32>], vector<16xf32>,
      %swap3A_178 = arith.index_cast %add3A_174 : i32 to index
      %swap3A_179 = tpu.vector_load %arg8[%swap3A_178] {strides = array<i32>} : memref<16384xf32, #tpu.memory_space<vmem>>, vector<16xf32>,
      tpu.vector_store %arg8[%swap3A_178], %gather3A_177 {strides = array<i32>} : memref<16384xf32, #tpu.memory_space<vmem>>, vector<16xf32>,
      %gather3A_180 = tpu.vector_load_idx %arg6[%get3A_176] : memref<16384xf32, #tpu.memory_space<vmem>>[vector<16xi32>], vector<16xf32>,
      %swap3A_181 = arith.index_cast %add3A_174 : i32 to index
      %swap3A_182 = tpu.vector_load %arg9[%swap3A_181] {strides = array<i32>} : memref<16384xf32, #tpu.memory_space<vmem>>, vector<16xf32>,
      tpu.vector_store %arg9[%swap3A_181], %gather3A_180 {strides = array<i32>} : memref<16384xf32, #tpu.memory_space<vmem>>, vector<16xf32>,
      %mul3A_183 = arith.constant 64 : i32
      %mul3A_184 = arith.muli %scan3A_148, %mul3A_183 : i32
      %add3A_185 = arith.constant 48 : i32
      %add3A_186 = arith.addi %mul3A_184, %add3A_185 : i32
      %get3A_187 = arith.index_cast %add3A_186 : i32 to index
      %get3A_188 = tpu.vector_load %arg7[%get3A_187] {strides = array<i32>} : memref<16384xi32, #tpu.memory_space<vmem>>, vector<16xi32>,
      %gather3A_189 = tpu.vector_load_idx %arg5[%get3A_188] : memref<16384xf32, #tpu.memory_space<vmem>>[vector<16xi32>], vector<16xf32>,
      %swap3A_190 = arith.index_cast %add3A_186 : i32 to index
      %swap3A_191 = tpu.vector_load %arg8[%swap3A_190] {strides = array<i32>} : memref<16384xf32, #tpu.memory_space<vmem>>, vector<16xf32>,
      tpu.vector_store %arg8[%swap3A_190], %gather3A_189 {strides = array<i32>} : memref<16384xf32, #tpu.memory_space<vmem>>, vector<16xf32>,
      %gather3A_192 = tpu.vector_load_idx %arg6[%get3A_188] : memref<16384xf32, #tpu.memory_space<vmem>>[vector<16xi32>], vector<16xf32>,
      %swap3A_193 = arith.index_cast %add3A_186 : i32 to index
      %swap3A_194 = tpu.vector_load %arg9[%swap3A_193] {strides = array<i32>} : memref<16384xf32, #tpu.memory_space<vmem>>, vector<16xf32>,
      tpu.vector_store %arg9[%swap3A_193], %gather3A_192 {strides = array<i32>} : memref<16384xf32, #tpu.memory_space<vmem>>, vector<16xf32>,
      %scan3A_195 = arith.constant 0 : i32
      scf.yield %scan3A_195 : i32
    }
    %scan3A_109 = arith.constant 256 : i32
    "tpu.region"() ({
      %run_scoped3A = tpu.sem_alloc : memref<!tpu.dma_semaphore, #tpu.memory_space<semaphore_mem>>
      %dma_start3A = arith.constant 180224 : i32
      %dma_start3A_148 = tpu.memref_slice %arg4[%mul3A_2, %dma_start3A] : memref<64x262144xf32, #tpu.memory_space<hbm>> -> memref<1x16384xf32, #tpu.memory_space<hbm>>
      %dma_start3A_149 = tpu.memref_squeeze %dma_start3A_148 : memref<1x16384xf32, #tpu.memory_space<hbm>> -> memref<16384xf32, #tpu.memory_space<hbm>>
      %dma_start3A_150 = arith.constant 180224 : i32
      %dma_start3A_151 = tpu.memref_slice %arg4[%mul3A_2, %dma_start3A_150] : memref<64x262144xf32, #tpu.memory_space<hbm>> -> memref<1x16384xf32, #tpu.memory_space<hbm>>
      %dma_start3A_152 = tpu.memref_squeeze %dma_start3A_151 : memref<1x16384xf32, #tpu.memory_space<hbm>> -> memref<16384xf32, #tpu.memory_space<hbm>>
      tpu.enqueue_dma source(%arg8 : memref<16384xf32, #tpu.memory_space<vmem>>) target(%dma_start3A_152 : memref<16384xf32, #tpu.memory_space<hbm>>) target_semaphore(%run_scoped3A : memref<!tpu.dma_semaphore, #tpu.memory_space<semaphore_mem>>)
      %dma_wait3A = arith.constant 180224 : i32
      %dma_wait3A_153 = tpu.memref_slice %arg4[%mul3A_2, %dma_wait3A] : memref<64x262144xf32, #tpu.memory_space<hbm>> -> memref<1x16384xf32, #tpu.memory_space<hbm>>
      %dma_wait3A_154 = tpu.memref_squeeze %dma_wait3A_153 : memref<1x16384xf32, #tpu.memory_space<hbm>> -> memref<16384xf32, #tpu.memory_space<hbm>>
      %dma_wait3A_155 = arith.constant 180224 : i32
      %dma_wait3A_156 = tpu.memref_slice %arg4[%mul3A_2, %dma_wait3A_155] : memref<64x262144xf32, #tpu.memory_space<hbm>> -> memref<1x16384xf32, #tpu.memory_space<hbm>>
      %dma_wait3A_157 = tpu.memref_squeeze %dma_wait3A_156 : memref<1x16384xf32, #tpu.memory_space<hbm>> -> memref<16384xf32, #tpu.memory_space<hbm>>
      tpu.wait_dma2 semaphore(%run_scoped3A : memref<!tpu.dma_semaphore, #tpu.memory_space<semaphore_mem>>) src(%arg8 : memref<16384xf32, #tpu.memory_space<vmem>>) dst(%dma_wait3A_157 : memref<16384xf32, #tpu.memory_space<hbm>>)
      tpu.yield
    }) : () -> ()
    %add3A_110 = arith.constant 1 : i32
    %add3A_111 = arith.addi %mul3A_2, %add3A_110 : i32
    "tpu.region"() ({
      %run_scoped3A = tpu.sem_alloc : memref<!tpu.dma_semaphore, #tpu.memory_space<semaphore_mem>>
      %dma_start3A = arith.constant 180224 : i32
      %dma_start3A_148 = tpu.memref_slice %arg4[%add3A_111, %dma_start3A] : memref<64x262144xf32, #tpu.memory_space<hbm>> -> memref<1x16384xf32, #tpu.memory_space<hbm>>
      %dma_start3A_149 = tpu.memref_squeeze %dma_start3A_148 : memref<1x16384xf32, #tpu.memory_space<hbm>> -> memref<16384xf32, #tpu.memory_space<hbm>>
      %dma_start3A_150 = arith.constant 180224 : i32
      %dma_start3A_151 = tpu.memref_slice %arg4[%add3A_111, %dma_start3A_150] : memref<64x262144xf32, #tpu.memory_space<hbm>> -> memref<1x16384xf32, #tpu.memory_space<hbm>>
      %dma_start3A_152 = tpu.memref_squeeze %dma_start3A_151 : memref<1x16384xf32, #tpu.memory_space<hbm>> -> memref<16384xf32, #tpu.memory_space<hbm>>
      tpu.enqueue_dma source(%arg9 : memref<16384xf32, #tpu.memory_space<vmem>>) target(%dma_start3A_152 : memref<16384xf32, #tpu.memory_space<hbm>>) target_semaphore(%run_scoped3A : memref<!tpu.dma_semaphore, #tpu.memory_space<semaphore_mem>>)
      %dma_wait3A = arith.constant 180224 : i32
      %dma_wait3A_153 = tpu.memref_slice %arg4[%add3A_111, %dma_wait3A] : memref<64x262144xf32, #tpu.memory_space<hbm>> -> memref<1x16384xf32, #tpu.memory_space<hbm>>
      %dma_wait3A_154 = tpu.memref_squeeze %dma_wait3A_153 : memref<1x16384xf32, #tpu.memory_space<hbm>> -> memref<16384xf32, #tpu.memory_space<hbm>>
      %dma_wait3A_155 = arith.constant 180224 : i32
      %dma_wait3A_156 = tpu.memref_slice %arg4[%add3A_111, %dma_wait3A_155] : memref<64x262144xf32, #tpu.memory_space<hbm>> -> memref<1x16384xf32, #tpu.memory_space<hbm>>
      %dma_wait3A_157 = tpu.memref_squeeze %dma_wait3A_156 : memref<1x16384xf32, #tpu.memory_space<hbm>> -> memref<16384xf32, #tpu.memory_space<hbm>>
      tpu.wait_dma2 semaphore(%run_scoped3A : memref<!tpu.dma_semaphore, #tpu.memory_space<semaphore_mem>>) src(%arg9 : memref<16384xf32, #tpu.memory_space<vmem>>) dst(%dma_wait3A_157 : memref<16384xf32, #tpu.memory_space<hbm>>)
      tpu.yield
    }) : () -> ()
    "tpu.region"() ({
      %run_scoped3A = tpu.sem_alloc : memref<!tpu.dma_semaphore, #tpu.memory_space<semaphore_mem>>
      %dma_start3A = arith.constant 196608 : i32
      %dma_start3A_148 = tpu.memref_slice %arg3[%dma_start3A] : memref<262144xi32, #tpu.memory_space<hbm>> -> memref<16384xi32, #tpu.memory_space<hbm>>
      %dma_start3A_149 = arith.constant 196608 : i32
      %dma_start3A_150 = tpu.memref_slice %arg3[%dma_start3A_149] : memref<262144xi32, #tpu.memory_space<hbm>> -> memref<16384xi32, #tpu.memory_space<hbm>>
      tpu.enqueue_dma source(%dma_start3A_150 : memref<16384xi32, #tpu.memory_space<hbm>>) target(%arg7 : memref<16384xi32, #tpu.memory_space<vmem>>) target_semaphore(%run_scoped3A : memref<!tpu.dma_semaphore, #tpu.memory_space<semaphore_mem>>)
      %dma_wait3A = arith.constant 196608 : i32
      %dma_wait3A_151 = tpu.memref_slice %arg3[%dma_wait3A] : memref<262144xi32, #tpu.memory_space<hbm>> -> memref<16384xi32, #tpu.memory_space<hbm>>
      %dma_wait3A_152 = arith.constant 196608 : i32
      %dma_wait3A_153 = tpu.memref_slice %arg3[%dma_wait3A_152] : memref<262144xi32, #tpu.memory_space<hbm>> -> memref<16384xi32, #tpu.memory_space<hbm>>
      tpu.wait_dma2 semaphore(%run_scoped3A : memref<!tpu.dma_semaphore, #tpu.memory_space<semaphore_mem>>) src(%dma_wait3A_153 : memref<16384xi32, #tpu.memory_space<hbm>>) dst(%arg7 : memref<16384xi32, #tpu.memory_space<vmem>>)
      tpu.yield
    }) : () -> ()
    %scan3A_112 = arith.constant 0 : i32
    %scan3A_113 = arith.constant 0 : i32
    %scan3A_114 = arith.constant 256 : i32
    %scan3A_115 = arith.addi %scan3A_113, %scan3A_114 : i32
    %scan3A_116 = arith.constant 1 : i32
    %scan3A_117 = scf.for %scan3A_148 = %scan3A_113 to %scan3A_115 step %scan3A_116 iter_args(%scan3A_149 = %scan3A_112) -> (i32)  : i32 {
      %mul3A_150 = arith.constant 64 : i32
      %mul3A_151 = arith.muli %scan3A_148, %mul3A_150 : i32
      %add3A_152 = arith.constant 0 : i32
      %add3A_153 = arith.addi %mul3A_151, %add3A_152 : i32
      %get3A = arith.index_cast %add3A_153 : i32 to index
      %get3A_154 = tpu.vector_load %arg7[%get3A] {strides = array<i32>} : memref<16384xi32, #tpu.memory_space<vmem>>, vector<16xi32>,
      %gather3A = tpu.vector_load_idx %arg5[%get3A_154] : memref<16384xf32, #tpu.memory_space<vmem>>[vector<16xi32>], vector<16xf32>,
      %swap3A = arith.index_cast %add3A_153 : i32 to index
      %swap3A_155 = tpu.vector_load %arg8[%swap3A] {strides = array<i32>} : memref<16384xf32, #tpu.memory_space<vmem>>, vector<16xf32>,
      tpu.vector_store %arg8[%swap3A], %gather3A {strides = array<i32>} : memref<16384xf32, #tpu.memory_space<vmem>>, vector<16xf32>,
      %gather3A_156 = tpu.vector_load_idx %arg6[%get3A_154] : memref<16384xf32, #tpu.memory_space<vmem>>[vector<16xi32>], vector<16xf32>,
      %swap3A_157 = arith.index_cast %add3A_153 : i32 to index
      %swap3A_158 = tpu.vector_load %arg9[%swap3A_157] {strides = array<i32>} : memref<16384xf32, #tpu.memory_space<vmem>>, vector<16xf32>,
      tpu.vector_store %arg9[%swap3A_157], %gather3A_156 {strides = array<i32>} : memref<16384xf32, #tpu.memory_space<vmem>>, vector<16xf32>,
      %mul3A_159 = arith.constant 64 : i32
      %mul3A_160 = arith.muli %scan3A_148, %mul3A_159 : i32
      %add3A_161 = arith.constant 16 : i32
      %add3A_162 = arith.addi %mul3A_160, %add3A_161 : i32
      %get3A_163 = arith.index_cast %add3A_162 : i32 to index
      %get3A_164 = tpu.vector_load %arg7[%get3A_163] {strides = array<i32>} : memref<16384xi32, #tpu.memory_space<vmem>>, vector<16xi32>,
      %gather3A_165 = tpu.vector_load_idx %arg5[%get3A_164] : memref<16384xf32, #tpu.memory_space<vmem>>[vector<16xi32>], vector<16xf32>,
      %swap3A_166 = arith.index_cast %add3A_162 : i32 to index
      %swap3A_167 = tpu.vector_load %arg8[%swap3A_166] {strides = array<i32>} : memref<16384xf32, #tpu.memory_space<vmem>>, vector<16xf32>,
      tpu.vector_store %arg8[%swap3A_166], %gather3A_165 {strides = array<i32>} : memref<16384xf32, #tpu.memory_space<vmem>>, vector<16xf32>,
      %gather3A_168 = tpu.vector_load_idx %arg6[%get3A_164] : memref<16384xf32, #tpu.memory_space<vmem>>[vector<16xi32>], vector<16xf32>,
      %swap3A_169 = arith.index_cast %add3A_162 : i32 to index
      %swap3A_170 = tpu.vector_load %arg9[%swap3A_169] {strides = array<i32>} : memref<16384xf32, #tpu.memory_space<vmem>>, vector<16xf32>,
      tpu.vector_store %arg9[%swap3A_169], %gather3A_168 {strides = array<i32>} : memref<16384xf32, #tpu.memory_space<vmem>>, vector<16xf32>,
      %mul3A_171 = arith.constant 64 : i32
      %mul3A_172 = arith.muli %scan3A_148, %mul3A_171 : i32
      %add3A_173 = arith.constant 32 : i32
      %add3A_174 = arith.addi %mul3A_172, %add3A_173 : i32
      %get3A_175 = arith.index_cast %add3A_174 : i32 to index
      %get3A_176 = tpu.vector_load %arg7[%get3A_175] {strides = array<i32>} : memref<16384xi32, #tpu.memory_space<vmem>>, vector<16xi32>,
      %gather3A_177 = tpu.vector_load_idx %arg5[%get3A_176] : memref<16384xf32, #tpu.memory_space<vmem>>[vector<16xi32>], vector<16xf32>,
      %swap3A_178 = arith.index_cast %add3A_174 : i32 to index
      %swap3A_179 = tpu.vector_load %arg8[%swap3A_178] {strides = array<i32>} : memref<16384xf32, #tpu.memory_space<vmem>>, vector<16xf32>,
      tpu.vector_store %arg8[%swap3A_178], %gather3A_177 {strides = array<i32>} : memref<16384xf32, #tpu.memory_space<vmem>>, vector<16xf32>,
      %gather3A_180 = tpu.vector_load_idx %arg6[%get3A_176] : memref<16384xf32, #tpu.memory_space<vmem>>[vector<16xi32>], vector<16xf32>,
      %swap3A_181 = arith.index_cast %add3A_174 : i32 to index
      %swap3A_182 = tpu.vector_load %arg9[%swap3A_181] {strides = array<i32>} : memref<16384xf32, #tpu.memory_space<vmem>>, vector<16xf32>,
      tpu.vector_store %arg9[%swap3A_181], %gather3A_180 {strides = array<i32>} : memref<16384xf32, #tpu.memory_space<vmem>>, vector<16xf32>,
      %mul3A_183 = arith.constant 64 : i32
      %mul3A_184 = arith.muli %scan3A_148, %mul3A_183 : i32
      %add3A_185 = arith.constant 48 : i32
      %add3A_186 = arith.addi %mul3A_184, %add3A_185 : i32
      %get3A_187 = arith.index_cast %add3A_186 : i32 to index
      %get3A_188 = tpu.vector_load %arg7[%get3A_187] {strides = array<i32>} : memref<16384xi32, #tpu.memory_space<vmem>>, vector<16xi32>,
      %gather3A_189 = tpu.vector_load_idx %arg5[%get3A_188] : memref<16384xf32, #tpu.memory_space<vmem>>[vector<16xi32>], vector<16xf32>,
      %swap3A_190 = arith.index_cast %add3A_186 : i32 to index
      %swap3A_191 = tpu.vector_load %arg8[%swap3A_190] {strides = array<i32>} : memref<16384xf32, #tpu.memory_space<vmem>>, vector<16xf32>,
      tpu.vector_store %arg8[%swap3A_190], %gather3A_189 {strides = array<i32>} : memref<16384xf32, #tpu.memory_space<vmem>>, vector<16xf32>,
      %gather3A_192 = tpu.vector_load_idx %arg6[%get3A_188] : memref<16384xf32, #tpu.memory_space<vmem>>[vector<16xi32>], vector<16xf32>,
      %swap3A_193 = arith.index_cast %add3A_186 : i32 to index
      %swap3A_194 = tpu.vector_load %arg9[%swap3A_193] {strides = array<i32>} : memref<16384xf32, #tpu.memory_space<vmem>>, vector<16xf32>,
      tpu.vector_store %arg9[%swap3A_193], %gather3A_192 {strides = array<i32>} : memref<16384xf32, #tpu.memory_space<vmem>>, vector<16xf32>,
      %scan3A_195 = arith.constant 0 : i32
      scf.yield %scan3A_195 : i32
    }
    %scan3A_118 = arith.constant 256 : i32
    "tpu.region"() ({
      %run_scoped3A = tpu.sem_alloc : memref<!tpu.dma_semaphore, #tpu.memory_space<semaphore_mem>>
      %dma_start3A = arith.constant 196608 : i32
      %dma_start3A_148 = tpu.memref_slice %arg4[%mul3A_2, %dma_start3A] : memref<64x262144xf32, #tpu.memory_space<hbm>> -> memref<1x16384xf32, #tpu.memory_space<hbm>>
      %dma_start3A_149 = tpu.memref_squeeze %dma_start3A_148 : memref<1x16384xf32, #tpu.memory_space<hbm>> -> memref<16384xf32, #tpu.memory_space<hbm>>
      %dma_start3A_150 = arith.constant 196608 : i32
      %dma_start3A_151 = tpu.memref_slice %arg4[%mul3A_2, %dma_start3A_150] : memref<64x262144xf32, #tpu.memory_space<hbm>> -> memref<1x16384xf32, #tpu.memory_space<hbm>>
      %dma_start3A_152 = tpu.memref_squeeze %dma_start3A_151 : memref<1x16384xf32, #tpu.memory_space<hbm>> -> memref<16384xf32, #tpu.memory_space<hbm>>
      tpu.enqueue_dma source(%arg8 : memref<16384xf32, #tpu.memory_space<vmem>>) target(%dma_start3A_152 : memref<16384xf32, #tpu.memory_space<hbm>>) target_semaphore(%run_scoped3A : memref<!tpu.dma_semaphore, #tpu.memory_space<semaphore_mem>>)
      %dma_wait3A = arith.constant 196608 : i32
      %dma_wait3A_153 = tpu.memref_slice %arg4[%mul3A_2, %dma_wait3A] : memref<64x262144xf32, #tpu.memory_space<hbm>> -> memref<1x16384xf32, #tpu.memory_space<hbm>>
      %dma_wait3A_154 = tpu.memref_squeeze %dma_wait3A_153 : memref<1x16384xf32, #tpu.memory_space<hbm>> -> memref<16384xf32, #tpu.memory_space<hbm>>
      %dma_wait3A_155 = arith.constant 196608 : i32
      %dma_wait3A_156 = tpu.memref_slice %arg4[%mul3A_2, %dma_wait3A_155] : memref<64x262144xf32, #tpu.memory_space<hbm>> -> memref<1x16384xf32, #tpu.memory_space<hbm>>
      %dma_wait3A_157 = tpu.memref_squeeze %dma_wait3A_156 : memref<1x16384xf32, #tpu.memory_space<hbm>> -> memref<16384xf32, #tpu.memory_space<hbm>>
      tpu.wait_dma2 semaphore(%run_scoped3A : memref<!tpu.dma_semaphore, #tpu.memory_space<semaphore_mem>>) src(%arg8 : memref<16384xf32, #tpu.memory_space<vmem>>) dst(%dma_wait3A_157 : memref<16384xf32, #tpu.memory_space<hbm>>)
      tpu.yield
    }) : () -> ()
    %add3A_119 = arith.constant 1 : i32
    %add3A_120 = arith.addi %mul3A_2, %add3A_119 : i32
    "tpu.region"() ({
      %run_scoped3A = tpu.sem_alloc : memref<!tpu.dma_semaphore, #tpu.memory_space<semaphore_mem>>
      %dma_start3A = arith.constant 196608 : i32
      %dma_start3A_148 = tpu.memref_slice %arg4[%add3A_120, %dma_start3A] : memref<64x262144xf32, #tpu.memory_space<hbm>> -> memref<1x16384xf32, #tpu.memory_space<hbm>>
      %dma_start3A_149 = tpu.memref_squeeze %dma_start3A_148 : memref<1x16384xf32, #tpu.memory_space<hbm>> -> memref<16384xf32, #tpu.memory_space<hbm>>
      %dma_start3A_150 = arith.constant 196608 : i32
      %dma_start3A_151 = tpu.memref_slice %arg4[%add3A_120, %dma_start3A_150] : memref<64x262144xf32, #tpu.memory_space<hbm>> -> memref<1x16384xf32, #tpu.memory_space<hbm>>
      %dma_start3A_152 = tpu.memref_squeeze %dma_start3A_151 : memref<1x16384xf32, #tpu.memory_space<hbm>> -> memref<16384xf32, #tpu.memory_space<hbm>>
      tpu.enqueue_dma source(%arg9 : memref<16384xf32, #tpu.memory_space<vmem>>) target(%dma_start3A_152 : memref<16384xf32, #tpu.memory_space<hbm>>) target_semaphore(%run_scoped3A : memref<!tpu.dma_semaphore, #tpu.memory_space<semaphore_mem>>)
      %dma_wait3A = arith.constant 196608 : i32
      %dma_wait3A_153 = tpu.memref_slice %arg4[%add3A_120, %dma_wait3A] : memref<64x262144xf32, #tpu.memory_space<hbm>> -> memref<1x16384xf32, #tpu.memory_space<hbm>>
      %dma_wait3A_154 = tpu.memref_squeeze %dma_wait3A_153 : memref<1x16384xf32, #tpu.memory_space<hbm>> -> memref<16384xf32, #tpu.memory_space<hbm>>
      %dma_wait3A_155 = arith.constant 196608 : i32
      %dma_wait3A_156 = tpu.memref_slice %arg4[%add3A_120, %dma_wait3A_155] : memref<64x262144xf32, #tpu.memory_space<hbm>> -> memref<1x16384xf32, #tpu.memory_space<hbm>>
      %dma_wait3A_157 = tpu.memref_squeeze %dma_wait3A_156 : memref<1x16384xf32, #tpu.memory_space<hbm>> -> memref<16384xf32, #tpu.memory_space<hbm>>
      tpu.wait_dma2 semaphore(%run_scoped3A : memref<!tpu.dma_semaphore, #tpu.memory_space<semaphore_mem>>) src(%arg9 : memref<16384xf32, #tpu.memory_space<vmem>>) dst(%dma_wait3A_157 : memref<16384xf32, #tpu.memory_space<hbm>>)
      tpu.yield
    }) : () -> ()
    "tpu.region"() ({
      %run_scoped3A = tpu.sem_alloc : memref<!tpu.dma_semaphore, #tpu.memory_space<semaphore_mem>>
      %dma_start3A = arith.constant 212992 : i32
      %dma_start3A_148 = tpu.memref_slice %arg3[%dma_start3A] : memref<262144xi32, #tpu.memory_space<hbm>> -> memref<16384xi32, #tpu.memory_space<hbm>>
      %dma_start3A_149 = arith.constant 212992 : i32
      %dma_start3A_150 = tpu.memref_slice %arg3[%dma_start3A_149] : memref<262144xi32, #tpu.memory_space<hbm>> -> memref<16384xi32, #tpu.memory_space<hbm>>
      tpu.enqueue_dma source(%dma_start3A_150 : memref<16384xi32, #tpu.memory_space<hbm>>) target(%arg7 : memref<16384xi32, #tpu.memory_space<vmem>>) target_semaphore(%run_scoped3A : memref<!tpu.dma_semaphore, #tpu.memory_space<semaphore_mem>>)
      %dma_wait3A = arith.constant 212992 : i32
      %dma_wait3A_151 = tpu.memref_slice %arg3[%dma_wait3A] : memref<262144xi32, #tpu.memory_space<hbm>> -> memref<16384xi32, #tpu.memory_space<hbm>>
      %dma_wait3A_152 = arith.constant 212992 : i32
      %dma_wait3A_153 = tpu.memref_slice %arg3[%dma_wait3A_152] : memref<262144xi32, #tpu.memory_space<hbm>> -> memref<16384xi32, #tpu.memory_space<hbm>>
      tpu.wait_dma2 semaphore(%run_scoped3A : memref<!tpu.dma_semaphore, #tpu.memory_space<semaphore_mem>>) src(%dma_wait3A_153 : memref<16384xi32, #tpu.memory_space<hbm>>) dst(%arg7 : memref<16384xi32, #tpu.memory_space<vmem>>)
      tpu.yield
    }) : () -> ()
    %scan3A_121 = arith.constant 0 : i32
    %scan3A_122 = arith.constant 0 : i32
    %scan3A_123 = arith.constant 256 : i32
    %scan3A_124 = arith.addi %scan3A_122, %scan3A_123 : i32
    %scan3A_125 = arith.constant 1 : i32
    %scan3A_126 = scf.for %scan3A_148 = %scan3A_122 to %scan3A_124 step %scan3A_125 iter_args(%scan3A_149 = %scan3A_121) -> (i32)  : i32 {
      %mul3A_150 = arith.constant 64 : i32
      %mul3A_151 = arith.muli %scan3A_148, %mul3A_150 : i32
      %add3A_152 = arith.constant 0 : i32
      %add3A_153 = arith.addi %mul3A_151, %add3A_152 : i32
      %get3A = arith.index_cast %add3A_153 : i32 to index
      %get3A_154 = tpu.vector_load %arg7[%get3A] {strides = array<i32>} : memref<16384xi32, #tpu.memory_space<vmem>>, vector<16xi32>,
      %gather3A = tpu.vector_load_idx %arg5[%get3A_154] : memref<16384xf32, #tpu.memory_space<vmem>>[vector<16xi32>], vector<16xf32>,
      %swap3A = arith.index_cast %add3A_153 : i32 to index
      %swap3A_155 = tpu.vector_load %arg8[%swap3A] {strides = array<i32>} : memref<16384xf32, #tpu.memory_space<vmem>>, vector<16xf32>,
      tpu.vector_store %arg8[%swap3A], %gather3A {strides = array<i32>} : memref<16384xf32, #tpu.memory_space<vmem>>, vector<16xf32>,
      %gather3A_156 = tpu.vector_load_idx %arg6[%get3A_154] : memref<16384xf32, #tpu.memory_space<vmem>>[vector<16xi32>], vector<16xf32>,
      %swap3A_157 = arith.index_cast %add3A_153 : i32 to index
      %swap3A_158 = tpu.vector_load %arg9[%swap3A_157] {strides = array<i32>} : memref<16384xf32, #tpu.memory_space<vmem>>, vector<16xf32>,
      tpu.vector_store %arg9[%swap3A_157], %gather3A_156 {strides = array<i32>} : memref<16384xf32, #tpu.memory_space<vmem>>, vector<16xf32>,
      %mul3A_159 = arith.constant 64 : i32
      %mul3A_160 = arith.muli %scan3A_148, %mul3A_159 : i32
      %add3A_161 = arith.constant 16 : i32
      %add3A_162 = arith.addi %mul3A_160, %add3A_161 : i32
      %get3A_163 = arith.index_cast %add3A_162 : i32 to index
      %get3A_164 = tpu.vector_load %arg7[%get3A_163] {strides = array<i32>} : memref<16384xi32, #tpu.memory_space<vmem>>, vector<16xi32>,
      %gather3A_165 = tpu.vector_load_idx %arg5[%get3A_164] : memref<16384xf32, #tpu.memory_space<vmem>>[vector<16xi32>], vector<16xf32>,
      %swap3A_166 = arith.index_cast %add3A_162 : i32 to index
      %swap3A_167 = tpu.vector_load %arg8[%swap3A_166] {strides = array<i32>} : memref<16384xf32, #tpu.memory_space<vmem>>, vector<16xf32>,
      tpu.vector_store %arg8[%swap3A_166], %gather3A_165 {strides = array<i32>} : memref<16384xf32, #tpu.memory_space<vmem>>, vector<16xf32>,
      %gather3A_168 = tpu.vector_load_idx %arg6[%get3A_164] : memref<16384xf32, #tpu.memory_space<vmem>>[vector<16xi32>], vector<16xf32>,
      %swap3A_169 = arith.index_cast %add3A_162 : i32 to index
      %swap3A_170 = tpu.vector_load %arg9[%swap3A_169] {strides = array<i32>} : memref<16384xf32, #tpu.memory_space<vmem>>, vector<16xf32>,
      tpu.vector_store %arg9[%swap3A_169], %gather3A_168 {strides = array<i32>} : memref<16384xf32, #tpu.memory_space<vmem>>, vector<16xf32>,
      %mul3A_171 = arith.constant 64 : i32
      %mul3A_172 = arith.muli %scan3A_148, %mul3A_171 : i32
      %add3A_173 = arith.constant 32 : i32
      %add3A_174 = arith.addi %mul3A_172, %add3A_173 : i32
      %get3A_175 = arith.index_cast %add3A_174 : i32 to index
      %get3A_176 = tpu.vector_load %arg7[%get3A_175] {strides = array<i32>} : memref<16384xi32, #tpu.memory_space<vmem>>, vector<16xi32>,
      %gather3A_177 = tpu.vector_load_idx %arg5[%get3A_176] : memref<16384xf32, #tpu.memory_space<vmem>>[vector<16xi32>], vector<16xf32>,
      %swap3A_178 = arith.index_cast %add3A_174 : i32 to index
      %swap3A_179 = tpu.vector_load %arg8[%swap3A_178] {strides = array<i32>} : memref<16384xf32, #tpu.memory_space<vmem>>, vector<16xf32>,
      tpu.vector_store %arg8[%swap3A_178], %gather3A_177 {strides = array<i32>} : memref<16384xf32, #tpu.memory_space<vmem>>, vector<16xf32>,
      %gather3A_180 = tpu.vector_load_idx %arg6[%get3A_176] : memref<16384xf32, #tpu.memory_space<vmem>>[vector<16xi32>], vector<16xf32>,
      %swap3A_181 = arith.index_cast %add3A_174 : i32 to index
      %swap3A_182 = tpu.vector_load %arg9[%swap3A_181] {strides = array<i32>} : memref<16384xf32, #tpu.memory_space<vmem>>, vector<16xf32>,
      tpu.vector_store %arg9[%swap3A_181], %gather3A_180 {strides = array<i32>} : memref<16384xf32, #tpu.memory_space<vmem>>, vector<16xf32>,
      %mul3A_183 = arith.constant 64 : i32
      %mul3A_184 = arith.muli %scan3A_148, %mul3A_183 : i32
      %add3A_185 = arith.constant 48 : i32
      %add3A_186 = arith.addi %mul3A_184, %add3A_185 : i32
      %get3A_187 = arith.index_cast %add3A_186 : i32 to index
      %get3A_188 = tpu.vector_load %arg7[%get3A_187] {strides = array<i32>} : memref<16384xi32, #tpu.memory_space<vmem>>, vector<16xi32>,
      %gather3A_189 = tpu.vector_load_idx %arg5[%get3A_188] : memref<16384xf32, #tpu.memory_space<vmem>>[vector<16xi32>], vector<16xf32>,
      %swap3A_190 = arith.index_cast %add3A_186 : i32 to index
      %swap3A_191 = tpu.vector_load %arg8[%swap3A_190] {strides = array<i32>} : memref<16384xf32, #tpu.memory_space<vmem>>, vector<16xf32>,
      tpu.vector_store %arg8[%swap3A_190], %gather3A_189 {strides = array<i32>} : memref<16384xf32, #tpu.memory_space<vmem>>, vector<16xf32>,
      %gather3A_192 = tpu.vector_load_idx %arg6[%get3A_188] : memref<16384xf32, #tpu.memory_space<vmem>>[vector<16xi32>], vector<16xf32>,
      %swap3A_193 = arith.index_cast %add3A_186 : i32 to index
      %swap3A_194 = tpu.vector_load %arg9[%swap3A_193] {strides = array<i32>} : memref<16384xf32, #tpu.memory_space<vmem>>, vector<16xf32>,
      tpu.vector_store %arg9[%swap3A_193], %gather3A_192 {strides = array<i32>} : memref<16384xf32, #tpu.memory_space<vmem>>, vector<16xf32>,
      %scan3A_195 = arith.constant 0 : i32
      scf.yield %scan3A_195 : i32
    }
    %scan3A_127 = arith.constant 256 : i32
    "tpu.region"() ({
      %run_scoped3A = tpu.sem_alloc : memref<!tpu.dma_semaphore, #tpu.memory_space<semaphore_mem>>
      %dma_start3A = arith.constant 212992 : i32
      %dma_start3A_148 = tpu.memref_slice %arg4[%mul3A_2, %dma_start3A] : memref<64x262144xf32, #tpu.memory_space<hbm>> -> memref<1x16384xf32, #tpu.memory_space<hbm>>
      %dma_start3A_149 = tpu.memref_squeeze %dma_start3A_148 : memref<1x16384xf32, #tpu.memory_space<hbm>> -> memref<16384xf32, #tpu.memory_space<hbm>>
      %dma_start3A_150 = arith.constant 212992 : i32
      %dma_start3A_151 = tpu.memref_slice %arg4[%mul3A_2, %dma_start3A_150] : memref<64x262144xf32, #tpu.memory_space<hbm>> -> memref<1x16384xf32, #tpu.memory_space<hbm>>
      %dma_start3A_152 = tpu.memref_squeeze %dma_start3A_151 : memref<1x16384xf32, #tpu.memory_space<hbm>> -> memref<16384xf32, #tpu.memory_space<hbm>>
      tpu.enqueue_dma source(%arg8 : memref<16384xf32, #tpu.memory_space<vmem>>) target(%dma_start3A_152 : memref<16384xf32, #tpu.memory_space<hbm>>) target_semaphore(%run_scoped3A : memref<!tpu.dma_semaphore, #tpu.memory_space<semaphore_mem>>)
      %dma_wait3A = arith.constant 212992 : i32
      %dma_wait3A_153 = tpu.memref_slice %arg4[%mul3A_2, %dma_wait3A] : memref<64x262144xf32, #tpu.memory_space<hbm>> -> memref<1x16384xf32, #tpu.memory_space<hbm>>
      %dma_wait3A_154 = tpu.memref_squeeze %dma_wait3A_153 : memref<1x16384xf32, #tpu.memory_space<hbm>> -> memref<16384xf32, #tpu.memory_space<hbm>>
      %dma_wait3A_155 = arith.constant 212992 : i32
      %dma_wait3A_156 = tpu.memref_slice %arg4[%mul3A_2, %dma_wait3A_155] : memref<64x262144xf32, #tpu.memory_space<hbm>> -> memref<1x16384xf32, #tpu.memory_space<hbm>>
      %dma_wait3A_157 = tpu.memref_squeeze %dma_wait3A_156 : memref<1x16384xf32, #tpu.memory_space<hbm>> -> memref<16384xf32, #tpu.memory_space<hbm>>
      tpu.wait_dma2 semaphore(%run_scoped3A : memref<!tpu.dma_semaphore, #tpu.memory_space<semaphore_mem>>) src(%arg8 : memref<16384xf32, #tpu.memory_space<vmem>>) dst(%dma_wait3A_157 : memref<16384xf32, #tpu.memory_space<hbm>>)
      tpu.yield
    }) : () -> ()
    %add3A_128 = arith.constant 1 : i32
    %add3A_129 = arith.addi %mul3A_2, %add3A_128 : i32
    "tpu.region"() ({
      %run_scoped3A = tpu.sem_alloc : memref<!tpu.dma_semaphore, #tpu.memory_space<semaphore_mem>>
      %dma_start3A = arith.constant 212992 : i32
      %dma_start3A_148 = tpu.memref_slice %arg4[%add3A_129, %dma_start3A] : memref<64x262144xf32, #tpu.memory_space<hbm>> -> memref<1x16384xf32, #tpu.memory_space<hbm>>
      %dma_start3A_149 = tpu.memref_squeeze %dma_start3A_148 : memref<1x16384xf32, #tpu.memory_space<hbm>> -> memref<16384xf32, #tpu.memory_space<hbm>>
      %dma_start3A_150 = arith.constant 212992 : i32
      %dma_start3A_151 = tpu.memref_slice %arg4[%add3A_129, %dma_start3A_150] : memref<64x262144xf32, #tpu.memory_space<hbm>> -> memref<1x16384xf32, #tpu.memory_space<hbm>>
      %dma_start3A_152 = tpu.memref_squeeze %dma_start3A_151 : memref<1x16384xf32, #tpu.memory_space<hbm>> -> memref<16384xf32, #tpu.memory_space<hbm>>
      tpu.enqueue_dma source(%arg9 : memref<16384xf32, #tpu.memory_space<vmem>>) target(%dma_start3A_152 : memref<16384xf32, #tpu.memory_space<hbm>>) target_semaphore(%run_scoped3A : memref<!tpu.dma_semaphore, #tpu.memory_space<semaphore_mem>>)
      %dma_wait3A = arith.constant 212992 : i32
      %dma_wait3A_153 = tpu.memref_slice %arg4[%add3A_129, %dma_wait3A] : memref<64x262144xf32, #tpu.memory_space<hbm>> -> memref<1x16384xf32, #tpu.memory_space<hbm>>
      %dma_wait3A_154 = tpu.memref_squeeze %dma_wait3A_153 : memref<1x16384xf32, #tpu.memory_space<hbm>> -> memref<16384xf32, #tpu.memory_space<hbm>>
      %dma_wait3A_155 = arith.constant 212992 : i32
      %dma_wait3A_156 = tpu.memref_slice %arg4[%add3A_129, %dma_wait3A_155] : memref<64x262144xf32, #tpu.memory_space<hbm>> -> memref<1x16384xf32, #tpu.memory_space<hbm>>
      %dma_wait3A_157 = tpu.memref_squeeze %dma_wait3A_156 : memref<1x16384xf32, #tpu.memory_space<hbm>> -> memref<16384xf32, #tpu.memory_space<hbm>>
      tpu.wait_dma2 semaphore(%run_scoped3A : memref<!tpu.dma_semaphore, #tpu.memory_space<semaphore_mem>>) src(%arg9 : memref<16384xf32, #tpu.memory_space<vmem>>) dst(%dma_wait3A_157 : memref<16384xf32, #tpu.memory_space<hbm>>)
      tpu.yield
    }) : () -> ()
    "tpu.region"() ({
      %run_scoped3A = tpu.sem_alloc : memref<!tpu.dma_semaphore, #tpu.memory_space<semaphore_mem>>
      %dma_start3A = arith.constant 229376 : i32
      %dma_start3A_148 = tpu.memref_slice %arg3[%dma_start3A] : memref<262144xi32, #tpu.memory_space<hbm>> -> memref<16384xi32, #tpu.memory_space<hbm>>
      %dma_start3A_149 = arith.constant 229376 : i32
      %dma_start3A_150 = tpu.memref_slice %arg3[%dma_start3A_149] : memref<262144xi32, #tpu.memory_space<hbm>> -> memref<16384xi32, #tpu.memory_space<hbm>>
      tpu.enqueue_dma source(%dma_start3A_150 : memref<16384xi32, #tpu.memory_space<hbm>>) target(%arg7 : memref<16384xi32, #tpu.memory_space<vmem>>) target_semaphore(%run_scoped3A : memref<!tpu.dma_semaphore, #tpu.memory_space<semaphore_mem>>)
      %dma_wait3A = arith.constant 229376 : i32
      %dma_wait3A_151 = tpu.memref_slice %arg3[%dma_wait3A] : memref<262144xi32, #tpu.memory_space<hbm>> -> memref<16384xi32, #tpu.memory_space<hbm>>
      %dma_wait3A_152 = arith.constant 229376 : i32
      %dma_wait3A_153 = tpu.memref_slice %arg3[%dma_wait3A_152] : memref<262144xi32, #tpu.memory_space<hbm>> -> memref<16384xi32, #tpu.memory_space<hbm>>
      tpu.wait_dma2 semaphore(%run_scoped3A : memref<!tpu.dma_semaphore, #tpu.memory_space<semaphore_mem>>) src(%dma_wait3A_153 : memref<16384xi32, #tpu.memory_space<hbm>>) dst(%arg7 : memref<16384xi32, #tpu.memory_space<vmem>>)
      tpu.yield
    }) : () -> ()
    %scan3A_130 = arith.constant 0 : i32
    %scan3A_131 = arith.constant 0 : i32
    %scan3A_132 = arith.constant 256 : i32
    %scan3A_133 = arith.addi %scan3A_131, %scan3A_132 : i32
    %scan3A_134 = arith.constant 1 : i32
    %scan3A_135 = scf.for %scan3A_148 = %scan3A_131 to %scan3A_133 step %scan3A_134 iter_args(%scan3A_149 = %scan3A_130) -> (i32)  : i32 {
      %mul3A_150 = arith.constant 64 : i32
      %mul3A_151 = arith.muli %scan3A_148, %mul3A_150 : i32
      %add3A_152 = arith.constant 0 : i32
      %add3A_153 = arith.addi %mul3A_151, %add3A_152 : i32
      %get3A = arith.index_cast %add3A_153 : i32 to index
      %get3A_154 = tpu.vector_load %arg7[%get3A] {strides = array<i32>} : memref<16384xi32, #tpu.memory_space<vmem>>, vector<16xi32>,
      %gather3A = tpu.vector_load_idx %arg5[%get3A_154] : memref<16384xf32, #tpu.memory_space<vmem>>[vector<16xi32>], vector<16xf32>,
      %swap3A = arith.index_cast %add3A_153 : i32 to index
      %swap3A_155 = tpu.vector_load %arg8[%swap3A] {strides = array<i32>} : memref<16384xf32, #tpu.memory_space<vmem>>, vector<16xf32>,
      tpu.vector_store %arg8[%swap3A], %gather3A {strides = array<i32>} : memref<16384xf32, #tpu.memory_space<vmem>>, vector<16xf32>,
      %gather3A_156 = tpu.vector_load_idx %arg6[%get3A_154] : memref<16384xf32, #tpu.memory_space<vmem>>[vector<16xi32>], vector<16xf32>,
      %swap3A_157 = arith.index_cast %add3A_153 : i32 to index
      %swap3A_158 = tpu.vector_load %arg9[%swap3A_157] {strides = array<i32>} : memref<16384xf32, #tpu.memory_space<vmem>>, vector<16xf32>,
      tpu.vector_store %arg9[%swap3A_157], %gather3A_156 {strides = array<i32>} : memref<16384xf32, #tpu.memory_space<vmem>>, vector<16xf32>,
      %mul3A_159 = arith.constant 64 : i32
      %mul3A_160 = arith.muli %scan3A_148, %mul3A_159 : i32
      %add3A_161 = arith.constant 16 : i32
      %add3A_162 = arith.addi %mul3A_160, %add3A_161 : i32
      %get3A_163 = arith.index_cast %add3A_162 : i32 to index
      %get3A_164 = tpu.vector_load %arg7[%get3A_163] {strides = array<i32>} : memref<16384xi32, #tpu.memory_space<vmem>>, vector<16xi32>,
      %gather3A_165 = tpu.vector_load_idx %arg5[%get3A_164] : memref<16384xf32, #tpu.memory_space<vmem>>[vector<16xi32>], vector<16xf32>,
      %swap3A_166 = arith.index_cast %add3A_162 : i32 to index
      %swap3A_167 = tpu.vector_load %arg8[%swap3A_166] {strides = array<i32>} : memref<16384xf32, #tpu.memory_space<vmem>>, vector<16xf32>,
      tpu.vector_store %arg8[%swap3A_166], %gather3A_165 {strides = array<i32>} : memref<16384xf32, #tpu.memory_space<vmem>>, vector<16xf32>,
      %gather3A_168 = tpu.vector_load_idx %arg6[%get3A_164] : memref<16384xf32, #tpu.memory_space<vmem>>[vector<16xi32>], vector<16xf32>,
      %swap3A_169 = arith.index_cast %add3A_162 : i32 to index
      %swap3A_170 = tpu.vector_load %arg9[%swap3A_169] {strides = array<i32>} : memref<16384xf32, #tpu.memory_space<vmem>>, vector<16xf32>,
      tpu.vector_store %arg9[%swap3A_169], %gather3A_168 {strides = array<i32>} : memref<16384xf32, #tpu.memory_space<vmem>>, vector<16xf32>,
      %mul3A_171 = arith.constant 64 : i32
      %mul3A_172 = arith.muli %scan3A_148, %mul3A_171 : i32
      %add3A_173 = arith.constant 32 : i32
      %add3A_174 = arith.addi %mul3A_172, %add3A_173 : i32
      %get3A_175 = arith.index_cast %add3A_174 : i32 to index
      %get3A_176 = tpu.vector_load %arg7[%get3A_175] {strides = array<i32>} : memref<16384xi32, #tpu.memory_space<vmem>>, vector<16xi32>,
      %gather3A_177 = tpu.vector_load_idx %arg5[%get3A_176] : memref<16384xf32, #tpu.memory_space<vmem>>[vector<16xi32>], vector<16xf32>,
      %swap3A_178 = arith.index_cast %add3A_174 : i32 to index
      %swap3A_179 = tpu.vector_load %arg8[%swap3A_178] {strides = array<i32>} : memref<16384xf32, #tpu.memory_space<vmem>>, vector<16xf32>,
      tpu.vector_store %arg8[%swap3A_178], %gather3A_177 {strides = array<i32>} : memref<16384xf32, #tpu.memory_space<vmem>>, vector<16xf32>,
      %gather3A_180 = tpu.vector_load_idx %arg6[%get3A_176] : memref<16384xf32, #tpu.memory_space<vmem>>[vector<16xi32>], vector<16xf32>,
      %swap3A_181 = arith.index_cast %add3A_174 : i32 to index
      %swap3A_182 = tpu.vector_load %arg9[%swap3A_181] {strides = array<i32>} : memref<16384xf32, #tpu.memory_space<vmem>>, vector<16xf32>,
      tpu.vector_store %arg9[%swap3A_181], %gather3A_180 {strides = array<i32>} : memref<16384xf32, #tpu.memory_space<vmem>>, vector<16xf32>,
      %mul3A_183 = arith.constant 64 : i32
      %mul3A_184 = arith.muli %scan3A_148, %mul3A_183 : i32
      %add3A_185 = arith.constant 48 : i32
      %add3A_186 = arith.addi %mul3A_184, %add3A_185 : i32
      %get3A_187 = arith.index_cast %add3A_186 : i32 to index
      %get3A_188 = tpu.vector_load %arg7[%get3A_187] {strides = array<i32>} : memref<16384xi32, #tpu.memory_space<vmem>>, vector<16xi32>,
      %gather3A_189 = tpu.vector_load_idx %arg5[%get3A_188] : memref<16384xf32, #tpu.memory_space<vmem>>[vector<16xi32>], vector<16xf32>,
      %swap3A_190 = arith.index_cast %add3A_186 : i32 to index
      %swap3A_191 = tpu.vector_load %arg8[%swap3A_190] {strides = array<i32>} : memref<16384xf32, #tpu.memory_space<vmem>>, vector<16xf32>,
      tpu.vector_store %arg8[%swap3A_190], %gather3A_189 {strides = array<i32>} : memref<16384xf32, #tpu.memory_space<vmem>>, vector<16xf32>,
      %gather3A_192 = tpu.vector_load_idx %arg6[%get3A_188] : memref<16384xf32, #tpu.memory_space<vmem>>[vector<16xi32>], vector<16xf32>,
      %swap3A_193 = arith.index_cast %add3A_186 : i32 to index
      %swap3A_194 = tpu.vector_load %arg9[%swap3A_193] {strides = array<i32>} : memref<16384xf32, #tpu.memory_space<vmem>>, vector<16xf32>,
      tpu.vector_store %arg9[%swap3A_193], %gather3A_192 {strides = array<i32>} : memref<16384xf32, #tpu.memory_space<vmem>>, vector<16xf32>,
      %scan3A_195 = arith.constant 0 : i32
      scf.yield %scan3A_195 : i32
    }
    %scan3A_136 = arith.constant 256 : i32
    "tpu.region"() ({
      %run_scoped3A = tpu.sem_alloc : memref<!tpu.dma_semaphore, #tpu.memory_space<semaphore_mem>>
      %dma_start3A = arith.constant 229376 : i32
      %dma_start3A_148 = tpu.memref_slice %arg4[%mul3A_2, %dma_start3A] : memref<64x262144xf32, #tpu.memory_space<hbm>> -> memref<1x16384xf32, #tpu.memory_space<hbm>>
      %dma_start3A_149 = tpu.memref_squeeze %dma_start3A_148 : memref<1x16384xf32, #tpu.memory_space<hbm>> -> memref<16384xf32, #tpu.memory_space<hbm>>
      %dma_start3A_150 = arith.constant 229376 : i32
      %dma_start3A_151 = tpu.memref_slice %arg4[%mul3A_2, %dma_start3A_150] : memref<64x262144xf32, #tpu.memory_space<hbm>> -> memref<1x16384xf32, #tpu.memory_space<hbm>>
      %dma_start3A_152 = tpu.memref_squeeze %dma_start3A_151 : memref<1x16384xf32, #tpu.memory_space<hbm>> -> memref<16384xf32, #tpu.memory_space<hbm>>
      tpu.enqueue_dma source(%arg8 : memref<16384xf32, #tpu.memory_space<vmem>>) target(%dma_start3A_152 : memref<16384xf32, #tpu.memory_space<hbm>>) target_semaphore(%run_scoped3A : memref<!tpu.dma_semaphore, #tpu.memory_space<semaphore_mem>>)
      %dma_wait3A = arith.constant 229376 : i32
      %dma_wait3A_153 = tpu.memref_slice %arg4[%mul3A_2, %dma_wait3A] : memref<64x262144xf32, #tpu.memory_space<hbm>> -> memref<1x16384xf32, #tpu.memory_space<hbm>>
      %dma_wait3A_154 = tpu.memref_squeeze %dma_wait3A_153 : memref<1x16384xf32, #tpu.memory_space<hbm>> -> memref<16384xf32, #tpu.memory_space<hbm>>
      %dma_wait3A_155 = arith.constant 229376 : i32
      %dma_wait3A_156 = tpu.memref_slice %arg4[%mul3A_2, %dma_wait3A_155] : memref<64x262144xf32, #tpu.memory_space<hbm>> -> memref<1x16384xf32, #tpu.memory_space<hbm>>
      %dma_wait3A_157 = tpu.memref_squeeze %dma_wait3A_156 : memref<1x16384xf32, #tpu.memory_space<hbm>> -> memref<16384xf32, #tpu.memory_space<hbm>>
      tpu.wait_dma2 semaphore(%run_scoped3A : memref<!tpu.dma_semaphore, #tpu.memory_space<semaphore_mem>>) src(%arg8 : memref<16384xf32, #tpu.memory_space<vmem>>) dst(%dma_wait3A_157 : memref<16384xf32, #tpu.memory_space<hbm>>)
      tpu.yield
    }) : () -> ()
    %add3A_137 = arith.constant 1 : i32
    %add3A_138 = arith.addi %mul3A_2, %add3A_137 : i32
    "tpu.region"() ({
      %run_scoped3A = tpu.sem_alloc : memref<!tpu.dma_semaphore, #tpu.memory_space<semaphore_mem>>
      %dma_start3A = arith.constant 229376 : i32
      %dma_start3A_148 = tpu.memref_slice %arg4[%add3A_138, %dma_start3A] : memref<64x262144xf32, #tpu.memory_space<hbm>> -> memref<1x16384xf32, #tpu.memory_space<hbm>>
      %dma_start3A_149 = tpu.memref_squeeze %dma_start3A_148 : memref<1x16384xf32, #tpu.memory_space<hbm>> -> memref<16384xf32, #tpu.memory_space<hbm>>
      %dma_start3A_150 = arith.constant 229376 : i32
      %dma_start3A_151 = tpu.memref_slice %arg4[%add3A_138, %dma_start3A_150] : memref<64x262144xf32, #tpu.memory_space<hbm>> -> memref<1x16384xf32, #tpu.memory_space<hbm>>
      %dma_start3A_152 = tpu.memref_squeeze %dma_start3A_151 : memref<1x16384xf32, #tpu.memory_space<hbm>> -> memref<16384xf32, #tpu.memory_space<hbm>>
      tpu.enqueue_dma source(%arg9 : memref<16384xf32, #tpu.memory_space<vmem>>) target(%dma_start3A_152 : memref<16384xf32, #tpu.memory_space<hbm>>) target_semaphore(%run_scoped3A : memref<!tpu.dma_semaphore, #tpu.memory_space<semaphore_mem>>)
      %dma_wait3A = arith.constant 229376 : i32
      %dma_wait3A_153 = tpu.memref_slice %arg4[%add3A_138, %dma_wait3A] : memref<64x262144xf32, #tpu.memory_space<hbm>> -> memref<1x16384xf32, #tpu.memory_space<hbm>>
      %dma_wait3A_154 = tpu.memref_squeeze %dma_wait3A_153 : memref<1x16384xf32, #tpu.memory_space<hbm>> -> memref<16384xf32, #tpu.memory_space<hbm>>
      %dma_wait3A_155 = arith.constant 229376 : i32
      %dma_wait3A_156 = tpu.memref_slice %arg4[%add3A_138, %dma_wait3A_155] : memref<64x262144xf32, #tpu.memory_space<hbm>> -> memref<1x16384xf32, #tpu.memory_space<hbm>>
      %dma_wait3A_157 = tpu.memref_squeeze %dma_wait3A_156 : memref<1x16384xf32, #tpu.memory_space<hbm>> -> memref<16384xf32, #tpu.memory_space<hbm>>
      tpu.wait_dma2 semaphore(%run_scoped3A : memref<!tpu.dma_semaphore, #tpu.memory_space<semaphore_mem>>) src(%arg9 : memref<16384xf32, #tpu.memory_space<vmem>>) dst(%dma_wait3A_157 : memref<16384xf32, #tpu.memory_space<hbm>>)
      tpu.yield
    }) : () -> ()
    "tpu.region"() ({
      %run_scoped3A = tpu.sem_alloc : memref<!tpu.dma_semaphore, #tpu.memory_space<semaphore_mem>>
      %dma_start3A = arith.constant 245760 : i32
      %dma_start3A_148 = tpu.memref_slice %arg3[%dma_start3A] : memref<262144xi32, #tpu.memory_space<hbm>> -> memref<16384xi32, #tpu.memory_space<hbm>>
      %dma_start3A_149 = arith.constant 245760 : i32
      %dma_start3A_150 = tpu.memref_slice %arg3[%dma_start3A_149] : memref<262144xi32, #tpu.memory_space<hbm>> -> memref<16384xi32, #tpu.memory_space<hbm>>
      tpu.enqueue_dma source(%dma_start3A_150 : memref<16384xi32, #tpu.memory_space<hbm>>) target(%arg7 : memref<16384xi32, #tpu.memory_space<vmem>>) target_semaphore(%run_scoped3A : memref<!tpu.dma_semaphore, #tpu.memory_space<semaphore_mem>>)
      %dma_wait3A = arith.constant 245760 : i32
      %dma_wait3A_151 = tpu.memref_slice %arg3[%dma_wait3A] : memref<262144xi32, #tpu.memory_space<hbm>> -> memref<16384xi32, #tpu.memory_space<hbm>>
      %dma_wait3A_152 = arith.constant 245760 : i32
      %dma_wait3A_153 = tpu.memref_slice %arg3[%dma_wait3A_152] : memref<262144xi32, #tpu.memory_space<hbm>> -> memref<16384xi32, #tpu.memory_space<hbm>>
      tpu.wait_dma2 semaphore(%run_scoped3A : memref<!tpu.dma_semaphore, #tpu.memory_space<semaphore_mem>>) src(%dma_wait3A_153 : memref<16384xi32, #tpu.memory_space<hbm>>) dst(%arg7 : memref<16384xi32, #tpu.memory_space<vmem>>)
      tpu.yield
    }) : () -> ()
    %scan3A_139 = arith.constant 0 : i32
    %scan3A_140 = arith.constant 0 : i32
    %scan3A_141 = arith.constant 256 : i32
    %scan3A_142 = arith.addi %scan3A_140, %scan3A_141 : i32
    %scan3A_143 = arith.constant 1 : i32
    %scan3A_144 = scf.for %scan3A_148 = %scan3A_140 to %scan3A_142 step %scan3A_143 iter_args(%scan3A_149 = %scan3A_139) -> (i32)  : i32 {
      %mul3A_150 = arith.constant 64 : i32
      %mul3A_151 = arith.muli %scan3A_148, %mul3A_150 : i32
      %add3A_152 = arith.constant 0 : i32
      %add3A_153 = arith.addi %mul3A_151, %add3A_152 : i32
      %get3A = arith.index_cast %add3A_153 : i32 to index
      %get3A_154 = tpu.vector_load %arg7[%get3A] {strides = array<i32>} : memref<16384xi32, #tpu.memory_space<vmem>>, vector<16xi32>,
      %gather3A = tpu.vector_load_idx %arg5[%get3A_154] : memref<16384xf32, #tpu.memory_space<vmem>>[vector<16xi32>], vector<16xf32>,
      %swap3A = arith.index_cast %add3A_153 : i32 to index
      %swap3A_155 = tpu.vector_load %arg8[%swap3A] {strides = array<i32>} : memref<16384xf32, #tpu.memory_space<vmem>>, vector<16xf32>,
      tpu.vector_store %arg8[%swap3A], %gather3A {strides = array<i32>} : memref<16384xf32, #tpu.memory_space<vmem>>, vector<16xf32>,
      %gather3A_156 = tpu.vector_load_idx %arg6[%get3A_154] : memref<16384xf32, #tpu.memory_space<vmem>>[vector<16xi32>], vector<16xf32>,
      %swap3A_157 = arith.index_cast %add3A_153 : i32 to index
      %swap3A_158 = tpu.vector_load %arg9[%swap3A_157] {strides = array<i32>} : memref<16384xf32, #tpu.memory_space<vmem>>, vector<16xf32>,
      tpu.vector_store %arg9[%swap3A_157], %gather3A_156 {strides = array<i32>} : memref<16384xf32, #tpu.memory_space<vmem>>, vector<16xf32>,
      %mul3A_159 = arith.constant 64 : i32
      %mul3A_160 = arith.muli %scan3A_148, %mul3A_159 : i32
      %add3A_161 = arith.constant 16 : i32
      %add3A_162 = arith.addi %mul3A_160, %add3A_161 : i32
      %get3A_163 = arith.index_cast %add3A_162 : i32 to index
      %get3A_164 = tpu.vector_load %arg7[%get3A_163] {strides = array<i32>} : memref<16384xi32, #tpu.memory_space<vmem>>, vector<16xi32>,
      %gather3A_165 = tpu.vector_load_idx %arg5[%get3A_164] : memref<16384xf32, #tpu.memory_space<vmem>>[vector<16xi32>], vector<16xf32>,
      %swap3A_166 = arith.index_cast %add3A_162 : i32 to index
      %swap3A_167 = tpu.vector_load %arg8[%swap3A_166] {strides = array<i32>} : memref<16384xf32, #tpu.memory_space<vmem>>, vector<16xf32>,
      tpu.vector_store %arg8[%swap3A_166], %gather3A_165 {strides = array<i32>} : memref<16384xf32, #tpu.memory_space<vmem>>, vector<16xf32>,
      %gather3A_168 = tpu.vector_load_idx %arg6[%get3A_164] : memref<16384xf32, #tpu.memory_space<vmem>>[vector<16xi32>], vector<16xf32>,
      %swap3A_169 = arith.index_cast %add3A_162 : i32 to index
      %swap3A_170 = tpu.vector_load %arg9[%swap3A_169] {strides = array<i32>} : memref<16384xf32, #tpu.memory_space<vmem>>, vector<16xf32>,
      tpu.vector_store %arg9[%swap3A_169], %gather3A_168 {strides = array<i32>} : memref<16384xf32, #tpu.memory_space<vmem>>, vector<16xf32>,
      %mul3A_171 = arith.constant 64 : i32
      %mul3A_172 = arith.muli %scan3A_148, %mul3A_171 : i32
      %add3A_173 = arith.constant 32 : i32
      %add3A_174 = arith.addi %mul3A_172, %add3A_173 : i32
      %get3A_175 = arith.index_cast %add3A_174 : i32 to index
      %get3A_176 = tpu.vector_load %arg7[%get3A_175] {strides = array<i32>} : memref<16384xi32, #tpu.memory_space<vmem>>, vector<16xi32>,
      %gather3A_177 = tpu.vector_load_idx %arg5[%get3A_176] : memref<16384xf32, #tpu.memory_space<vmem>>[vector<16xi32>], vector<16xf32>,
      %swap3A_178 = arith.index_cast %add3A_174 : i32 to index
      %swap3A_179 = tpu.vector_load %arg8[%swap3A_178] {strides = array<i32>} : memref<16384xf32, #tpu.memory_space<vmem>>, vector<16xf32>,
      tpu.vector_store %arg8[%swap3A_178], %gather3A_177 {strides = array<i32>} : memref<16384xf32, #tpu.memory_space<vmem>>, vector<16xf32>,
      %gather3A_180 = tpu.vector_load_idx %arg6[%get3A_176] : memref<16384xf32, #tpu.memory_space<vmem>>[vector<16xi32>], vector<16xf32>,
      %swap3A_181 = arith.index_cast %add3A_174 : i32 to index
      %swap3A_182 = tpu.vector_load %arg9[%swap3A_181] {strides = array<i32>} : memref<16384xf32, #tpu.memory_space<vmem>>, vector<16xf32>,
      tpu.vector_store %arg9[%swap3A_181], %gather3A_180 {strides = array<i32>} : memref<16384xf32, #tpu.memory_space<vmem>>, vector<16xf32>,
      %mul3A_183 = arith.constant 64 : i32
      %mul3A_184 = arith.muli %scan3A_148, %mul3A_183 : i32
      %add3A_185 = arith.constant 48 : i32
      %add3A_186 = arith.addi %mul3A_184, %add3A_185 : i32
      %get3A_187 = arith.index_cast %add3A_186 : i32 to index
      %get3A_188 = tpu.vector_load %arg7[%get3A_187] {strides = array<i32>} : memref<16384xi32, #tpu.memory_space<vmem>>, vector<16xi32>,
      %gather3A_189 = tpu.vector_load_idx %arg5[%get3A_188] : memref<16384xf32, #tpu.memory_space<vmem>>[vector<16xi32>], vector<16xf32>,
      %swap3A_190 = arith.index_cast %add3A_186 : i32 to index
      %swap3A_191 = tpu.vector_load %arg8[%swap3A_190] {strides = array<i32>} : memref<16384xf32, #tpu.memory_space<vmem>>, vector<16xf32>,
      tpu.vector_store %arg8[%swap3A_190], %gather3A_189 {strides = array<i32>} : memref<16384xf32, #tpu.memory_space<vmem>>, vector<16xf32>,
      %gather3A_192 = tpu.vector_load_idx %arg6[%get3A_188] : memref<16384xf32, #tpu.memory_space<vmem>>[vector<16xi32>], vector<16xf32>,
      %swap3A_193 = arith.index_cast %add3A_186 : i32 to index
      %swap3A_194 = tpu.vector_load %arg9[%swap3A_193] {strides = array<i32>} : memref<16384xf32, #tpu.memory_space<vmem>>, vector<16xf32>,
      tpu.vector_store %arg9[%swap3A_193], %gather3A_192 {strides = array<i32>} : memref<16384xf32, #tpu.memory_space<vmem>>, vector<16xf32>,
      %scan3A_195 = arith.constant 0 : i32
      scf.yield %scan3A_195 : i32
    }
    %scan3A_145 = arith.constant 256 : i32
    "tpu.region"() ({
      %run_scoped3A = tpu.sem_alloc : memref<!tpu.dma_semaphore, #tpu.memory_space<semaphore_mem>>
      %dma_start3A = arith.constant 245760 : i32
      %dma_start3A_148 = tpu.memref_slice %arg4[%mul3A_2, %dma_start3A] : memref<64x262144xf32, #tpu.memory_space<hbm>> -> memref<1x16384xf32, #tpu.memory_space<hbm>>
      %dma_start3A_149 = tpu.memref_squeeze %dma_start3A_148 : memref<1x16384xf32, #tpu.memory_space<hbm>> -> memref<16384xf32, #tpu.memory_space<hbm>>
      %dma_start3A_150 = arith.constant 245760 : i32
      %dma_start3A_151 = tpu.memref_slice %arg4[%mul3A_2, %dma_start3A_150] : memref<64x262144xf32, #tpu.memory_space<hbm>> -> memref<1x16384xf32, #tpu.memory_space<hbm>>
      %dma_start3A_152 = tpu.memref_squeeze %dma_start3A_151 : memref<1x16384xf32, #tpu.memory_space<hbm>> -> memref<16384xf32, #tpu.memory_space<hbm>>
      tpu.enqueue_dma source(%arg8 : memref<16384xf32, #tpu.memory_space<vmem>>) target(%dma_start3A_152 : memref<16384xf32, #tpu.memory_space<hbm>>) target_semaphore(%run_scoped3A : memref<!tpu.dma_semaphore, #tpu.memory_space<semaphore_mem>>)
      %dma_wait3A = arith.constant 245760 : i32
      %dma_wait3A_153 = tpu.memref_slice %arg4[%mul3A_2, %dma_wait3A] : memref<64x262144xf32, #tpu.memory_space<hbm>> -> memref<1x16384xf32, #tpu.memory_space<hbm>>
      %dma_wait3A_154 = tpu.memref_squeeze %dma_wait3A_153 : memref<1x16384xf32, #tpu.memory_space<hbm>> -> memref<16384xf32, #tpu.memory_space<hbm>>
      %dma_wait3A_155 = arith.constant 245760 : i32
      %dma_wait3A_156 = tpu.memref_slice %arg4[%mul3A_2, %dma_wait3A_155] : memref<64x262144xf32, #tpu.memory_space<hbm>> -> memref<1x16384xf32, #tpu.memory_space<hbm>>
      %dma_wait3A_157 = tpu.memref_squeeze %dma_wait3A_156 : memref<1x16384xf32, #tpu.memory_space<hbm>> -> memref<16384xf32, #tpu.memory_space<hbm>>
      tpu.wait_dma2 semaphore(%run_scoped3A : memref<!tpu.dma_semaphore, #tpu.memory_space<semaphore_mem>>) src(%arg8 : memref<16384xf32, #tpu.memory_space<vmem>>) dst(%dma_wait3A_157 : memref<16384xf32, #tpu.memory_space<hbm>>)
      tpu.yield
    }) : () -> ()
    %add3A_146 = arith.constant 1 : i32
    %add3A_147 = arith.addi %mul3A_2, %add3A_146 : i32
    "tpu.region"() ({
      %run_scoped3A = tpu.sem_alloc : memref<!tpu.dma_semaphore, #tpu.memory_space<semaphore_mem>>
      %dma_start3A = arith.constant 245760 : i32
      %dma_start3A_148 = tpu.memref_slice %arg4[%add3A_147, %dma_start3A] : memref<64x262144xf32, #tpu.memory_space<hbm>> -> memref<1x16384xf32, #tpu.memory_space<hbm>>
      %dma_start3A_149 = tpu.memref_squeeze %dma_start3A_148 : memref<1x16384xf32, #tpu.memory_space<hbm>> -> memref<16384xf32, #tpu.memory_space<hbm>>
      %dma_start3A_150 = arith.constant 245760 : i32
      %dma_start3A_151 = tpu.memref_slice %arg4[%add3A_147, %dma_start3A_150] : memref<64x262144xf32, #tpu.memory_space<hbm>> -> memref<1x16384xf32, #tpu.memory_space<hbm>>
      %dma_start3A_152 = tpu.memref_squeeze %dma_start3A_151 : memref<1x16384xf32, #tpu.memory_space<hbm>> -> memref<16384xf32, #tpu.memory_space<hbm>>
      tpu.enqueue_dma source(%arg9 : memref<16384xf32, #tpu.memory_space<vmem>>) target(%dma_start3A_152 : memref<16384xf32, #tpu.memory_space<hbm>>) target_semaphore(%run_scoped3A : memref<!tpu.dma_semaphore, #tpu.memory_space<semaphore_mem>>)
      %dma_wait3A = arith.constant 245760 : i32
      %dma_wait3A_153 = tpu.memref_slice %arg4[%add3A_147, %dma_wait3A] : memref<64x262144xf32, #tpu.memory_space<hbm>> -> memref<1x16384xf32, #tpu.memory_space<hbm>>
      %dma_wait3A_154 = tpu.memref_squeeze %dma_wait3A_153 : memref<1x16384xf32, #tpu.memory_space<hbm>> -> memref<16384xf32, #tpu.memory_space<hbm>>
      %dma_wait3A_155 = arith.constant 245760 : i32
      %dma_wait3A_156 = tpu.memref_slice %arg4[%add3A_147, %dma_wait3A_155] : memref<64x262144xf32, #tpu.memory_space<hbm>> -> memref<1x16384xf32, #tpu.memory_space<hbm>>
      %dma_wait3A_157 = tpu.memref_squeeze %dma_wait3A_156 : memref<1x16384xf32, #tpu.memory_space<hbm>> -> memref<16384xf32, #tpu.memory_space<hbm>>
      tpu.wait_dma2 semaphore(%run_scoped3A : memref<!tpu.dma_semaphore, #tpu.memory_space<semaphore_mem>>) src(%arg9 : memref<16384xf32, #tpu.memory_space<vmem>>) dst(%dma_wait3A_157 : memref<16384xf32, #tpu.memory_space<hbm>>)
      tpu.yield
    }) : () -> ()
    return
  }
}

module attributes {stable_mosaic.version = 14 : i64} {
  func.func @_k1(%arg0: i32, %arg1: memref<2048x8xf32, #tpu.memory_space<vmem>>, %arg2: memref<8x64xf32, #tpu.memory_space<vmem>>, %arg3: memref<1x64xf32, #tpu.memory_space<vmem>>, %arg4: memref<2048x64xf32, #tpu.memory_space<vmem>>, %arg5: memref<2x64xf32, #tpu.memory_space<vmem>>) attributes {dimension_semantics = [#tpu.dimension_semantics<arbitrary>], iteration_bounds = array<i64: 8>, scalar_prefetch = 0 : i64, scratch_operands = 0 : i64, tpu.core_type = #tpu.core_type<tc>, window_params = [{transform_indices = @transform_0, window_bounds = array<i64: 2048, 8>}, {pipeline_mode = #tpu.pipeline_mode<synchronous>, transform_indices = @transform_1, window_bounds = array<i64: 8, 64>}, {pipeline_mode = #tpu.pipeline_mode<synchronous>, transform_indices = @transform_2, window_bounds = array<i64: 1, 64>}, {transform_indices = @transform_3, window_bounds = array<i64: 2048, 64>}, {pipeline_mode = #tpu.pipeline_mode<synchronous>, transform_indices = @transform_4, window_bounds = array<i64: 2, 64>}]} {
    %get3A = arith.constant 0 : index
    %get3A_0 = arith.constant 0 : index
    %get3A_1 = vector.load %arg1[%get3A, %get3A_0] : memref<2048x8xf32, #tpu.memory_space<vmem>>, vector<2048x8xf32>
    %get3A_2 = arith.constant 0 : index
    %get3A_3 = arith.constant 0 : index
    %get3A_4 = vector.load %arg2[%get3A_2, %get3A_3] : memref<8x64xf32, #tpu.memory_space<vmem>>, vector<8x64xf32>
    %convert_element_type3A = arith.truncf %get3A_1 : vector<2048x8xf32> to vector<2048x8xbf16>
    %convert_element_type3A_5 = arith.truncf %get3A_4 : vector<8x64xf32> to vector<8x64xbf16>
    %dot_general3A = arith.constant dense<0.000000e+00> : vector<2048x64xf32>
    %dot_general3A_6 = tpu.matmul %convert_element_type3A, %convert_element_type3A_5, %dot_general3A {dimension_numbers = #tpu.dot_dimension_numbers<[1], [0], [0], [1], [0, 0, 1, 1], [], []>, transpose_lhs_hint = false} : vector<2048x8xbf16>, vector<8x64xbf16>, vector<2048x64xf32> -> vector<2048x64xf32>
    %get3A_7 = arith.constant 0 : index
    %get3A_8 = arith.constant 0 : index
    %get3A_9 = vector.load %arg3[%get3A_7, %get3A_8] : memref<1x64xf32, #tpu.memory_space<vmem>>, vector<1x64xf32>
    %add3A = vector.broadcast %get3A_9 : vector<1x64xf32> to vector<2048x64xf32>
    %add3A_10 = arith.addf %dot_general3A_6, %add3A : vector<2048x64xf32>
    %swap3A = arith.constant 0 : index
    %swap3A_11 = arith.constant 0 : index
    %swap3A_12 = vector.load %arg4[%swap3A, %swap3A_11] : memref<2048x64xf32, #tpu.memory_space<vmem>>, vector<2048x64xf32>
    tpu.vector_store %arg4[%swap3A, %swap3A_11], %add3A_10 {strides = array<i32>} : memref<2048x64xf32, #tpu.memory_space<vmem>>, vector<2048x64xf32>,
    %eq3A = arith.constant 0 : i32
    %eq3A_13 = arith.cmpi eq, %arg0, %eq3A : i32
    %convert_element_type3A_14 = arith.extui %eq3A_13 : i1 to i32
    %cond3A = arith.constant 0 : i32
    %cond3A_15 = arith.cmpi ne, %convert_element_type3A_14, %cond3A : i32
    scf.if %cond3A_15 {
      %broadcast_in_dim3A_34 = arith.constant 0.000000e+00 : f32
      %broadcast_in_dim3A_35 = vector.broadcast %broadcast_in_dim3A_34 : f32 to vector<2x64xf32>
      %swap3A_36 = arith.constant 0 : index
      %swap3A_37 = arith.constant 0 : index
      %swap3A_38 = vector.load %arg5[%swap3A_36, %swap3A_37] : memref<2x64xf32, #tpu.memory_space<vmem>>, vector<2x64xf32>
      tpu.vector_store %arg5[%swap3A_36, %swap3A_37], %broadcast_in_dim3A_35 {strides = array<i32>} : memref<2x64xf32, #tpu.memory_space<vmem>>, vector<2x64xf32>,
    } else {
    }
    %get3A_16 = arith.constant 0 : index
    %get3A_17 = arith.constant 0 : index
    %get3A_18 = vector.load %arg5[%get3A_16, %get3A_17] : memref<2x64xf32, #tpu.memory_space<vmem>>, vector<1x64xf32>
    %reduce_sum3A = arith.constant dense<0.000000e+00> : vector<64xf32>
    %reduce_sum3A_19 = vector.multi_reduction <add>, %add3A_10, %reduce_sum3A [0] : vector<2048x64xf32> to vector<64xf32>
    %broadcast_in_dim3A = vector.shape_cast %reduce_sum3A_19 : vector<64xf32> to vector<1x64xf32>
    %add3A_20 = arith.addf %get3A_18, %broadcast_in_dim3A : vector<1x64xf32>
    %swap3A_21 = arith.constant 0 : index
    %swap3A_22 = arith.constant 0 : index
    %swap3A_23 = vector.load %arg5[%swap3A_21, %swap3A_22] : memref<2x64xf32, #tpu.memory_space<vmem>>, vector<1x64xf32>
    tpu.vector_store %arg5[%swap3A_21, %swap3A_22], %add3A_20 {strides = array<i32>} : memref<2x64xf32, #tpu.memory_space<vmem>>, vector<1x64xf32>,
    %get3A_24 = arith.constant 1 : index
    %get3A_25 = arith.constant 0 : index
    %get3A_26 = vector.load %arg5[%get3A_24, %get3A_25] : memref<2x64xf32, #tpu.memory_space<vmem>>, vector<1x64xf32>
    %mul3A = arith.mulf %add3A_10, %add3A_10 : vector<2048x64xf32>
    %reduce_sum3A_27 = arith.constant dense<0.000000e+00> : vector<64xf32>
    %reduce_sum3A_28 = vector.multi_reduction <add>, %mul3A, %reduce_sum3A_27 [0] : vector<2048x64xf32> to vector<64xf32>
    %broadcast_in_dim3A_29 = vector.shape_cast %reduce_sum3A_28 : vector<64xf32> to vector<1x64xf32>
    %add3A_30 = arith.addf %get3A_26, %broadcast_in_dim3A_29 : vector<1x64xf32>
    %swap3A_31 = arith.constant 1 : index
    %swap3A_32 = arith.constant 0 : index
    %swap3A_33 = vector.load %arg5[%swap3A_31, %swap3A_32] : memref<2x64xf32, #tpu.memory_space<vmem>>, vector<1x64xf32>
    tpu.vector_store %arg5[%swap3A_31, %swap3A_32], %add3A_30 {strides = array<i32>} : memref<2x64xf32, #tpu.memory_space<vmem>>, vector<1x64xf32>,
    return
  }
  func.func @transform_0(%arg0: i32) -> (i32, i32) {
    %c0_i32 = arith.constant 0 : i32
    %c0_i32_0 = arith.constant 0 : i32
    return %arg0, %c0_i32 : i32, i32
  }
  func.func @transform_1(%arg0: i32) -> (i32, i32) {
    %c0_i32 = arith.constant 0 : i32
    %c0_i32_0 = arith.constant 0 : i32
    %c0_i32_1 = arith.constant 0 : i32
    return %c0_i32, %c0_i32_0 : i32, i32
  }
  func.func @transform_2(%arg0: i32) -> (i32, i32) {
    %c0_i32 = arith.constant 0 : i32
    %c0_i32_0 = arith.constant 0 : i32
    %c0_i32_1 = arith.constant 0 : i32
    return %c0_i32, %c0_i32_0 : i32, i32
  }
  func.func @transform_3(%arg0: i32) -> (i32, i32) {
    %c0_i32 = arith.constant 0 : i32
    %c0_i32_0 = arith.constant 0 : i32
    return %arg0, %c0_i32 : i32, i32
  }
  func.func @transform_4(%arg0: i32) -> (i32, i32) {
    %c0_i32 = arith.constant 0 : i32
    %c0_i32_0 = arith.constant 0 : i32
    %c0_i32_1 = arith.constant 0 : i32
    return %c0_i32, %c0_i32_0 : i32, i32
  }
}

module attributes {stable_mosaic.version = 14 : i64} {
  func.func @_k2(%arg0: i32, %arg1: memref<2048x64xf32, #tpu.memory_space<vmem>>, %arg2: memref<2x64xf32, #tpu.memory_space<vmem>>, %arg3: memref<64x64xf32, #tpu.memory_space<vmem>>, %arg4: memref<1x64xf32, #tpu.memory_space<vmem>>, %arg5: memref<2048x64xf32, #tpu.memory_space<vmem>>, %arg6: memref<2x64xf32, #tpu.memory_space<vmem>>) attributes {dimension_semantics = [#tpu.dimension_semantics<arbitrary>], iteration_bounds = array<i64: 8>, scalar_prefetch = 0 : i64, scratch_operands = 0 : i64, tpu.core_type = #tpu.core_type<tc>, window_params = [{transform_indices = @transform_0, window_bounds = array<i64: 2048, 64>}, {pipeline_mode = #tpu.pipeline_mode<synchronous>, transform_indices = @transform_1, window_bounds = array<i64: 2, 64>}, {pipeline_mode = #tpu.pipeline_mode<synchronous>, transform_indices = @transform_2, window_bounds = array<i64: 64, 64>}, {pipeline_mode = #tpu.pipeline_mode<synchronous>, transform_indices = @transform_3, window_bounds = array<i64: 1, 64>}, {transform_indices = @transform_4, window_bounds = array<i64: 2048, 64>}, {pipeline_mode = #tpu.pipeline_mode<synchronous>, transform_indices = @transform_5, window_bounds = array<i64: 2, 64>}]} {
    %get3A = arith.constant 0 : index
    %get3A_0 = arith.constant 0 : index
    %get3A_1 = vector.load %arg1[%get3A, %get3A_0] : memref<2048x64xf32, #tpu.memory_space<vmem>>, vector<2048x64xf32>
    %get3A_2 = arith.constant 0 : index
    %get3A_3 = arith.constant 0 : index
    %get3A_4 = vector.load %arg2[%get3A_2, %get3A_3] : memref<2x64xf32, #tpu.memory_space<vmem>>, vector<1x64xf32>
    %mul3A = vector.broadcast %get3A_4 : vector<1x64xf32> to vector<2048x64xf32>
    %mul3A_5 = arith.mulf %get3A_1, %mul3A : vector<2048x64xf32>
    %get3A_6 = arith.constant 1 : index
    %get3A_7 = arith.constant 0 : index
    %get3A_8 = vector.load %arg2[%get3A_6, %get3A_7] : memref<2x64xf32, #tpu.memory_space<vmem>>, vector<1x64xf32>
    %add3A = vector.broadcast %get3A_8 : vector<1x64xf32> to vector<2048x64xf32>
    %add3A_9 = arith.addf %mul3A_5, %add3A : vector<2048x64xf32>
    %max3A = arith.constant 0.000000e+00 : f32
    %max3A_10 = vector.broadcast %max3A : f32 to vector<2048x64xf32>
    %max3A_11 = arith.maximumf %add3A_9, %max3A_10 : vector<2048x64xf32>
    %get3A_12 = arith.constant 0 : index
    %get3A_13 = arith.constant 0 : index
    %get3A_14 = vector.load %arg3[%get3A_12, %get3A_13] : memref<64x64xf32, #tpu.memory_space<vmem>>, vector<64x64xf32>
    %convert_element_type3A = arith.truncf %max3A_11 : vector<2048x64xf32> to vector<2048x64xbf16>
    %convert_element_type3A_15 = arith.truncf %get3A_14 : vector<64x64xf32> to vector<64x64xbf16>
    %dot_general3A = arith.constant dense<0.000000e+00> : vector<2048x64xf32>
    %dot_general3A_16 = tpu.matmul %convert_element_type3A, %convert_element_type3A_15, %dot_general3A {dimension_numbers = #tpu.dot_dimension_numbers<[1], [0], [0], [1], [0, 0, 1, 1], [], []>, transpose_lhs_hint = false} : vector<2048x64xbf16>, vector<64x64xbf16>, vector<2048x64xf32> -> vector<2048x64xf32>
    %get3A_17 = arith.constant 0 : index
    %get3A_18 = arith.constant 0 : index
    %get3A_19 = vector.load %arg4[%get3A_17, %get3A_18] : memref<1x64xf32, #tpu.memory_space<vmem>>, vector<1x64xf32>
    %add3A_20 = vector.broadcast %get3A_19 : vector<1x64xf32> to vector<2048x64xf32>
    %add3A_21 = arith.addf %dot_general3A_16, %add3A_20 : vector<2048x64xf32>
    %swap3A = arith.constant 0 : index
    %swap3A_22 = arith.constant 0 : index
    %swap3A_23 = vector.load %arg5[%swap3A, %swap3A_22] : memref<2048x64xf32, #tpu.memory_space<vmem>>, vector<2048x64xf32>
    tpu.vector_store %arg5[%swap3A, %swap3A_22], %add3A_21 {strides = array<i32>} : memref<2048x64xf32, #tpu.memory_space<vmem>>, vector<2048x64xf32>,
    %eq3A = arith.constant 0 : i32
    %eq3A_24 = arith.cmpi eq, %arg0, %eq3A : i32
    %convert_element_type3A_25 = arith.extui %eq3A_24 : i1 to i32
    %cond3A = arith.constant 0 : i32
    %cond3A_26 = arith.cmpi ne, %convert_element_type3A_25, %cond3A : i32
    scf.if %cond3A_26 {
      %broadcast_in_dim3A_46 = arith.constant 0.000000e+00 : f32
      %broadcast_in_dim3A_47 = vector.broadcast %broadcast_in_dim3A_46 : f32 to vector<2x64xf32>
      %swap3A_48 = arith.constant 0 : index
      %swap3A_49 = arith.constant 0 : index
      %swap3A_50 = vector.load %arg6[%swap3A_48, %swap3A_49] : memref<2x64xf32, #tpu.memory_space<vmem>>, vector<2x64xf32>
      tpu.vector_store %arg6[%swap3A_48, %swap3A_49], %broadcast_in_dim3A_47 {strides = array<i32>} : memref<2x64xf32, #tpu.memory_space<vmem>>, vector<2x64xf32>,
    } else {
    }
    %get3A_27 = arith.constant 0 : index
    %get3A_28 = arith.constant 0 : index
    %get3A_29 = vector.load %arg6[%get3A_27, %get3A_28] : memref<2x64xf32, #tpu.memory_space<vmem>>, vector<1x64xf32>
    %reduce_sum3A = arith.constant dense<0.000000e+00> : vector<64xf32>
    %reduce_sum3A_30 = vector.multi_reduction <add>, %add3A_21, %reduce_sum3A [0] : vector<2048x64xf32> to vector<64xf32>
    %broadcast_in_dim3A = vector.shape_cast %reduce_sum3A_30 : vector<64xf32> to vector<1x64xf32>
    %add3A_31 = arith.addf %get3A_29, %broadcast_in_dim3A : vector<1x64xf32>
    %swap3A_32 = arith.constant 0 : index
    %swap3A_33 = arith.constant 0 : index
    %swap3A_34 = vector.load %arg6[%swap3A_32, %swap3A_33] : memref<2x64xf32, #tpu.memory_space<vmem>>, vector<1x64xf32>
    tpu.vector_store %arg6[%swap3A_32, %swap3A_33], %add3A_31 {strides = array<i32>} : memref<2x64xf32, #tpu.memory_space<vmem>>, vector<1x64xf32>,
    %get3A_35 = arith.constant 1 : index
    %get3A_36 = arith.constant 0 : index
    %get3A_37 = vector.load %arg6[%get3A_35, %get3A_36] : memref<2x64xf32, #tpu.memory_space<vmem>>, vector<1x64xf32>
    %mul3A_38 = arith.mulf %add3A_21, %add3A_21 : vector<2048x64xf32>
    %reduce_sum3A_39 = arith.constant dense<0.000000e+00> : vector<64xf32>
    %reduce_sum3A_40 = vector.multi_reduction <add>, %mul3A_38, %reduce_sum3A_39 [0] : vector<2048x64xf32> to vector<64xf32>
    %broadcast_in_dim3A_41 = vector.shape_cast %reduce_sum3A_40 : vector<64xf32> to vector<1x64xf32>
    %add3A_42 = arith.addf %get3A_37, %broadcast_in_dim3A_41 : vector<1x64xf32>
    %swap3A_43 = arith.constant 1 : index
    %swap3A_44 = arith.constant 0 : index
    %swap3A_45 = vector.load %arg6[%swap3A_43, %swap3A_44] : memref<2x64xf32, #tpu.memory_space<vmem>>, vector<1x64xf32>
    tpu.vector_store %arg6[%swap3A_43, %swap3A_44], %add3A_42 {strides = array<i32>} : memref<2x64xf32, #tpu.memory_space<vmem>>, vector<1x64xf32>,
    return
  }
  func.func @transform_0(%arg0: i32) -> (i32, i32) {
    %c0_i32 = arith.constant 0 : i32
    %c0_i32_0 = arith.constant 0 : i32
    return %arg0, %c0_i32 : i32, i32
  }
  func.func @transform_1(%arg0: i32) -> (i32, i32) {
    %c0_i32 = arith.constant 0 : i32
    %c0_i32_0 = arith.constant 0 : i32
    %c0_i32_1 = arith.constant 0 : i32
    return %c0_i32, %c0_i32_0 : i32, i32
  }
  func.func @transform_2(%arg0: i32) -> (i32, i32) {
    %c0_i32 = arith.constant 0 : i32
    %c0_i32_0 = arith.constant 0 : i32
    %c0_i32_1 = arith.constant 0 : i32
    return %c0_i32, %c0_i32_0 : i32, i32
  }
  func.func @transform_3(%arg0: i32) -> (i32, i32) {
    %c0_i32 = arith.constant 0 : i32
    %c0_i32_0 = arith.constant 0 : i32
    %c0_i32_1 = arith.constant 0 : i32
    return %c0_i32, %c0_i32_0 : i32, i32
  }
  func.func @transform_4(%arg0: i32) -> (i32, i32) {
    %c0_i32 = arith.constant 0 : i32
    %c0_i32_0 = arith.constant 0 : i32
    return %arg0, %c0_i32 : i32, i32
  }
  func.func @transform_5(%arg0: i32) -> (i32, i32) {
    %c0_i32 = arith.constant 0 : i32
    %c0_i32_0 = arith.constant 0 : i32
    %c0_i32_1 = arith.constant 0 : i32
    return %c0_i32, %c0_i32_0 : i32, i32
  }
}

module attributes {stable_mosaic.version = 14 : i64} {
  func.func @_k3(%arg0: i32, %arg1: memref<2048x64xf32, #tpu.memory_space<vmem>>, %arg2: memref<2048x8xf32, #tpu.memory_space<vmem>>, %arg3: memref<7x64xf32, #tpu.memory_space<vmem>>, %arg4: memref<8x64xf32, #tpu.memory_space<vmem>>, %arg5: memref<8x64xf32, #tpu.memory_space<vmem>>, %arg6: memref<64x64xf32, #tpu.memory_space<vmem>>, %arg7: memref<64x64xf32, #tpu.memory_space<vmem>>, %arg8: memref<64x32xf32, #tpu.memory_space<vmem>>, %arg9: memref<64x64xf32, #tpu.memory_space<vmem>>, %arg10: memref<2048x64xf32, #tpu.memory_space<vmem>>, %arg11: memref<2048x64xf32, #tpu.memory_space<vmem>>, %arg12: memref<2048x64xf32, #tpu.memory_space<vmem>>, %arg13: memref<2048x64xf32, #tpu.memory_space<vmem>>, %arg14: memref<2048x32xf32, #tpu.memory_space<vmem>>, %arg15: memref<2x32xf32, #tpu.memory_space<vmem>>) attributes {dimension_semantics = [#tpu.dimension_semantics<arbitrary>], iteration_bounds = array<i64: 8>, scalar_prefetch = 0 : i64, scratch_operands = 0 : i64, tpu.core_type = #tpu.core_type<tc>, window_params = [{transform_indices = @transform_0, window_bounds = array<i64: 2048, 64>}, {transform_indices = @transform_1, window_bounds = array<i64: 2048, 8>}, {pipeline_mode = #tpu.pipeline_mode<synchronous>, transform_indices = @transform_2, window_bounds = array<i64: 7, 64>}, {pipeline_mode = #tpu.pipeline_mode<synchronous>, transform_indices = @transform_3, window_bounds = array<i64: 8, 64>}, {pipeline_mode = #tpu.pipeline_mode<synchronous>, transform_indices = @transform_4, window_bounds = array<i64: 8, 64>}, {pipeline_mode = #tpu.pipeline_mode<synchronous>, transform_indices = @transform_5, window_bounds = array<i64: 64, 64>}, {pipeline_mode = #tpu.pipeline_mode<synchronous>, transform_indices = @transform_6, window_bounds = array<i64: 64, 64>}, {pipeline_mode = #tpu.pipeline_mode<synchronous>, transform_indices = @transform_7, window_bounds = array<i64: 64, 32>}, {pipeline_mode = #tpu.pipeline_mode<synchronous>, transform_indices = @transform_8, window_bounds = array<i64: 64, 64>}, {transform_indices = @transform_9, window_bounds = array<i64: 2048, 64>}, {transform_indices = @transform_10, window_bounds = array<i64: 2048, 64>}, {transform_indices = @transform_11, window_bounds = array<i64: 2048, 64>}, {transform_indices = @transform_12, window_bounds = array<i64: 2048, 64>}, {transform_indices = @transform_13, window_bounds = array<i64: 2048, 32>}, {pipeline_mode = #tpu.pipeline_mode<synchronous>, transform_indices = @transform_14, window_bounds = array<i64: 2, 32>}]} {
    %get3A = arith.constant 0 : index
    %get3A_0 = arith.constant 0 : index
    %get3A_1 = vector.load %arg1[%get3A, %get3A_0] : memref<2048x64xf32, #tpu.memory_space<vmem>>, vector<2048x64xf32>
    %get3A_2 = arith.constant 0 : index
    %get3A_3 = arith.constant 0 : index
    %get3A_4 = vector.load %arg3[%get3A_2, %get3A_3] : memref<7x64xf32, #tpu.memory_space<vmem>>, vector<1x64xf32>
    %mul3A = vector.broadcast %get3A_4 : vector<1x64xf32> to vector<2048x64xf32>
    %mul3A_5 = arith.mulf %get3A_1, %mul3A : vector<2048x64xf32>
    %get3A_6 = arith.constant 1 : index
    %get3A_7 = arith.constant 0 : index
    %get3A_8 = vector.load %arg3[%get3A_6, %get3A_7] : memref<7x64xf32, #tpu.memory_space<vmem>>, vector<1x64xf32>
    %add3A = vector.broadcast %get3A_8 : vector<1x64xf32> to vector<2048x64xf32>
    %add3A_9 = arith.addf %mul3A_5, %add3A : vector<2048x64xf32>
    %max3A = arith.constant 0.000000e+00 : f32
    %max3A_10 = vector.broadcast %max3A : f32 to vector<2048x64xf32>
    %max3A_11 = arith.maximumf %add3A_9, %max3A_10 : vector<2048x64xf32>
    %get3A_12 = arith.constant 0 : index
    %get3A_13 = arith.constant 0 : index
    %get3A_14 = vector.load %arg2[%get3A_12, %get3A_13] : memref<2048x8xf32, #tpu.memory_space<vmem>>, vector<2048x8xf32>
    %get3A_15 = arith.constant 0 : index
    %get3A_16 = arith.constant 0 : index
    %get3A_17 = vector.load %arg4[%get3A_15, %get3A_16] : memref<8x64xf32, #tpu.memory_space<vmem>>, vector<8x64xf32>
    %convert_element_type3A = arith.truncf %get3A_14 : vector<2048x8xf32> to vector<2048x8xbf16>
    %convert_element_type3A_18 = arith.truncf %get3A_17 : vector<8x64xf32> to vector<8x64xbf16>
    %dot_general3A = arith.constant dense<0.000000e+00> : vector<2048x64xf32>
    %dot_general3A_19 = tpu.matmul %convert_element_type3A, %convert_element_type3A_18, %dot_general3A {dimension_numbers = #tpu.dot_dimension_numbers<[1], [0], [0], [1], [0, 0, 1, 1], [], []>, transpose_lhs_hint = false} : vector<2048x8xbf16>, vector<8x64xbf16>, vector<2048x64xf32> -> vector<2048x64xf32>
    %get3A_20 = arith.constant 2 : index
    %get3A_21 = arith.constant 0 : index
    %get3A_22 = vector.load %arg3[%get3A_20, %get3A_21] : memref<7x64xf32, #tpu.memory_space<vmem>>, vector<1x64xf32>
    %add3A_23 = vector.broadcast %get3A_22 : vector<1x64xf32> to vector<2048x64xf32>
    %add3A_24 = arith.addf %dot_general3A_19, %add3A_23 : vector<2048x64xf32>
    %get3A_25 = arith.constant 0 : index
    %get3A_26 = arith.constant 0 : index
    %get3A_27 = vector.load %arg5[%get3A_25, %get3A_26] : memref<8x64xf32, #tpu.memory_space<vmem>>, vector<8x64xf32>
    %convert_element_type3A_28 = arith.truncf %get3A_14 : vector<2048x8xf32> to vector<2048x8xbf16>
    %convert_element_type3A_29 = arith.truncf %get3A_27 : vector<8x64xf32> to vector<8x64xbf16>
    %dot_general3A_30 = arith.constant dense<0.000000e+00> : vector<2048x64xf32>
    %dot_general3A_31 = tpu.matmul %convert_element_type3A_28, %convert_element_type3A_29, %dot_general3A_30 {dimension_numbers = #tpu.dot_dimension_numbers<[1], [0], [0], [1], [0, 0, 1, 1], [], []>, transpose_lhs_hint = false} : vector<2048x8xbf16>, vector<8x64xbf16>, vector<2048x64xf32> -> vector<2048x64xf32>
    %get3A_32 = arith.constant 3 : index
    %get3A_33 = arith.constant 0 : index
    %get3A_34 = vector.load %arg3[%get3A_32, %get3A_33] : memref<7x64xf32, #tpu.memory_space<vmem>>, vector<1x64xf32>
    %add3A_35 = vector.broadcast %get3A_34 : vector<1x64xf32> to vector<2048x64xf32>
    %add3A_36 = arith.addf %dot_general3A_31, %add3A_35 : vector<2048x64xf32>
    %add3A_37 = arith.constant 1.000000e+00 : f32
    %add3A_38 = vector.broadcast %add3A_37 : f32 to vector<2048x64xf32>
    %add3A_39 = arith.addf %add3A_24, %add3A_38 : vector<2048x64xf32>
    %mul3A_40 = arith.mulf %max3A_11, %add3A_39 : vector<2048x64xf32>
    %add3A_41 = arith.addf %mul3A_40, %add3A_36 : vector<2048x64xf32>
    %swap3A = arith.constant 0 : index
    %swap3A_42 = arith.constant 0 : index
    %swap3A_43 = vector.load %arg10[%swap3A, %swap3A_42] : memref<2048x64xf32, #tpu.memory_space<vmem>>, vector<2048x64xf32>
    tpu.vector_store %arg10[%swap3A, %swap3A_42], %add3A_41 {strides = array<i32>} : memref<2048x64xf32, #tpu.memory_space<vmem>>, vector<2048x64xf32>,
    %get3A_44 = arith.constant 0 : index
    %get3A_45 = arith.constant 0 : index
    %get3A_46 = vector.load %arg6[%get3A_44, %get3A_45] : memref<64x64xf32, #tpu.memory_space<vmem>>, vector<64x64xf32>
    %convert_element_type3A_47 = arith.truncf %add3A_41 : vector<2048x64xf32> to vector<2048x64xbf16>
    %convert_element_type3A_48 = arith.truncf %get3A_46 : vector<64x64xf32> to vector<64x64xbf16>
    %dot_general3A_49 = arith.constant dense<0.000000e+00> : vector<2048x64xf32>
    %dot_general3A_50 = tpu.matmul %convert_element_type3A_47, %convert_element_type3A_48, %dot_general3A_49 {dimension_numbers = #tpu.dot_dimension_numbers<[1], [0], [0], [1], [0, 0, 1, 1], [], []>, transpose_lhs_hint = false} : vector<2048x64xbf16>, vector<64x64xbf16>, vector<2048x64xf32> -> vector<2048x64xf32>
    %get3A_51 = arith.constant 4 : index
    %get3A_52 = arith.constant 0 : index
    %get3A_53 = vector.load %arg3[%get3A_51, %get3A_52] : memref<7x64xf32, #tpu.memory_space<vmem>>, vector<1x64xf32>
    %add3A_54 = vector.broadcast %get3A_53 : vector<1x64xf32> to vector<2048x64xf32>
    %add3A_55 = arith.addf %dot_general3A_50, %add3A_54 : vector<2048x64xf32>
    %swap3A_56 = arith.constant 0 : index
    %swap3A_57 = arith.constant 0 : index
    %swap3A_58 = vector.load %arg11[%swap3A_56, %swap3A_57] : memref<2048x64xf32, #tpu.memory_space<vmem>>, vector<2048x64xf32>
    tpu.vector_store %arg11[%swap3A_56, %swap3A_57], %add3A_55 {strides = array<i32>} : memref<2048x64xf32, #tpu.memory_space<vmem>>, vector<2048x64xf32>,
    %get3A_59 = arith.constant 0 : index
    %get3A_60 = arith.constant 0 : index
    %get3A_61 = vector.load %arg7[%get3A_59, %get3A_60] : memref<64x64xf32, #tpu.memory_space<vmem>>, vector<64x64xf32>
    %convert_element_type3A_62 = arith.truncf %add3A_41 : vector<2048x64xf32> to vector<2048x64xbf16>
    %convert_element_type3A_63 = arith.truncf %get3A_61 : vector<64x64xf32> to vector<64x64xbf16>
    %dot_general3A_64 = arith.constant dense<0.000000e+00> : vector<2048x64xf32>
    %dot_general3A_65 = tpu.matmul %convert_element_type3A_62, %convert_element_type3A_63, %dot_general3A_64 {dimension_numbers = #tpu.dot_dimension_numbers<[1], [0], [0], [1], [0, 0, 1, 1], [], []>, transpose_lhs_hint = false} : vector<2048x64xbf16>, vector<64x64xbf16>, vector<2048x64xf32> -> vector<2048x64xf32>
    %get3A_66 = arith.constant 5 : index
    %get3A_67 = arith.constant 0 : index
    %get3A_68 = vector.load %arg3[%get3A_66, %get3A_67] : memref<7x64xf32, #tpu.memory_space<vmem>>, vector<1x64xf32>
    %add3A_69 = vector.broadcast %get3A_68 : vector<1x64xf32> to vector<2048x64xf32>
    %add3A_70 = arith.addf %dot_general3A_65, %add3A_69 : vector<2048x64xf32>
    %swap3A_71 = arith.constant 0 : index
    %swap3A_72 = arith.constant 0 : index
    %swap3A_73 = vector.load %arg12[%swap3A_71, %swap3A_72] : memref<2048x64xf32, #tpu.memory_space<vmem>>, vector<2048x64xf32>
    tpu.vector_store %arg12[%swap3A_71, %swap3A_72], %add3A_70 {strides = array<i32>} : memref<2048x64xf32, #tpu.memory_space<vmem>>, vector<2048x64xf32>,
    %get3A_74 = arith.constant 0 : index
    %get3A_75 = arith.constant 0 : index
    %get3A_76 = vector.load %arg9[%get3A_74, %get3A_75] : memref<64x64xf32, #tpu.memory_space<vmem>>, vector<64x64xf32>
    %dot_general3A_77 = arith.constant dense<0.000000e+00> : vector<2048x64xf32>
    %dot_general3A_78 = tpu.matmul %add3A_55, %get3A_76, %dot_general3A_77 {dimension_numbers = #tpu.dot_dimension_numbers<[1], [0], [0], [1], [0, 0, 1, 1], [], []>, precision = #tpu.contract_precision<fp32>, transpose_lhs_hint = false} : vector<2048x64xf32>, vector<64x64xf32>, vector<2048x64xf32> -> vector<2048x64xf32>
    %swap3A_79 = arith.constant 0 : index
    %swap3A_80 = arith.constant 0 : index
    %swap3A_81 = vector.load %arg13[%swap3A_79, %swap3A_80] : memref<2048x64xf32, #tpu.memory_space<vmem>>, vector<2048x64xf32>
    tpu.vector_store %arg13[%swap3A_79, %swap3A_80], %dot_general3A_78 {strides = array<i32>} : memref<2048x64xf32, #tpu.memory_space<vmem>>, vector<2048x64xf32>,
    %get3A_82 = arith.constant 0 : index
    %get3A_83 = arith.constant 0 : index
    %get3A_84 = vector.load %arg8[%get3A_82, %get3A_83] : memref<64x32xf32, #tpu.memory_space<vmem>>, vector<64x32xf32>
    %convert_element_type3A_85 = arith.truncf %add3A_41 : vector<2048x64xf32> to vector<2048x64xbf16>
    %convert_element_type3A_86 = arith.truncf %get3A_84 : vector<64x32xf32> to vector<64x32xbf16>
    %dot_general3A_87 = arith.constant dense<0.000000e+00> : vector<2048x32xf32>
    %dot_general3A_88 = tpu.matmul %convert_element_type3A_85, %convert_element_type3A_86, %dot_general3A_87 {dimension_numbers = #tpu.dot_dimension_numbers<[1], [0], [0], [1], [0, 0, 1, 1], [], []>, transpose_lhs_hint = false} : vector<2048x64xbf16>, vector<64x32xbf16>, vector<2048x32xf32> -> vector<2048x32xf32>
    %get3A_89 = arith.constant 6 : index
    %get3A_90 = arith.constant 0 : index
    %get3A_91 = vector.load %arg3[%get3A_89, %get3A_90] : memref<7x64xf32, #tpu.memory_space<vmem>>, vector<1x32xf32>
    %add3A_92 = vector.broadcast %get3A_91 : vector<1x32xf32> to vector<2048x32xf32>
    %add3A_93 = arith.addf %dot_general3A_88, %add3A_92 : vector<2048x32xf32>
    %swap3A_94 = arith.constant 0 : index
    %swap3A_95 = arith.constant 0 : index
    %swap3A_96 = vector.load %arg14[%swap3A_94, %swap3A_95] : memref<2048x32xf32, #tpu.memory_space<vmem>>, vector<2048x32xf32>
    tpu.vector_store %arg14[%swap3A_94, %swap3A_95], %add3A_93 {strides = array<i32>} : memref<2048x32xf32, #tpu.memory_space<vmem>>, vector<2048x32xf32>,
    %eq3A = arith.constant 0 : i32
    %eq3A_97 = arith.cmpi eq, %arg0, %eq3A : i32
    %convert_element_type3A_98 = arith.extui %eq3A_97 : i1 to i32
    %cond3A = arith.constant 0 : i32
    %cond3A_99 = arith.cmpi ne, %convert_element_type3A_98, %cond3A : i32
    scf.if %cond3A_99 {
      %broadcast_in_dim3A_119 = arith.constant 0.000000e+00 : f32
      %broadcast_in_dim3A_120 = vector.broadcast %broadcast_in_dim3A_119 : f32 to vector<2x32xf32>
      %swap3A_121 = arith.constant 0 : index
      %swap3A_122 = arith.constant 0 : index
      %swap3A_123 = vector.load %arg15[%swap3A_121, %swap3A_122] : memref<2x32xf32, #tpu.memory_space<vmem>>, vector<2x32xf32>
      tpu.vector_store %arg15[%swap3A_121, %swap3A_122], %broadcast_in_dim3A_120 {strides = array<i32>} : memref<2x32xf32, #tpu.memory_space<vmem>>, vector<2x32xf32>,
    } else {
    }
    %get3A_100 = arith.constant 0 : index
    %get3A_101 = arith.constant 0 : index
    %get3A_102 = vector.load %arg15[%get3A_100, %get3A_101] : memref<2x32xf32, #tpu.memory_space<vmem>>, vector<1x32xf32>
    %reduce_sum3A = arith.constant dense<0.000000e+00> : vector<32xf32>
    %reduce_sum3A_103 = vector.multi_reduction <add>, %add3A_93, %reduce_sum3A [0] : vector<2048x32xf32> to vector<32xf32>
    %broadcast_in_dim3A = vector.shape_cast %reduce_sum3A_103 : vector<32xf32> to vector<1x32xf32>
    %add3A_104 = arith.addf %get3A_102, %broadcast_in_dim3A : vector<1x32xf32>
    %swap3A_105 = arith.constant 0 : index
    %swap3A_106 = arith.constant 0 : index
    %swap3A_107 = vector.load %arg15[%swap3A_105, %swap3A_106] : memref<2x32xf32, #tpu.memory_space<vmem>>, vector<1x32xf32>
    tpu.vector_store %arg15[%swap3A_105, %swap3A_106], %add3A_104 {strides = array<i32>} : memref<2x32xf32, #tpu.memory_space<vmem>>, vector<1x32xf32>,
    %get3A_108 = arith.constant 1 : index
    %get3A_109 = arith.constant 0 : index
    %get3A_110 = vector.load %arg15[%get3A_108, %get3A_109] : memref<2x32xf32, #tpu.memory_space<vmem>>, vector<1x32xf32>
    %mul3A_111 = arith.mulf %add3A_93, %add3A_93 : vector<2048x32xf32>
    %reduce_sum3A_112 = arith.constant dense<0.000000e+00> : vector<32xf32>
    %reduce_sum3A_113 = vector.multi_reduction <add>, %mul3A_111, %reduce_sum3A_112 [0] : vector<2048x32xf32> to vector<32xf32>
    %broadcast_in_dim3A_114 = vector.shape_cast %reduce_sum3A_113 : vector<32xf32> to vector<1x32xf32>
    %add3A_115 = arith.addf %get3A_110, %broadcast_in_dim3A_114 : vector<1x32xf32>
    %swap3A_116 = arith.constant 1 : index
    %swap3A_117 = arith.constant 0 : index
    %swap3A_118 = vector.load %arg15[%swap3A_116, %swap3A_117] : memref<2x32xf32, #tpu.memory_space<vmem>>, vector<1x32xf32>
    tpu.vector_store %arg15[%swap3A_116, %swap3A_117], %add3A_115 {strides = array<i32>} : memref<2x32xf32, #tpu.memory_space<vmem>>, vector<1x32xf32>,
    return
  }
  func.func @transform_0(%arg0: i32) -> (i32, i32) {
    %c0_i32 = arith.constant 0 : i32
    %c0_i32_0 = arith.constant 0 : i32
    return %arg0, %c0_i32 : i32, i32
  }
  func.func @transform_1(%arg0: i32) -> (i32, i32) {
    %c0_i32 = arith.constant 0 : i32
    %c0_i32_0 = arith.constant 0 : i32
    return %arg0, %c0_i32 : i32, i32
  }
  func.func @transform_2(%arg0: i32) -> (i32, i32) {
    %c0_i32 = arith.constant 0 : i32
    %c0_i32_0 = arith.constant 0 : i32
    %c0_i32_1 = arith.constant 0 : i32
    return %c0_i32, %c0_i32_0 : i32, i32
  }
  func.func @transform_3(%arg0: i32) -> (i32, i32) {
    %c0_i32 = arith.constant 0 : i32
    %c0_i32_0 = arith.constant 0 : i32
    %c0_i32_1 = arith.constant 0 : i32
    return %c0_i32, %c0_i32_0 : i32, i32
  }
  func.func @transform_4(%arg0: i32) -> (i32, i32) {
    %c0_i32 = arith.constant 0 : i32
    %c0_i32_0 = arith.constant 0 : i32
    %c0_i32_1 = arith.constant 0 : i32
    return %c0_i32, %c0_i32_0 : i32, i32
  }
  func.func @transform_5(%arg0: i32) -> (i32, i32) {
    %c0_i32 = arith.constant 0 : i32
    %c0_i32_0 = arith.constant 0 : i32
    %c0_i32_1 = arith.constant 0 : i32
    return %c0_i32, %c0_i32_0 : i32, i32
  }
  func.func @transform_6(%arg0: i32) -> (i32, i32) {
    %c0_i32 = arith.constant 0 : i32
    %c0_i32_0 = arith.constant 0 : i32
    %c0_i32_1 = arith.constant 0 : i32
    return %c0_i32, %c0_i32_0 : i32, i32
  }
  func.func @transform_7(%arg0: i32) -> (i32, i32) {
    %c0_i32 = arith.constant 0 : i32
    %c0_i32_0 = arith.constant 0 : i32
    %c0_i32_1 = arith.constant 0 : i32
    return %c0_i32, %c0_i32_0 : i32, i32
  }
  func.func @transform_8(%arg0: i32) -> (i32, i32) {
    %c0_i32 = arith.constant 0 : i32
    %c0_i32_0 = arith.constant 0 : i32
    %c0_i32_1 = arith.constant 0 : i32
    return %c0_i32, %c0_i32_0 : i32, i32
  }
  func.func @transform_9(%arg0: i32) -> (i32, i32) {
    %c0_i32 = arith.constant 0 : i32
    %c0_i32_0 = arith.constant 0 : i32
    return %arg0, %c0_i32 : i32, i32
  }
  func.func @transform_10(%arg0: i32) -> (i32, i32) {
    %c0_i32 = arith.constant 0 : i32
    %c0_i32_0 = arith.constant 0 : i32
    return %arg0, %c0_i32 : i32, i32
  }
  func.func @transform_11(%arg0: i32) -> (i32, i32) {
    %c0_i32 = arith.constant 0 : i32
    %c0_i32_0 = arith.constant 0 : i32
    return %arg0, %c0_i32 : i32, i32
  }
  func.func @transform_12(%arg0: i32) -> (i32, i32) {
    %c0_i32 = arith.constant 0 : i32
    %c0_i32_0 = arith.constant 0 : i32
    return %arg0, %c0_i32 : i32, i32
  }
  func.func @transform_13(%arg0: i32) -> (i32, i32) {
    %c0_i32 = arith.constant 0 : i32
    %c0_i32_0 = arith.constant 0 : i32
    return %arg0, %c0_i32 : i32, i32
  }
  func.func @transform_14(%arg0: i32) -> (i32, i32) {
    %c0_i32 = arith.constant 0 : i32
    %c0_i32_0 = arith.constant 0 : i32
    %c0_i32_1 = arith.constant 0 : i32
    return %c0_i32, %c0_i32_0 : i32, i32
  }
}

module attributes {stable_mosaic.version = 14 : i64} {
  func.func @_k5(%arg0: i32, %arg1: i32, %arg2: memref<1x256x8xf32, #tpu.memory_space<vmem>>, %arg3: memref<1x8x4096xf32, #tpu.memory_space<vmem>>, %arg4: memref<1x256x64xf32, #tpu.memory_space<vmem>>, %arg5: memref<1x64x4096xf32, #tpu.memory_space<vmem>>, %arg6: memref<1x256x16xi32, #tpu.memory_space<vmem>>, %arg7: memref<1x256x16xi32, #tpu.memory_space<vmem>>, %arg8: memref<1x256x16xf32, #tpu.memory_space<vmem>>) attributes {dimension_semantics = [#tpu.dimension_semantics<arbitrary>, #tpu.dimension_semantics<arbitrary>], iteration_bounds = array<i64: 4, 16>, scalar_prefetch = 0 : i64, scratch_operands = 0 : i64, tpu.core_type = #tpu.core_type<tc>, window_params = [{transform_indices = @transform_0, window_bounds = array<i64: 1, 256, 8>}, {transform_indices = @transform_1, window_bounds = array<i64: 1, 8, 4096>}, {transform_indices = @transform_2, window_bounds = array<i64: 1, 256, 64>}, {transform_indices = @transform_3, window_bounds = array<i64: 1, 64, 4096>}, {transform_indices = @transform_4, window_bounds = array<i64: 1, 256, 16>}, {transform_indices = @transform_5, window_bounds = array<i64: 1, 256, 16>}, {transform_indices = @transform_6, window_bounds = array<i64: 1, 256, 16>}]} {
    %get3A = arith.constant 0 : index
    %get3A_0 = arith.constant 0 : index
    %get3A_1 = arith.constant 0 : index
    %get3A_2 = vector.load %arg2[%get3A, %get3A_0, %get3A_1] : memref<1x256x8xf32, #tpu.memory_space<vmem>>, vector<1x256x8xf32>
    %get3A_3 = vector.shape_cast %get3A_2 : vector<1x256x8xf32> to vector<256x8xf32>
    %get3A_4 = arith.constant 0 : index
    %get3A_5 = arith.constant 0 : index
    %get3A_6 = arith.constant 0 : index
    %get3A_7 = vector.load %arg3[%get3A_4, %get3A_5, %get3A_6] : memref<1x8x4096xf32, #tpu.memory_space<vmem>>, vector<1x8x4096xf32>
    %get3A_8 = vector.shape_cast %get3A_7 : vector<1x8x4096xf32> to vector<8x4096xf32>
    %slice3A = vector.extract_strided_slice %get3A_3 {offsets = [0, 0], sizes = [256, 1], strides = [1, 1]} : vector<256x8xf32> to vector<256x1xf32>
    %slice3A_9 = vector.extract_strided_slice %get3A_3 {offsets = [0, 0], sizes = [256, 1], strides = [1, 1]} : vector<256x8xf32> to vector<256x1xf32>
    %mul3A = arith.mulf %slice3A, %slice3A_9 : vector<256x1xf32>
    %slice3A_10 = vector.extract_strided_slice %get3A_3 {offsets = [0, 1], sizes = [256, 1], strides = [1, 1]} : vector<256x8xf32> to vector<256x1xf32>
    %slice3A_11 = vector.extract_strided_slice %get3A_3 {offsets = [0, 1], sizes = [256, 1], strides = [1, 1]} : vector<256x8xf32> to vector<256x1xf32>
    %mul3A_12 = arith.mulf %slice3A_10, %slice3A_11 : vector<256x1xf32>
    %add3A = arith.addf %mul3A, %mul3A_12 : vector<256x1xf32>
    %slice3A_13 = vector.extract_strided_slice %get3A_3 {offsets = [0, 2], sizes = [256, 1], strides = [1, 1]} : vector<256x8xf32> to vector<256x1xf32>
    %slice3A_14 = vector.extract_strided_slice %get3A_3 {offsets = [0, 2], sizes = [256, 1], strides = [1, 1]} : vector<256x8xf32> to vector<256x1xf32>
    %mul3A_15 = arith.mulf %slice3A_13, %slice3A_14 : vector<256x1xf32>
    %add3A_16 = arith.addf %add3A, %mul3A_15 : vector<256x1xf32>
    %slice3A_17 = vector.extract_strided_slice %get3A_8 {offsets = [0, 0], sizes = [1, 4096], strides = [1, 1]} : vector<8x4096xf32> to vector<1x4096xf32>
    %slice3A_18 = vector.extract_strided_slice %get3A_8 {offsets = [0, 0], sizes = [1, 4096], strides = [1, 1]} : vector<8x4096xf32> to vector<1x4096xf32>
    %mul3A_19 = arith.mulf %slice3A_17, %slice3A_18 : vector<1x4096xf32>
    %slice3A_20 = vector.extract_strided_slice %get3A_8 {offsets = [1, 0], sizes = [1, 4096], strides = [1, 1]} : vector<8x4096xf32> to vector<1x4096xf32>
    %slice3A_21 = vector.extract_strided_slice %get3A_8 {offsets = [1, 0], sizes = [1, 4096], strides = [1, 1]} : vector<8x4096xf32> to vector<1x4096xf32>
    %mul3A_22 = arith.mulf %slice3A_20, %slice3A_21 : vector<1x4096xf32>
    %add3A_23 = arith.addf %mul3A_19, %mul3A_22 : vector<1x4096xf32>
    %slice3A_24 = vector.extract_strided_slice %get3A_8 {offsets = [2, 0], sizes = [1, 4096], strides = [1, 1]} : vector<8x4096xf32> to vector<1x4096xf32>
    %slice3A_25 = vector.extract_strided_slice %get3A_8 {offsets = [2, 0], sizes = [1, 4096], strides = [1, 1]} : vector<8x4096xf32> to vector<1x4096xf32>
    %mul3A_26 = arith.mulf %slice3A_24, %slice3A_25 : vector<1x4096xf32>
    %add3A_27 = arith.addf %add3A_23, %mul3A_26 : vector<1x4096xf32>
    %convert_element_type3A = arith.truncf %get3A_3 : vector<256x8xf32> to vector<256x8xbf16>
    %convert_element_type3A_28 = arith.truncf %get3A_8 : vector<8x4096xf32> to vector<8x4096xbf16>
    %dot_general3A = arith.constant dense<0.000000e+00> : vector<256x4096xf32>
    %dot_general3A_29 = tpu.matmul %convert_element_type3A, %convert_element_type3A_28, %dot_general3A {dimension_numbers = #tpu.dot_dimension_numbers<[1], [0], [0], [1], [0, 0, 1, 1], [], []>, transpose_lhs_hint = false} : vector<256x8xbf16>, vector<8x4096xbf16>, vector<256x4096xf32> -> vector<256x4096xf32>
    %add3A_30 = vector.broadcast %add3A_16 : vector<256x1xf32> to vector<256x4096xf32>
    %add3A_31 = vector.broadcast %add3A_27 : vector<1x4096xf32> to vector<256x4096xf32>
    %add3A_32 = arith.addf %add3A_30, %add3A_31 : vector<256x4096xf32>
    %mul3A_33 = arith.constant 2.000000e+00 : f32
    %mul3A_34 = vector.broadcast %mul3A_33 : f32 to vector<256x4096xf32>
    %mul3A_35 = arith.mulf %mul3A_34, %dot_general3A_29 : vector<256x4096xf32>
    %sub3A = arith.subf %add3A_32, %mul3A_35 : vector<256x4096xf32>
    %get3A_36 = arith.constant 0 : index
    %get3A_37 = arith.constant 0 : index
    %get3A_38 = arith.constant 0 : index
    %get3A_39 = vector.load %arg4[%get3A_36, %get3A_37, %get3A_38] : memref<1x256x64xf32, #tpu.memory_space<vmem>>, vector<1x256x64xf32>
    %get3A_40 = vector.shape_cast %get3A_39 : vector<1x256x64xf32> to vector<256x64xf32>
    %get3A_41 = arith.constant 0 : index
    %get3A_42 = arith.constant 0 : index
    %get3A_43 = arith.constant 0 : index
    %get3A_44 = vector.load %arg5[%get3A_41, %get3A_42, %get3A_43] : memref<1x64x4096xf32, #tpu.memory_space<vmem>>, vector<1x64x4096xf32>
    %get3A_45 = vector.shape_cast %get3A_44 : vector<1x64x4096xf32> to vector<64x4096xf32>
    %convert_element_type3A_46 = arith.truncf %get3A_40 : vector<256x64xf32> to vector<256x64xbf16>
    %convert_element_type3A_47 = arith.truncf %get3A_45 : vector<64x4096xf32> to vector<64x4096xbf16>
    %dot_general3A_48 = arith.constant dense<0.000000e+00> : vector<256x4096xf32>
    %dot_general3A_49 = tpu.matmul %convert_element_type3A_46, %convert_element_type3A_47, %dot_general3A_48 {dimension_numbers = #tpu.dot_dimension_numbers<[1], [0], [0], [1], [0, 0, 1, 1], [], []>, transpose_lhs_hint = false} : vector<256x64xbf16>, vector<64x4096xbf16>, vector<256x4096xf32> -> vector<256x4096xf32>
    %iota3A = tpu.iota {dimensions = array<i32: 1>} : vector<256x4096xi32>
    %convert_element_type3A_50 = arith.sitofp %iota3A : vector<256x4096xi32> to vector<256x4096xf32>
    %iota3A_51 = tpu.iota {dimensions = array<i32: 1>} : vector<256x16xi32>
    %broadcast_in_dim3A = arith.constant 0.000000e+00 : f32
    %broadcast_in_dim3A_52 = vector.broadcast %broadcast_in_dim3A : f32 to vector<256x16xf32>
    %scan3A = arith.constant 0 : i32
    %scan3A_53 = arith.constant 16 : i32
    %scan3A_54 = arith.addi %scan3A, %scan3A_53 : i32
    %scan3A_55 = arith.constant 1 : i32
    %scan3A_56:3 = scf.for %scan3A_80 = %scan3A to %scan3A_54 step %scan3A_55 iter_args(%scan3A_81 = %sub3A, %scan3A_82 = %broadcast_in_dim3A_52, %scan3A_83 = %broadcast_in_dim3A_52) -> (vector<256x4096xf32>, vector<256x16xf32>, vector<256x16xf32>)  : i32 {
      %reduce_min3A = arith.constant dense<0x7F800000> : vector<256xf32>
      %reduce_min3A_84 = vector.multi_reduction <minimumf>, %scan3A_81, %reduce_min3A [1] : vector<256x4096xf32> to vector<256xf32>
      %broadcast_in_dim3A_85 = vector.shape_cast %reduce_min3A_84 : vector<256xf32> to vector<256x1xf32>
      %eq3A = vector.broadcast %broadcast_in_dim3A_85 : vector<256x1xf32> to vector<256x4096xf32>
      %eq3A_86 = arith.cmpf oeq, %scan3A_81, %eq3A : vector<256x4096xf32>
      %jit3A = arith.constant 0x7F800000 : f32
      %broadcast_in_dim3A_87 = vector.broadcast %jit3A : f32 to vector<256x4096xf32>
      %select_n3A = arith.select %eq3A_86, %convert_element_type3A_50, %broadcast_in_dim3A_87 : vector<256x4096xi1>, vector<256x4096xf32>
      %reduce_min3A_88 = arith.constant dense<0x7F800000> : vector<256xf32>
      %reduce_min3A_89 = vector.multi_reduction <minimumf>, %select_n3A, %reduce_min3A_88 [1] : vector<256x4096xf32> to vector<256xf32>
      %broadcast_in_dim3A_90 = vector.shape_cast %reduce_min3A_89 : vector<256xf32> to vector<256x1xf32>
      %eq3A_91 = vector.broadcast %broadcast_in_dim3A_90 : vector<256x1xf32> to vector<256x4096xf32>
      %eq3A_92 = arith.cmpf oeq, %select_n3A, %eq3A_91 : vector<256x4096xf32>
      %jit3A_93 = arith.constant 0.000000e+00 : f32
      %broadcast_in_dim3A_94 = vector.broadcast %jit3A_93 : f32 to vector<256x4096xf32>
      %select_n3A_95 = arith.select %eq3A_92, %dot_general3A_49, %broadcast_in_dim3A_94 : vector<256x4096xi1>, vector<256x4096xf32>
      %reduce_sum3A = arith.constant dense<0.000000e+00> : vector<256xf32>
      %reduce_sum3A_96 = vector.multi_reduction <add>, %select_n3A_95, %reduce_sum3A [1] : vector<256x4096xf32> to vector<256xf32>
      %broadcast_in_dim3A_97 = vector.shape_cast %reduce_sum3A_96 : vector<256xf32> to vector<256x1xf32>
      %eq3A_98 = vector.broadcast %scan3A_80 : i32 to vector<256x16xi32>
      %eq3A_99 = arith.cmpi eq, %iota3A_51, %eq3A_98 : vector<256x16xi32>
      %broadcast_in_dim3A_100 = vector.shape_cast %broadcast_in_dim3A_90 : vector<256x1xf32> to vector<256x1xf32>
      %broadcast_in_dim3A_101 = vector.broadcast %broadcast_in_dim3A_100 : vector<256x1xf32> to vector<256x16xf32>
      %select_n3A_102 = arith.select %eq3A_99, %broadcast_in_dim3A_101, %scan3A_82 : vector<256x16xi1>, vector<256x16xf32>
      %broadcast_in_dim3A_103 = vector.shape_cast %broadcast_in_dim3A_97 : vector<256x1xf32> to vector<256x1xf32>
      %broadcast_in_dim3A_104 = vector.broadcast %broadcast_in_dim3A_103 : vector<256x1xf32> to vector<256x16xf32>
      %select_n3A_105 = arith.select %eq3A_99, %broadcast_in_dim3A_104, %scan3A_83 : vector<256x16xi1>, vector<256x16xf32>
      %jit3A_106 = arith.constant 0x7F800000 : f32
      %broadcast_in_dim3A_107 = vector.broadcast %jit3A_106 : f32 to vector<256x4096xf32>
      %select_n3A_108 = arith.select %eq3A_92, %broadcast_in_dim3A_107, %scan3A_81 : vector<256x4096xi1>, vector<256x4096xf32>
      scf.yield %select_n3A_108, %select_n3A_102, %select_n3A_105 : vector<256x4096xf32>, vector<256x16xf32>, vector<256x16xf32>
    }
    %scan3A_57 = arith.constant 16 : i32
    %convert_element_type3A_58 = arith.fptosi %scan3A_56#1 : vector<256x16xf32> to vector<256x16xi32>
    %swap3A = arith.constant 0 : index
    %swap3A_59 = arith.constant 0 : index
    %swap3A_60 = arith.constant 0 : index
    %swap3A_61 = vector.load %arg6[%swap3A, %swap3A_59, %swap3A_60] : memref<1x256x16xi32, #tpu.memory_space<vmem>>, vector<1x256x16xi32>
    %swap3A_62 = vector.shape_cast %swap3A_61 : vector<1x256x16xi32> to vector<256x16xi32>
    %swap3A_63 = vector.shape_cast %convert_element_type3A_58 : vector<256x16xi32> to vector<1x256x16xi32>
    tpu.vector_store %arg6[%swap3A, %swap3A_59, %swap3A_60], %swap3A_63 {strides = array<i32>} : memref<1x256x16xi32, #tpu.memory_space<vmem>>, vector<1x256x16xi32>,
    %mul3A_64 = arith.constant 4096 : i32
    %mul3A_65 = arith.muli %arg0, %mul3A_64 : i32
    %add3A_66 = vector.broadcast %mul3A_65 : i32 to vector<256x16xi32>
    %add3A_67 = arith.addi %convert_element_type3A_58, %add3A_66 : vector<256x16xi32>
    %swap3A_68 = arith.constant 0 : index
    %swap3A_69 = arith.constant 0 : index
    %swap3A_70 = arith.constant 0 : index
    %swap3A_71 = vector.load %arg7[%swap3A_68, %swap3A_69, %swap3A_70] : memref<1x256x16xi32, #tpu.memory_space<vmem>>, vector<1x256x16xi32>
    %swap3A_72 = vector.shape_cast %swap3A_71 : vector<1x256x16xi32> to vector<256x16xi32>
    %swap3A_73 = vector.shape_cast %add3A_67 : vector<256x16xi32> to vector<1x256x16xi32>
    tpu.vector_store %arg7[%swap3A_68, %swap3A_69, %swap3A_70], %swap3A_73 {strides = array<i32>} : memref<1x256x16xi32, #tpu.memory_space<vmem>>, vector<1x256x16xi32>,
    %swap3A_74 = arith.constant 0 : index
    %swap3A_75 = arith.constant 0 : index
    %swap3A_76 = arith.constant 0 : index
    %swap3A_77 = vector.load %arg8[%swap3A_74, %swap3A_75, %swap3A_76] : memref<1x256x16xf32, #tpu.memory_space<vmem>>, vector<1x256x16xf32>
    %swap3A_78 = vector.shape_cast %swap3A_77 : vector<1x256x16xf32> to vector<256x16xf32>
    %swap3A_79 = vector.shape_cast %scan3A_56#2 : vector<256x16xf32> to vector<1x256x16xf32>
    tpu.vector_store %arg8[%swap3A_74, %swap3A_75, %swap3A_76], %swap3A_79 {strides = array<i32>} : memref<1x256x16xf32, #tpu.memory_space<vmem>>, vector<1x256x16xf32>,
    return
  }
  func.func @transform_0(%arg0: i32, %arg1: i32) -> (i32, i32, i32) {
    %c0_i32 = arith.constant 0 : i32
    %c0_i32_0 = arith.constant 0 : i32
    return %arg0, %arg1, %c0_i32 : i32, i32, i32
  }
  func.func @transform_1(%arg0: i32, %arg1: i32) -> (i32, i32, i32) {
    %c0_i32 = arith.constant 0 : i32
    %c0_i32_0 = arith.constant 0 : i32
    %c0_i32_1 = arith.constant 0 : i32
    return %arg0, %c0_i32, %c0_i32_0 : i32, i32, i32
  }
  func.func @transform_2(%arg0: i32, %arg1: i32) -> (i32, i32, i32) {
    %c0_i32 = arith.constant 0 : i32
    %c0_i32_0 = arith.constant 0 : i32
    return %arg0, %arg1, %c0_i32 : i32, i32, i32
  }
  func.func @transform_3(%arg0: i32, %arg1: i32) -> (i32, i32, i32) {
    %c0_i32 = arith.constant 0 : i32
    %c0_i32_0 = arith.constant 0 : i32
    %c0_i32_1 = arith.constant 0 : i32
    return %arg0, %c0_i32, %c0_i32_0 : i32, i32, i32
  }
  func.func @transform_4(%arg0: i32, %arg1: i32) -> (i32, i32, i32) {
    %c0_i32 = arith.constant 0 : i32
    %c0_i32_0 = arith.constant 0 : i32
    return %arg0, %arg1, %c0_i32 : i32, i32, i32
  }
  func.func @transform_5(%arg0: i32, %arg1: i32) -> (i32, i32, i32) {
    %c0_i32 = arith.constant 0 : i32
    %c0_i32_0 = arith.constant 0 : i32
    return %arg0, %arg1, %c0_i32 : i32, i32, i32
  }
  func.func @transform_6(%arg0: i32, %arg1: i32) -> (i32, i32, i32) {
    %c0_i32 = arith.constant 0 : i32
    %c0_i32_0 = arith.constant 0 : i32
    return %arg0, %arg1, %c0_i32 : i32, i32, i32
  }
}

module attributes {stable_mosaic.version = 14 : i64} {
  func.func @_k5b(%arg0: i32, %arg1: i32, %arg2: memref<1x256x8xf32, #tpu.memory_space<vmem>>, %arg3: memref<1x256x16xf32, #tpu.memory_space<vmem>>, %arg4: memref<1x256x16xf32, #tpu.memory_space<vmem>>, %arg5: memref<1x256x16xf32, #tpu.memory_space<vmem>>, %arg6: memref<1x3x256x16xf32, #tpu.memory_space<vmem>>, %arg7: memref<16x128xf32, #tpu.memory_space<vmem>>) attributes {dimension_semantics = [#tpu.dimension_semantics<arbitrary>, #tpu.dimension_semantics<arbitrary>], iteration_bounds = array<i64: 4, 16>, scalar_prefetch = 0 : i64, scratch_operands = 0 : i64, tpu.core_type = #tpu.core_type<tc>, window_params = [{transform_indices = @transform_0, window_bounds = array<i64: 1, 256, 8>}, {transform_indices = @transform_1, window_bounds = array<i64: 1, 256, 16>}, {transform_indices = @transform_2, window_bounds = array<i64: 1, 256, 16>}, {transform_indices = @transform_3, window_bounds = array<i64: 1, 256, 16>}, {transform_indices = @transform_4, window_bounds = array<i64: 1, 3, 256, 16>}, {pipeline_mode = #tpu.pipeline_mode<synchronous>, transform_indices = @transform_5, window_bounds = array<i64: 16, 128>}]} {
    %get3A = arith.constant 0 : index
    %get3A_0 = arith.constant 0 : index
    %get3A_1 = arith.constant 0 : index
    %get3A_2 = vector.load %arg2[%get3A, %get3A_0, %get3A_1] : memref<1x256x8xf32, #tpu.memory_space<vmem>>, vector<1x256x8xf32>
    %get3A_3 = vector.shape_cast %get3A_2 : vector<1x256x8xf32> to vector<256x8xf32>
    %get3A_4 = arith.constant 0 : index
    %get3A_5 = arith.constant 0 : index
    %get3A_6 = arith.constant 0 : index
    %get3A_7 = vector.load %arg3[%get3A_4, %get3A_5, %get3A_6] : memref<1x256x16xf32, #tpu.memory_space<vmem>>, vector<1x256x16xf32>
    %get3A_8 = vector.shape_cast %get3A_7 : vector<1x256x16xf32> to vector<256x16xf32>
    %get3A_9 = arith.constant 0 : index
    %get3A_10 = arith.constant 0 : index
    %get3A_11 = arith.constant 0 : index
    %get3A_12 = vector.load %arg4[%get3A_9, %get3A_10, %get3A_11] : memref<1x256x16xf32, #tpu.memory_space<vmem>>, vector<1x256x16xf32>
    %get3A_13 = vector.shape_cast %get3A_12 : vector<1x256x16xf32> to vector<256x16xf32>
    %get3A_14 = arith.constant 0 : index
    %get3A_15 = arith.constant 0 : index
    %get3A_16 = arith.constant 0 : index
    %get3A_17 = vector.load %arg5[%get3A_14, %get3A_15, %get3A_16] : memref<1x256x16xf32, #tpu.memory_space<vmem>>, vector<1x256x16xf32>
    %get3A_18 = vector.shape_cast %get3A_17 : vector<1x256x16xf32> to vector<256x16xf32>
    %swap3A = arith.constant 0 : index
    %swap3A_19 = arith.constant 0 : index
    %swap3A_20 = arith.constant 0 : index
    %swap3A_21 = arith.constant 0 : index
    %swap3A_22 = vector.load %arg6[%swap3A, %swap3A_19, %swap3A_20, %swap3A_21] : memref<1x3x256x16xf32, #tpu.memory_space<vmem>>, vector<1x1x256x16xf32>
    %swap3A_23 = vector.shape_cast %swap3A_22 : vector<1x1x256x16xf32> to vector<256x16xf32>
    %swap3A_24 = vector.shape_cast %get3A_8 : vector<256x16xf32> to vector<1x1x256x16xf32>
    tpu.vector_store %arg6[%swap3A, %swap3A_19, %swap3A_20, %swap3A_21], %swap3A_24 {strides = array<i32>} : memref<1x3x256x16xf32, #tpu.memory_space<vmem>>, vector<1x1x256x16xf32>,
    %swap3A_25 = arith.constant 0 : index
    %swap3A_26 = arith.constant 1 : index
    %swap3A_27 = arith.constant 0 : index
    %swap3A_28 = arith.constant 0 : index
    %swap3A_29 = vector.load %arg6[%swap3A_25, %swap3A_26, %swap3A_27, %swap3A_28] : memref<1x3x256x16xf32, #tpu.memory_space<vmem>>, vector<1x1x256x16xf32>
    %swap3A_30 = vector.shape_cast %swap3A_29 : vector<1x1x256x16xf32> to vector<256x16xf32>
    %swap3A_31 = vector.shape_cast %get3A_13 : vector<256x16xf32> to vector<1x1x256x16xf32>
    tpu.vector_store %arg6[%swap3A_25, %swap3A_26, %swap3A_27, %swap3A_28], %swap3A_31 {strides = array<i32>} : memref<1x3x256x16xf32, #tpu.memory_space<vmem>>, vector<1x1x256x16xf32>,
    %swap3A_32 = arith.constant 0 : index
    %swap3A_33 = arith.constant 2 : index
    %swap3A_34 = arith.constant 0 : index
    %swap3A_35 = arith.constant 0 : index
    %swap3A_36 = vector.load %arg6[%swap3A_32, %swap3A_33, %swap3A_34, %swap3A_35] : memref<1x3x256x16xf32, #tpu.memory_space<vmem>>, vector<1x1x256x16xf32>
    %swap3A_37 = vector.shape_cast %swap3A_36 : vector<1x1x256x16xf32> to vector<256x16xf32>
    %swap3A_38 = vector.shape_cast %get3A_18 : vector<256x16xf32> to vector<1x1x256x16xf32>
    tpu.vector_store %arg6[%swap3A_32, %swap3A_33, %swap3A_34, %swap3A_35], %swap3A_38 {strides = array<i32>} : memref<1x3x256x16xf32, #tpu.memory_space<vmem>>, vector<1x1x256x16xf32>,
    %slice3A = vector.extract_strided_slice %get3A_3 {offsets = [0, 0], sizes = [256, 1], strides = [1, 1]} : vector<256x8xf32> to vector<256x1xf32>
    %sub3A = vector.broadcast %slice3A : vector<256x1xf32> to vector<256x16xf32>
    %sub3A_39 = arith.subf %sub3A, %get3A_8 : vector<256x16xf32>
    %slice3A_40 = vector.extract_strided_slice %get3A_3 {offsets = [0, 1], sizes = [256, 1], strides = [1, 1]} : vector<256x8xf32> to vector<256x1xf32>
    %sub3A_41 = vector.broadcast %slice3A_40 : vector<256x1xf32> to vector<256x16xf32>
    %sub3A_42 = arith.subf %sub3A_41, %get3A_13 : vector<256x16xf32>
    %slice3A_43 = vector.extract_strided_slice %get3A_3 {offsets = [0, 2], sizes = [256, 1], strides = [1, 1]} : vector<256x8xf32> to vector<256x1xf32>
    %sub3A_44 = vector.broadcast %slice3A_43 : vector<256x1xf32> to vector<256x16xf32>
    %sub3A_45 = arith.subf %sub3A_44, %get3A_18 : vector<256x16xf32>
    %eq3A = arith.constant 0 : i32
    %eq3A_46 = arith.cmpi eq, %arg0, %eq3A : i32
    %eq3A_47 = arith.constant 0 : i32
    %eq3A_48 = arith.cmpi eq, %arg1, %eq3A_47 : i32
    %and3A = arith.andi %eq3A_46, %eq3A_48 : i1
    %convert_element_type3A = arith.extui %and3A : i1 to i32
    %cond3A = arith.constant 0 : i32
    %cond3A_49 = arith.cmpi ne, %convert_element_type3A, %cond3A : i32
    scf.if %cond3A_49 {
      %broadcast_in_dim3A_169 = arith.constant 0.000000e+00 : f32
      %broadcast_in_dim3A_170 = vector.broadcast %broadcast_in_dim3A_169 : f32 to vector<16x128xf32>
      %swap3A_171 = arith.constant 0 : index
      %swap3A_172 = arith.constant 0 : index
      %swap3A_173 = vector.load %arg7[%swap3A_171, %swap3A_172] : memref<16x128xf32, #tpu.memory_space<vmem>>, vector<16x128xf32>
      tpu.vector_store %arg7[%swap3A_171, %swap3A_172], %broadcast_in_dim3A_170 {strides = array<i32>} : memref<16x128xf32, #tpu.memory_space<vmem>>, vector<16x128xf32>,
    } else {
    }
    %get3A_50 = arith.constant 0 : index
    %get3A_51 = arith.constant 0 : index
    %get3A_52 = vector.load %arg7[%get3A_50, %get3A_51] : memref<16x128xf32, #tpu.memory_space<vmem>>, vector<1x128xf32>
    %reduce_sum3A = vector.shape_cast %sub3A_39 : vector<256x16xf32> to vector<1x256x16xf32>
    %reduce_sum3A_53 = arith.constant dense<0.000000e+00> : vector<1xf32>
    %reduce_sum3A_54 = vector.multi_reduction <add>, %reduce_sum3A, %reduce_sum3A_53 [1, 2] : vector<1x256x16xf32> to vector<1xf32>
    %reduce_sum3A_55 = vector.shape_cast %reduce_sum3A_54 : vector<1xf32> to vector<1x1x1xf32>
    %reduce_sum3A_56 = vector.extract %reduce_sum3A_55[0, 0, 0] : f32 from vector<1x1x1xf32>
    %broadcast_in_dim3A = vector.broadcast %reduce_sum3A_56 : f32 to vector<1x128xf32>
    %add3A = arith.addf %get3A_52, %broadcast_in_dim3A : vector<1x128xf32>
    %swap3A_57 = arith.constant 0 : index
    %swap3A_58 = arith.constant 0 : index
    %swap3A_59 = vector.load %arg7[%swap3A_57, %swap3A_58] : memref<16x128xf32, #tpu.memory_space<vmem>>, vector<1x128xf32>
    tpu.vector_store %arg7[%swap3A_57, %swap3A_58], %add3A {strides = array<i32>} : memref<16x128xf32, #tpu.memory_space<vmem>>, vector<1x128xf32>,
    %get3A_60 = arith.constant 1 : index
    %get3A_61 = arith.constant 0 : index
    %get3A_62 = vector.load %arg7[%get3A_60, %get3A_61] : memref<16x128xf32, #tpu.memory_space<vmem>>, vector<1x128xf32>
    %reduce_sum3A_63 = vector.shape_cast %sub3A_42 : vector<256x16xf32> to vector<1x256x16xf32>
    %reduce_sum3A_64 = arith.constant dense<0.000000e+00> : vector<1xf32>
    %reduce_sum3A_65 = vector.multi_reduction <add>, %reduce_sum3A_63, %reduce_sum3A_64 [1, 2] : vector<1x256x16xf32> to vector<1xf32>
    %reduce_sum3A_66 = vector.shape_cast %reduce_sum3A_65 : vector<1xf32> to vector<1x1x1xf32>
    %reduce_sum3A_67 = vector.extract %reduce_sum3A_66[0, 0, 0] : f32 from vector<1x1x1xf32>
    %broadcast_in_dim3A_68 = vector.broadcast %reduce_sum3A_67 : f32 to vector<1x128xf32>
    %add3A_69 = arith.addf %get3A_62, %broadcast_in_dim3A_68 : vector<1x128xf32>
    %swap3A_70 = arith.constant 1 : index
    %swap3A_71 = arith.constant 0 : index
    %swap3A_72 = vector.load %arg7[%swap3A_70, %swap3A_71] : memref<16x128xf32, #tpu.memory_space<vmem>>, vector<1x128xf32>
    tpu.vector_store %arg7[%swap3A_70, %swap3A_71], %add3A_69 {strides = array<i32>} : memref<16x128xf32, #tpu.memory_space<vmem>>, vector<1x128xf32>,
    %get3A_73 = arith.constant 2 : index
    %get3A_74 = arith.constant 0 : index
    %get3A_75 = vector.load %arg7[%get3A_73, %get3A_74] : memref<16x128xf32, #tpu.memory_space<vmem>>, vector<1x128xf32>
    %reduce_sum3A_76 = vector.shape_cast %sub3A_45 : vector<256x16xf32> to vector<1x256x16xf32>
    %reduce_sum3A_77 = arith.constant dense<0.000000e+00> : vector<1xf32>
    %reduce_sum3A_78 = vector.multi_reduction <add>, %reduce_sum3A_76, %reduce_sum3A_77 [1, 2] : vector<1x256x16xf32> to vector<1xf32>
    %reduce_sum3A_79 = vector.shape_cast %reduce_sum3A_78 : vector<1xf32> to vector<1x1x1xf32>
    %reduce_sum3A_80 = vector.extract %reduce_sum3A_79[0, 0, 0] : f32 from vector<1x1x1xf32>
    %broadcast_in_dim3A_81 = vector.broadcast %reduce_sum3A_80 : f32 to vector<1x128xf32>
    %add3A_82 = arith.addf %get3A_75, %broadcast_in_dim3A_81 : vector<1x128xf32>
    %swap3A_83 = arith.constant 2 : index
    %swap3A_84 = arith.constant 0 : index
    %swap3A_85 = vector.load %arg7[%swap3A_83, %swap3A_84] : memref<16x128xf32, #tpu.memory_space<vmem>>, vector<1x128xf32>
    tpu.vector_store %arg7[%swap3A_83, %swap3A_84], %add3A_82 {strides = array<i32>} : memref<16x128xf32, #tpu.memory_space<vmem>>, vector<1x128xf32>,
    %mul3A = arith.mulf %sub3A_39, %sub3A_39 : vector<256x16xf32>
    %get3A_86 = arith.constant 3 : index
    %get3A_87 = arith.constant 0 : index
    %get3A_88 = vector.load %arg7[%get3A_86, %get3A_87] : memref<16x128xf32, #tpu.memory_space<vmem>>, vector<1x128xf32>
    %reduce_sum3A_89 = vector.shape_cast %mul3A : vector<256x16xf32> to vector<1x256x16xf32>
    %reduce_sum3A_90 = arith.constant dense<0.000000e+00> : vector<1xf32>
    %reduce_sum3A_91 = vector.multi_reduction <add>, %reduce_sum3A_89, %reduce_sum3A_90 [1, 2] : vector<1x256x16xf32> to vector<1xf32>
    %reduce_sum3A_92 = vector.shape_cast %reduce_sum3A_91 : vector<1xf32> to vector<1x1x1xf32>
    %reduce_sum3A_93 = vector.extract %reduce_sum3A_92[0, 0, 0] : f32 from vector<1x1x1xf32>
    %broadcast_in_dim3A_94 = vector.broadcast %reduce_sum3A_93 : f32 to vector<1x128xf32>
    %add3A_95 = arith.addf %get3A_88, %broadcast_in_dim3A_94 : vector<1x128xf32>
    %swap3A_96 = arith.constant 3 : index
    %swap3A_97 = arith.constant 0 : index
    %swap3A_98 = vector.load %arg7[%swap3A_96, %swap3A_97] : memref<16x128xf32, #tpu.memory_space<vmem>>, vector<1x128xf32>
    tpu.vector_store %arg7[%swap3A_96, %swap3A_97], %add3A_95 {strides = array<i32>} : memref<16x128xf32, #tpu.memory_space<vmem>>, vector<1x128xf32>,
    %mul3A_99 = arith.mulf %sub3A_42, %sub3A_42 : vector<256x16xf32>
    %get3A_100 = arith.constant 4 : index
    %get3A_101 = arith.constant 0 : index
    %get3A_102 = vector.load %arg7[%get3A_100, %get3A_101] : memref<16x128xf32, #tpu.memory_space<vmem>>, vector<1x128xf32>
    %reduce_sum3A_103 = vector.shape_cast %mul3A_99 : vector<256x16xf32> to vector<1x256x16xf32>
    %reduce_sum3A_104 = arith.constant dense<0.000000e+00> : vector<1xf32>
    %reduce_sum3A_105 = vector.multi_reduction <add>, %reduce_sum3A_103, %reduce_sum3A_104 [1, 2] : vector<1x256x16xf32> to vector<1xf32>
    %reduce_sum3A_106 = vector.shape_cast %reduce_sum3A_105 : vector<1xf32> to vector<1x1x1xf32>
    %reduce_sum3A_107 = vector.extract %reduce_sum3A_106[0, 0, 0] : f32 from vector<1x1x1xf32>
    %broadcast_in_dim3A_108 = vector.broadcast %reduce_sum3A_107 : f32 to vector<1x128xf32>
    %add3A_109 = arith.addf %get3A_102, %broadcast_in_dim3A_108 : vector<1x128xf32>
    %swap3A_110 = arith.constant 4 : index
    %swap3A_111 = arith.constant 0 : index
    %swap3A_112 = vector.load %arg7[%swap3A_110, %swap3A_111] : memref<16x128xf32, #tpu.memory_space<vmem>>, vector<1x128xf32>
    tpu.vector_store %arg7[%swap3A_110, %swap3A_111], %add3A_109 {strides = array<i32>} : memref<16x128xf32, #tpu.memory_space<vmem>>, vector<1x128xf32>,
    %mul3A_113 = arith.mulf %sub3A_45, %sub3A_45 : vector<256x16xf32>
    %get3A_114 = arith.constant 5 : index
    %get3A_115 = arith.constant 0 : index
    %get3A_116 = vector.load %arg7[%get3A_114, %get3A_115] : memref<16x128xf32, #tpu.memory_space<vmem>>, vector<1x128xf32>
    %reduce_sum3A_117 = vector.shape_cast %mul3A_113 : vector<256x16xf32> to vector<1x256x16xf32>
    %reduce_sum3A_118 = arith.constant dense<0.000000e+00> : vector<1xf32>
    %reduce_sum3A_119 = vector.multi_reduction <add>, %reduce_sum3A_117, %reduce_sum3A_118 [1, 2] : vector<1x256x16xf32> to vector<1xf32>
    %reduce_sum3A_120 = vector.shape_cast %reduce_sum3A_119 : vector<1xf32> to vector<1x1x1xf32>
    %reduce_sum3A_121 = vector.extract %reduce_sum3A_120[0, 0, 0] : f32 from vector<1x1x1xf32>
    %broadcast_in_dim3A_122 = vector.broadcast %reduce_sum3A_121 : f32 to vector<1x128xf32>
    %add3A_123 = arith.addf %get3A_116, %broadcast_in_dim3A_122 : vector<1x128xf32>
    %swap3A_124 = arith.constant 5 : index
    %swap3A_125 = arith.constant 0 : index
    %swap3A_126 = vector.load %arg7[%swap3A_124, %swap3A_125] : memref<16x128xf32, #tpu.memory_space<vmem>>, vector<1x128xf32>
    tpu.vector_store %arg7[%swap3A_124, %swap3A_125], %add3A_123 {strides = array<i32>} : memref<16x128xf32, #tpu.memory_space<vmem>>, vector<1x128xf32>,
    %mul3A_127 = arith.mulf %sub3A_39, %sub3A_42 : vector<256x16xf32>
    %get3A_128 = arith.constant 6 : index
    %get3A_129 = arith.constant 0 : index
    %get3A_130 = vector.load %arg7[%get3A_128, %get3A_129] : memref<16x128xf32, #tpu.memory_space<vmem>>, vector<1x128xf32>
    %reduce_sum3A_131 = vector.shape_cast %mul3A_127 : vector<256x16xf32> to vector<1x256x16xf32>
    %reduce_sum3A_132 = arith.constant dense<0.000000e+00> : vector<1xf32>
    %reduce_sum3A_133 = vector.multi_reduction <add>, %reduce_sum3A_131, %reduce_sum3A_132 [1, 2] : vector<1x256x16xf32> to vector<1xf32>
    %reduce_sum3A_134 = vector.shape_cast %reduce_sum3A_133 : vector<1xf32> to vector<1x1x1xf32>
    %reduce_sum3A_135 = vector.extract %reduce_sum3A_134[0, 0, 0] : f32 from vector<1x1x1xf32>
    %broadcast_in_dim3A_136 = vector.broadcast %reduce_sum3A_135 : f32 to vector<1x128xf32>
    %add3A_137 = arith.addf %get3A_130, %broadcast_in_dim3A_136 : vector<1x128xf32>
    %swap3A_138 = arith.constant 6 : index
    %swap3A_139 = arith.constant 0 : index
    %swap3A_140 = vector.load %arg7[%swap3A_138, %swap3A_139] : memref<16x128xf32, #tpu.memory_space<vmem>>, vector<1x128xf32>
    tpu.vector_store %arg7[%swap3A_138, %swap3A_139], %add3A_137 {strides = array<i32>} : memref<16x128xf32, #tpu.memory_space<vmem>>, vector<1x128xf32>,
    %mul3A_141 = arith.mulf %sub3A_39, %sub3A_45 : vector<256x16xf32>
    %get3A_142 = arith.constant 7 : index
    %get3A_143 = arith.constant 0 : index
    %get3A_144 = vector.load %arg7[%get3A_142, %get3A_143] : memref<16x128xf32, #tpu.memory_space<vmem>>, vector<1x128xf32>
    %reduce_sum3A_145 = vector.shape_cast %mul3A_141 : vector<256x16xf32> to vector<1x256x16xf32>
    %reduce_sum3A_146 = arith.constant dense<0.000000e+00> : vector<1xf32>
    %reduce_sum3A_147 = vector.multi_reduction <add>, %reduce_sum3A_145, %reduce_sum3A_146 [1, 2] : vector<1x256x16xf32> to vector<1xf32>
    %reduce_sum3A_148 = vector.shape_cast %reduce_sum3A_147 : vector<1xf32> to vector<1x1x1xf32>
    %reduce_sum3A_149 = vector.extract %reduce_sum3A_148[0, 0, 0] : f32 from vector<1x1x1xf32>
    %broadcast_in_dim3A_150 = vector.broadcast %reduce_sum3A_149 : f32 to vector<1x128xf32>
    %add3A_151 = arith.addf %get3A_144, %broadcast_in_dim3A_150 : vector<1x128xf32>
    %swap3A_152 = arith.constant 7 : index
    %swap3A_153 = arith.constant 0 : index
    %swap3A_154 = vector.load %arg7[%swap3A_152, %swap3A_153] : memref<16x128xf32, #tpu.memory_space<vmem>>, vector<1x128xf32>
    tpu.vector_store %arg7[%swap3A_152, %swap3A_153], %add3A_151 {strides = array<i32>} : memref<16x128xf32, #tpu.memory_space<vmem>>, vector<1x128xf32>,
    %mul3A_155 = arith.mulf %sub3A_42, %sub3A_45 : vector<256x16xf32>
    %get3A_156 = arith.constant 8 : index
    %get3A_157 = arith.constant 0 : index
    %get3A_158 = vector.load %arg7[%get3A_156, %get3A_157] : memref<16x128xf32, #tpu.memory_space<vmem>>, vector<1x128xf32>
    %reduce_sum3A_159 = vector.shape_cast %mul3A_155 : vector<256x16xf32> to vector<1x256x16xf32>
    %reduce_sum3A_160 = arith.constant dense<0.000000e+00> : vector<1xf32>
    %reduce_sum3A_161 = vector.multi_reduction <add>, %reduce_sum3A_159, %reduce_sum3A_160 [1, 2] : vector<1x256x16xf32> to vector<1xf32>
    %reduce_sum3A_162 = vector.shape_cast %reduce_sum3A_161 : vector<1xf32> to vector<1x1x1xf32>
    %reduce_sum3A_163 = vector.extract %reduce_sum3A_162[0, 0, 0] : f32 from vector<1x1x1xf32>
    %broadcast_in_dim3A_164 = vector.broadcast %reduce_sum3A_163 : f32 to vector<1x128xf32>
    %add3A_165 = arith.addf %get3A_158, %broadcast_in_dim3A_164 : vector<1x128xf32>
    %swap3A_166 = arith.constant 8 : index
    %swap3A_167 = arith.constant 0 : index
    %swap3A_168 = vector.load %arg7[%swap3A_166, %swap3A_167] : memref<16x128xf32, #tpu.memory_space<vmem>>, vector<1x128xf32>
    tpu.vector_store %arg7[%swap3A_166, %swap3A_167], %add3A_165 {strides = array<i32>} : memref<16x128xf32, #tpu.memory_space<vmem>>, vector<1x128xf32>,
    return
  }
  func.func @transform_0(%arg0: i32, %arg1: i32) -> (i32, i32, i32) {
    %c0_i32 = arith.constant 0 : i32
    %c0_i32_0 = arith.constant 0 : i32
    return %arg0, %arg1, %c0_i32 : i32, i32, i32
  }
  func.func @transform_1(%arg0: i32, %arg1: i32) -> (i32, i32, i32) {
    %c0_i32 = arith.constant 0 : i32
    %c0_i32_0 = arith.constant 0 : i32
    return %arg0, %arg1, %c0_i32 : i32, i32, i32
  }
  func.func @transform_2(%arg0: i32, %arg1: i32) -> (i32, i32, i32) {
    %c0_i32 = arith.constant 0 : i32
    %c0_i32_0 = arith.constant 0 : i32
    return %arg0, %arg1, %c0_i32 : i32, i32, i32
  }
  func.func @transform_3(%arg0: i32, %arg1: i32) -> (i32, i32, i32) {
    %c0_i32 = arith.constant 0 : i32
    %c0_i32_0 = arith.constant 0 : i32
    return %arg0, %arg1, %c0_i32 : i32, i32, i32
  }
  func.func @transform_4(%arg0: i32, %arg1: i32) -> (i32, i32, i32, i32) {
    %c0_i32 = arith.constant 0 : i32
    %c0_i32_0 = arith.constant 0 : i32
    %c0_i32_1 = arith.constant 0 : i32
    return %arg0, %c0_i32, %arg1, %c0_i32_0 : i32, i32, i32, i32
  }
  func.func @transform_5(%arg0: i32, %arg1: i32) -> (i32, i32) {
    %c0_i32 = arith.constant 0 : i32
    %c0_i32_0 = arith.constant 0 : i32
    %c0_i32_1 = arith.constant 0 : i32
    return %c0_i32, %c0_i32_0 : i32, i32
  }
}

module attributes {stable_mosaic.version = 14 : i64} {
  func.func @_k6(%arg0: i32, %arg1: i32, %arg2: memref<1x256x8xf32, #tpu.memory_space<vmem>>, %arg3: memref<1x3x256x16xf32, #tpu.memory_space<vmem>>, %arg4: memref<1x256x16xf32, #tpu.memory_space<vmem>>, %arg5: memref<1x256x64xf32, #tpu.memory_space<vmem>>, %arg6: memref<64x1x256x16xf32, #tpu.memory_space<vmem>>, %arg7: memref<1x256x32xf32, #tpu.memory_space<vmem>>, %arg8: memref<8x64xf32, #tpu.memory_space<vmem>>, %arg9: memref<4x32xf32, #tpu.memory_space<vmem>>, %arg10: memref<13x64xf32, #tpu.memory_space<vmem>>, %arg11: memref<13x1xf32, #tpu.memory_space<vmem>>, %arg12: memref<1x256x16xf32, #tpu.memory_space<vmem>>, %arg13: memref<1x64x256xf32, #tpu.memory_space<vmem>>, %arg14: memref<1x13x256xf32, #tpu.memory_space<vmem>>, %arg15: memref<1x1x256xf32, #tpu.memory_space<vmem>>) attributes {dimension_semantics = [#tpu.dimension_semantics<arbitrary>, #tpu.dimension_semantics<arbitrary>], iteration_bounds = array<i64: 4, 16>, scalar_prefetch = 0 : i64, scratch_operands = 0 : i64, tpu.core_type = #tpu.core_type<tc>, window_params = [{transform_indices = @transform_0, window_bounds = array<i64: 1, 256, 8>}, {transform_indices = @transform_1, window_bounds = array<i64: 1, 3, 256, 16>}, {transform_indices = @transform_2, window_bounds = array<i64: 1, 256, 16>}, {transform_indices = @transform_3, window_bounds = array<i64: 1, 256, 64>}, {transform_indices = @transform_4, window_bounds = array<i64: 64, 1, 256, 16>}, {transform_indices = @transform_5, window_bounds = array<i64: 1, 256, 32>}, {pipeline_mode = #tpu.pipeline_mode<synchronous>, transform_indices = @transform_6, window_bounds = array<i64: 8, 64>}, {pipeline_mode = #tpu.pipeline_mode<synchronous>, transform_indices = @transform_7, window_bounds = array<i64: 4, 32>}, {pipeline_mode = #tpu.pipeline_mode<synchronous>, transform_indices = @transform_8, window_bounds = array<i64: 13, 64>}, {pipeline_mode = #tpu.pipeline_mode<synchronous>, transform_indices = @transform_9, window_bounds = array<i64: 13, 1>}, {transform_indices = @transform_10, window_bounds = array<i64: 1, 256, 16>}, {transform_indices = @transform_11, window_bounds = array<i64: 1, 64, 256>}, {transform_indices = @transform_12, window_bounds = array<i64: 1, 13, 256>}, {transform_indices = @transform_13, window_bounds = array<i64: 1, 1, 256>}]} {
    %get3A = arith.constant 0 : index
    %get3A_0 = arith.constant 0 : index
    %get3A_1 = arith.constant 0 : index
    %get3A_2 = vector.load %arg2[%get3A, %get3A_0, %get3A_1] : memref<1x256x8xf32, #tpu.memory_space<vmem>>, vector<1x256x8xf32>
    %get3A_3 = vector.shape_cast %get3A_2 : vector<1x256x8xf32> to vector<256x8xf32>
    %slice3A = vector.extract_strided_slice %get3A_3 {offsets = [0, 0], sizes = [256, 1], strides = [1, 1]} : vector<256x8xf32> to vector<256x1xf32>
    %get3A_4 = arith.constant 0 : index
    %get3A_5 = arith.constant 0 : index
    %get3A_6 = arith.constant 0 : index
    %get3A_7 = arith.constant 0 : index
    %get3A_8 = vector.load %arg3[%get3A_4, %get3A_5, %get3A_6, %get3A_7] : memref<1x3x256x16xf32, #tpu.memory_space<vmem>>, vector<1x1x256x16xf32>
    %get3A_9 = vector.shape_cast %get3A_8 : vector<1x1x256x16xf32> to vector<256x16xf32>
    %sub3A = vector.broadcast %slice3A : vector<256x1xf32> to vector<256x16xf32>
    %sub3A_10 = arith.subf %sub3A, %get3A_9 : vector<256x16xf32>
    %slice3A_11 = vector.extract_strided_slice %get3A_3 {offsets = [0, 1], sizes = [256, 1], strides = [1, 1]} : vector<256x8xf32> to vector<256x1xf32>
    %get3A_12 = arith.constant 0 : index
    %get3A_13 = arith.constant 1 : index
    %get3A_14 = arith.constant 0 : index
    %get3A_15 = arith.constant 0 : index
    %get3A_16 = vector.load %arg3[%get3A_12, %get3A_13, %get3A_14, %get3A_15] : memref<1x3x256x16xf32, #tpu.memory_space<vmem>>, vector<1x1x256x16xf32>
    %get3A_17 = vector.shape_cast %get3A_16 : vector<1x1x256x16xf32> to vector<256x16xf32>
    %sub3A_18 = vector.broadcast %slice3A_11 : vector<256x1xf32> to vector<256x16xf32>
    %sub3A_19 = arith.subf %sub3A_18, %get3A_17 : vector<256x16xf32>
    %slice3A_20 = vector.extract_strided_slice %get3A_3 {offsets = [0, 2], sizes = [256, 1], strides = [1, 1]} : vector<256x8xf32> to vector<256x1xf32>
    %get3A_21 = arith.constant 0 : index
    %get3A_22 = arith.constant 2 : index
    %get3A_23 = arith.constant 0 : index
    %get3A_24 = arith.constant 0 : index
    %get3A_25 = vector.load %arg3[%get3A_21, %get3A_22, %get3A_23, %get3A_24] : memref<1x3x256x16xf32, #tpu.memory_space<vmem>>, vector<1x1x256x16xf32>
    %get3A_26 = vector.shape_cast %get3A_25 : vector<1x1x256x16xf32> to vector<256x16xf32>
    %sub3A_27 = vector.broadcast %slice3A_20 : vector<256x1xf32> to vector<256x16xf32>
    %sub3A_28 = arith.subf %sub3A_27, %get3A_26 : vector<256x16xf32>
    %get3A_29 = arith.constant 0 : index
    %get3A_30 = arith.constant 0 : index
    %get3A_31 = vector.load %arg8[%get3A_29, %get3A_30] : memref<8x64xf32, #tpu.memory_space<vmem>>, vector<1x64xf32>
    %reshape3A = vector.shape_cast %get3A_31 : vector<1x64xf32> to vector<1x1x64xf32>
    %get3A_32 = arith.constant 1 : index
    %get3A_33 = arith.constant 0 : index
    %get3A_34 = vector.load %arg8[%get3A_32, %get3A_33] : memref<8x64xf32, #tpu.memory_space<vmem>>, vector<1x64xf32>
    %reshape3A_35 = vector.shape_cast %get3A_34 : vector<1x64xf32> to vector<1x1x64xf32>
    %get3A_36 = arith.constant 2 : index
    %get3A_37 = arith.constant 0 : index
    %get3A_38 = vector.load %arg8[%get3A_36, %get3A_37] : memref<8x64xf32, #tpu.memory_space<vmem>>, vector<1x64xf32>
    %reshape3A_39 = vector.shape_cast %get3A_38 : vector<1x64xf32> to vector<1x1x64xf32>
    %get3A_40 = arith.constant 3 : index
    %get3A_41 = arith.constant 0 : index
    %get3A_42 = vector.load %arg8[%get3A_40, %get3A_41] : memref<8x64xf32, #tpu.memory_space<vmem>>, vector<1x64xf32>
    %reshape3A_43 = vector.shape_cast %get3A_42 : vector<1x64xf32> to vector<1x1x64xf32>
    %broadcast_in_dim3A = vector.shape_cast %sub3A_10 : vector<256x16xf32> to vector<256x16x1xf32>
    %mul3A = vector.broadcast %broadcast_in_dim3A : vector<256x16x1xf32> to vector<256x16x64xf32>
    %mul3A_44 = vector.broadcast %reshape3A : vector<1x1x64xf32> to vector<256x16x64xf32>
    %mul3A_45 = arith.mulf %mul3A, %mul3A_44 : vector<256x16x64xf32>
    %broadcast_in_dim3A_46 = vector.shape_cast %sub3A_19 : vector<256x16xf32> to vector<256x16x1xf32>
    %mul3A_47 = vector.broadcast %broadcast_in_dim3A_46 : vector<256x16x1xf32> to vector<256x16x64xf32>
    %mul3A_48 = vector.broadcast %reshape3A_35 : vector<1x1x64xf32> to vector<256x16x64xf32>
    %mul3A_49 = arith.mulf %mul3A_47, %mul3A_48 : vector<256x16x64xf32>
    %add3A = arith.addf %mul3A_45, %mul3A_49 : vector<256x16x64xf32>
    %broadcast_in_dim3A_50 = vector.shape_cast %sub3A_28 : vector<256x16xf32> to vector<256x16x1xf32>
    %mul3A_51 = vector.broadcast %broadcast_in_dim3A_50 : vector<256x16x1xf32> to vector<256x16x64xf32>
    %mul3A_52 = vector.broadcast %reshape3A_39 : vector<1x1x64xf32> to vector<256x16x64xf32>
    %mul3A_53 = arith.mulf %mul3A_51, %mul3A_52 : vector<256x16x64xf32>
    %add3A_54 = arith.addf %add3A, %mul3A_53 : vector<256x16x64xf32>
    %add3A_55 = vector.broadcast %reshape3A_43 : vector<1x1x64xf32> to vector<256x16x64xf32>
    %add3A_56 = arith.addf %add3A_54, %add3A_55 : vector<256x16x64xf32>
    %max3A = arith.constant 0.000000e+00 : f32
    %max3A_57 = vector.broadcast %max3A : f32 to vector<256x16x64xf32>
    %max3A_58 = arith.maximumf %add3A_56, %max3A_57 : vector<256x16x64xf32>
    %get3A_59 = arith.constant 0 : index
    %get3A_60 = arith.constant 0 : index
    %get3A_61 = arith.constant 0 : index
    %get3A_62 = vector.load %arg5[%get3A_59, %get3A_60, %get3A_61] : memref<1x256x64xf32, #tpu.memory_space<vmem>>, vector<1x256x64xf32>
    %get3A_63 = vector.shape_cast %get3A_62 : vector<1x256x64xf32> to vector<256x64xf32>
    %broadcast_in_dim3A_64 = vector.shape_cast %get3A_63 : vector<256x64xf32> to vector<256x1x64xf32>
    %mul3A_65 = vector.broadcast %broadcast_in_dim3A_64 : vector<256x1x64xf32> to vector<256x16x64xf32>
    %mul3A_66 = arith.mulf %max3A_58, %mul3A_65 : vector<256x16x64xf32>
    %reduce_sum3A = arith.constant dense<0.000000e+00> : vector<256x16xf32>
    %reduce_sum3A_67 = vector.multi_reduction <add>, %mul3A_66, %reduce_sum3A [2] : vector<256x16x64xf32> to vector<256x16xf32>
    %get3A_68 = arith.constant 0 : index
    %get3A_69 = arith.constant 0 : index
    %get3A_70 = arith.constant 0 : index
    %get3A_71 = vector.load %arg4[%get3A_68, %get3A_69, %get3A_70] : memref<1x256x16xf32, #tpu.memory_space<vmem>>, vector<1x256x16xf32>
    %get3A_72 = vector.shape_cast %get3A_71 : vector<1x256x16xf32> to vector<256x16xf32>
    %add3A_73 = arith.addf %get3A_72, %reduce_sum3A_67 : vector<256x16xf32>
    %mul3A_74 = arith.constant 1.250000e-01 : f32
    %mul3A_75 = vector.broadcast %mul3A_74 : f32 to vector<256x16xf32>
    %mul3A_76 = arith.mulf %add3A_73, %mul3A_75 : vector<256x16xf32>
    %reduce_max3A = arith.constant dense<0xFF800000> : vector<256xf32>
    %reduce_max3A_77 = vector.multi_reduction <maximumf>, %mul3A_76, %reduce_max3A [1] : vector<256x16xf32> to vector<256xf32>
    %broadcast_in_dim3A_78 = vector.shape_cast %reduce_max3A_77 : vector<256xf32> to vector<256x1xf32>
    %sub3A_79 = vector.broadcast %broadcast_in_dim3A_78 : vector<256x1xf32> to vector<256x16xf32>
    %sub3A_80 = arith.subf %mul3A_76, %sub3A_79 : vector<256x16xf32>
    %exp3A = math.exp %sub3A_80 : vector<256x16xf32>
    %reduce_sum3A_81 = arith.constant dense<0.000000e+00> : vector<256xf32>
    %reduce_sum3A_82 = vector.multi_reduction <add>, %exp3A, %reduce_sum3A_81 [1] : vector<256x16xf32> to vector<256xf32>
    %broadcast_in_dim3A_83 = vector.shape_cast %reduce_sum3A_82 : vector<256xf32> to vector<256x1xf32>
    %div3A = vector.broadcast %broadcast_in_dim3A_83 : vector<256x1xf32> to vector<256x16xf32>
    %div3A_84 = arith.divf %exp3A, %div3A : vector<256x16xf32>
    %swap3A = arith.constant 0 : index
    %swap3A_85 = arith.constant 0 : index
    %swap3A_86 = arith.constant 0 : index
    %swap3A_87 = vector.load %arg12[%swap3A, %swap3A_85, %swap3A_86] : memref<1x256x16xf32, #tpu.memory_space<vmem>>, vector<1x256x16xf32>
    %swap3A_88 = vector.shape_cast %swap3A_87 : vector<1x256x16xf32> to vector<256x16xf32>
    %swap3A_89 = vector.shape_cast %div3A_84 : vector<256x16xf32> to vector<1x256x16xf32>
    tpu.vector_store %arg12[%swap3A, %swap3A_85, %swap3A_86], %swap3A_89 {strides = array<i32>} : memref<1x256x16xf32, #tpu.memory_space<vmem>>, vector<1x256x16xf32>,
    %get3A_90 = arith.constant 0 : index
    %get3A_91 = arith.constant 0 : index
    %get3A_92 = arith.constant 0 : index
    %get3A_93 = arith.constant 0 : index
    %get3A_94 = vector.load %arg6[%get3A_90, %get3A_91, %get3A_92, %get3A_93] : memref<64x1x256x16xf32, #tpu.memory_space<vmem>>, vector<64x1x256x16xf32>
    %get3A_95 = vector.shape_cast %get3A_94 : vector<64x1x256x16xf32> to vector<64x256x16xf32>
    %broadcast_in_dim3A_96 = vector.shape_cast %div3A_84 : vector<256x16xf32> to vector<1x256x16xf32>
    %mul3A_97 = vector.broadcast %broadcast_in_dim3A_96 : vector<1x256x16xf32> to vector<64x256x16xf32>
    %mul3A_98 = arith.mulf %get3A_95, %mul3A_97 : vector<64x256x16xf32>
    %reduce_sum3A_99 = arith.constant dense<0.000000e+00> : vector<64x256xf32>
    %reduce_sum3A_100 = vector.multi_reduction <add>, %mul3A_98, %reduce_sum3A_99 [2] : vector<64x256x16xf32> to vector<64x256xf32>
    %swap3A_101 = arith.constant 0 : index
    %swap3A_102 = arith.constant 0 : index
    %swap3A_103 = arith.constant 0 : index
    %swap3A_104 = vector.load %arg13[%swap3A_101, %swap3A_102, %swap3A_103] : memref<1x64x256xf32, #tpu.memory_space<vmem>>, vector<1x64x256xf32>
    %swap3A_105 = vector.shape_cast %swap3A_104 : vector<1x64x256xf32> to vector<64x256xf32>
    %swap3A_106 = vector.shape_cast %reduce_sum3A_100 : vector<64x256xf32> to vector<1x64x256xf32>
    tpu.vector_store %arg13[%swap3A_101, %swap3A_102, %swap3A_103], %swap3A_106 {strides = array<i32>} : memref<1x64x256xf32, #tpu.memory_space<vmem>>, vector<1x64x256xf32>,
    %get3A_107 = arith.constant 0 : index
    %get3A_108 = arith.constant 0 : index
    %get3A_109 = vector.load %arg10[%get3A_107, %get3A_108] : memref<13x64xf32, #tpu.memory_space<vmem>>, vector<13x64xf32>
    %convert_element_type3A = arith.truncf %get3A_109 : vector<13x64xf32> to vector<13x64xbf16>
    %convert_element_type3A_110 = arith.truncf %reduce_sum3A_100 : vector<64x256xf32> to vector<64x256xbf16>
    %dot_general3A = arith.constant dense<0.000000e+00> : vector<13x256xf32>
    %dot_general3A_111 = tpu.matmul %convert_element_type3A, %convert_element_type3A_110, %dot_general3A {dimension_numbers = #tpu.dot_dimension_numbers<[1], [0], [0], [1], [0, 0, 1, 1], [], []>, transpose_lhs_hint = false} : vector<13x64xbf16>, vector<64x256xbf16>, vector<13x256xf32> -> vector<13x256xf32>
    %get3A_112 = arith.constant 0 : index
    %get3A_113 = arith.constant 0 : index
    %get3A_114 = vector.load %arg11[%get3A_112, %get3A_113] : memref<13x1xf32, #tpu.memory_space<vmem>>, vector<13x1xf32>
    %add3A_115 = vector.broadcast %get3A_114 : vector<13x1xf32> to vector<13x256xf32>
    %add3A_116 = arith.addf %dot_general3A_111, %add3A_115 : vector<13x256xf32>
    %swap3A_117 = arith.constant 0 : index
    %swap3A_118 = arith.constant 0 : index
    %swap3A_119 = arith.constant 0 : index
    %swap3A_120 = vector.load %arg14[%swap3A_117, %swap3A_118, %swap3A_119] : memref<1x13x256xf32, #tpu.memory_space<vmem>>, vector<1x13x256xf32>
    %swap3A_121 = vector.shape_cast %swap3A_120 : vector<1x13x256xf32> to vector<13x256xf32>
    %swap3A_122 = vector.shape_cast %add3A_116 : vector<13x256xf32> to vector<1x13x256xf32>
    tpu.vector_store %arg14[%swap3A_117, %swap3A_118, %swap3A_119], %swap3A_122 {strides = array<i32>} : memref<1x13x256xf32, #tpu.memory_space<vmem>>, vector<1x13x256xf32>,
    %get3A_123 = arith.constant 0 : index
    %get3A_124 = arith.constant 0 : index
    %get3A_125 = arith.constant 0 : index
    %get3A_126 = vector.load %arg7[%get3A_123, %get3A_124, %get3A_125] : memref<1x256x32xf32, #tpu.memory_space<vmem>>, vector<1x256x32xf32>
    %get3A_127 = vector.shape_cast %get3A_126 : vector<1x256x32xf32> to vector<256x32xf32>
    %get3A_128 = arith.constant 0 : index
    %get3A_129 = arith.constant 0 : index
    %get3A_130 = vector.load %arg9[%get3A_128, %get3A_129] : memref<4x32xf32, #tpu.memory_space<vmem>>, vector<1x32xf32>
    %mul3A_131 = vector.broadcast %get3A_130 : vector<1x32xf32> to vector<256x32xf32>
    %mul3A_132 = arith.mulf %get3A_127, %mul3A_131 : vector<256x32xf32>
    %get3A_133 = arith.constant 1 : index
    %get3A_134 = arith.constant 0 : index
    %get3A_135 = vector.load %arg9[%get3A_133, %get3A_134] : memref<4x32xf32, #tpu.memory_space<vmem>>, vector<1x32xf32>
    %add3A_136 = vector.broadcast %get3A_135 : vector<1x32xf32> to vector<256x32xf32>
    %add3A_137 = arith.addf %mul3A_132, %add3A_136 : vector<256x32xf32>
    %max3A_138 = arith.constant 0.000000e+00 : f32
    %max3A_139 = vector.broadcast %max3A_138 : f32 to vector<256x32xf32>
    %max3A_140 = arith.maximumf %add3A_137, %max3A_139 : vector<256x32xf32>
    %get3A_141 = arith.constant 2 : index
    %get3A_142 = arith.constant 0 : index
    %get3A_143 = vector.load %arg9[%get3A_141, %get3A_142] : memref<4x32xf32, #tpu.memory_space<vmem>>, vector<1x32xf32>
    %mul3A_144 = vector.broadcast %get3A_143 : vector<1x32xf32> to vector<256x32xf32>
    %mul3A_145 = arith.mulf %max3A_140, %mul3A_144 : vector<256x32xf32>
    %reduce_sum3A_146 = arith.constant dense<0.000000e+00> : vector<256xf32>
    %reduce_sum3A_147 = vector.multi_reduction <add>, %mul3A_145, %reduce_sum3A_146 [1] : vector<256x32xf32> to vector<256xf32>
    %get3A_148 = arith.constant 3 : index
    %get3A_149 = arith.constant 0 : index
    %get3A_150 = vector.load %arg9[%get3A_148, %get3A_149] : memref<4x32xf32, #tpu.memory_space<vmem>>, vector<1x1xf32>
    %get3A_151 = vector.extract %get3A_150[0, 0] : f32 from vector<1x1xf32>
    %add3A_152 = vector.broadcast %get3A_151 : f32 to vector<256xf32>
    %add3A_153 = arith.addf %reduce_sum3A_147, %add3A_152 : vector<256xf32>
    %swap3A_154 = arith.constant 0 : index
    %swap3A_155 = arith.constant 0 : index
    %swap3A_156 = arith.constant 0 : index
    %swap3A_157 = vector.load %arg15[%swap3A_154, %swap3A_155, %swap3A_156] : memref<1x1x256xf32, #tpu.memory_space<vmem>>, vector<1x1x256xf32>
    %swap3A_158 = vector.shape_cast %swap3A_157 : vector<1x1x256xf32> to vector<256xf32>
    %swap3A_159 = vector.shape_cast %add3A_153 : vector<256xf32> to vector<1x1x256xf32>
    tpu.vector_store %arg15[%swap3A_154, %swap3A_155, %swap3A_156], %swap3A_159 {strides = array<i32>} : memref<1x1x256xf32, #tpu.memory_space<vmem>>, vector<1x1x256xf32>,
    return
  }
  func.func @transform_0(%arg0: i32, %arg1: i32) -> (i32, i32, i32) {
    %c0_i32 = arith.constant 0 : i32
    %c0_i32_0 = arith.constant 0 : i32
    return %arg0, %arg1, %c0_i32 : i32, i32, i32
  }
  func.func @transform_1(%arg0: i32, %arg1: i32) -> (i32, i32, i32, i32) {
    %c0_i32 = arith.constant 0 : i32
    %c0_i32_0 = arith.constant 0 : i32
    %c0_i32_1 = arith.constant 0 : i32
    return %arg0, %c0_i32, %arg1, %c0_i32_0 : i32, i32, i32, i32
  }
  func.func @transform_2(%arg0: i32, %arg1: i32) -> (i32, i32, i32) {
    %c0_i32 = arith.constant 0 : i32
    %c0_i32_0 = arith.constant 0 : i32
    return %arg0, %arg1, %c0_i32 : i32, i32, i32
  }
  func.func @transform_3(%arg0: i32, %arg1: i32) -> (i32, i32, i32) {
    %c0_i32 = arith.constant 0 : i32
    %c0_i32_0 = arith.constant 0 : i32
    return %arg0, %arg1, %c0_i32 : i32, i32, i32
  }
  func.func @transform_4(%arg0: i32, %arg1: i32) -> (i32, i32, i32, i32) {
    %c0_i32 = arith.constant 0 : i32
    %c0_i32_0 = arith.constant 0 : i32
    %c0_i32_1 = arith.constant 0 : i32
    return %c0_i32, %arg0, %arg1, %c0_i32_0 : i32, i32, i32, i32
  }
  func.func @transform_5(%arg0: i32, %arg1: i32) -> (i32, i32, i32) {
    %c0_i32 = arith.constant 0 : i32
    %c0_i32_0 = arith.constant 0 : i32
    return %arg0, %arg1, %c0_i32 : i32, i32, i32
  }
  func.func @transform_6(%arg0: i32, %arg1: i32) -> (i32, i32) {
    %c0_i32 = arith.constant 0 : i32
    %c0_i32_0 = arith.constant 0 : i32
    %c0_i32_1 = arith.constant 0 : i32
    return %c0_i32, %c0_i32_0 : i32, i32
  }
  func.func @transform_7(%arg0: i32, %arg1: i32) -> (i32, i32) {
    %c0_i32 = arith.constant 0 : i32
    %c0_i32_0 = arith.constant 0 : i32
    %c0_i32_1 = arith.constant 0 : i32
    return %c0_i32, %c0_i32_0 : i32, i32
  }
  func.func @transform_8(%arg0: i32, %arg1: i32) -> (i32, i32) {
    %c0_i32 = arith.constant 0 : i32
    %c0_i32_0 = arith.constant 0 : i32
    %c0_i32_1 = arith.constant 0 : i32
    return %c0_i32, %c0_i32_0 : i32, i32
  }
  func.func @transform_9(%arg0: i32, %arg1: i32) -> (i32, i32) {
    %c0_i32 = arith.constant 0 : i32
    %c0_i32_0 = arith.constant 0 : i32
    %c0_i32_1 = arith.constant 0 : i32
    return %c0_i32, %c0_i32_0 : i32, i32
  }
  func.func @transform_10(%arg0: i32, %arg1: i32) -> (i32, i32, i32) {
    %c0_i32 = arith.constant 0 : i32
    %c0_i32_0 = arith.constant 0 : i32
    return %arg0, %arg1, %c0_i32 : i32, i32, i32
  }
  func.func @transform_11(%arg0: i32, %arg1: i32) -> (i32, i32, i32) {
    %c0_i32 = arith.constant 0 : i32
    %c0_i32_0 = arith.constant 0 : i32
    return %arg0, %c0_i32, %arg1 : i32, i32, i32
  }
  func.func @transform_12(%arg0: i32, %arg1: i32) -> (i32, i32, i32) {
    %c0_i32 = arith.constant 0 : i32
    %c0_i32_0 = arith.constant 0 : i32
    return %arg0, %c0_i32, %arg1 : i32, i32, i32
  }
  func.func @transform_13(%arg0: i32, %arg1: i32) -> (i32, i32, i32) {
    %c0_i32 = arith.constant 0 : i32
    %c0_i32_0 = arith.constant 0 : i32
    return %arg0, %c0_i32, %arg1 : i32, i32, i32
  }
}

</mosaic_0001>

<sc_bundles>
// kernel: kernel.10.cloned.1.call-start
scs
__scs_entry_jumppad:
0x0: {  	(pc) =	sbr.rel $0x88, $3  }
0x1: {  	(tag) =	ssettag $0x0;
	lr =	simm.s32 $0x1  }
0x2: {  	[smem:$0x3F82] =	sst lr;
	_ =	strace $0xD0000000  }
0x3: {  	_ = 	snop  }
0x4: {  	_ = 	snop  }
0x5: {  	_ = 	snop  }
0x6: {  	_ = 	snop  }
0x7: {  	_ = 	snop  }
__scs_overlays_trampoline_lowered:
0x8: {  	[smem:$0x3F91] =	sst s0  }
0x9: {  	[smem:$0x3F92] =	sst s1  }
0xa: {  	[smem:$0x3F93] =	sst s2  }
0xb: {  	[smem:$0x3F94] =	sst s3  }
0xc: {  	[smem:$0x3F95] =	sst s4  }
0xd: {  	[smem:$0x3F96] =	sst s5  }
0xe: {  	[smem:$0x3F97] =	sst s6  }
0xf: {  	[smem:$0x3F98] =	sst s7  }
0x10: {  	[smem:$0x3F99] =	sst s8  }
0x11: {  	[smem:$0x3F9A] =	sst s9;
	s0 =	simm.s32 @!p0 $0x0  }
0x12: {  	s1 =	sld [smem:$0x3F80];
	s0 =	simm.s32 @p0 $0x1  }
0x13: {  	[smem:$0x3F9B] =	sst s0;
	s0 =	simm.s32 @!p1 $0x0  }
0x14: {  	s2 =	sld [smem:$0x3F7F];
	s0 =	simm.s32 @p1 $0x1  }
0x15: {  	[smem:$0x3F9C] =	sst s0;
	s0 =	simm.s32 @!p2 $0x0  }
0x16: {  	s3 =	sld [smem:$0x3FDB];
	s0 =	simm.s32 @p2 $0x1  }
0x17: {  	s4 =	simm.s32 $0x1BF5;
	[smem:$0x3F9E] =	sst s0  }
0x18: {  	s0 =	sld [smem:$0x3F81];
	_ =	swait.ge [sflag:s4], $0x0  }
0x19: {  	s7 =	sld [smem:$0x3F82]  }
0x1a: {  	s8 =	sadd.s32 $0xFFFFE003, lr  }
0x1b: {  	s9 =	sadd.s32 $0xFFFFFEF7, lr;
	s5 =	simm.s32 $0xFFFFFFFF;
	p2 =	slt.u32 s8, $0xFFFFF086  }
0x1c: {  	p1 =	slt.u32 s9, $0xF7A;
	s5 =	simm.s32 @!p2 $0x0  }
0x1d: {  	s5 =	simm.s32 @p1 $0x1;
	p0 =	seq.s32 s7, s2  }
0x1e: {  	s7 =	smul.u32 @!p0 $0xF7A, s2;
	p2 =	seq.s32 @!p0 s5, $0x0  }
0x1f: {  	s9 =	smul.u32 $0xF7A, s1;
	s8 =	simm.s32 @!p0 $0x1BF5;
	p2 =	por !p2, p0  }
0x20: {  	[sflag:s8] =	ssyncset.s32 @!p0 $0xFFFFF086;
	s6 =	sadd.s32 @!p0 s3, s7;
	s7 =	simm.s32 @!p0 $0x108  }
0x21: {  	s3 =	sadd.s32 s3, s9;
	s6 =	sadd.s32 @!p0 $0x88, s6;
	s7 =	simm.s32 @p2 $0x1082  }
0x22: {  	[simem:s7], [sflag:s8] =	dma.local @!p0 [hbm:s6], $0xF7A  }
0x23: {  	s9 =	sor.u32 $0xD0000000, s2;
	s6 =	simm.s32 $0x108;
	_ =	swait.ge @!p0 [sflag:s8], $0x0  }
0x24: {  	s3 =	sadd.s32 $0x88, s3;
	s6 =	simm.s32 @!p1 $0x1082;
	[sflag:s4] =	ssyncset.s32 $0xFFFFF086  }
0x25: {  	[simem:s6], [sflag:s4] =	dma.local [hbm:s3], $0xF7A  }
0x26: {  	[smem:$0x3F82] =	sst s1;
	(tag) =	ssettag s2;
	_ =	strace s9  }
0x27: {  	s1 =	sld [smem:$0x3F92]  }
0x28: {  	s2 =	sld [smem:$0x3F93]  }
0x29: {  	s4 =	sld [smem:$0x3F95]  }
0x2a: {  	p0 =	seq.s32 s5, $0x0;
	s5 =	sld [smem:$0x3F96]  }
0x2b: {  	s6 =	sld [smem:$0x3F97]  }
0x2c: {  	s7 =	sld [smem:$0x3F98]  }
0x2d: {  	s3 =	simm.s32 $0x108;
	s8 =	sld [smem:$0x3F99]  }
0x2e: {  	s3 =	simm.s32 @!p0 $0x1082;
	s9 =	sld [smem:$0x3F9A]  }
0x2f: {  	lr =	sadd.s32 s0, s3;
	s0 =	sld [smem:$0x3F91]  }
0x30: {  	s3 =	sld [smem:$0x3F94]  }
0x31: {  	[smem:$0x3F9D] =	sst s10  }
0x32: {  	s10 =	sld [smem:$0x3F9B];
	_ =	sdelay $0x3  }
0x33: {  	p0 =	seq.s32 s10, $0x1;
	s10 =	sld [smem:$0x3F9D];
	_ =	sdelay $0x3  }
0x34: {  	[smem:$0x3F9D] =	sst s10  }
0x35: {  	s10 =	sld [smem:$0x3F9C];
	_ =	sdelay $0x3  }
0x36: {  	p1 =	seq.s32 s10, $0x1;
	s10 =	sld [smem:$0x3F9D];
	_ =	sdelay $0x3  }
0x37: {  	[smem:$0x3F9D] =	sst s10  }
0x38: {  	s10 =	sld [smem:$0x3F9E]  }
0x39: {  	_ = 	snop;
	(pc) =	sbr.ind lr, $3  }
0x3a: {  	_ = 	snop  }
0x3b: {  	_ = 	snop  }
0x3c: {  	p2 =	seq.s32 s10, $0x1;
	s10 =	sld [smem:$0x3F9D]  }
0x3d: {  	_ =	shalt  }
0x3e: {  	_ =	shalt  }
0x3f: {  	_ =	shalt  }
0x40: {  	_ =	shalt  }
0x41: {  	_ =	shalt  }
0x42: {  	_ =	shalt  }
0x43: {  	_ =	shalt  }
0x44: {  	_ =	shalt  }
0x45: {  	_ =	shalt  }
0x46: {  	_ =	shalt  }
0x47: {  	_ =	shalt  }
0x48: {  	_ =	shalt  }
0x49: {  	_ =	shalt  }
0x4a: {  	_ =	shalt  }
0x4b: {  	_ =	shalt  }
0x4c: {  	_ =	shalt  }
0x4d: {  	_ =	shalt  }
0x4e: {  	_ =	shalt  }
0x4f: {  	_ =	shalt  }
0x50: {  	_ =	shalt  }
0x51: {  	_ =	shalt  }
0x52: {  	_ =	shalt  }
0x53: {  	_ =	shalt  }
0x54: {  	_ =	shalt  }
0x55: {  	_ =	shalt  }
0x56: {  	_ =	shalt  }
0x57: {  	_ =	shalt  }
0x58: {  	_ =	shalt  }
0x59: {  	_ =	shalt  }
0x5a: {  	_ =	shalt  }
0x5b: {  	_ =	shalt  }
0x5c: {  	_ =	shalt  }
0x5d: {  	_ =	shalt  }
0x5e: {  	_ =	shalt  }
0x5f: {  	_ =	shalt  }
0x60: {  	_ =	shalt  }
0x61: {  	_ =	shalt  }
0x62: {  	_ =	shalt  }
0x63: {  	_ =	shalt  }
0x64: {  	_ =	shalt  }
0x65: {  	_ =	shalt  }
0x66: {  	_ =	shalt  }
0x67: {  	_ =	shalt  }
0x68: {  	_ =	shalt  }
0x69: {  	_ =	shalt  }
0x6a: {  	_ =	shalt  }
0x6b: {  	_ =	shalt  }
0x6c: {  	_ =	shalt  }
0x6d: {  	_ =	shalt  }
0x6e: {  	_ =	shalt  }
0x6f: {  	_ =	shalt  }
0x70: {  	_ =	shalt  }
0x71: {  	_ =	shalt  }
0x72: {  	_ =	shalt  }
0x73: {  	_ =	shalt  }
0x74: {  	_ =	shalt  }
0x75: {  	_ =	shalt  }
0x76: {  	_ =	shalt  }
0x77: {  	_ =	shalt  }
0x78: {  	_ =	shalt  }
0x79: {  	_ =	shalt  }
0x7a: {  	_ =	shalt  }
0x7b: {  	_ =	shalt  }
0x7c: {  	_ =	shalt  }
0x7d: {  	_ =	shalt  }
0x7e: {  	_ =	shalt  }
0x7f: {  	_ =	shalt  }
0x80: {  	_ =	shalt  }
0x81: {  	_ =	shalt  }
0x82: {  	_ =	shalt  }
0x83: {  	_ =	shalt  }
0x84: {  	_ =	shalt  }
0x85: {  	_ =	shalt  }
0x86: {  	_ =	shalt  }
0x87: {  	_ =	shalt  }
.Lfunc_end0:
.L_simem_size_0:
called_computation_lowered:
.L_overlay_start_0:
0x88: {  	s2 =	sld [smem:$0x3FD9]  }
0x89: {  	s3 =	sld [smem:$0x3FFE];
	_ =	sdelay $0x1  }
0x8a: {  	s1 =	srdreg.scid  }
0x8b: {  	s0 =	sand.u32 $0x1, s1  }
0x8c: {  	s14 =	sshll.u32 s0, $0xA;
	s2 =	sadd.s32 s3, s2  }
0x8d: {  	s2 =	sadd.s32 s2, s14  }
0x8e: {  	[smem:$0x3FA9] =	sst s2  }
0x8f: {  	_ = 	snop  }
0x90: {  	s2 =	sld [smem:$0x3FD0];
	_ =	sdelay $0x2  }
0x91: {  	s15 =	simm.s32 $0xB;
	s4 =	simm.s32 $0x10  }
0x92: {  	[smem:s4], [sflag:s15] =	dma.local [hbm:s2], $0x1  }
0x93: {  	_ =	swait.eq [sflag:s15], $0x1  }
0x94: {  	s16 =	sld [smem:$0x10];
	[sflag:s15] =	ssyncset.done $0x0  }
0x95: {  	s17 =	sld [smem:$0x11];
	[sflag:s15] =	ssyncadd.s32 $0xFFFFFFFF  }
0x96: {  	s18 =	sld [smem:$0x14];
	(tm) =	ssettm $0x1  }
0x97: {  	s5 =	sld [smem:$0x3FFB];
	_ =	sdelay $0x3  }
0x98: {  	_ =	strace s5  }
0x99: {  	s5 =	sld [smem:$0x3FFC];
	_ =	sdelay $0x3  }
0x9a: {  	_ =	strace s5  }
0x9b: {  	s5 =	sld [smem:$0x3FFD];
	_ =	sdelay $0x3  }
0x9c: {  	_ =	strace s5  }
0x9d: {  	_ =	strace $0x8FFFFFFF  }
0x9e: {  	s19 =	sld [smem:$0x3FDB];
	_ =	sdelay $0x1  }
0x9f: {  	s6 =	simm.s32 $_scs_section_size  }
0xa0: {  	s7 =	simm.s32 $_size__tile_overlayer_lowered;
	s8 =	simm.s32 $_tile_overlayer_lowered  }
0xa1: {  	s22 =	simm.s32 $0x1BFF;
	s21 =	sshll.u32 s8, $0x1;
	s5 =	sadd.s32 s6, s19  }
0xa2: {  	s9 =	simm.s32 $0x0;
	s20 =	sshll.u32 s7, $0x1;
	s7 =	sadd.s32 s21, s5  }
0xa3: {  	[timem:s9], [sflag:s22] =	dma.local [hbm:s7], s20  }
0xa4: {  	_ =	swait.ge [sflag:s22], s20  }
0xa5: {  	s6 =	ssub.s32 $0x0, s20;
	[sflag:s22] =	ssyncset.done $0x0  }
0xa6: {  	[sflag:s22] =	ssyncadd.s32 s6;
	_ =	sdelay $0x1  }
0xa7: {  	s23 =	simm.s32 $0x1B8B  }
0xa8: {  	_ =	swait.ge [sflag:s23], $0x1  }
0xa9: {  	[sflag:s23] =	ssyncset.done $0x0  }
0xaa: {  	s25 =	simm.s32 $0x1B8E;
	s24 =	sld [smem:$0x3FFE];
	[sflag:s23] =	ssyncadd.s32 $0xFFFFFFFF  }
0xab: {  	s26 =	simm.s32 $execute0_lowered;
	[smem:$0x3FD2] =	sst s25  }
0xac: {  	s7 =	sshll.u32 s26, $0x1;
	_ =	strace $0x80000046;
	[dreg:$0x1] =	wrdreg $0xFFFFFFFF  }
0xad: {  	s28 =	simm.s32 $_size_execute0_lowered;
	s5 =	sadd.s32 s5, s7;
	[dreg:$0x0] =	wrdreg $0x0  }
0xae: {  	s7 =	sshll.u32 s28, $0x1;
	[dreg:$0x2] =	wrdreg s5  }
0xaf: {  	[dreg:$0x3] =	wrdreg s7  }
0xb0: {  	[dreg:$0x4] =	wrdreg $0xC0  }
0xb1: {  	_ =	task [dreg:s9], $0x5FFFF  }
0xb2: {  	[dreg:$0x1] =	wrdreg $0xFFFFFFFF  }
0xb3: {  	[dreg:$0x0] =	wrdreg $0x60  }
0xb4: {  	[dreg:$0x2] =	wrdreg s24  }
0xb5: {  	[dreg:$0x3] =	wrdreg s18  }
0xb6: {  	[dreg:$0x4] =	wrdreg s17  }
0xb7: {  	[dreg:$0x5] =	wrdreg s16  }
0xb8: {  	[dreg:$0x6] =	wrdreg $0x9  }
0xb9: {  	_ =	task.clear_ibuf [dreg:s9], $0x7FFFF;
	_ =	strace $0x90000046  }
0xba: {  	s29 =	simm.s32 $0x9;
	_ =	strace $0x80000048  }
0xbb: {  	_ =	swait.ge [sflag:s29], $0x1  }
0xbc: {  	[sflag:s29] =	ssyncadd.s32 $0xFFFFFFFF  }
0xbd: {  	_ =	strace $0x90000048  }
0xbe: {  	_ =	sfence  }
0xbf: {  	s30 =	sld [smem:$0x0];
	_ =	sdelay $0x2  }
0xc0: {  	s31 =	sshll.u32 s1, $0xD;
	s1 =	sshrl.u32 s1, $0x2  }
0xc1: {  	s3 =	sand.u32 $0x4000, s31;
	s1 =	sadd.s32 s1, s30  }
0xc2: {  	s0 =	sor.u32 s3, s0;
	s1 =	sshll.u32 s1, $0x11  }
0xc3: {  	s0 =	sor.u32 s1, s0  }
0xc4: {  	s0 =	sadd.s32 $0x8F2B, s0  }
0xc5: {  	[sflag:s0] =	ssyncadd.remote.s32 $0x1  }
0xc6: {  	_ =	sfence.sel $0xFFFF  }
0xc7: {  	[dreg:$0x0] =	wrdreg $0xFFFFFFFF;
	(pc) =	sbr.abs _section_cstart, $3  }
0xc8: {  	[dreg:$0x1] =	wrdreg $0xFFFFFFFF  }
0xc9: {  	_ =	task.clear_ibuf [dreg:s9], $0x2FFFF;
	_ =	strace $0x9FFFFFFF  }
0xca: {  	(tm) =	ssettm $0x7FFFFFFF  }
0xcb: {  	_ =	shalt  }
tec
execute0_lowered:
.L_overlay_start_1:
0x0: {  	(tag) =	ssettag $0x1  }
0x1: {  	s6 =	rddreg [dreg:$0x0]  }
0x2: {  	s1 =	rddreg [dreg:$0x1]  }
0x3: {  	s7 =	rddreg [dreg:$0x2]  }
0x4: {  	s8 =	rddreg [dreg:$0x3]  }
0x5: {  	s0 =	rddreg [dreg:$0x4];
	s2 =	simm.s32 $0x0  }
0x6: {  	s5 =	srdreg.scid;
	s3 =	stileid.u32;
	s13 =	simm.s32 $0x8000  }
0x7: {  	s14 =	simm.s32 $0xC000;
	s15 =	simm.s32 $0xE000;
	s16 =	simm.s32 $0x10000  }
0x8: {  	s17 =	simm.s32 $0x12000;
	s18 =	simm.s32 $0x0;
	[smem:$0x7FF] =	sst s2  }
0x9: {  	s4 =	sadd.s32 $0x7200, s6;
	s5 =	sand.u32 $0x1, s5;
	s9 =	sshll.u32 s3, $0xB  }
0xa: {  	_ =	strace $0x80000047;
	s10 =	sshll.u32 s5, $0xA;
	s11 =	ssub.s32 $0x2, s5  }
0xb: {  	s5 =	sadd.s32 $0x6A00, s6;
	s9 =	sor.u32 s10, s9;
	s31 =	sshrl.u32 s11, $0x1  }
0xc: {  	s12 =	sadd.s32 s9, s6;
	s10 =	ssub.s32 s11, s31;
	s6 =	sadd.s32 s7, s9  }
0xd: {  	s7 =	sadd.s32 s8, s9;
	s11 =	simm.s32 $0x1;
	s8 =	sadd.s32 $0x7A00, s12  }
0xe: {  	s9 =	sadd.s32 $0xFA00, s12;
	s10 =	smax.u32 s10, $0x1;
	s12 =	simm.s32 $0x4000  }
.LBB2_1:
0xf: {  	[tilespmem:s2], [sflag:$0x1] =	stream.linear.gather [hbm4b:s4+s2], $0x4000, $0x38;
	[tilespmem:$0x14000] =	vst v63  }
0x10: {  	_ =	swait.ge [sflag:s11], $0x4000  }
0x11: {  	[sflag:s11] =	ssyncset.done $0x0  }
0x12: {  	[sflag:s11] =	ssyncadd.s32 $0xFFFFC000  }
0x13: {  	[tilespmem:s12], [sflag:$0x1] =	stream.linear.gather [hbm4b:s5+s2], $0x4000, $0x38;
	[tilespmem:$0x14000] =	vst v63  }
0x14: {  	_ =	swait.ge [sflag:s11], $0x4000  }
0x15: {  	[sflag:s11] =	ssyncset.done $0x0  }
0x16: {  	[sflag:s11] =	ssyncadd.s32 $0xFFFFC000  }
0x17: {  	[tilespmem:s13], [sflag:$0x1] =	stream.linear.gather [hbm4b:s1+s2], $0x4000, $0x38;
	[tilespmem:$0x14000] =	vst v63  }
0x18: {  	_ =	swait.ge [sflag:s11], $0x4000  }
0x19: {  	[sflag:s11] =	ssyncset.done $0x0  }
0x1a: {  	[sflag:s11] =	ssyncadd.s32 $0xFFFFC000  }
0x1b: {  	[tilespmem:s14], [sflag:$0x1] =	stream.linear.gather [hbm4b:s6+s2], $0x2000, $0x38;
	[tilespmem:$0x14000] =	vst v63  }
0x1c: {  	_ =	swait.ge [sflag:s11], $0x2000  }
0x1d: {  	[sflag:s11] =	ssyncset.done $0x0  }
0x1e: {  	s19 =	simm.s32 $0x0;
	[sflag:s11] =	ssyncadd.s32 $0xFFFFE000  }
0x1f: {  	v0 =	vld [tilespmem:s19+$0xC000];
	_ =	sdelay $0x7  }
0x20: {  	v1 =	vld.idx.msk [tilespmem:v0+s2+$0x0], $0xffff;
	_ =	sdelay $0x4  }
0x21: {  	[tilespmem:s19+$0xE000] =	vst v1  }
0x22: {  	v1 =	vld.idx.msk [tilespmem:v0+s12+$0x0], $0xffff;
	_ =	sdelay $0x4  }
0x23: {  	[tilespmem:s19+$0x10000] =	vst v1;
	v1 =	vld [tilespmem:s19+$0xC010];
	_ =	sdelay $0x1  }
0x24: {  	v0 =	vld.idx.msk [tilespmem:v0+s13+$0x0], $0xffff;
	_ =	sdelay $0x4  }
0x25: {  	[tilespmem:s19+$0x12000] =	vst v0  }
0x26: {  	v0 =	vld.idx.msk [tilespmem:v1+s2+$0x0], $0xffff;
	_ =	sdelay $0x4  }
0x27: {  	[tilespmem:s19+$0xE010] =	vst v0  }
0x28: {  	v0 =	vld.idx.msk [tilespmem:v1+s12+$0x0], $0xffff;
	_ =	sdelay $0x3  }
0x29: {  	v2 =	vld [tilespmem:s19+$0xC020]  }
0x2a: {  	[tilespmem:s19+$0x10010] =	vst v0  }
0x2b: {  	v0 =	vld.idx.msk [tilespmem:v1+s13+$0x0], $0xffff;
	_ =	sdelay $0x4  }
0x2c: {  	[tilespmem:s19+$0x12010] =	vst v0  }
0x2d: {  	v0 =	vld.idx.msk [tilespmem:v2+s2+$0x0], $0xffff;
	_ =	sdelay $0x4  }
0x2e: {  	[tilespmem:s19+$0xE020] =	vst v0  }
0x2f: {  	v0 =	vld.idx.msk [tilespmem:v2+s12+$0x0], $0xffff;
	_ =	sdelay $0x4  }
0x30: {  	[tilespmem:s19+$0x10020] =	vst v0;
	v0 =	vld [tilespmem:s19+$0xC030];
	_ =	sdelay $0x1  }
0x31: {  	v1 =	vld.idx.msk [tilespmem:v2+s13+$0x0], $0xffff;
	_ =	sdelay $0x4  }
0x32: {  	[tilespmem:s19+$0x12020] =	vst v1  }
0x33: {  	v1 =	vld.idx.msk [tilespmem:v0+s2+$0x0], $0xffff;
	_ =	sdelay $0x4  }
0x34: {  	[tilespmem:s19+$0xE030] =	vst v1  }
0x35: {  	v1 =	vld.idx.msk [tilespmem:v0+s12+$0x0], $0xffff;
	_ =	sdelay $0x3  }
0x36: {  	s21 =	simm.s32 $0x40;
	s20 =	simm.s32 $0x200  }
.LBB2_2:
0x37: {  	p0 =	sne.s32 s20, $0x7F00;
	v2 =	vld [tilespmem:s21+$0xC000];
	[tilespmem:s19+$0x10030] =	vst v1  }
0x38: {  	v0 =	vld.idx.msk [tilespmem:v0+s13+$0x0], $0xffff;
	_ =	sdelay $0x5  }
0x39: {  	[tilespmem:s19+$0x12030] =	vst v0;
	s19 =	smov.u32 s21  }
0x3a: {  	v0 =	vld.idx.msk [tilespmem:v2+s2+$0x0], $0xffff;
	_ =	sdelay $0x5  }
0x3b: {  	[tilespmem:s19+$0xE000] =	vst v0  }
0x3c: {  	v0 =	vld.idx.msk [tilespmem:v2+s12+$0x0], $0xffff;
	_ =	sdelay $0x5  }
0x3d: {  	[tilespmem:s19+$0x10000] =	vst v0;
	v0 =	vld [tilespmem:s19+$0xC010]  }
0x3e: {  	v1 =	vld.idx.msk [tilespmem:v2+s13+$0x0], $0xffff;
	_ =	sdelay $0x5  }
0x3f: {  	[tilespmem:s19+$0x12000] =	vst v1  }
0x40: {  	v1 =	vld.idx.msk [tilespmem:v0+s2+$0x0], $0xffff;
	_ =	sdelay $0x5  }
0x41: {  	[tilespmem:s19+$0xE010] =	vst v1  }
0x42: {  	v1 =	vld.idx.msk [tilespmem:v0+s12+$0x0], $0xffff;
	_ =	sdelay $0x5  }
0x43: {  	[tilespmem:s19+$0x10010] =	vst v1;
	v1 =	vld [tilespmem:s19+$0xC020]  }
0x44: {  	v0 =	vld.idx.msk [tilespmem:v0+s13+$0x0], $0xffff;
	_ =	sdelay $0x5  }
0x45: {  	[tilespmem:s19+$0x12010] =	vst v0  }
0x46: {  	v0 =	vld.idx.msk [tilespmem:v1+s2+$0x0], $0xffff;
	_ =	sdelay $0x5  }
0x47: {  	[tilespmem:s19+$0xE020] =	vst v0  }
0x48: {  	v0 =	vld.idx.msk [tilespmem:v1+s12+$0x0], $0xffff;
	_ =	sdelay $0x5  }
0x49: {  	[tilespmem:s19+$0x10020] =	vst v0;
	v0 =	vld [tilespmem:s19+$0xC030]  }
0x4a: {  	v1 =	vld.idx.msk [tilespmem:v1+s13+$0x0], $0xffff;
	_ =	sdelay $0x5  }
0x4b: {  	[tilespmem:s19+$0x12020] =	vst v1  }
0x4c: {  	v1 =	vld.idx.msk [tilespmem:v0+s2+$0x0], $0xffff;
	_ =	sdelay $0x5  }
0x4d: {  	[tilespmem:s19+$0xE030] =	vst v1  }
0x4e: {  	v1 =	vld.idx.msk [tilespmem:v0+s12+$0x0], $0xffff  }
.Ltmp0:
0x4f: {  	(pc) =	sbr.rel @p0 .LBB2_2-.Ltmp0, $2  }
0x50: {  	_ =	sdelay $0x2  }
0x51: {  	s21 =	sshra.s32 s20, $0x2;
	s20 =	sadd.s32 $0x100, s20  }
0x52: {  	_ =	sdelay $0x1  }
0x53: {  	v2 =	vld [tilespmem:s21+$0xC000]  }
0x54: {  	[tilespmem:s19+$0x10030] =	vst v1  }
0x55: {  	v0 =	vld.idx.msk [tilespmem:v0+s13+$0x0], $0xffff;
	_ =	sdelay $0x4  }
0x56: {  	[tilespmem:s19+$0x12030] =	vst v0  }
0x57: {  	v0 =	vld.idx.msk [tilespmem:v2+s2+$0x0], $0xffff;
	_ =	sdelay $0x4  }
0x58: {  	[tilespmem:s21+$0xE000] =	vst v0  }
0x59: {  	v0 =	vld.idx.msk [tilespmem:v2+s12+$0x0], $0xffff;
	_ =	sdelay $0x3  }
0x5a: {  	v61 =	vld [tilespmem:s21+$0xC010]  }
0x5b: {  	[tilespmem:s21+$0x10000] =	vst v0  }
0x5c: {  	v1 =	vld.idx.msk [tilespmem:v2+s13+$0x0], $0xffff;
	_ =	sdelay $0x4  }
0x5d: {  	[tilespmem:s21+$0x12000] =	vst v1  }
0x5e: {  	v1 =	vld.idx.msk [tilespmem:v61+s2+$0x0], $0xffff;
	_ =	sdelay $0x4  }
0x5f: {  	[tilespmem:s21+$0xE010] =	vst v1  }
0x60: {  	v1 =	vld.idx.msk [tilespmem:v61+s12+$0x0], $0xffff;
	_ =	sdelay $0x3  }
0x61: {  	v62 =	vld [tilespmem:s21+$0xC020]  }
0x62: {  	[tilespmem:s21+$0x10010] =	vst v1  }
0x63: {  	v0 =	vld.idx.msk [tilespmem:v61+s13+$0x0], $0xffff;
	_ =	sdelay $0x4  }
0x64: {  	[tilespmem:s21+$0x12010] =	vst v0  }
0x65: {  	v0 =	vld.idx.msk [tilespmem:v62+s2+$0x0], $0xffff;
	_ =	sdelay $0x4  }
0x66: {  	[tilespmem:s21+$0xE020] =	vst v0  }
0x67: {  	v0 =	vld.idx.msk [tilespmem:v62+s12+$0x0], $0xffff;
	_ =	sdelay $0x3  }
0x68: {  	v63 =	vld [tilespmem:s21+$0xC030]  }
0x69: {  	[tilespmem:s21+$0x10020] =	vst v0  }
0x6a: {  	v1 =	vld.idx.msk [tilespmem:v62+s13+$0x0], $0xffff;
	_ =	sdelay $0x4  }
0x6b: {  	[tilespmem:s21+$0x12020] =	vst v1  }
0x6c: {  	v1 =	vld.idx.msk [tilespmem:v63+s2+$0x0], $0xffff;
	_ =	sdelay $0x4  }
0x6d: {  	[tilespmem:s21+$0xE030] =	vst v1  }
0x6e: {  	v1 =	vld.idx.msk [tilespmem:v63+s12+$0x0], $0xffff;
	_ =	sdelay $0x4  }
0x6f: {  	[tilespmem:s21+$0x10030] =	vst v1  }
0x70: {  	v0 =	vld.idx.msk [tilespmem:v63+s13+$0x0], $0xffff;
	_ =	sdelay $0x4  }
0x71: {  	[tilespmem:s21+$0x12030] =	vst v0  }
0x72: {  	[hbm4b:s7+s2] =	stream.linear.scatter [tilespmem:s15], [sflag:$0x1], $0x2000, $0x38;
	[tilespmem:$0x14000] =	vst v63  }
0x73: {  	_ =	swait.ge [sflag:s11], $0x2000  }
0x74: {  	[sflag:s11] =	ssyncset.done $0x0  }
0x75: {  	[sflag:s11] =	ssyncadd.s32 $0xFFFFE000  }
0x76: {  	[hbm4b:s8+s2] =	stream.linear.scatter [tilespmem:s16], [sflag:$0x1], $0x2000, $0x38;
	[tilespmem:$0x14000] =	vst v63  }
0x77: {  	s18 =	sadd.s32 $0x1, s18;
	_ =	swait.ge [sflag:s11], $0x2000  }
0x78: {  	p0 =	sne.s32 s18, s10;
	[sflag:s11] =	ssyncset.done $0x0  }
.Ltmp1:
0x79: {  	[sflag:s11] =	ssyncadd.s32 $0xFFFFE000;
	(pc) =	sbr.rel @p0 .LBB2_1-.Ltmp1, $4  }
0x7a: {  	[hbm4b:s9+s2] =	stream.linear.scatter [tilespmem:s17], [sflag:$0x1], $0x2000, $0x38;
	[tilespmem:$0x14000] =	vst v63  }
0x7b: {  	_ =	swait.ge [sflag:s11], $0x2000  }
0x7c: {  	[sflag:s11] =	ssyncset.done $0x0  }
0x7d: {  	[sflag:s11] =	ssyncadd.s32 $0xFFFFE000  }
0x7e: {  	_ =	sfence.sel $0x180000  }
0x7f: {  	[bflag:$0x0] =	sbarrier.arrive $0xFFFF  }
0x80: {  	p0 =	sne.s32 s3, $0x0;
	_ =	strace $0x90000047  }
0x81: {  	s0 =	sadd.s32 @!p0 $0x100000, s0;
	[bflag:$0x2] =	sbarrier.arrive $0xFFFF  }
0x82: {  	[sflag:s0] =	ssyncadd.tile.s32 @!p0 $0x1;
	_ =	shalt  }
.Lfunc_end2:
_tile_overlayer_lowered:
.L_overlay_start_2:
0x83: {  	(tag) =	ssettag $0x2  }
0x84: {  	s0 =	rddreg [dreg:$0x0];
	s2 =	stileid.u32  }
0x85: {  	s1 =	rddreg [dreg:$0x1];
	p0 =	sne.s32 s2, $0x0  }
0x86: {  	s3 =	rddreg [dreg:$0x2];
	[bflag:$0x3] =	sbarrier.arrive $0xFFFF;
	s2 =	simm.s32 @!p0 $0x1C01  }
0x87: {  	[timem:s3], [sflag:s2] =	dma.local @!p0 [hbm:s0], s1  }
0x88: {  	s0 =	simm.s32 @!p0 $0x1  }
0x89: {  	_ =	swait.ge @!p0 [sflag:s0], s1  }
0x8a: {  	s1 =	ssub.s32 @!p0 $0x0, s1;
	[sflag:s0] =	ssyncset.done @!p0 $0x0  }
0x8b: {  	[sflag:s0] =	ssyncadd.s32 @!p0 s1  }
0x8c: {  	[bflag:$0x3] =	sbarrier.arrive $0xFFFF  }
0x8d: {  	_ =	shalt  }

// kernel: kernel.13.cloned.1.call-start
scs
__scs_entry_jumppad:
0x0: {  	(pc) =	sbr.rel $0x88, $3  }
0x1: {  	(tag) =	ssettag $0x0;
	lr =	simm.s32 $0x1  }
0x2: {  	[smem:$0x3F82] =	sst lr;
	_ =	strace $0xD0000000  }
0x3: {  	_ = 	snop  }
0x4: {  	_ = 	snop  }
0x5: {  	_ = 	snop  }
0x6: {  	_ = 	snop  }
0x7: {  	_ = 	snop  }
__scs_overlays_trampoline_lowered:
0x8: {  	[smem:$0x3F91] =	sst s0  }
0x9: {  	[smem:$0x3F92] =	sst s1  }
0xa: {  	[smem:$0x3F93] =	sst s2  }
0xb: {  	[smem:$0x3F94] =	sst s3  }
0xc: {  	[smem:$0x3F95] =	sst s4  }
0xd: {  	[smem:$0x3F96] =	sst s5  }
0xe: {  	[smem:$0x3F97] =	sst s6  }
0xf: {  	[smem:$0x3F98] =	sst s7  }
0x10: {  	[smem:$0x3F99] =	sst s8  }
0x11: {  	[smem:$0x3F9A] =	sst s9;
	s0 =	simm.s32 @!p0 $0x0  }
0x12: {  	s1 =	sld [smem:$0x3F80];
	s0 =	simm.s32 @p0 $0x1  }
0x13: {  	[smem:$0x3F9B] =	sst s0;
	s0 =	simm.s32 @!p1 $0x0  }
0x14: {  	s2 =	sld [smem:$0x3F7F];
	s0 =	simm.s32 @p1 $0x1  }
0x15: {  	[smem:$0x3F9C] =	sst s0;
	s0 =	simm.s32 @!p2 $0x0  }
0x16: {  	s3 =	sld [smem:$0x3FDB];
	s0 =	simm.s32 @p2 $0x1  }
0x17: {  	s4 =	simm.s32 $0x1BF5;
	[smem:$0x3F9E] =	sst s0  }
0x18: {  	s0 =	sld [smem:$0x3F81];
	_ =	swait.ge [sflag:s4], $0x0  }
0x19: {  	s7 =	sld [smem:$0x3F82]  }
0x1a: {  	s8 =	sadd.s32 $0xFFFFE003, lr  }
0x1b: {  	s9 =	sadd.s32 $0xFFFFFEF7, lr;
	s5 =	simm.s32 $0xFFFFFFFF;
	p2 =	slt.u32 s8, $0xFFFFF086  }
0x1c: {  	p1 =	slt.u32 s9, $0xF7A;
	s5 =	simm.s32 @!p2 $0x0  }
0x1d: {  	s5 =	simm.s32 @p1 $0x1;
	p0 =	seq.s32 s7, s2  }
0x1e: {  	s7 =	smul.u32 @!p0 $0xF7A, s2;
	p2 =	seq.s32 @!p0 s5, $0x0  }
0x1f: {  	s9 =	smul.u32 $0xF7A, s1;
	s8 =	simm.s32 @!p0 $0x1BF5;
	p2 =	por !p2, p0  }
0x20: {  	[sflag:s8] =	ssyncset.s32 @!p0 $0xFFFFF086;
	s6 =	sadd.s32 @!p0 s3, s7;
	s7 =	simm.s32 @!p0 $0x108  }
0x21: {  	s3 =	sadd.s32 s3, s9;
	s6 =	sadd.s32 @!p0 $0x88, s6;
	s7 =	simm.s32 @p2 $0x1082  }
0x22: {  	[simem:s7], [sflag:s8] =	dma.local @!p0 [hbm:s6], $0xF7A  }
0x23: {  	s9 =	sor.u32 $0xD0000000, s2;
	s6 =	simm.s32 $0x108;
	_ =	swait.ge @!p0 [sflag:s8], $0x0  }
0x24: {  	s3 =	sadd.s32 $0x88, s3;
	s6 =	simm.s32 @!p1 $0x1082;
	[sflag:s4] =	ssyncset.s32 $0xFFFFF086  }
0x25: {  	[simem:s6], [sflag:s4] =	dma.local [hbm:s3], $0xF7A  }
0x26: {  	[smem:$0x3F82] =	sst s1;
	(tag) =	ssettag s2;
	_ =	strace s9  }
0x27: {  	s1 =	sld [smem:$0x3F92]  }
0x28: {  	s2 =	sld [smem:$0x3F93]  }
0x29: {  	s4 =	sld [smem:$0x3F95]  }
0x2a: {  	p0 =	seq.s32 s5, $0x0;
	s5 =	sld [smem:$0x3F96]  }
0x2b: {  	s6 =	sld [smem:$0x3F97]  }
0x2c: {  	s7 =	sld [smem:$0x3F98]  }
0x2d: {  	s3 =	simm.s32 $0x108;
	s8 =	sld [smem:$0x3F99]  }
0x2e: {  	s3 =	simm.s32 @!p0 $0x1082;
	s9 =	sld [smem:$0x3F9A]  }
0x2f: {  	lr =	sadd.s32 s0, s3;
	s0 =	sld [smem:$0x3F91]  }
0x30: {  	s3 =	sld [smem:$0x3F94]  }
0x31: {  	[smem:$0x3F9D] =	sst s10  }
0x32: {  	s10 =	sld [smem:$0x3F9B];
	_ =	sdelay $0x3  }
0x33: {  	p0 =	seq.s32 s10, $0x1;
	s10 =	sld [smem:$0x3F9D];
	_ =	sdelay $0x3  }
0x34: {  	[smem:$0x3F9D] =	sst s10  }
0x35: {  	s10 =	sld [smem:$0x3F9C];
	_ =	sdelay $0x3  }
0x36: {  	p1 =	seq.s32 s10, $0x1;
	s10 =	sld [smem:$0x3F9D];
	_ =	sdelay $0x3  }
0x37: {  	[smem:$0x3F9D] =	sst s10  }
0x38: {  	s10 =	sld [smem:$0x3F9E]  }
0x39: {  	_ = 	snop;
	(pc) =	sbr.ind lr, $3  }
0x3a: {  	_ = 	snop  }
0x3b: {  	_ = 	snop  }
0x3c: {  	p2 =	seq.s32 s10, $0x1;
	s10 =	sld [smem:$0x3F9D]  }
0x3d: {  	_ =	shalt  }
0x3e: {  	_ =	shalt  }
0x3f: {  	_ =	shalt  }
0x40: {  	_ =	shalt  }
0x41: {  	_ =	shalt  }
0x42: {  	_ =	shalt  }
0x43: {  	_ =	shalt  }
0x44: {  	_ =	shalt  }
0x45: {  	_ =	shalt  }
0x46: {  	_ =	shalt  }
0x47: {  	_ =	shalt  }
0x48: {  	_ =	shalt  }
0x49: {  	_ =	shalt  }
0x4a: {  	_ =	shalt  }
0x4b: {  	_ =	shalt  }
0x4c: {  	_ =	shalt  }
0x4d: {  	_ =	shalt  }
0x4e: {  	_ =	shalt  }
0x4f: {  	_ =	shalt  }
0x50: {  	_ =	shalt  }
0x51: {  	_ =	shalt  }
0x52: {  	_ =	shalt  }
0x53: {  	_ =	shalt  }
0x54: {  	_ =	shalt  }
0x55: {  	_ =	shalt  }
0x56: {  	_ =	shalt  }
0x57: {  	_ =	shalt  }
0x58: {  	_ =	shalt  }
0x59: {  	_ =	shalt  }
0x5a: {  	_ =	shalt  }
0x5b: {  	_ =	shalt  }
0x5c: {  	_ =	shalt  }
0x5d: {  	_ =	shalt  }
0x5e: {  	_ =	shalt  }
0x5f: {  	_ =	shalt  }
0x60: {  	_ =	shalt  }
0x61: {  	_ =	shalt  }
0x62: {  	_ =	shalt  }
0x63: {  	_ =	shalt  }
0x64: {  	_ =	shalt  }
0x65: {  	_ =	shalt  }
0x66: {  	_ =	shalt  }
0x67: {  	_ =	shalt  }
0x68: {  	_ =	shalt  }
0x69: {  	_ =	shalt  }
0x6a: {  	_ =	shalt  }
0x6b: {  	_ =	shalt  }
0x6c: {  	_ =	shalt  }
0x6d: {  	_ =	shalt  }
0x6e: {  	_ =	shalt  }
0x6f: {  	_ =	shalt  }
0x70: {  	_ =	shalt  }
0x71: {  	_ =	shalt  }
0x72: {  	_ =	shalt  }
0x73: {  	_ =	shalt  }
0x74: {  	_ =	shalt  }
0x75: {  	_ =	shalt  }
0x76: {  	_ =	shalt  }
0x77: {  	_ =	shalt  }
0x78: {  	_ =	shalt  }
0x79: {  	_ =	shalt  }
0x7a: {  	_ =	shalt  }
0x7b: {  	_ =	shalt  }
0x7c: {  	_ =	shalt  }
0x7d: {  	_ =	shalt  }
0x7e: {  	_ =	shalt  }
0x7f: {  	_ =	shalt  }
0x80: {  	_ =	shalt  }
0x81: {  	_ =	shalt  }
0x82: {  	_ =	shalt  }
0x83: {  	_ =	shalt  }
0x84: {  	_ =	shalt  }
0x85: {  	_ =	shalt  }
0x86: {  	_ =	shalt  }
0x87: {  	_ =	shalt  }
.Lfunc_end0:
.L_simem_size_0:
called_computation.1_lowered:
.L_overlay_start_0:
0x88: {  	s2 =	sld [smem:$0x3FD9]  }
0x89: {  	s3 =	sld [smem:$0x3FFE];
	_ =	sdelay $0x1  }
0x8a: {  	s1 =	srdreg.scid  }
0x8b: {  	s0 =	sand.u32 $0x1, s1  }
0x8c: {  	s15 =	sshll.u32 s0, $0xA;
	s2 =	sadd.s32 s3, s2  }
0x8d: {  	s2 =	sadd.s32 s2, s15  }
0x8e: {  	[smem:$0x3FA9] =	sst s2  }
0x8f: {  	_ = 	snop  }
0x90: {  	s2 =	sld [smem:$0x3FD0];
	_ =	sdelay $0x2  }
0x91: {  	s4 =	simm.s32 $0xB;
	s16 =	simm.s32 $0x10  }
0x92: {  	[smem:s16], [sflag:s4] =	dma.local [hbm:s2], $0x1  }
0x93: {  	_ =	swait.eq [sflag:s4], $0x1  }
0x94: {  	[sflag:s4] =	ssyncset.done $0x0  }
0x95: {  	s17 =	sld [smem:$0x11];
	[sflag:s4] =	ssyncadd.s32 $0xFFFFFFFF  }
0x96: {  	s18 =	sld [smem:$0x13];
	(tm) =	ssettm $0x1  }
0x97: {  	s19 =	sld [smem:$0x3FFB];
	_ =	sdelay $0x3  }
0x98: {  	_ =	strace s19  }
0x99: {  	s2 =	sld [smem:$0x3FFC];
	_ =	sdelay $0x3  }
0x9a: {  	_ =	strace s2  }
0x9b: {  	s2 =	sld [smem:$0x3FFD];
	_ =	sdelay $0x3  }
0x9c: {  	_ =	strace s2  }
0x9d: {  	_ =	strace $0x8FFFFFFF  }
0x9e: {  	s20 =	sld [smem:$0x3FDB];
	_ =	sdelay $0x1  }
0x9f: {  	s5 =	simm.s32 $_scs_section_size  }
0xa0: {  	s6 =	simm.s32 $_size__tile_overlayer_lowered;
	s7 =	simm.s32 $_tile_overlayer_lowered  }
0xa1: {  	s8 =	simm.s32 $0x1BFF;
	s21 =	sshll.u32 s7, $0x1;
	s5 =	sadd.s32 s5, s20  }
0xa2: {  	s22 =	simm.s32 $0x0;
	s6 =	sshll.u32 s6, $0x1;
	s7 =	sadd.s32 s21, s5  }
0xa3: {  	[timem:s22], [sflag:s8] =	dma.local [hbm:s7], s6  }
0xa4: {  	_ =	swait.ge [sflag:s8], s6  }
0xa5: {  	s6 =	ssub.s32 $0x0, s6;
	[sflag:s8] =	ssyncset.done $0x0  }
0xa6: {  	[sflag:s8] =	ssyncadd.s32 s6;
	_ =	sdelay $0x1  }
0xa7: {  	s23 =	simm.s32 $0x1B8B  }
0xa8: {  	_ =	swait.ge [sflag:s23], $0x1  }
0xa9: {  	[sflag:s23] =	ssyncset.done $0x0  }
0xaa: {  	[sflag:s23] =	ssyncadd.s32 $0xFFFFFFFF  }
0xab: {  	s6 =	sld [smem:$0x0]  }
0xac: {  	s7 =	sand.u32 $0xFFFFFFFE, s1  }
0xad: {  	p0 =	sne.s32 s1, s7  }
0xae: {  	s7 =	sshll.u32 @p0 s7, $0xE  }
0xaf: {  	s7 =	sadd.s32 @p0 $0x11B8D, s7;
	s8 =	sshll.u32 @p0 s6, $0x11  }
0xb0: {  	s7 =	sor.u32 @p0 s8, s7  }
0xb1: {  	[sflag:s7] =	ssyncadd.remote.s32 @p0 $0x1;
	_ =	sdelay $0x1  }
0xb2: {  	s7 =	simm.s32 @p0 $0x1B8D  }
0xb3: {  	_ =	swait.eq @p0 [sflag:s7], $0x1  }
0xb4: {  	[sflag:s7] =	ssyncadd.s32 @p0 $0xFFFFFFFF  }
0xb5: {  	s8 =	sshll.u32 @!p0 s1, $0xE  }
0xb6: {  	s8 =	sor.u32 @!p0 $0x4000, s8;
	s7 =	simm.s32 @!p0 $0x1B8D  }
0xb7: {  	s6 =	sshll.u32 @!p0 s6, $0x11;
	s8 =	sadd.s32 @!p0 $0x11B8D, s8;
	_ =	swait.eq @!p0 [sflag:s7], $0x1  }
0xb8: {  	s6 =	sor.u32 @!p0 s6, s8;
	[sflag:s7] =	ssyncadd.s32 @!p0 $0xFFFFFFFF  }
0xb9: {  	s25 =	simm.s32 $0x1B8E;
	s24 =	sld [smem:$0x3FFE];
	[sflag:s6] =	ssyncadd.remote.s32 @!p0 $0x1  }
0xba: {  	s26 =	simm.s32 $execute0_lowered;
	[smem:$0x3FD2] =	sst s25  }
0xbb: {  	s7 =	sshll.u32 s26, $0x1;
	_ =	strace $0x80000049;
	[dreg:$0x1] =	wrdreg $0xFFFFFFFF  }
0xbc: {  	s28 =	simm.s32 $_size_execute0_lowered;
	s5 =	sadd.s32 s5, s7;
	[dreg:$0x0] =	wrdreg $0x0  }
0xbd: {  	s7 =	sshll.u32 s28, $0x1;
	[dreg:$0x2] =	wrdreg s5  }
0xbe: {  	[dreg:$0x3] =	wrdreg s7  }
0xbf: {  	[dreg:$0x4] =	wrdreg $0xC0  }
0xc0: {  	_ =	task [dreg:s22], $0x5FFFF  }
0xc1: {  	[dreg:$0x1] =	wrdreg $0xFFFFFFFF  }
0xc2: {  	[dreg:$0x0] =	wrdreg $0x60  }
0xc3: {  	[dreg:$0x2] =	wrdreg s18  }
0xc4: {  	[dreg:$0x3] =	wrdreg s17  }
0xc5: {  	[dreg:$0x4] =	wrdreg s24  }
0xc6: {  	[dreg:$0x5] =	wrdreg $0xA  }
0xc7: {  	_ =	task.clear_ibuf [dreg:s22], $0x6FFFF;
	_ =	strace $0x90000049  }
0xc8: {  	s29 =	simm.s32 $0xA;
	_ =	strace $0x8000004B  }
0xc9: {  	_ =	swait.ge [sflag:s29], $0x1  }
0xca: {  	[sflag:s29] =	ssyncadd.s32 $0xFFFFFFFF  }
0xcb: {  	_ =	strace $0x9000004B  }
0xcc: {  	_ =	sfence  }
0xcd: {  	s30 =	sld [smem:$0x0];
	_ =	sdelay $0x2  }
0xce: {  	s31 =	sshll.u32 s1, $0xD;
	s1 =	sshrl.u32 s1, $0x2  }
0xcf: {  	s4 =	sand.u32 $0x4000, s31;
	s1 =	sadd.s32 s1, s30  }
0xd0: {  	s0 =	sor.u32 s4, s0;
	s1 =	sshll.u32 s1, $0x11  }
0xd1: {  	s0 =	sor.u32 s1, s0  }
0xd2: {  	s0 =	sadd.s32 $0x8F2B, s0  }
0xd3: {  	[sflag:s0] =	ssyncadd.remote.s32 $0x1  }
0xd4: {  	_ =	sfence.sel $0xFFFF  }
0xd5: {  	[dreg:$0x0] =	wrdreg $0xFFFFFFFF;
	(pc) =	sbr.abs _section_cstart, $3  }
0xd6: {  	[dreg:$0x1] =	wrdreg $0xFFFFFFFF  }
0xd7: {  	_ =	task.clear_ibuf [dreg:s22], $0x2FFFF;
	_ =	strace $0x9FFFFFFF  }
0xd8: {  	(tm) =	ssettm $0x7FFFFFFF  }
0xd9: {  	_ =	shalt  }
tec
execute0_lowered:
.L_overlay_start_1:
0x0: {  	(tag) =	ssettag $0x1  }
0x1: {  	s2 =	rddreg [dreg:$0x0]  }
0x2: {  	s0 =	rddreg [dreg:$0x2];
	s1 =	simm.s32 $0x0;
	s3 =	srdreg.scid  }
0x3: {  	s7 =	stileid.u32;
	[smem:$0x7FF] =	sst s1  }
0x4: {  	s3 =	sand.u32 $0x1, s3;
	s4 =	sadd.s32 $0x187A00, s0;
	s6 =	sshll.u32 s7, $0x9  }
0x5: {  	s7 =	sshrl.u32 s7, $0x1;
	s21 =	sadd.s32 $0x18BA00, s0;
	s5 =	ssub.s32 $0x2, s3  }
0x6: {  	s3 =	sshll.u32 s3, $0x8;
	s6 =	sand.u32 $0x200, s6;
	s9 =	sshll.u32 s7, $0x11  }
0x7: {  	s7 =	sshll.u32 s7, $0x15;
	s8 =	sshrl.u32 s5, $0x1;
	s3 =	sor.u32 s3, s6  }
0x8: {  	s6 =	ssub.s32 s5, s8;
	s16 =	sor.u32 s9, s3;
	s17 =	sor.u32 $0x80, s3  }
0x9: {  	s3 =	sor.u32 s7, s3;
	s5 =	sshrl.u32 s16, $0x3;
	s9 =	sor.u32 s9, s17  }
0xa: {  	s19 =	sor.u32 s7, s17;
	s5 =	sadd.s32 s2, s5;
	s18 =	sshrl.u32 s9, $0x3  }
0xb: {  	[dreg:$0x4] =	wrdreg s5;
	s2 =	sadd.s32 s2, s18;
	s5 =	sshrl.u32 s19, $0x3  }
0xc: {  	[dreg:$0x5] =	wrdreg s2;
	s2 =	sshrl.u32 s3, $0x3;
	s3 =	sadd.s32 s5, s21  }
0xd: {  	s20 =	sadd.s32 s4, s2;
	[dreg:$0x9] =	wrdreg s3  }
0xe: {  	s4 =	sadd.s32 s4, s5;
	[dreg:$0x6] =	wrdreg s20  }
0xf: {  	s23 =	sadd.s32 $0x18FA00, s0;
	s22 =	sadd.s32 s2, s21;
	[dreg:$0x7] =	wrdreg s4  }
0x10: {  	s25 =	sadd.s32 $0x193A00, s0;
	s24 =	sadd.s32 s2, s23;
	[dreg:$0x8] =	wrdreg s22  }
0x11: {  	s26 =	sadd.s32 s2, s25;
	[dreg:$0xa] =	wrdreg s24  }
0x12: {  	s31 =	sadd.s32 $0x197A00, s0;
	s3 =	sadd.s32 s5, s25;
	[dreg:$0xc] =	wrdreg s26  }
0x13: {  	s8 =	sadd.s32 $0x19BA00, s0;
	s7 =	sadd.s32 s2, s31;
	[dreg:$0xd] =	wrdreg s3  }
0x14: {  	s10 =	sadd.s32 $0x19FA00, s0;
	s9 =	sadd.s32 s2, s8;
	[dreg:$0xe] =	wrdreg s7  }
0x15: {  	s12 =	sadd.s32 $0x1A3A00, s0;
	s11 =	sadd.s32 s2, s10;
	[dreg:$0x10] =	wrdreg s9  }
0x16: {  	s14 =	sadd.s32 $0x1A7A00, s0;
	s13 =	sadd.s32 s2, s12;
	[dreg:$0x12] =	wrdreg s11  }
0x17: {  	s16 =	sadd.s32 $0x1ABA00, s0;
	s15 =	sadd.s32 s2, s14;
	[dreg:$0x14] =	wrdreg s13  }
0x18: {  	s18 =	sadd.s32 $0x1AFA00, s0;
	s17 =	sadd.s32 s2, s16;
	[dreg:$0x16] =	wrdreg s15  }
0x19: {  	s19 =	sadd.s32 s2, s18;
	[dreg:$0x18] =	wrdreg s17  }
0x1a: {  	s4 =	sadd.s32 s5, s23;
	[dreg:$0x1a] =	wrdreg s19  }
0x1b: {  	s28 =	simm.s32 $0xC000;
	s3 =	sadd.s32 s5, s8;
	[dreg:$0xb] =	wrdreg s4  }
0x1c: {  	s29 =	simm.s32 $0x10000;
	s4 =	sadd.s32 s5, s31;
	[dreg:$0x11] =	wrdreg s3  }
0x1d: {  	s20 =	sadd.s32 $0x1B3A00, s0;
	s3 =	sadd.s32 s5, s12;
	[dreg:$0xf] =	wrdreg s4  }
0x1e: {  	s22 =	sadd.s32 $0x1B7A00, s0;
	s21 =	sadd.s32 s2, s20;
	[dreg:$0x15] =	wrdreg s3  }
0x1f: {  	s24 =	sadd.s32 $0x1BBA00, s0;
	s23 =	sadd.s32 s2, s22;
	[dreg:$0x1c] =	wrdreg s21  }
0x20: {  	s30 =	simm.s32 $0x0;
	s25 =	sadd.s32 s2, s24;
	[dreg:$0x1e] =	wrdreg s23  }
0x21: {  	s6 =	smax.u32 s6, $0x1;
	s26 =	sadd.s32 $0x1BFA00, s0;
	[smem:$0x7FB] =	sst s25  }
0x22: {  	s0 =	sadd.s32 $0x1C3A00, s0;
	s31 =	sadd.s32 s2, s26;
	s21 =	rddreg [dreg:$0x1]  }
0x23: {  	s4 =	sadd.s32 s5, s10;
	s3 =	sadd.s32 s5, s16;
	[smem:$0x7FD] =	sst s31  }
0x24: {  	s23 =	simm.s32 $0x400;
	s25 =	simm.s32 $0x4000;
	[dreg:$0x13] =	wrdreg s4  }
0x25: {  	s4 =	sadd.s32 s5, s14;
	[dreg:$0x19] =	wrdreg s3;
	s3 =	sadd.s32 s5, s20  }
0x26: {  	s7 =	sadd.s32 $0x800, s21;
	s8 =	sadd.s32 $0x1000, s21;
	s9 =	sadd.s32 $0x1800, s21  }
0x27: {  	s10 =	sadd.s32 $0x2000, s21;
	s11 =	sadd.s32 $0x2800, s21;
	s12 =	sadd.s32 $0x3000, s21  }
0x28: {  	s13 =	sadd.s32 $0x3800, s21;
	s14 =	sadd.s32 $0x4000, s21;
	s15 =	sadd.s32 $0x4800, s21  }
0x29: {  	s16 =	sadd.s32 $0x5000, s21;
	s17 =	sadd.s32 $0x5800, s21;
	s19 =	sadd.s32 $0x6800, s21  }
0x2a: {  	s20 =	sadd.s32 $0x7000, s21;
	[dreg:$0x17] =	wrdreg s4;
	s4 =	sadd.s32 s5, s18  }
0x2b: {  	[dreg:$0x1d] =	wrdreg s3;
	s3 =	sadd.s32 s5, s24;
	s18 =	sadd.s32 $0x6000, s21  }
0x2c: {  	s21 =	sadd.s32 $0x7800, s21;
	s24 =	simm.s32 $0x1;
	[dreg:$0x1b] =	wrdreg s4  }
0x2d: {  	s4 =	sadd.s32 s5, s22;
	[smem:$0x7FC] =	sst s3;
	s3 =	sadd.s32 s5, s26  }
0x2e: {  	s5 =	sadd.s32 s5, s0;
	s22 =	simm.s32 $0x80;
	[dreg:$0x1f] =	wrdreg s4  }
0x2f: {  	s26 =	simm.s32 $0x8000;
	s4 =	sadd.s32 s2, s0;
	_ =	strace $0x8000004A  }
.LBB2_1:
0x30: {  	s0 =	rddreg [dreg:$0x4]  }
0x31: {  	[tilespmem:s1], [sflag:$0x1] =	stream.strided.gather [hbm4b:s0+s22], $0x4000, s23, s22, $0x38;
	[tilespmem:$0x14000] =	vst v63  }
0x32: {  	_ =	swait.ge [sflag:s24], $0x4000  }
0x33: {  	[sflag:s24] =	ssyncset.done $0x0  }
0x34: {  	s2 =	rddreg [dreg:$0x5];
	[sflag:s24] =	ssyncadd.s32 $0xFFFFC000  }
0x35: {  	[tilespmem:s25], [sflag:$0x1] =	stream.strided.gather [hbm4b:s2+s22], $0x4000, s23, s22, $0x38;
	[tilespmem:$0x14000] =	vst v63  }
0x36: {  	_ =	swait.ge [sflag:s24], $0x4000  }
0x37: {  	[sflag:s24] =	ssyncset.done $0x0  }
0x38: {  	[sflag:s24] =	ssyncadd.s32 $0xFFFFC000  }
0x39: {  	s2 =	rddreg [dreg:$0x1]  }
0x3a: {  	[tilespmem:s26], [sflag:$0x1] =	stream.linear.gather [hbm4b:s2+s1], $0x4000, $0x38;
	[tilespmem:$0x14000] =	vst v63  }
0x3b: {  	_ =	swait.ge [sflag:s24], $0x4000  }
0x3c: {  	[sflag:s24] =	ssyncset.done $0x0  }
0x3d: {  	s31 =	simm.s32 $0x0;
	[sflag:s24] =	ssyncadd.s32 $0xFFFFC000  }
0x3e: {  	v0 =	vld [tilespmem:s31+$0x8000];
	_ =	sdelay $0x7  }
0x3f: {  	v1 =	vld.idx.msk [tilespmem:v0+s1+$0x0], $0xffff;
	_ =	sdelay $0x4  }
0x40: {  	[tilespmem:s31+$0xC000] =	vst v1;
	v1 =	vld [tilespmem:s31+$0x8010];
	_ =	sdelay $0x1  }
0x41: {  	v0 =	vld.idx.msk [tilespmem:v0+s25+$0x0], $0xffff;
	_ =	sdelay $0x4  }
0x42: {  	[tilespmem:s31+$0x10000] =	vst v0  }
0x43: {  	v0 =	vld.idx.msk [tilespmem:v1+s1+$0x0], $0xffff;
	_ =	sdelay $0x3  }
0x44: {  	v2 =	vld [tilespmem:s31+$0x8020]  }
0x45: {  	[tilespmem:s31+$0xC010] =	vst v0  }
0x46: {  	v0 =	vld.idx.msk [tilespmem:v1+s25+$0x0], $0xffff;
	_ =	sdelay $0x4  }
0x47: {  	[tilespmem:s31+$0x10010] =	vst v0  }
0x48: {  	v0 =	vld.idx.msk [tilespmem:v2+s1+$0x0], $0xffff;
	_ =	sdelay $0x4  }
0x49: {  	[tilespmem:s31+$0xC020] =	vst v0;
	v0 =	vld [tilespmem:s31+$0x8030];
	_ =	sdelay $0x1  }
0x4a: {  	v1 =	vld.idx.msk [tilespmem:v2+s25+$0x0], $0xffff;
	_ =	sdelay $0x4  }
0x4b: {  	[tilespmem:s31+$0x10020] =	vst v1  }
0x4c: {  	v1 =	vld.idx.msk [tilespmem:v0+s1+$0x0], $0xffff;
	_ =	sdelay $0x3  }
0x4d: {  	s0 =	simm.s32 $0x200;
	s2 =	simm.s32 $0x40  }
.LBB2_2:
0x4e: {  	p0 =	sne.s32 s0, $0xFF00;
	v2 =	vld [tilespmem:s2+$0x8000];
	[tilespmem:s31+$0xC030] =	vst v1  }
0x4f: {  	v0 =	vld.idx.msk [tilespmem:v0+s25+$0x0], $0xffff;
	_ =	sdelay $0x5  }
0x50: {  	[tilespmem:s31+$0x10030] =	vst v0;
	s31 =	smov.u32 s2  }
0x51: {  	v0 =	vld.idx.msk [tilespmem:v2+s1+$0x0], $0xffff;
	_ =	sdelay $0x5  }
0x52: {  	[tilespmem:s31+$0xC000] =	vst v0;
	v0 =	vld [tilespmem:s31+$0x8010]  }
0x53: {  	v1 =	vld.idx.msk [tilespmem:v2+s25+$0x0], $0xffff;
	_ =	sdelay $0x5  }
0x54: {  	[tilespmem:s31+$0x10000] =	vst v1  }
0x55: {  	v1 =	vld.idx.msk [tilespmem:v0+s1+$0x0], $0xffff;
	_ =	sdelay $0x5  }
0x56: {  	[tilespmem:s31+$0xC010] =	vst v1;
	v1 =	vld [tilespmem:s31+$0x8020]  }
0x57: {  	v0 =	vld.idx.msk [tilespmem:v0+s25+$0x0], $0xffff;
	_ =	sdelay $0x5  }
0x58: {  	[tilespmem:s31+$0x10010] =	vst v0  }
0x59: {  	v0 =	vld.idx.msk [tilespmem:v1+s1+$0x0], $0xffff;
	_ =	sdelay $0x5  }
0x5a: {  	[tilespmem:s31+$0xC020] =	vst v0;
	v0 =	vld [tilespmem:s31+$0x8030]  }
0x5b: {  	v1 =	vld.idx.msk [tilespmem:v1+s25+$0x0], $0xffff;
	_ =	sdelay $0x5  }
0x5c: {  	[tilespmem:s31+$0x10020] =	vst v1  }
0x5d: {  	v1 =	vld.idx.msk [tilespmem:v0+s1+$0x0], $0xffff  }
.Ltmp0:
0x5e: {  	(pc) =	sbr.rel @p0 .LBB2_2-.Ltmp0, $2  }
0x5f: {  	_ =	sdelay $0x2  }
0x60: {  	s2 =	sshra.s32 s0, $0x2;
	s0 =	sadd.s32 $0x100, s0  }
0x61: {  	_ =	sdelay $0x1  }
0x62: {  	v2 =	vld [tilespmem:s2+$0x8000]  }
0x63: {  	[tilespmem:s31+$0xC030] =	vst v1  }
0x64: {  	v0 =	vld.idx.msk [tilespmem:v0+s25+$0x0], $0xffff;
	_ =	sdelay $0x4  }
0x65: {  	[tilespmem:s31+$0x10030] =	vst v0  }
0x66: {  	v0 =	vld.idx.msk [tilespmem:v2+s1+$0x0], $0xffff;
	_ =	sdelay $0x4  }
0x67: {  	[tilespmem:s2+$0xC000] =	vst v0;
	v0 =	vld [tilespmem:s2+$0x8010];
	_ =	sdelay $0x1  }
0x68: {  	v1 =	vld.idx.msk [tilespmem:v2+s25+$0x0], $0xffff;
	_ =	sdelay $0x4  }
0x69: {  	[tilespmem:s2+$0x10000] =	vst v1  }
0x6a: {  	v1 =	vld.idx.msk [tilespmem:v0+s1+$0x0], $0xffff;
	_ =	sdelay $0x4  }
0x6b: {  	[tilespmem:s2+$0xC010] =	vst v1;
	v1 =	vld [tilespmem:s2+$0x8020];
	_ =	sdelay $0x1  }
0x6c: {  	v0 =	vld.idx.msk [tilespmem:v0+s25+$0x0], $0xffff;
	_ =	sdelay $0x4  }
0x6d: {  	[tilespmem:s2+$0x10010] =	vst v0  }
0x6e: {  	v0 =	vld.idx.msk [tilespmem:v1+s1+$0x0], $0xffff;
	_ =	sdelay $0x4  }
0x6f: {  	[tilespmem:s2+$0xC020] =	vst v0;
	v0 =	vld [tilespmem:s2+$0x8030];
	_ =	sdelay $0x1  }
0x70: {  	v1 =	vld.idx.msk [tilespmem:v1+s25+$0x0], $0xffff;
	_ =	sdelay $0x4  }
0x71: {  	[tilespmem:s2+$0x10020] =	vst v1  }
0x72: {  	v1 =	vld.idx.msk [tilespmem:v0+s1+$0x0], $0xffff;
	_ =	sdelay $0x4  }
0x73: {  	[tilespmem:s2+$0xC030] =	vst v1  }
0x74: {  	v0 =	vld.idx.msk [tilespmem:v0+s25+$0x0], $0xffff;
	_ =	sdelay $0x4  }
0x75: {  	s0 =	rddreg [dreg:$0x6];
	[tilespmem:s2+$0x10030] =	vst v0  }
0x76: {  	[hbm4b:s0+s22] =	stream.strided.scatter [tilespmem:s28], [sflag:$0x1], $0x4000, s23, s22, $0x38;
	[tilespmem:$0x14000] =	vst v63  }
0x77: {  	_ =	swait.ge [sflag:s24], $0x4000  }
0x78: {  	[sflag:s24] =	ssyncset.done $0x0  }
0x79: {  	s2 =	rddreg [dreg:$0x7];
	[sflag:s24] =	ssyncadd.s32 $0xFFFFC000  }
0x7a: {  	[hbm4b:s2+s22] =	stream.strided.scatter [tilespmem:s29], [sflag:$0x1], $0x4000, s23, s22, $0x38;
	[tilespmem:$0x14000] =	vst v63  }
0x7b: {  	_ =	swait.ge [sflag:s24], $0x4000  }
0x7c: {  	[sflag:s24] =	ssyncset.done $0x0  }
0x7d: {  	s2 =	simm.s32 $0x0;
	[sflag:s24] =	ssyncadd.s32 $0xFFFFC000  }
0x7e: {  	[tilespmem:s26], [sflag:$0x1] =	stream.linear.gather [hbm4b:s7+s2], $0x4000, $0x38;
	[tilespmem:$0x14000] =	vst v63  }
0x7f: {  	_ =	swait.ge [sflag:s24], $0x4000  }
0x80: {  	[sflag:s24] =	ssyncset.done $0x0  }
0x81: {  	s31 =	simm.s32 $0x0;
	[sflag:s24] =	ssyncadd.s32 $0xFFFFC000  }
0x82: {  	v0 =	vld [tilespmem:s31+$0x8000];
	_ =	sdelay $0x7  }
0x83: {  	v1 =	vld.idx.msk [tilespmem:v0+s1+$0x0], $0xffff;
	_ =	sdelay $0x4  }
0x84: {  	[tilespmem:s31+$0xC000] =	vst v1;
	v1 =	vld [tilespmem:s31+$0x8010];
	_ =	sdelay $0x1  }
0x85: {  	v0 =	vld.idx.msk [tilespmem:v0+s25+$0x0], $0xffff;
	_ =	sdelay $0x4  }
0x86: {  	[tilespmem:s31+$0x10000] =	vst v0  }
0x87: {  	v0 =	vld.idx.msk [tilespmem:v1+s1+$0x0], $0xffff;
	_ =	sdelay $0x3  }
0x88: {  	v2 =	vld [tilespmem:s31+$0x8020]  }
0x89: {  	[tilespmem:s31+$0xC010] =	vst v0  }
0x8a: {  	v0 =	vld.idx.msk [tilespmem:v1+s25+$0x0], $0xffff;
	_ =	sdelay $0x4  }
0x8b: {  	[tilespmem:s31+$0x10010] =	vst v0  }
0x8c: {  	v0 =	vld.idx.msk [tilespmem:v2+s1+$0x0], $0xffff;
	_ =	sdelay $0x4  }
0x8d: {  	[tilespmem:s31+$0xC020] =	vst v0;
	v0 =	vld [tilespmem:s31+$0x8030];
	_ =	sdelay $0x1  }
0x8e: {  	v1 =	vld.idx.msk [tilespmem:v2+s25+$0x0], $0xffff;
	_ =	sdelay $0x4  }
0x8f: {  	[tilespmem:s31+$0x10020] =	vst v1  }
0x90: {  	v1 =	vld.idx.msk [tilespmem:v0+s1+$0x0], $0xffff;
	_ =	sdelay $0x3  }
0x91: {  	s0 =	simm.s32 $0x200;
	s2 =	simm.s32 $0x40  }
.LBB2_4:
0x92: {  	p0 =	sne.s32 s0, $0xFF00;
	v2 =	vld [tilespmem:s2+$0x8000];
	[tilespmem:s31+$0xC030] =	vst v1  }
0x93: {  	v0 =	vld.idx.msk [tilespmem:v0+s25+$0x0], $0xffff;
	_ =	sdelay $0x5  }
0x94: {  	[tilespmem:s31+$0x10030] =	vst v0;
	s31 =	smov.u32 s2  }
0x95: {  	v0 =	vld.idx.msk [tilespmem:v2+s1+$0x0], $0xffff;
	_ =	sdelay $0x5  }
0x96: {  	[tilespmem:s31+$0xC000] =	vst v0;
	v0 =	vld [tilespmem:s31+$0x8010]  }
0x97: {  	v1 =	vld.idx.msk [tilespmem:v2+s25+$0x0], $0xffff;
	_ =	sdelay $0x5  }
0x98: {  	[tilespmem:s31+$0x10000] =	vst v1  }
0x99: {  	v1 =	vld.idx.msk [tilespmem:v0+s1+$0x0], $0xffff;
	_ =	sdelay $0x5  }
0x9a: {  	[tilespmem:s31+$0xC010] =	vst v1;
	v1 =	vld [tilespmem:s31+$0x8020]  }
0x9b: {  	v0 =	vld.idx.msk [tilespmem:v0+s25+$0x0], $0xffff;
	_ =	sdelay $0x5  }
0x9c: {  	[tilespmem:s31+$0x10010] =	vst v0  }
0x9d: {  	v0 =	vld.idx.msk [tilespmem:v1+s1+$0x0], $0xffff;
	_ =	sdelay $0x5  }
0x9e: {  	[tilespmem:s31+$0xC020] =	vst v0;
	v0 =	vld [tilespmem:s31+$0x8030]  }
0x9f: {  	v1 =	vld.idx.msk [tilespmem:v1+s25+$0x0], $0xffff;
	_ =	sdelay $0x5  }
0xa0: {  	[tilespmem:s31+$0x10020] =	vst v1  }
0xa1: {  	v1 =	vld.idx.msk [tilespmem:v0+s1+$0x0], $0xffff  }
.Ltmp1:
0xa2: {  	(pc) =	sbr.rel @p0 .LBB2_4-.Ltmp1, $2  }
0xa3: {  	_ =	sdelay $0x2  }
0xa4: {  	s2 =	sshra.s32 s0, $0x2;
	s0 =	sadd.s32 $0x100, s0  }
0xa5: {  	_ =	sdelay $0x1  }
0xa6: {  	v2 =	vld [tilespmem:s2+$0x8000]  }
0xa7: {  	[tilespmem:s31+$0xC030] =	vst v1  }
0xa8: {  	v0 =	vld.idx.msk [tilespmem:v0+s25+$0x0], $0xffff;
	_ =	sdelay $0x4  }
0xa9: {  	[tilespmem:s31+$0x10030] =	vst v0  }
0xaa: {  	v0 =	vld.idx.msk [tilespmem:v2+s1+$0x0], $0xffff;
	_ =	sdelay $0x4  }
0xab: {  	[tilespmem:s2+$0xC000] =	vst v0;
	v0 =	vld [tilespmem:s2+$0x8010];
	_ =	sdelay $0x1  }
0xac: {  	v1 =	vld.idx.msk [tilespmem:v2+s25+$0x0], $0xffff;
	_ =	sdelay $0x4  }
0xad: {  	[tilespmem:s2+$0x10000] =	vst v1  }
0xae: {  	v1 =	vld.idx.msk [tilespmem:v0+s1+$0x0], $0xffff;
	_ =	sdelay $0x4  }
0xaf: {  	[tilespmem:s2+$0xC010] =	vst v1;
	v1 =	vld [tilespmem:s2+$0x8020];
	_ =	sdelay $0x1  }
0xb0: {  	v0 =	vld.idx.msk [tilespmem:v0+s25+$0x0], $0xffff;
	_ =	sdelay $0x4  }
0xb1: {  	[tilespmem:s2+$0x10010] =	vst v0  }
0xb2: {  	v0 =	vld.idx.msk [tilespmem:v1+s1+$0x0], $0xffff;
	_ =	sdelay $0x4  }
0xb3: {  	[tilespmem:s2+$0xC020] =	vst v0;
	v0 =	vld [tilespmem:s2+$0x8030];
	_ =	sdelay $0x1  }
0xb4: {  	v1 =	vld.idx.msk [tilespmem:v1+s25+$0x0], $0xffff;
	_ =	sdelay $0x4  }
0xb5: {  	[tilespmem:s2+$0x10020] =	vst v1  }
0xb6: {  	v1 =	vld.idx.msk [tilespmem:v0+s1+$0x0], $0xffff;
	_ =	sdelay $0x4  }
0xb7: {  	[tilespmem:s2+$0xC030] =	vst v1  }
0xb8: {  	v0 =	vld.idx.msk [tilespmem:v0+s25+$0x0], $0xffff;
	_ =	sdelay $0x4  }
0xb9: {  	s0 =	rddreg [dreg:$0x8];
	[tilespmem:s2+$0x10030] =	vst v0  }
0xba: {  	[hbm4b:s0+s22] =	stream.strided.scatter [tilespmem:s28], [sflag:$0x1], $0x4000, s23, s22, $0x38;
	[tilespmem:$0x14000] =	vst v63  }
0xbb: {  	_ =	swait.ge [sflag:s24], $0x4000  }
0xbc: {  	[sflag:s24] =	ssyncset.done $0x0  }
0xbd: {  	s2 =	rddreg [dreg:$0x9];
	[sflag:s24] =	ssyncadd.s32 $0xFFFFC000  }
0xbe: {  	[hbm4b:s2+s22] =	stream.strided.scatter [tilespmem:s29], [sflag:$0x1], $0x4000, s23, s22, $0x38;
	[tilespmem:$0x14000] =	vst v63  }
0xbf: {  	_ =	swait.ge [sflag:s24], $0x4000  }
0xc0: {  	[sflag:s24] =	ssyncset.done $0x0  }
0xc1: {  	s2 =	simm.s32 $0x0;
	[sflag:s24] =	ssyncadd.s32 $0xFFFFC000  }
0xc2: {  	[tilespmem:s26], [sflag:$0x1] =	stream.linear.gather [hbm4b:s8+s2], $0x4000, $0x38;
	[tilespmem:$0x14000] =	vst v63  }
0xc3: {  	_ =	swait.ge [sflag:s24], $0x4000  }
0xc4: {  	[sflag:s24] =	ssyncset.done $0x0  }
0xc5: {  	s31 =	simm.s32 $0x0;
	[sflag:s24] =	ssyncadd.s32 $0xFFFFC000  }
0xc6: {  	v0 =	vld [tilespmem:s31+$0x8000];
	_ =	sdelay $0x7  }
0xc7: {  	v1 =	vld.idx.msk [tilespmem:v0+s1+$0x0], $0xffff;
	_ =	sdelay $0x4  }
0xc8: {  	[tilespmem:s31+$0xC000] =	vst v1;
	v1 =	vld [tilespmem:s31+$0x8010];
	_ =	sdelay $0x1  }
0xc9: {  	v0 =	vld.idx.msk [tilespmem:v0+s25+$0x0], $0xffff;
	_ =	sdelay $0x4  }
0xca: {  	[tilespmem:s31+$0x10000] =	vst v0  }
0xcb: {  	v0 =	vld.idx.msk [tilespmem:v1+s1+$0x0], $0xffff;
	_ =	sdelay $0x3  }
0xcc: {  	v2 =	vld [tilespmem:s31+$0x8020]  }
0xcd: {  	[tilespmem:s31+$0xC010] =	vst v0  }
0xce: {  	v0 =	vld.idx.msk [tilespmem:v1+s25+$0x0], $0xffff;
	_ =	sdelay $0x4  }
0xcf: {  	[tilespmem:s31+$0x10010] =	vst v0  }
0xd0: {  	v0 =	vld.idx.msk [tilespmem:v2+s1+$0x0], $0xffff;
	_ =	sdelay $0x4  }
0xd1: {  	[tilespmem:s31+$0xC020] =	vst v0;
	v0 =	vld [tilespmem:s31+$0x8030];
	_ =	sdelay $0x1  }
0xd2: {  	v1 =	vld.idx.msk [tilespmem:v2+s25+$0x0], $0xffff;
	_ =	sdelay $0x4  }
0xd3: {  	[tilespmem:s31+$0x10020] =	vst v1  }
0xd4: {  	v1 =	vld.idx.msk [tilespmem:v0+s1+$0x0], $0xffff;
	_ =	sdelay $0x3  }
0xd5: {  	s0 =	simm.s32 $0x200;
	s2 =	simm.s32 $0x40  }
.LBB2_6:
0xd6: {  	p0 =	sne.s32 s0, $0xFF00;
	v2 =	vld [tilespmem:s2+$0x8000];
	[tilespmem:s31+$0xC030] =	vst v1  }
0xd7: {  	v0 =	vld.idx.msk [tilespmem:v0+s25+$0x0], $0xffff;
	_ =	sdelay $0x5  }
0xd8: {  	[tilespmem:s31+$0x10030] =	vst v0;
	s31 =	smov.u32 s2  }
0xd9: {  	v0 =	vld.idx.msk [tilespmem:v2+s1+$0x0], $0xffff;
	_ =	sdelay $0x5  }
0xda: {  	[tilespmem:s31+$0xC000] =	vst v0;
	v0 =	vld [tilespmem:s31+$0x8010]  }
0xdb: {  	v1 =	vld.idx.msk [tilespmem:v2+s25+$0x0], $0xffff;
	_ =	sdelay $0x5  }
0xdc: {  	[tilespmem:s31+$0x10000] =	vst v1  }
0xdd: {  	v1 =	vld.idx.msk [tilespmem:v0+s1+$0x0], $0xffff;
	_ =	sdelay $0x5  }
0xde: {  	[tilespmem:s31+$0xC010] =	vst v1;
	v1 =	vld [tilespmem:s31+$0x8020]  }
0xdf: {  	v0 =	vld.idx.msk [tilespmem:v0+s25+$0x0], $0xffff;
	_ =	sdelay $0x5  }
0xe0: {  	[tilespmem:s31+$0x10010] =	vst v0  }
0xe1: {  	v0 =	vld.idx.msk [tilespmem:v1+s1+$0x0], $0xffff;
	_ =	sdelay $0x5  }
0xe2: {  	[tilespmem:s31+$0xC020] =	vst v0;
	v0 =	vld [tilespmem:s31+$0x8030]  }
0xe3: {  	v1 =	vld.idx.msk [tilespmem:v1+s25+$0x0], $0xffff;
	_ =	sdelay $0x5  }
0xe4: {  	[tilespmem:s31+$0x10020] =	vst v1  }
0xe5: {  	v1 =	vld.idx.msk [tilespmem:v0+s1+$0x0], $0xffff  }
.Ltmp2:
0xe6: {  	(pc) =	sbr.rel @p0 .LBB2_6-.Ltmp2, $2  }
0xe7: {  	_ =	sdelay $0x2  }
0xe8: {  	s2 =	sshra.s32 s0, $0x2;
	s0 =	sadd.s32 $0x100, s0  }
0xe9: {  	_ =	sdelay $0x1  }
0xea: {  	v2 =	vld [tilespmem:s2+$0x8000]  }
0xeb: {  	[tilespmem:s31+$0xC030] =	vst v1  }
0xec: {  	v0 =	vld.idx.msk [tilespmem:v0+s25+$0x0], $0xffff;
	_ =	sdelay $0x4  }
0xed: {  	[tilespmem:s31+$0x10030] =	vst v0  }
0xee: {  	v0 =	vld.idx.msk [tilespmem:v2+s1+$0x0], $0xffff;
	_ =	sdelay $0x4  }
0xef: {  	[tilespmem:s2+$0xC000] =	vst v0;
	v0 =	vld [tilespmem:s2+$0x8010];
	_ =	sdelay $0x1  }
0xf0: {  	v1 =	vld.idx.msk [tilespmem:v2+s25+$0x0], $0xffff;
	_ =	sdelay $0x4  }
0xf1: {  	[tilespmem:s2+$0x10000] =	vst v1  }
0xf2: {  	v1 =	vld.idx.msk [tilespmem:v0+s1+$0x0], $0xffff;
	_ =	sdelay $0x4  }
0xf3: {  	[tilespmem:s2+$0xC010] =	vst v1;
	v1 =	vld [tilespmem:s2+$0x8020];
	_ =	sdelay $0x1  }
0xf4: {  	v0 =	vld.idx.msk [tilespmem:v0+s25+$0x0], $0xffff;
	_ =	sdelay $0x4  }
0xf5: {  	[tilespmem:s2+$0x10010] =	vst v0  }
0xf6: {  	v0 =	vld.idx.msk [tilespmem:v1+s1+$0x0], $0xffff;
	_ =	sdelay $0x4  }
0xf7: {  	[tilespmem:s2+$0xC020] =	vst v0;
	v0 =	vld [tilespmem:s2+$0x8030];
	_ =	sdelay $0x1  }
0xf8: {  	v1 =	vld.idx.msk [tilespmem:v1+s25+$0x0], $0xffff;
	_ =	sdelay $0x4  }
0xf9: {  	[tilespmem:s2+$0x10020] =	vst v1  }
0xfa: {  	v1 =	vld.idx.msk [tilespmem:v0+s1+$0x0], $0xffff;
	_ =	sdelay $0x4  }
0xfb: {  	[tilespmem:s2+$0xC030] =	vst v1  }
0xfc: {  	v0 =	vld.idx.msk [tilespmem:v0+s25+$0x0], $0xffff;
	_ =	sdelay $0x4  }
0xfd: {  	s0 =	rddreg [dreg:$0xa];
	[tilespmem:s2+$0x10030] =	vst v0  }
0xfe: {  	[hbm4b:s0+s22] =	stream.strided.scatter [tilespmem:s28], [sflag:$0x1], $0x4000, s23, s22, $0x38;
	[tilespmem:$0x14000] =	vst v63  }
0xff: {  	_ =	swait.ge [sflag:s24], $0x4000  }
0x100: {  	[sflag:s24] =	ssyncset.done $0x0  }
0x101: {  	s2 =	rddreg [dreg:$0xb];
	[sflag:s24] =	ssyncadd.s32 $0xFFFFC000  }
0x102: {  	[hbm4b:s2+s22] =	stream.strided.scatter [tilespmem:s29], [sflag:$0x1], $0x4000, s23, s22, $0x38;
	[tilespmem:$0x14000] =	vst v63  }
0x103: {  	_ =	swait.ge [sflag:s24], $0x4000  }
0x104: {  	[sflag:s24] =	ssyncset.done $0x0  }
0x105: {  	s2 =	simm.s32 $0x0;
	[sflag:s24] =	ssyncadd.s32 $0xFFFFC000  }
0x106: {  	[tilespmem:s26], [sflag:$0x1] =	stream.linear.gather [hbm4b:s9+s2], $0x4000, $0x38;
	[tilespmem:$0x14000] =	vst v63  }
0x107: {  	_ =	swait.ge [sflag:s24], $0x4000  }
0x108: {  	[sflag:s24] =	ssyncset.done $0x0  }
0x109: {  	s31 =	simm.s32 $0x0;
	[sflag:s24] =	ssyncadd.s32 $0xFFFFC000  }
0x10a: {  	v0 =	vld [tilespmem:s31+$0x8000];
	_ =	sdelay $0x7  }
0x10b: {  	v1 =	vld.idx.msk [tilespmem:v0+s1+$0x0], $0xffff;
	_ =	sdelay $0x4  }
0x10c: {  	[tilespmem:s31+$0xC000] =	vst v1;
	v1 =	vld [tilespmem:s31+$0x8010];
	_ =	sdelay $0x1  }
0x10d: {  	v0 =	vld.idx.msk [tilespmem:v0+s25+$0x0], $0xffff;
	_ =	sdelay $0x4  }
0x10e: {  	[tilespmem:s31+$0x10000] =	vst v0  }
0x10f: {  	v0 =	vld.idx.msk [tilespmem:v1+s1+$0x0], $0xffff;
	_ =	sdelay $0x3  }
0x110: {  	v2 =	vld [tilespmem:s31+$0x8020]  }
0x111: {  	[tilespmem:s31+$0xC010] =	vst v0  }
0x112: {  	v0 =	vld.idx.msk [tilespmem:v1+s25+$0x0], $0xffff;
	_ =	sdelay $0x4  }
0x113: {  	[tilespmem:s31+$0x10010] =	vst v0  }
0x114: {  	v0 =	vld.idx.msk [tilespmem:v2+s1+$0x0], $0xffff;
	_ =	sdelay $0x4  }
0x115: {  	[tilespmem:s31+$0xC020] =	vst v0;
	v0 =	vld [tilespmem:s31+$0x8030];
	_ =	sdelay $0x1  }
0x116: {  	v1 =	vld.idx.msk [tilespmem:v2+s25+$0x0], $0xffff;
	_ =	sdelay $0x4  }
0x117: {  	[tilespmem:s31+$0x10020] =	vst v1  }
0x118: {  	v1 =	vld.idx.msk [tilespmem:v0+s1+$0x0], $0xffff;
	_ =	sdelay $0x3  }
0x119: {  	s0 =	simm.s32 $0x200;
	s2 =	simm.s32 $0x40  }
.LBB2_8:
0x11a: {  	p0 =	sne.s32 s0, $0xFF00;
	v2 =	vld [tilespmem:s2+$0x8000];
	[tilespmem:s31+$0xC030] =	vst v1  }
0x11b: {  	v0 =	vld.idx.msk [tilespmem:v0+s25+$0x0], $0xffff;
	_ =	sdelay $0x5  }
0x11c: {  	[tilespmem:s31+$0x10030] =	vst v0;
	s31 =	smov.u32 s2  }
0x11d: {  	v0 =	vld.idx.msk [tilespmem:v2+s1+$0x0], $0xffff;
	_ =	sdelay $0x5  }
0x11e: {  	[tilespmem:s31+$0xC000] =	vst v0;
	v0 =	vld [tilespmem:s31+$0x8010]  }
0x11f: {  	v1 =	vld.idx.msk [tilespmem:v2+s25+$0x0], $0xffff;
	_ =	sdelay $0x5  }
0x120: {  	[tilespmem:s31+$0x10000] =	vst v1  }
0x121: {  	v1 =	vld.idx.msk [tilespmem:v0+s1+$0x0], $0xffff;
	_ =	sdelay $0x5  }
0x122: {  	[tilespmem:s31+$0xC010] =	vst v1;
	v1 =	vld [tilespmem:s31+$0x8020]  }
0x123: {  	v0 =	vld.idx.msk [tilespmem:v0+s25+$0x0], $0xffff;
	_ =	sdelay $0x5  }
0x124: {  	[tilespmem:s31+$0x10010] =	vst v0  }
0x125: {  	v0 =	vld.idx.msk [tilespmem:v1+s1+$0x0], $0xffff;
	_ =	sdelay $0x5  }
0x126: {  	[tilespmem:s31+$0xC020] =	vst v0;
	v0 =	vld [tilespmem:s31+$0x8030]  }
0x127: {  	v1 =	vld.idx.msk [tilespmem:v1+s25+$0x0], $0xffff;
	_ =	sdelay $0x5  }
0x128: {  	[tilespmem:s31+$0x10020] =	vst v1  }
0x129: {  	v1 =	vld.idx.msk [tilespmem:v0+s1+$0x0], $0xffff  }
.Ltmp3:
0x12a: {  	(pc) =	sbr.rel @p0 .LBB2_8-.Ltmp3, $2  }
0x12b: {  	_ =	sdelay $0x2  }
0x12c: {  	s2 =	sshra.s32 s0, $0x2;
	s0 =	sadd.s32 $0x100, s0  }
0x12d: {  	_ =	sdelay $0x1  }
0x12e: {  	v2 =	vld [tilespmem:s2+$0x8000]  }
0x12f: {  	[tilespmem:s31+$0xC030] =	vst v1  }
0x130: {  	v0 =	vld.idx.msk [tilespmem:v0+s25+$0x0], $0xffff;
	_ =	sdelay $0x4  }
0x131: {  	[tilespmem:s31+$0x10030] =	vst v0  }
0x132: {  	v0 =	vld.idx.msk [tilespmem:v2+s1+$0x0], $0xffff;
	_ =	sdelay $0x4  }
0x133: {  	[tilespmem:s2+$0xC000] =	vst v0;
	v0 =	vld [tilespmem:s2+$0x8010];
	_ =	sdelay $0x1  }
0x134: {  	v1 =	vld.idx.msk [tilespmem:v2+s25+$0x0], $0xffff;
	_ =	sdelay $0x4  }
0x135: {  	[tilespmem:s2+$0x10000] =	vst v1  }
0x136: {  	v1 =	vld.idx.msk [tilespmem:v0+s1+$0x0], $0xffff;
	_ =	sdelay $0x4  }
0x137: {  	[tilespmem:s2+$0xC010] =	vst v1;
	v1 =	vld [tilespmem:s2+$0x8020];
	_ =	sdelay $0x1  }
0x138: {  	v0 =	vld.idx.msk [tilespmem:v0+s25+$0x0], $0xffff;
	_ =	sdelay $0x4  }
0x139: {  	[tilespmem:s2+$0x10010] =	vst v0  }
0x13a: {  	v0 =	vld.idx.msk [tilespmem:v1+s1+$0x0], $0xffff;
	_ =	sdelay $0x4  }
0x13b: {  	[tilespmem:s2+$0xC020] =	vst v0;
	v0 =	vld [tilespmem:s2+$0x8030];
	_ =	sdelay $0x1  }
0x13c: {  	v1 =	vld.idx.msk [tilespmem:v1+s25+$0x0], $0xffff;
	_ =	sdelay $0x4  }
0x13d: {  	[tilespmem:s2+$0x10020] =	vst v1  }
0x13e: {  	v1 =	vld.idx.msk [tilespmem:v0+s1+$0x0], $0xffff;
	_ =	sdelay $0x4  }
0x13f: {  	[tilespmem:s2+$0xC030] =	vst v1  }
0x140: {  	v0 =	vld.idx.msk [tilespmem:v0+s25+$0x0], $0xffff;
	_ =	sdelay $0x4  }
0x141: {  	s0 =	rddreg [dreg:$0xc];
	[tilespmem:s2+$0x10030] =	vst v0  }
0x142: {  	[hbm4b:s0+s22] =	stream.strided.scatter [tilespmem:s28], [sflag:$0x1], $0x4000, s23, s22, $0x38;
	[tilespmem:$0x14000] =	vst v63  }
0x143: {  	_ =	swait.ge [sflag:s24], $0x4000  }
0x144: {  	[sflag:s24] =	ssyncset.done $0x0  }
0x145: {  	s2 =	rddreg [dreg:$0xd];
	[sflag:s24] =	ssyncadd.s32 $0xFFFFC000  }
0x146: {  	[hbm4b:s2+s22] =	stream.strided.scatter [tilespmem:s29], [sflag:$0x1], $0x4000, s23, s22, $0x38;
	[tilespmem:$0x14000] =	vst v63  }
0x147: {  	_ =	swait.ge [sflag:s24], $0x4000  }
0x148: {  	[sflag:s24] =	ssyncset.done $0x0  }
0x149: {  	s2 =	simm.s32 $0x0;
	[sflag:s24] =	ssyncadd.s32 $0xFFFFC000  }
0x14a: {  	[tilespmem:s26], [sflag:$0x1] =	stream.linear.gather [hbm4b:s10+s2], $0x4000, $0x38;
	[tilespmem:$0x14000] =	vst v63  }
0x14b: {  	_ =	swait.ge [sflag:s24], $0x4000  }
0x14c: {  	[sflag:s24] =	ssyncset.done $0x0  }
0x14d: {  	s31 =	simm.s32 $0x0;
	[sflag:s24] =	ssyncadd.s32 $0xFFFFC000  }
0x14e: {  	v0 =	vld [tilespmem:s31+$0x8000];
	_ =	sdelay $0x7  }
0x14f: {  	v1 =	vld.idx.msk [tilespmem:v0+s1+$0x0], $0xffff;
	_ =	sdelay $0x4  }
0x150: {  	[tilespmem:s31+$0xC000] =	vst v1;
	v1 =	vld [tilespmem:s31+$0x8010];
	_ =	sdelay $0x1  }
0x151: {  	v0 =	vld.idx.msk [tilespmem:v0+s25+$0x0], $0xffff;
	_ =	sdelay $0x4  }
0x152: {  	[tilespmem:s31+$0x10000] =	vst v0  }
0x153: {  	v0 =	vld.idx.msk [tilespmem:v1+s1+$0x0], $0xffff;
	_ =	sdelay $0x3  }
0x154: {  	v2 =	vld [tilespmem:s31+$0x8020]  }
0x155: {  	[tilespmem:s31+$0xC010] =	vst v0  }
0x156: {  	v0 =	vld.idx.msk [tilespmem:v1+s25+$0x0], $0xffff;
	_ =	sdelay $0x4  }
0x157: {  	[tilespmem:s31+$0x10010] =	vst v0  }
0x158: {  	v0 =	vld.idx.msk [tilespmem:v2+s1+$0x0], $0xffff;
	_ =	sdelay $0x4  }
0x159: {  	[tilespmem:s31+$0xC020] =	vst v0;
	v0 =	vld [tilespmem:s31+$0x8030];
	_ =	sdelay $0x1  }
0x15a: {  	v1 =	vld.idx.msk [tilespmem:v2+s25+$0x0], $0xffff;
	_ =	sdelay $0x4  }
0x15b: {  	[tilespmem:s31+$0x10020] =	vst v1  }
0x15c: {  	v1 =	vld.idx.msk [tilespmem:v0+s1+$0x0], $0xffff;
	_ =	sdelay $0x3  }
0x15d: {  	s0 =	simm.s32 $0x200;
	s2 =	simm.s32 $0x40  }
.LBB2_10:
0x15e: {  	p0 =	sne.s32 s0, $0xFF00;
	v2 =	vld [tilespmem:s2+$0x8000];
	[tilespmem:s31+$0xC030] =	vst v1  }
0x15f: {  	v0 =	vld.idx.msk [tilespmem:v0+s25+$0x0], $0xffff;
	_ =	sdelay $0x5  }
0x160: {  	[tilespmem:s31+$0x10030] =	vst v0;
	s31 =	smov.u32 s2  }
0x161: {  	v0 =	vld.idx.msk [tilespmem:v2+s1+$0x0], $0xffff;
	_ =	sdelay $0x5  }
0x162: {  	[tilespmem:s31+$0xC000] =	vst v0;
	v0 =	vld [tilespmem:s31+$0x8010]  }
0x163: {  	v1 =	vld.idx.msk [tilespmem:v2+s25+$0x0], $0xffff;
	_ =	sdelay $0x5  }
0x164: {  	[tilespmem:s31+$0x10000] =	vst v1  }
0x165: {  	v1 =	vld.idx.msk [tilespmem:v0+s1+$0x0], $0xffff;
	_ =	sdelay $0x5  }
0x166: {  	[tilespmem:s31+$0xC010] =	vst v1;
	v1 =	vld [tilespmem:s31+$0x8020]  }
0x167: {  	v0 =	vld.idx.msk [tilespmem:v0+s25+$0x0], $0xffff;
	_ =	sdelay $0x5  }
0x168: {  	[tilespmem:s31+$0x10010] =	vst v0  }
0x169: {  	v0 =	vld.idx.msk [tilespmem:v1+s1+$0x0], $0xffff;
	_ =	sdelay $0x5  }
0x16a: {  	[tilespmem:s31+$0xC020] =	vst v0;
	v0 =	vld [tilespmem:s31+$0x8030]  }
0x16b: {  	v1 =	vld.idx.msk [tilespmem:v1+s25+$0x0], $0xffff;
	_ =	sdelay $0x5  }
0x16c: {  	[tilespmem:s31+$0x10020] =	vst v1  }
0x16d: {  	v1 =	vld.idx.msk [tilespmem:v0+s1+$0x0], $0xffff  }
.Ltmp4:
0x16e: {  	(pc) =	sbr.rel @p0 .LBB2_10-.Ltmp4, $2  }
0x16f: {  	_ =	sdelay $0x2  }
0x170: {  	s2 =	sshra.s32 s0, $0x2;
	s0 =	sadd.s32 $0x100, s0  }
0x171: {  	_ =	sdelay $0x1  }
0x172: {  	v2 =	vld [tilespmem:s2+$0x8000]  }
0x173: {  	[tilespmem:s31+$0xC030] =	vst v1  }
0x174: {  	v0 =	vld.idx.msk [tilespmem:v0+s25+$0x0], $0xffff;
	_ =	sdelay $0x4  }
0x175: {  	[tilespmem:s31+$0x10030] =	vst v0  }
0x176: {  	v0 =	vld.idx.msk [tilespmem:v2+s1+$0x0], $0xffff;
	_ =	sdelay $0x4  }
0x177: {  	[tilespmem:s2+$0xC000] =	vst v0;
	v0 =	vld [tilespmem:s2+$0x8010];
	_ =	sdelay $0x1  }
0x178: {  	v1 =	vld.idx.msk [tilespmem:v2+s25+$0x0], $0xffff;
	_ =	sdelay $0x4  }
0x179: {  	[tilespmem:s2+$0x10000] =	vst v1  }
0x17a: {  	v1 =	vld.idx.msk [tilespmem:v0+s1+$0x0], $0xffff;
	_ =	sdelay $0x4  }
0x17b: {  	[tilespmem:s2+$0xC010] =	vst v1;
	v1 =	vld [tilespmem:s2+$0x8020];
	_ =	sdelay $0x1  }
0x17c: {  	v0 =	vld.idx.msk [tilespmem:v0+s25+$0x0], $0xffff;
	_ =	sdelay $0x4  }
0x17d: {  	[tilespmem:s2+$0x10010] =	vst v0  }
0x17e: {  	v0 =	vld.idx.msk [tilespmem:v1+s1+$0x0], $0xffff;
	_ =	sdelay $0x4  }
0x17f: {  	[tilespmem:s2+$0xC020] =	vst v0;
	v0 =	vld [tilespmem:s2+$0x8030];
	_ =	sdelay $0x1  }
0x180: {  	v1 =	vld.idx.msk [tilespmem:v1+s25+$0x0], $0xffff;
	_ =	sdelay $0x4  }
0x181: {  	[tilespmem:s2+$0x10020] =	vst v1  }
0x182: {  	v1 =	vld.idx.msk [tilespmem:v0+s1+$0x0], $0xffff;
	_ =	sdelay $0x4  }
0x183: {  	[tilespmem:s2+$0xC030] =	vst v1  }
0x184: {  	v0 =	vld.idx.msk [tilespmem:v0+s25+$0x0], $0xffff;
	_ =	sdelay $0x4  }
0x185: {  	s0 =	rddreg [dreg:$0xe];
	[tilespmem:s2+$0x10030] =	vst v0  }
0x186: {  	[hbm4b:s0+s22] =	stream.strided.scatter [tilespmem:s28], [sflag:$0x1], $0x4000, s23, s22, $0x38;
	[tilespmem:$0x14000] =	vst v63  }
0x187: {  	_ =	swait.ge [sflag:s24], $0x4000  }
0x188: {  	[sflag:s24] =	ssyncset.done $0x0  }
0x189: {  	s2 =	rddreg [dreg:$0xf];
	[sflag:s24] =	ssyncadd.s32 $0xFFFFC000  }
0x18a: {  	[hbm4b:s2+s22] =	stream.strided.scatter [tilespmem:s29], [sflag:$0x1], $0x4000, s23, s22, $0x38;
	[tilespmem:$0x14000] =	vst v63  }
0x18b: {  	_ =	swait.ge [sflag:s24], $0x4000  }
0x18c: {  	[sflag:s24] =	ssyncset.done $0x0  }
0x18d: {  	s2 =	simm.s32 $0x0;
	[sflag:s24] =	ssyncadd.s32 $0xFFFFC000  }
0x18e: {  	[tilespmem:s26], [sflag:$0x1] =	stream.linear.gather [hbm4b:s11+s2], $0x4000, $0x38;
	[tilespmem:$0x14000] =	vst v63  }
0x18f: {  	_ =	swait.ge [sflag:s24], $0x4000  }
0x190: {  	[sflag:s24] =	ssyncset.done $0x0  }
0x191: {  	s31 =	simm.s32 $0x0;
	[sflag:s24] =	ssyncadd.s32 $0xFFFFC000  }
0x192: {  	v0 =	vld [tilespmem:s31+$0x8000];
	_ =	sdelay $0x7  }
0x193: {  	v1 =	vld.idx.msk [tilespmem:v0+s1+$0x0], $0xffff;
	_ =	sdelay $0x4  }
0x194: {  	[tilespmem:s31+$0xC000] =	vst v1;
	v1 =	vld [tilespmem:s31+$0x8010];
	_ =	sdelay $0x1  }
0x195: {  	v0 =	vld.idx.msk [tilespmem:v0+s25+$0x0], $0xffff;
	_ =	sdelay $0x4  }
0x196: {  	[tilespmem:s31+$0x10000] =	vst v0  }
0x197: {  	v0 =	vld.idx.msk [tilespmem:v1+s1+$0x0], $0xffff;
	_ =	sdelay $0x3  }
0x198: {  	v2 =	vld [tilespmem:s31+$0x8020]  }
0x199: {  	[tilespmem:s31+$0xC010] =	vst v0  }
0x19a: {  	v0 =	vld.idx.msk [tilespmem:v1+s25+$0x0], $0xffff;
	_ =	sdelay $0x4  }
0x19b: {  	[tilespmem:s31+$0x10010] =	vst v0  }
0x19c: {  	v0 =	vld.idx.msk [tilespmem:v2+s1+$0x0], $0xffff;
	_ =	sdelay $0x4  }
0x19d: {  	[tilespmem:s31+$0xC020] =	vst v0;
	v0 =	vld [tilespmem:s31+$0x8030];
	_ =	sdelay $0x1  }
0x19e: {  	v1 =	vld.idx.msk [tilespmem:v2+s25+$0x0], $0xffff;
	_ =	sdelay $0x4  }
0x19f: {  	[tilespmem:s31+$0x10020] =	vst v1  }
0x1a0: {  	v1 =	vld.idx.msk [tilespmem:v0+s1+$0x0], $0xffff;
	_ =	sdelay $0x3  }
0x1a1: {  	s0 =	simm.s32 $0x200;
	s2 =	simm.s32 $0x40  }
.LBB2_12:
0x1a2: {  	p0 =	sne.s32 s0, $0xFF00;
	v2 =	vld [tilespmem:s2+$0x8000];
	[tilespmem:s31+$0xC030] =	vst v1  }
0x1a3: {  	v0 =	vld.idx.msk [tilespmem:v0+s25+$0x0], $0xffff;
	_ =	sdelay $0x5  }
0x1a4: {  	[tilespmem:s31+$0x10030] =	vst v0;
	s31 =	smov.u32 s2  }
0x1a5: {  	v0 =	vld.idx.msk [tilespmem:v2+s1+$0x0], $0xffff;
	_ =	sdelay $0x5  }
0x1a6: {  	[tilespmem:s31+$0xC000] =	vst v0;
	v0 =	vld [tilespmem:s31+$0x8010]  }
0x1a7: {  	v1 =	vld.idx.msk [tilespmem:v2+s25+$0x0], $0xffff;
	_ =	sdelay $0x5  }
0x1a8: {  	[tilespmem:s31+$0x10000] =	vst v1  }
0x1a9: {  	v1 =	vld.idx.msk [tilespmem:v0+s1+$0x0], $0xffff;
	_ =	sdelay $0x5  }
0x1aa: {  	[tilespmem:s31+$0xC010] =	vst v1;
	v1 =	vld [tilespmem:s31+$0x8020]  }
0x1ab: {  	v0 =	vld.idx.msk [tilespmem:v0+s25+$0x0], $0xffff;
	_ =	sdelay $0x5  }
0x1ac: {  	[tilespmem:s31+$0x10010] =	vst v0  }
0x1ad: {  	v0 =	vld.idx.msk [tilespmem:v1+s1+$0x0], $0xffff;
	_ =	sdelay $0x5  }
0x1ae: {  	[tilespmem:s31+$0xC020] =	vst v0;
	v0 =	vld [tilespmem:s31+$0x8030]  }
0x1af: {  	v1 =	vld.idx.msk [tilespmem:v1+s25+$0x0], $0xffff;
	_ =	sdelay $0x5  }
0x1b0: {  	[tilespmem:s31+$0x10020] =	vst v1  }
0x1b1: {  	v1 =	vld.idx.msk [tilespmem:v0+s1+$0x0], $0xffff  }
.Ltmp5:
0x1b2: {  	(pc) =	sbr.rel @p0 .LBB2_12-.Ltmp5, $2  }
0x1b3: {  	_ =	sdelay $0x2  }
0x1b4: {  	s2 =	sshra.s32 s0, $0x2;
	s0 =	sadd.s32 $0x100, s0  }
0x1b5: {  	_ =	sdelay $0x1  }
0x1b6: {  	v2 =	vld [tilespmem:s2+$0x8000]  }
0x1b7: {  	[tilespmem:s31+$0xC030] =	vst v1  }
0x1b8: {  	v0 =	vld.idx.msk [tilespmem:v0+s25+$0x0], $0xffff;
	_ =	sdelay $0x4  }
0x1b9: {  	[tilespmem:s31+$0x10030] =	vst v0  }
0x1ba: {  	v0 =	vld.idx.msk [tilespmem:v2+s1+$0x0], $0xffff;
	_ =	sdelay $0x4  }
0x1bb: {  	[tilespmem:s2+$0xC000] =	vst v0;
	v0 =	vld [tilespmem:s2+$0x8010];
	_ =	sdelay $0x1  }
0x1bc: {  	v1 =	vld.idx.msk [tilespmem:v2+s25+$0x0], $0xffff;
	_ =	sdelay $0x4  }
0x1bd: {  	[tilespmem:s2+$0x10000] =	vst v1  }
0x1be: {  	v1 =	vld.idx.msk [tilespmem:v0+s1+$0x0], $0xffff;
	_ =	sdelay $0x4  }
0x1bf: {  	[tilespmem:s2+$0xC010] =	vst v1;
	v1 =	vld [tilespmem:s2+$0x8020];
	_ =	sdelay $0x1  }
0x1c0: {  	v0 =	vld.idx.msk [tilespmem:v0+s25+$0x0], $0xffff;
	_ =	sdelay $0x4  }
0x1c1: {  	[tilespmem:s2+$0x10010] =	vst v0  }
0x1c2: {  	v0 =	vld.idx.msk [tilespmem:v1+s1+$0x0], $0xffff;
	_ =	sdelay $0x4  }
0x1c3: {  	[tilespmem:s2+$0xC020] =	vst v0;
	v0 =	vld [tilespmem:s2+$0x8030];
	_ =	sdelay $0x1  }
0x1c4: {  	v1 =	vld.idx.msk [tilespmem:v1+s25+$0x0], $0xffff;
	_ =	sdelay $0x4  }
0x1c5: {  	[tilespmem:s2+$0x10020] =	vst v1  }
0x1c6: {  	v1 =	vld.idx.msk [tilespmem:v0+s1+$0x0], $0xffff;
	_ =	sdelay $0x4  }
0x1c7: {  	[tilespmem:s2+$0xC030] =	vst v1  }
0x1c8: {  	v0 =	vld.idx.msk [tilespmem:v0+s25+$0x0], $0xffff;
	_ =	sdelay $0x4  }
0x1c9: {  	s0 =	rddreg [dreg:$0x10];
	[tilespmem:s2+$0x10030] =	vst v0  }
0x1ca: {  	[hbm4b:s0+s22] =	stream.strided.scatter [tilespmem:s28], [sflag:$0x1], $0x4000, s23, s22, $0x38;
	[tilespmem:$0x14000] =	vst v63  }
0x1cb: {  	_ =	swait.ge [sflag:s24], $0x4000  }
0x1cc: {  	[sflag:s24] =	ssyncset.done $0x0  }
0x1cd: {  	s2 =	rddreg [dreg:$0x11];
	[sflag:s24] =	ssyncadd.s32 $0xFFFFC000  }
0x1ce: {  	[hbm4b:s2+s22] =	stream.strided.scatter [tilespmem:s29], [sflag:$0x1], $0x4000, s23, s22, $0x38;
	[tilespmem:$0x14000] =	vst v63  }
0x1cf: {  	_ =	swait.ge [sflag:s24], $0x4000  }
0x1d0: {  	[sflag:s24] =	ssyncset.done $0x0  }
0x1d1: {  	s2 =	simm.s32 $0x0;
	[sflag:s24] =	ssyncadd.s32 $0xFFFFC000  }
0x1d2: {  	[tilespmem:s26], [sflag:$0x1] =	stream.linear.gather [hbm4b:s12+s2], $0x4000, $0x38;
	[tilespmem:$0x14000] =	vst v63  }
0x1d3: {  	_ =	swait.ge [sflag:s24], $0x4000  }
0x1d4: {  	[sflag:s24] =	ssyncset.done $0x0  }
0x1d5: {  	s31 =	simm.s32 $0x0;
	[sflag:s24] =	ssyncadd.s32 $0xFFFFC000  }
0x1d6: {  	v0 =	vld [tilespmem:s31+$0x8000];
	_ =	sdelay $0x7  }
0x1d7: {  	v1 =	vld.idx.msk [tilespmem:v0+s1+$0x0], $0xffff;
	_ =	sdelay $0x4  }
0x1d8: {  	[tilespmem:s31+$0xC000] =	vst v1;
	v1 =	vld [tilespmem:s31+$0x8010];
	_ =	sdelay $0x1  }
0x1d9: {  	v0 =	vld.idx.msk [tilespmem:v0+s25+$0x0], $0xffff;
	_ =	sdelay $0x4  }
0x1da: {  	[tilespmem:s31+$0x10000] =	vst v0  }
0x1db: {  	v0 =	vld.idx.msk [tilespmem:v1+s1+$0x0], $0xffff;
	_ =	sdelay $0x3  }
0x1dc: {  	v2 =	vld [tilespmem:s31+$0x8020]  }
0x1dd: {  	[tilespmem:s31+$0xC010] =	vst v0  }
0x1de: {  	v0 =	vld.idx.msk [tilespmem:v1+s25+$0x0], $0xffff;
	_ =	sdelay $0x4  }
0x1df: {  	[tilespmem:s31+$0x10010] =	vst v0  }
0x1e0: {  	v0 =	vld.idx.msk [tilespmem:v2+s1+$0x0], $0xffff;
	_ =	sdelay $0x4  }
0x1e1: {  	[tilespmem:s31+$0xC020] =	vst v0;
	v0 =	vld [tilespmem:s31+$0x8030];
	_ =	sdelay $0x1  }
0x1e2: {  	v1 =	vld.idx.msk [tilespmem:v2+s25+$0x0], $0xffff;
	_ =	sdelay $0x4  }
0x1e3: {  	[tilespmem:s31+$0x10020] =	vst v1  }
0x1e4: {  	v1 =	vld.idx.msk [tilespmem:v0+s1+$0x0], $0xffff;
	_ =	sdelay $0x3  }
0x1e5: {  	s0 =	simm.s32 $0x200;
	s2 =	simm.s32 $0x40  }
.LBB2_14:
0x1e6: {  	p0 =	sne.s32 s0, $0xFF00;
	v2 =	vld [tilespmem:s2+$0x8000];
	[tilespmem:s31+$0xC030] =	vst v1  }
0x1e7: {  	v0 =	vld.idx.msk [tilespmem:v0+s25+$0x0], $0xffff;
	_ =	sdelay $0x5  }
0x1e8: {  	[tilespmem:s31+$0x10030] =	vst v0;
	s31 =	smov.u32 s2  }
0x1e9: {  	v0 =	vld.idx.msk [tilespmem:v2+s1+$0x0], $0xffff;
	_ =	sdelay $0x5  }
0x1ea: {  	[tilespmem:s31+$0xC000] =	vst v0;
	v0 =	vld [tilespmem:s31+$0x8010]  }
0x1eb: {  	v1 =	vld.idx.msk [tilespmem:v2+s25+$0x0], $0xffff;
	_ =	sdelay $0x5  }
0x1ec: {  	[tilespmem:s31+$0x10000] =	vst v1  }
0x1ed: {  	v1 =	vld.idx.msk [tilespmem:v0+s1+$0x0], $0xffff;
	_ =	sdelay $0x5  }
0x1ee: {  	[tilespmem:s31+$0xC010] =	vst v1;
	v1 =	vld [tilespmem:s31+$0x8020]  }
0x1ef: {  	v0 =	vld.idx.msk [tilespmem:v0+s25+$0x0], $0xffff;
	_ =	sdelay $0x5  }
0x1f0: {  	[tilespmem:s31+$0x10010] =	vst v0  }
0x1f1: {  	v0 =	vld.idx.msk [tilespmem:v1+s1+$0x0], $0xffff;
	_ =	sdelay $0x5  }
0x1f2: {  	[tilespmem:s31+$0xC020] =	vst v0;
	v0 =	vld [tilespmem:s31+$0x8030]  }
0x1f3: {  	v1 =	vld.idx.msk [tilespmem:v1+s25+$0x0], $0xffff;
	_ =	sdelay $0x5  }
0x1f4: {  	[tilespmem:s31+$0x10020] =	vst v1  }
0x1f5: {  	v1 =	vld.idx.msk [tilespmem:v0+s1+$0x0], $0xffff  }
.Ltmp6:
0x1f6: {  	(pc) =	sbr.rel @p0 .LBB2_14-.Ltmp6, $2  }
0x1f7: {  	_ =	sdelay $0x2  }
0x1f8: {  	s2 =	sshra.s32 s0, $0x2;
	s0 =	sadd.s32 $0x100, s0  }
0x1f9: {  	_ =	sdelay $0x1  }
0x1fa: {  	v2 =	vld [tilespmem:s2+$0x8000]  }
0x1fb: {  	[tilespmem:s31+$0xC030] =	vst v1  }
0x1fc: {  	v0 =	vld.idx.msk [tilespmem:v0+s25+$0x0], $0xffff;
	_ =	sdelay $0x4  }
0x1fd: {  	[tilespmem:s31+$0x10030] =	vst v0  }
0x1fe: {  	v0 =	vld.idx.msk [tilespmem:v2+s1+$0x0], $0xffff;
	_ =	sdelay $0x4  }
0x1ff: {  	[tilespmem:s2+$0xC000] =	vst v0;
	v0 =	vld [tilespmem:s2+$0x8010];
	_ =	sdelay $0x1  }
0x200: {  	v1 =	vld.idx.msk [tilespmem:v2+s25+$0x0], $0xffff;
	_ =	sdelay $0x4  }
0x201: {  	[tilespmem:s2+$0x10000] =	vst v1  }
0x202: {  	v1 =	vld.idx.msk [tilespmem:v0+s1+$0x0], $0xffff;
	_ =	sdelay $0x4  }
0x203: {  	[tilespmem:s2+$0xC010] =	vst v1;
	v1 =	vld [tilespmem:s2+$0x8020];
	_ =	sdelay $0x1  }
0x204: {  	v0 =	vld.idx.msk [tilespmem:v0+s25+$0x0], $0xffff;
	_ =	sdelay $0x4  }
0x205: {  	[tilespmem:s2+$0x10010] =	vst v0  }
0x206: {  	v0 =	vld.idx.msk [tilespmem:v1+s1+$0x0], $0xffff;
	_ =	sdelay $0x4  }
0x207: {  	[tilespmem:s2+$0xC020] =	vst v0;
	v0 =	vld [tilespmem:s2+$0x8030];
	_ =	sdelay $0x1  }
0x208: {  	v1 =	vld.idx.msk [tilespmem:v1+s25+$0x0], $0xffff;
	_ =	sdelay $0x4  }
0x209: {  	[tilespmem:s2+$0x10020] =	vst v1  }
0x20a: {  	v1 =	vld.idx.msk [tilespmem:v0+s1+$0x0], $0xffff;
	_ =	sdelay $0x4  }
0x20b: {  	[tilespmem:s2+$0xC030] =	vst v1  }
0x20c: {  	v0 =	vld.idx.msk [tilespmem:v0+s25+$0x0], $0xffff;
	_ =	sdelay $0x4  }
0x20d: {  	s0 =	rddreg [dreg:$0x12];
	[tilespmem:s2+$0x10030] =	vst v0  }
0x20e: {  	[hbm4b:s0+s22] =	stream.strided.scatter [tilespmem:s28], [sflag:$0x1], $0x4000, s23, s22, $0x38;
	[tilespmem:$0x14000] =	vst v63  }
0x20f: {  	_ =	swait.ge [sflag:s24], $0x4000  }
0x210: {  	[sflag:s24] =	ssyncset.done $0x0  }
0x211: {  	s2 =	rddreg [dreg:$0x13];
	[sflag:s24] =	ssyncadd.s32 $0xFFFFC000  }
0x212: {  	[hbm4b:s2+s22] =	stream.strided.scatter [tilespmem:s29], [sflag:$0x1], $0x4000, s23, s22, $0x38;
	[tilespmem:$0x14000] =	vst v63  }
0x213: {  	_ =	swait.ge [sflag:s24], $0x4000  }
0x214: {  	[sflag:s24] =	ssyncset.done $0x0  }
0x215: {  	s2 =	simm.s32 $0x0;
	[sflag:s24] =	ssyncadd.s32 $0xFFFFC000  }
0x216: {  	[tilespmem:s26], [sflag:$0x1] =	stream.linear.gather [hbm4b:s13+s2], $0x4000, $0x38;
	[tilespmem:$0x14000] =	vst v63  }
0x217: {  	_ =	swait.ge [sflag:s24], $0x4000  }
0x218: {  	[sflag:s24] =	ssyncset.done $0x0  }
0x219: {  	s31 =	simm.s32 $0x0;
	[sflag:s24] =	ssyncadd.s32 $0xFFFFC000  }
0x21a: {  	v0 =	vld [tilespmem:s31+$0x8000];
	_ =	sdelay $0x7  }
0x21b: {  	v1 =	vld.idx.msk [tilespmem:v0+s1+$0x0], $0xffff;
	_ =	sdelay $0x4  }
0x21c: {  	[tilespmem:s31+$0xC000] =	vst v1;
	v1 =	vld [tilespmem:s31+$0x8010];
	_ =	sdelay $0x1  }
0x21d: {  	v0 =	vld.idx.msk [tilespmem:v0+s25+$0x0], $0xffff;
	_ =	sdelay $0x4  }
0x21e: {  	[tilespmem:s31+$0x10000] =	vst v0  }
0x21f: {  	v0 =	vld.idx.msk [tilespmem:v1+s1+$0x0], $0xffff;
	_ =	sdelay $0x3  }
0x220: {  	v2 =	vld [tilespmem:s31+$0x8020]  }
0x221: {  	[tilespmem:s31+$0xC010] =	vst v0  }
0x222: {  	v0 =	vld.idx.msk [tilespmem:v1+s25+$0x0], $0xffff;
	_ =	sdelay $0x4  }
0x223: {  	[tilespmem:s31+$0x10010] =	vst v0  }
0x224: {  	v0 =	vld.idx.msk [tilespmem:v2+s1+$0x0], $0xffff;
	_ =	sdelay $0x4  }
0x225: {  	[tilespmem:s31+$0xC020] =	vst v0;
	v0 =	vld [tilespmem:s31+$0x8030];
	_ =	sdelay $0x1  }
0x226: {  	v1 =	vld.idx.msk [tilespmem:v2+s25+$0x0], $0xffff;
	_ =	sdelay $0x4  }
0x227: {  	[tilespmem:s31+$0x10020] =	vst v1  }
0x228: {  	v1 =	vld.idx.msk [tilespmem:v0+s1+$0x0], $0xffff;
	_ =	sdelay $0x3  }
0x229: {  	s0 =	simm.s32 $0x200;
	s2 =	simm.s32 $0x40  }
.LBB2_16:
0x22a: {  	p0 =	sne.s32 s0, $0xFF00;
	v2 =	vld [tilespmem:s2+$0x8000];
	[tilespmem:s31+$0xC030] =	vst v1  }
0x22b: {  	v0 =	vld.idx.msk [tilespmem:v0+s25+$0x0], $0xffff;
	_ =	sdelay $0x5  }
0x22c: {  	[tilespmem:s31+$0x10030] =	vst v0;
	s31 =	smov.u32 s2  }
0x22d: {  	v0 =	vld.idx.msk [tilespmem:v2+s1+$0x0], $0xffff;
	_ =	sdelay $0x5  }
0x22e: {  	[tilespmem:s31+$0xC000] =	vst v0;
	v0 =	vld [tilespmem:s31+$0x8010]  }
0x22f: {  	v1 =	vld.idx.msk [tilespmem:v2+s25+$0x0], $0xffff;
	_ =	sdelay $0x5  }
0x230: {  	[tilespmem:s31+$0x10000] =	vst v1  }
0x231: {  	v1 =	vld.idx.msk [tilespmem:v0+s1+$0x0], $0xffff;
	_ =	sdelay $0x5  }
0x232: {  	[tilespmem:s31+$0xC010] =	vst v1;
	v1 =	vld [tilespmem:s31+$0x8020]  }
0x233: {  	v0 =	vld.idx.msk [tilespmem:v0+s25+$0x0], $0xffff;
	_ =	sdelay $0x5  }
0x234: {  	[tilespmem:s31+$0x10010] =	vst v0  }
0x235: {  	v0 =	vld.idx.msk [tilespmem:v1+s1+$0x0], $0xffff;
	_ =	sdelay $0x5  }
0x236: {  	[tilespmem:s31+$0xC020] =	vst v0;
	v0 =	vld [tilespmem:s31+$0x8030]  }
0x237: {  	v1 =	vld.idx.msk [tilespmem:v1+s25+$0x0], $0xffff;
	_ =	sdelay $0x5  }
0x238: {  	[tilespmem:s31+$0x10020] =	vst v1  }
0x239: {  	v1 =	vld.idx.msk [tilespmem:v0+s1+$0x0], $0xffff  }
.Ltmp7:
0x23a: {  	(pc) =	sbr.rel @p0 .LBB2_16-.Ltmp7, $2  }
0x23b: {  	_ =	sdelay $0x2  }
0x23c: {  	s2 =	sshra.s32 s0, $0x2;
	s0 =	sadd.s32 $0x100, s0  }
0x23d: {  	_ =	sdelay $0x1  }
0x23e: {  	v2 =	vld [tilespmem:s2+$0x8000]  }
0x23f: {  	[tilespmem:s31+$0xC030] =	vst v1  }
0x240: {  	v0 =	vld.idx.msk [tilespmem:v0+s25+$0x0], $0xffff;
	_ =	sdelay $0x4  }
0x241: {  	[tilespmem:s31+$0x10030] =	vst v0  }
0x242: {  	v0 =	vld.idx.msk [tilespmem:v2+s1+$0x0], $0xffff;
	_ =	sdelay $0x4  }
0x243: {  	[tilespmem:s2+$0xC000] =	vst v0;
	v0 =	vld [tilespmem:s2+$0x8010];
	_ =	sdelay $0x1  }
0x244: {  	v1 =	vld.idx.msk [tilespmem:v2+s25+$0x0], $0xffff;
	_ =	sdelay $0x4  }
0x245: {  	[tilespmem:s2+$0x10000] =	vst v1  }
0x246: {  	v1 =	vld.idx.msk [tilespmem:v0+s1+$0x0], $0xffff;
	_ =	sdelay $0x4  }
0x247: {  	[tilespmem:s2+$0xC010] =	vst v1;
	v1 =	vld [tilespmem:s2+$0x8020];
	_ =	sdelay $0x1  }
0x248: {  	v0 =	vld.idx.msk [tilespmem:v0+s25+$0x0], $0xffff;
	_ =	sdelay $0x4  }
0x249: {  	[tilespmem:s2+$0x10010] =	vst v0  }
0x24a: {  	v0 =	vld.idx.msk [tilespmem:v1+s1+$0x0], $0xffff;
	_ =	sdelay $0x4  }
0x24b: {  	[tilespmem:s2+$0xC020] =	vst v0;
	v0 =	vld [tilespmem:s2+$0x8030];
	_ =	sdelay $0x1  }
0x24c: {  	v1 =	vld.idx.msk [tilespmem:v1+s25+$0x0], $0xffff;
	_ =	sdelay $0x4  }
0x24d: {  	[tilespmem:s2+$0x10020] =	vst v1  }
0x24e: {  	v1 =	vld.idx.msk [tilespmem:v0+s1+$0x0], $0xffff;
	_ =	sdelay $0x4  }
0x24f: {  	[tilespmem:s2+$0xC030] =	vst v1  }
0x250: {  	v0 =	vld.idx.msk [tilespmem:v0+s25+$0x0], $0xffff;
	_ =	sdelay $0x4  }
0x251: {  	s0 =	rddreg [dreg:$0x14];
	[tilespmem:s2+$0x10030] =	vst v0  }
0x252: {  	[hbm4b:s0+s22] =	stream.strided.scatter [tilespmem:s28], [sflag:$0x1], $0x4000, s23, s22, $0x38;
	[tilespmem:$0x14000] =	vst v63  }
0x253: {  	_ =	swait.ge [sflag:s24], $0x4000  }
0x254: {  	[sflag:s24] =	ssyncset.done $0x0  }
0x255: {  	s2 =	rddreg [dreg:$0x15];
	[sflag:s24] =	ssyncadd.s32 $0xFFFFC000  }
0x256: {  	[hbm4b:s2+s22] =	stream.strided.scatter [tilespmem:s29], [sflag:$0x1], $0x4000, s23, s22, $0x38;
	[tilespmem:$0x14000] =	vst v63  }
0x257: {  	_ =	swait.ge [sflag:s24], $0x4000  }
0x258: {  	[sflag:s24] =	ssyncset.done $0x0  }
0x259: {  	s2 =	simm.s32 $0x0;
	[sflag:s24] =	ssyncadd.s32 $0xFFFFC000  }
0x25a: {  	[tilespmem:s26], [sflag:$0x1] =	stream.linear.gather [hbm4b:s14+s2], $0x4000, $0x38;
	[tilespmem:$0x14000] =	vst v63  }
0x25b: {  	_ =	swait.ge [sflag:s24], $0x4000  }
0x25c: {  	[sflag:s24] =	ssyncset.done $0x0  }
0x25d: {  	s31 =	simm.s32 $0x0;
	[sflag:s24] =	ssyncadd.s32 $0xFFFFC000  }
0x25e: {  	v0 =	vld [tilespmem:s31+$0x8000];
	_ =	sdelay $0x7  }
0x25f: {  	v1 =	vld.idx.msk [tilespmem:v0+s1+$0x0], $0xffff;
	_ =	sdelay $0x4  }
0x260: {  	[tilespmem:s31+$0xC000] =	vst v1;
	v1 =	vld [tilespmem:s31+$0x8010];
	_ =	sdelay $0x1  }
0x261: {  	v0 =	vld.idx.msk [tilespmem:v0+s25+$0x0], $0xffff;
	_ =	sdelay $0x4  }
0x262: {  	[tilespmem:s31+$0x10000] =	vst v0  }
0x263: {  	v0 =	vld.idx.msk [tilespmem:v1+s1+$0x0], $0xffff;
	_ =	sdelay $0x3  }
0x264: {  	v2 =	vld [tilespmem:s31+$0x8020]  }
0x265: {  	[tilespmem:s31+$0xC010] =	vst v0  }
0x266: {  	v0 =	vld.idx.msk [tilespmem:v1+s25+$0x0], $0xffff;
	_ =	sdelay $0x4  }
0x267: {  	[tilespmem:s31+$0x10010] =	vst v0  }
0x268: {  	v0 =	vld.idx.msk [tilespmem:v2+s1+$0x0], $0xffff;
	_ =	sdelay $0x4  }
0x269: {  	[tilespmem:s31+$0xC020] =	vst v0;
	v0 =	vld [tilespmem:s31+$0x8030];
	_ =	sdelay $0x1  }
0x26a: {  	v1 =	vld.idx.msk [tilespmem:v2+s25+$0x0], $0xffff;
	_ =	sdelay $0x4  }
0x26b: {  	[tilespmem:s31+$0x10020] =	vst v1  }
0x26c: {  	v1 =	vld.idx.msk [tilespmem:v0+s1+$0x0], $0xffff;
	_ =	sdelay $0x3  }
0x26d: {  	s0 =	simm.s32 $0x200;
	s2 =	simm.s32 $0x40  }
.LBB2_18:
0x26e: {  	p0 =	sne.s32 s0, $0xFF00;
	v2 =	vld [tilespmem:s2+$0x8000];
	[tilespmem:s31+$0xC030] =	vst v1  }
0x26f: {  	v0 =	vld.idx.msk [tilespmem:v0+s25+$0x0], $0xffff;
	_ =	sdelay $0x5  }
0x270: {  	[tilespmem:s31+$0x10030] =	vst v0;
	s31 =	smov.u32 s2  }
0x271: {  	v0 =	vld.idx.msk [tilespmem:v2+s1+$0x0], $0xffff;
	_ =	sdelay $0x5  }
0x272: {  	[tilespmem:s31+$0xC000] =	vst v0;
	v0 =	vld [tilespmem:s31+$0x8010]  }
0x273: {  	v1 =	vld.idx.msk [tilespmem:v2+s25+$0x0], $0xffff;
	_ =	sdelay $0x5  }
0x274: {  	[tilespmem:s31+$0x10000] =	vst v1  }
0x275: {  	v1 =	vld.idx.msk [tilespmem:v0+s1+$0x0], $0xffff;
	_ =	sdelay $0x5  }
0x276: {  	[tilespmem:s31+$0xC010] =	vst v1;
	v1 =	vld [tilespmem:s31+$0x8020]  }
0x277: {  	v0 =	vld.idx.msk [tilespmem:v0+s25+$0x0], $0xffff;
	_ =	sdelay $0x5  }
0x278: {  	[tilespmem:s31+$0x10010] =	vst v0  }
0x279: {  	v0 =	vld.idx.msk [tilespmem:v1+s1+$0x0], $0xffff;
	_ =	sdelay $0x5  }
0x27a: {  	[tilespmem:s31+$0xC020] =	vst v0;
	v0 =	vld [tilespmem:s31+$0x8030]  }
0x27b: {  	v1 =	vld.idx.msk [tilespmem:v1+s25+$0x0], $0xffff;
	_ =	sdelay $0x5  }
0x27c: {  	[tilespmem:s31+$0x10020] =	vst v1  }
0x27d: {  	v1 =	vld.idx.msk [tilespmem:v0+s1+$0x0], $0xffff  }
.Ltmp8:
0x27e: {  	(pc) =	sbr.rel @p0 .LBB2_18-.Ltmp8, $2  }
0x27f: {  	_ =	sdelay $0x2  }
0x280: {  	s2 =	sshra.s32 s0, $0x2;
	s0 =	sadd.s32 $0x100, s0  }
0x281: {  	_ =	sdelay $0x1  }
0x282: {  	v2 =	vld [tilespmem:s2+$0x8000]  }
0x283: {  	[tilespmem:s31+$0xC030] =	vst v1  }
0x284: {  	v0 =	vld.idx.msk [tilespmem:v0+s25+$0x0], $0xffff;
	_ =	sdelay $0x4  }
0x285: {  	[tilespmem:s31+$0x10030] =	vst v0  }
0x286: {  	v0 =	vld.idx.msk [tilespmem:v2+s1+$0x0], $0xffff;
	_ =	sdelay $0x4  }
0x287: {  	[tilespmem:s2+$0xC000] =	vst v0;
	v0 =	vld [tilespmem:s2+$0x8010];
	_ =	sdelay $0x1  }
0x288: {  	v1 =	vld.idx.msk [tilespmem:v2+s25+$0x0], $0xffff;
	_ =	sdelay $0x4  }
0x289: {  	[tilespmem:s2+$0x10000] =	vst v1  }
0x28a: {  	v1 =	vld.idx.msk [tilespmem:v0+s1+$0x0], $0xffff;
	_ =	sdelay $0x4  }
0x28b: {  	[tilespmem:s2+$0xC010] =	vst v1;
	v1 =	vld [tilespmem:s2+$0x8020];
	_ =	sdelay $0x1  }
0x28c: {  	v0 =	vld.idx.msk [tilespmem:v0+s25+$0x0], $0xffff;
	_ =	sdelay $0x4  }
0x28d: {  	[tilespmem:s2+$0x10010] =	vst v0  }
0x28e: {  	v0 =	vld.idx.msk [tilespmem:v1+s1+$0x0], $0xffff;
	_ =	sdelay $0x4  }
0x28f: {  	[tilespmem:s2+$0xC020] =	vst v0;
	v0 =	vld [tilespmem:s2+$0x8030];
	_ =	sdelay $0x1  }
0x290: {  	v1 =	vld.idx.msk [tilespmem:v1+s25+$0x0], $0xffff;
	_ =	sdelay $0x4  }
0x291: {  	[tilespmem:s2+$0x10020] =	vst v1  }
0x292: {  	v1 =	vld.idx.msk [tilespmem:v0+s1+$0x0], $0xffff;
	_ =	sdelay $0x4  }
0x293: {  	[tilespmem:s2+$0xC030] =	vst v1  }
0x294: {  	v0 =	vld.idx.msk [tilespmem:v0+s25+$0x0], $0xffff;
	_ =	sdelay $0x4  }
0x295: {  	s0 =	rddreg [dreg:$0x16];
	[tilespmem:s2+$0x10030] =	vst v0  }
0x296: {  	[hbm4b:s0+s22] =	stream.strided.scatter [tilespmem:s28], [sflag:$0x1], $0x4000, s23, s22, $0x38;
	[tilespmem:$0x14000] =	vst v63  }
0x297: {  	_ =	swait.ge [sflag:s24], $0x4000  }
0x298: {  	[sflag:s24] =	ssyncset.done $0x0  }
0x299: {  	s2 =	rddreg [dreg:$0x17];
	[sflag:s24] =	ssyncadd.s32 $0xFFFFC000  }
0x29a: {  	[hbm4b:s2+s22] =	stream.strided.scatter [tilespmem:s29], [sflag:$0x1], $0x4000, s23, s22, $0x38;
	[tilespmem:$0x14000] =	vst v63  }
0x29b: {  	_ =	swait.ge [sflag:s24], $0x4000  }
0x29c: {  	[sflag:s24] =	ssyncset.done $0x0  }
0x29d: {  	s2 =	simm.s32 $0x0;
	[sflag:s24] =	ssyncadd.s32 $0xFFFFC000  }
0x29e: {  	[tilespmem:s26], [sflag:$0x1] =	stream.linear.gather [hbm4b:s15+s2], $0x4000, $0x38;
	[tilespmem:$0x14000] =	vst v63  }
0x29f: {  	_ =	swait.ge [sflag:s24], $0x4000  }
0x2a0: {  	[sflag:s24] =	ssyncset.done $0x0  }
0x2a1: {  	s31 =	simm.s32 $0x0;
	[sflag:s24] =	ssyncadd.s32 $0xFFFFC000  }
0x2a2: {  	v0 =	vld [tilespmem:s31+$0x8000];
	_ =	sdelay $0x7  }
0x2a3: {  	v1 =	vld.idx.msk [tilespmem:v0+s1+$0x0], $0xffff;
	_ =	sdelay $0x4  }
0x2a4: {  	[tilespmem:s31+$0xC000] =	vst v1;
	v1 =	vld [tilespmem:s31+$0x8010];
	_ =	sdelay $0x1  }
0x2a5: {  	v0 =	vld.idx.msk [tilespmem:v0+s25+$0x0], $0xffff;
	_ =	sdelay $0x4  }
0x2a6: {  	[tilespmem:s31+$0x10000] =	vst v0  }
0x2a7: {  	v0 =	vld.idx.msk [tilespmem:v1+s1+$0x0], $0xffff;
	_ =	sdelay $0x3  }
0x2a8: {  	v2 =	vld [tilespmem:s31+$0x8020]  }
0x2a9: {  	[tilespmem:s31+$0xC010] =	vst v0  }
0x2aa: {  	v0 =	vld.idx.msk [tilespmem:v1+s25+$0x0], $0xffff;
	_ =	sdelay $0x4  }
0x2ab: {  	[tilespmem:s31+$0x10010] =	vst v0  }
0x2ac: {  	v0 =	vld.idx.msk [tilespmem:v2+s1+$0x0], $0xffff;
	_ =	sdelay $0x4  }
0x2ad: {  	[tilespmem:s31+$0xC020] =	vst v0;
	v0 =	vld [tilespmem:s31+$0x8030];
	_ =	sdelay $0x1  }
0x2ae: {  	v1 =	vld.idx.msk [tilespmem:v2+s25+$0x0], $0xffff;
	_ =	sdelay $0x4  }
0x2af: {  	[tilespmem:s31+$0x10020] =	vst v1  }
0x2b0: {  	v1 =	vld.idx.msk [tilespmem:v0+s1+$0x0], $0xffff;
	_ =	sdelay $0x3  }
0x2b1: {  	s0 =	simm.s32 $0x200;
	s2 =	simm.s32 $0x40  }
.LBB2_20:
0x2b2: {  	p0 =	sne.s32 s0, $0xFF00;
	v2 =	vld [tilespmem:s2+$0x8000];
	[tilespmem:s31+$0xC030] =	vst v1  }
0x2b3: {  	v0 =	vld.idx.msk [tilespmem:v0+s25+$0x0], $0xffff;
	_ =	sdelay $0x5  }
0x2b4: {  	[tilespmem:s31+$0x10030] =	vst v0;
	s31 =	smov.u32 s2  }
0x2b5: {  	v0 =	vld.idx.msk [tilespmem:v2+s1+$0x0], $0xffff;
	_ =	sdelay $0x5  }
0x2b6: {  	[tilespmem:s31+$0xC000] =	vst v0;
	v0 =	vld [tilespmem:s31+$0x8010]  }
0x2b7: {  	v1 =	vld.idx.msk [tilespmem:v2+s25+$0x0], $0xffff;
	_ =	sdelay $0x5  }
0x2b8: {  	[tilespmem:s31+$0x10000] =	vst v1  }
0x2b9: {  	v1 =	vld.idx.msk [tilespmem:v0+s1+$0x0], $0xffff;
	_ =	sdelay $0x5  }
0x2ba: {  	[tilespmem:s31+$0xC010] =	vst v1;
	v1 =	vld [tilespmem:s31+$0x8020]  }
0x2bb: {  	v0 =	vld.idx.msk [tilespmem:v0+s25+$0x0], $0xffff;
	_ =	sdelay $0x5  }
0x2bc: {  	[tilespmem:s31+$0x10010] =	vst v0  }
0x2bd: {  	v0 =	vld.idx.msk [tilespmem:v1+s1+$0x0], $0xffff;
	_ =	sdelay $0x5  }
0x2be: {  	[tilespmem:s31+$0xC020] =	vst v0;
	v0 =	vld [tilespmem:s31+$0x8030]  }
0x2bf: {  	v1 =	vld.idx.msk [tilespmem:v1+s25+$0x0], $0xffff;
	_ =	sdelay $0x5  }
0x2c0: {  	[tilespmem:s31+$0x10020] =	vst v1  }
0x2c1: {  	v1 =	vld.idx.msk [tilespmem:v0+s1+$0x0], $0xffff  }
.Ltmp9:
0x2c2: {  	(pc) =	sbr.rel @p0 .LBB2_20-.Ltmp9, $2  }
0x2c3: {  	_ =	sdelay $0x2  }
0x2c4: {  	s2 =	sshra.s32 s0, $0x2;
	s0 =	sadd.s32 $0x100, s0  }
0x2c5: {  	_ =	sdelay $0x1  }
0x2c6: {  	v2 =	vld [tilespmem:s2+$0x8000]  }
0x2c7: {  	[tilespmem:s31+$0xC030] =	vst v1  }
0x2c8: {  	v0 =	vld.idx.msk [tilespmem:v0+s25+$0x0], $0xffff;
	_ =	sdelay $0x4  }
0x2c9: {  	[tilespmem:s31+$0x10030] =	vst v0  }
0x2ca: {  	v0 =	vld.idx.msk [tilespmem:v2+s1+$0x0], $0xffff;
	_ =	sdelay $0x4  }
0x2cb: {  	[tilespmem:s2+$0xC000] =	vst v0;
	v0 =	vld [tilespmem:s2+$0x8010];
	_ =	sdelay $0x1  }
0x2cc: {  	v1 =	vld.idx.msk [tilespmem:v2+s25+$0x0], $0xffff;
	_ =	sdelay $0x4  }
0x2cd: {  	[tilespmem:s2+$0x10000] =	vst v1  }
0x2ce: {  	v1 =	vld.idx.msk [tilespmem:v0+s1+$0x0], $0xffff;
	_ =	sdelay $0x4  }
0x2cf: {  	[tilespmem:s2+$0xC010] =	vst v1;
	v1 =	vld [tilespmem:s2+$0x8020];
	_ =	sdelay $0x1  }
0x2d0: {  	v0 =	vld.idx.msk [tilespmem:v0+s25+$0x0], $0xffff;
	_ =	sdelay $0x4  }
0x2d1: {  	[tilespmem:s2+$0x10010] =	vst v0  }
0x2d2: {  	v0 =	vld.idx.msk [tilespmem:v1+s1+$0x0], $0xffff;
	_ =	sdelay $0x4  }
0x2d3: {  	[tilespmem:s2+$0xC020] =	vst v0;
	v0 =	vld [tilespmem:s2+$0x8030];
	_ =	sdelay $0x1  }
0x2d4: {  	v1 =	vld.idx.msk [tilespmem:v1+s25+$0x0], $0xffff;
	_ =	sdelay $0x4  }
0x2d5: {  	[tilespmem:s2+$0x10020] =	vst v1  }
0x2d6: {  	v1 =	vld.idx.msk [tilespmem:v0+s1+$0x0], $0xffff;
	_ =	sdelay $0x4  }
0x2d7: {  	[tilespmem:s2+$0xC030] =	vst v1  }
0x2d8: {  	v0 =	vld.idx.msk [tilespmem:v0+s25+$0x0], $0xffff;
	_ =	sdelay $0x4  }
0x2d9: {  	s0 =	rddreg [dreg:$0x18];
	[tilespmem:s2+$0x10030] =	vst v0  }
0x2da: {  	[hbm4b:s0+s22] =	stream.strided.scatter [tilespmem:s28], [sflag:$0x1], $0x4000, s23, s22, $0x38;
	[tilespmem:$0x14000] =	vst v63  }
0x2db: {  	_ =	swait.ge [sflag:s24], $0x4000  }
0x2dc: {  	[sflag:s24] =	ssyncset.done $0x0  }
0x2dd: {  	s2 =	rddreg [dreg:$0x19];
	[sflag:s24] =	ssyncadd.s32 $0xFFFFC000  }
0x2de: {  	[hbm4b:s2+s22] =	stream.strided.scatter [tilespmem:s29], [sflag:$0x1], $0x4000, s23, s22, $0x38;
	[tilespmem:$0x14000] =	vst v63  }
0x2df: {  	_ =	swait.ge [sflag:s24], $0x4000  }
0x2e0: {  	[sflag:s24] =	ssyncset.done $0x0  }
0x2e1: {  	s2 =	simm.s32 $0x0;
	[sflag:s24] =	ssyncadd.s32 $0xFFFFC000  }
0x2e2: {  	[tilespmem:s26], [sflag:$0x1] =	stream.linear.gather [hbm4b:s16+s2], $0x4000, $0x38;
	[tilespmem:$0x14000] =	vst v63  }
0x2e3: {  	_ =	swait.ge [sflag:s24], $0x4000  }
0x2e4: {  	[sflag:s24] =	ssyncset.done $0x0  }
0x2e5: {  	s31 =	simm.s32 $0x0;
	[sflag:s24] =	ssyncadd.s32 $0xFFFFC000  }
0x2e6: {  	v0 =	vld [tilespmem:s31+$0x8000];
	_ =	sdelay $0x7  }
0x2e7: {  	v1 =	vld.idx.msk [tilespmem:v0+s1+$0x0], $0xffff;
	_ =	sdelay $0x4  }
0x2e8: {  	[tilespmem:s31+$0xC000] =	vst v1;
	v1 =	vld [tilespmem:s31+$0x8010];
	_ =	sdelay $0x1  }
0x2e9: {  	v0 =	vld.idx.msk [tilespmem:v0+s25+$0x0], $0xffff;
	_ =	sdelay $0x4  }
0x2ea: {  	[tilespmem:s31+$0x10000] =	vst v0  }
0x2eb: {  	v0 =	vld.idx.msk [tilespmem:v1+s1+$0x0], $0xffff;
	_ =	sdelay $0x3  }
0x2ec: {  	v2 =	vld [tilespmem:s31+$0x8020]  }
0x2ed: {  	[tilespmem:s31+$0xC010] =	vst v0  }
0x2ee: {  	v0 =	vld.idx.msk [tilespmem:v1+s25+$0x0], $0xffff;
	_ =	sdelay $0x4  }
0x2ef: {  	[tilespmem:s31+$0x10010] =	vst v0  }
0x2f0: {  	v0 =	vld.idx.msk [tilespmem:v2+s1+$0x0], $0xffff;
	_ =	sdelay $0x4  }
0x2f1: {  	[tilespmem:s31+$0xC020] =	vst v0;
	v0 =	vld [tilespmem:s31+$0x8030];
	_ =	sdelay $0x1  }
0x2f2: {  	v1 =	vld.idx.msk [tilespmem:v2+s25+$0x0], $0xffff;
	_ =	sdelay $0x4  }
0x2f3: {  	[tilespmem:s31+$0x10020] =	vst v1  }
0x2f4: {  	v1 =	vld.idx.msk [tilespmem:v0+s1+$0x0], $0xffff;
	_ =	sdelay $0x3  }
0x2f5: {  	s0 =	simm.s32 $0x200;
	s2 =	simm.s32 $0x40  }
.LBB2_22:
0x2f6: {  	p0 =	sne.s32 s0, $0xFF00;
	v2 =	vld [tilespmem:s2+$0x8000];
	[tilespmem:s31+$0xC030] =	vst v1  }
0x2f7: {  	v0 =	vld.idx.msk [tilespmem:v0+s25+$0x0], $0xffff;
	_ =	sdelay $0x5  }
0x2f8: {  	[tilespmem:s31+$0x10030] =	vst v0;
	s31 =	smov.u32 s2  }
0x2f9: {  	v0 =	vld.idx.msk [tilespmem:v2+s1+$0x0], $0xffff;
	_ =	sdelay $0x5  }
0x2fa: {  	[tilespmem:s31+$0xC000] =	vst v0;
	v0 =	vld [tilespmem:s31+$0x8010]  }
0x2fb: {  	v1 =	vld.idx.msk [tilespmem:v2+s25+$0x0], $0xffff;
	_ =	sdelay $0x5  }
0x2fc: {  	[tilespmem:s31+$0x10000] =	vst v1  }
0x2fd: {  	v1 =	vld.idx.msk [tilespmem:v0+s1+$0x0], $0xffff;
	_ =	sdelay $0x5  }
0x2fe: {  	[tilespmem:s31+$0xC010] =	vst v1;
	v1 =	vld [tilespmem:s31+$0x8020]  }
0x2ff: {  	v0 =	vld.idx.msk [tilespmem:v0+s25+$0x0], $0xffff;
	_ =	sdelay $0x5  }
0x300: {  	[tilespmem:s31+$0x10010] =	vst v0  }
0x301: {  	v0 =	vld.idx.msk [tilespmem:v1+s1+$0x0], $0xffff;
	_ =	sdelay $0x5  }
0x302: {  	[tilespmem:s31+$0xC020] =	vst v0;
	v0 =	vld [tilespmem:s31+$0x8030]  }
0x303: {  	v1 =	vld.idx.msk [tilespmem:v1+s25+$0x0], $0xffff;
	_ =	sdelay $0x5  }
0x304: {  	[tilespmem:s31+$0x10020] =	vst v1  }
0x305: {  	v1 =	vld.idx.msk [tilespmem:v0+s1+$0x0], $0xffff  }
.Ltmp10:
0x306: {  	(pc) =	sbr.rel @p0 .LBB2_22-.Ltmp10, $2  }
0x307: {  	_ =	sdelay $0x2  }
0x308: {  	s2 =	sshra.s32 s0, $0x2;
	s0 =	sadd.s32 $0x100, s0  }
0x309: {  	_ =	sdelay $0x1  }
0x30a: {  	v2 =	vld [tilespmem:s2+$0x8000]  }
0x30b: {  	[tilespmem:s31+$0xC030] =	vst v1  }
0x30c: {  	v0 =	vld.idx.msk [tilespmem:v0+s25+$0x0], $0xffff;
	_ =	sdelay $0x4  }
0x30d: {  	[tilespmem:s31+$0x10030] =	vst v0  }
0x30e: {  	v0 =	vld.idx.msk [tilespmem:v2+s1+$0x0], $0xffff;
	_ =	sdelay $0x4  }
0x30f: {  	[tilespmem:s2+$0xC000] =	vst v0;
	v0 =	vld [tilespmem:s2+$0x8010];
	_ =	sdelay $0x1  }
0x310: {  	v1 =	vld.idx.msk [tilespmem:v2+s25+$0x0], $0xffff;
	_ =	sdelay $0x4  }
0x311: {  	[tilespmem:s2+$0x10000] =	vst v1  }
0x312: {  	v1 =	vld.idx.msk [tilespmem:v0+s1+$0x0], $0xffff;
	_ =	sdelay $0x4  }
0x313: {  	[tilespmem:s2+$0xC010] =	vst v1;
	v1 =	vld [tilespmem:s2+$0x8020];
	_ =	sdelay $0x1  }
0x314: {  	v0 =	vld.idx.msk [tilespmem:v0+s25+$0x0], $0xffff;
	_ =	sdelay $0x4  }
0x315: {  	[tilespmem:s2+$0x10010] =	vst v0  }
0x316: {  	v0 =	vld.idx.msk [tilespmem:v1+s1+$0x0], $0xffff;
	_ =	sdelay $0x4  }
0x317: {  	[tilespmem:s2+$0xC020] =	vst v0;
	v0 =	vld [tilespmem:s2+$0x8030];
	_ =	sdelay $0x1  }
0x318: {  	v1 =	vld.idx.msk [tilespmem:v1+s25+$0x0], $0xffff;
	_ =	sdelay $0x4  }
0x319: {  	[tilespmem:s2+$0x10020] =	vst v1  }
0x31a: {  	v1 =	vld.idx.msk [tilespmem:v0+s1+$0x0], $0xffff;
	_ =	sdelay $0x4  }
0x31b: {  	[tilespmem:s2+$0xC030] =	vst v1  }
0x31c: {  	v0 =	vld.idx.msk [tilespmem:v0+s25+$0x0], $0xffff;
	_ =	sdelay $0x4  }
0x31d: {  	s0 =	rddreg [dreg:$0x1a];
	[tilespmem:s2+$0x10030] =	vst v0  }
0x31e: {  	[hbm4b:s0+s22] =	stream.strided.scatter [tilespmem:s28], [sflag:$0x1], $0x4000, s23, s22, $0x38;
	[tilespmem:$0x14000] =	vst v63  }
0x31f: {  	_ =	swait.ge [sflag:s24], $0x4000  }
0x320: {  	[sflag:s24] =	ssyncset.done $0x0  }
0x321: {  	s2 =	rddreg [dreg:$0x1b];
	[sflag:s24] =	ssyncadd.s32 $0xFFFFC000  }
0x322: {  	[hbm4b:s2+s22] =	stream.strided.scatter [tilespmem:s29], [sflag:$0x1], $0x4000, s23, s22, $0x38;
	[tilespmem:$0x14000] =	vst v63  }
0x323: {  	_ =	swait.ge [sflag:s24], $0x4000  }
0x324: {  	[sflag:s24] =	ssyncset.done $0x0  }
0x325: {  	s2 =	simm.s32 $0x0;
	[sflag:s24] =	ssyncadd.s32 $0xFFFFC000  }
0x326: {  	[tilespmem:s26], [sflag:$0x1] =	stream.linear.gather [hbm4b:s17+s2], $0x4000, $0x38;
	[tilespmem:$0x14000] =	vst v63  }
0x327: {  	_ =	swait.ge [sflag:s24], $0x4000  }
0x328: {  	[sflag:s24] =	ssyncset.done $0x0  }
0x329: {  	s31 =	simm.s32 $0x0;
	[sflag:s24] =	ssyncadd.s32 $0xFFFFC000  }
0x32a: {  	v0 =	vld [tilespmem:s31+$0x8000];
	_ =	sdelay $0x7  }
0x32b: {  	v1 =	vld.idx.msk [tilespmem:v0+s1+$0x0], $0xffff;
	_ =	sdelay $0x4  }
0x32c: {  	[tilespmem:s31+$0xC000] =	vst v1;
	v1 =	vld [tilespmem:s31+$0x8010];
	_ =	sdelay $0x1  }
0x32d: {  	v0 =	vld.idx.msk [tilespmem:v0+s25+$0x0], $0xffff;
	_ =	sdelay $0x4  }
0x32e: {  	[tilespmem:s31+$0x10000] =	vst v0  }
0x32f: {  	v0 =	vld.idx.msk [tilespmem:v1+s1+$0x0], $0xffff;
	_ =	sdelay $0x3  }
0x330: {  	v2 =	vld [tilespmem:s31+$0x8020]  }
0x331: {  	[tilespmem:s31+$0xC010] =	vst v0  }
0x332: {  	v0 =	vld.idx.msk [tilespmem:v1+s25+$0x0], $0xffff;
	_ =	sdelay $0x4  }
0x333: {  	[tilespmem:s31+$0x10010] =	vst v0  }
0x334: {  	v0 =	vld.idx.msk [tilespmem:v2+s1+$0x0], $0xffff;
	_ =	sdelay $0x4  }
0x335: {  	[tilespmem:s31+$0xC020] =	vst v0;
	v0 =	vld [tilespmem:s31+$0x8030];
	_ =	sdelay $0x1  }
0x336: {  	v1 =	vld.idx.msk [tilespmem:v2+s25+$0x0], $0xffff;
	_ =	sdelay $0x4  }
0x337: {  	[tilespmem:s31+$0x10020] =	vst v1  }
0x338: {  	v1 =	vld.idx.msk [tilespmem:v0+s1+$0x0], $0xffff;
	_ =	sdelay $0x3  }
0x339: {  	s0 =	simm.s32 $0x200;
	s2 =	simm.s32 $0x40  }
.LBB2_24:
0x33a: {  	p0 =	sne.s32 s0, $0xFF00;
	v2 =	vld [tilespmem:s2+$0x8000];
	[tilespmem:s31+$0xC030] =	vst v1  }
0x33b: {  	v0 =	vld.idx.msk [tilespmem:v0+s25+$0x0], $0xffff;
	_ =	sdelay $0x5  }
0x33c: {  	[tilespmem:s31+$0x10030] =	vst v0;
	s31 =	smov.u32 s2  }
0x33d: {  	v0 =	vld.idx.msk [tilespmem:v2+s1+$0x0], $0xffff;
	_ =	sdelay $0x5  }
0x33e: {  	[tilespmem:s31+$0xC000] =	vst v0;
	v0 =	vld [tilespmem:s31+$0x8010]  }
0x33f: {  	v1 =	vld.idx.msk [tilespmem:v2+s25+$0x0], $0xffff;
	_ =	sdelay $0x5  }
0x340: {  	[tilespmem:s31+$0x10000] =	vst v1  }
0x341: {  	v1 =	vld.idx.msk [tilespmem:v0+s1+$0x0], $0xffff;
	_ =	sdelay $0x5  }
0x342: {  	[tilespmem:s31+$0xC010] =	vst v1;
	v1 =	vld [tilespmem:s31+$0x8020]  }
0x343: {  	v0 =	vld.idx.msk [tilespmem:v0+s25+$0x0], $0xffff;
	_ =	sdelay $0x5  }
0x344: {  	[tilespmem:s31+$0x10010] =	vst v0  }
0x345: {  	v0 =	vld.idx.msk [tilespmem:v1+s1+$0x0], $0xffff;
	_ =	sdelay $0x5  }
0x346: {  	[tilespmem:s31+$0xC020] =	vst v0;
	v0 =	vld [tilespmem:s31+$0x8030]  }
0x347: {  	v1 =	vld.idx.msk [tilespmem:v1+s25+$0x0], $0xffff;
	_ =	sdelay $0x5  }
0x348: {  	[tilespmem:s31+$0x10020] =	vst v1  }
0x349: {  	v1 =	vld.idx.msk [tilespmem:v0+s1+$0x0], $0xffff  }
.Ltmp11:
0x34a: {  	(pc) =	sbr.rel @p0 .LBB2_24-.Ltmp11, $2  }
0x34b: {  	_ =	sdelay $0x2  }
0x34c: {  	s2 =	sshra.s32 s0, $0x2;
	s0 =	sadd.s32 $0x100, s0  }
0x34d: {  	_ =	sdelay $0x1  }
0x34e: {  	v2 =	vld [tilespmem:s2+$0x8000]  }
0x34f: {  	[tilespmem:s31+$0xC030] =	vst v1  }
0x350: {  	v0 =	vld.idx.msk [tilespmem:v0+s25+$0x0], $0xffff;
	_ =	sdelay $0x4  }
0x351: {  	[tilespmem:s31+$0x10030] =	vst v0  }
0x352: {  	v0 =	vld.idx.msk [tilespmem:v2+s1+$0x0], $0xffff;
	_ =	sdelay $0x4  }
0x353: {  	[tilespmem:s2+$0xC000] =	vst v0;
	v0 =	vld [tilespmem:s2+$0x8010];
	_ =	sdelay $0x1  }
0x354: {  	v1 =	vld.idx.msk [tilespmem:v2+s25+$0x0], $0xffff;
	_ =	sdelay $0x4  }
0x355: {  	[tilespmem:s2+$0x10000] =	vst v1  }
0x356: {  	v1 =	vld.idx.msk [tilespmem:v0+s1+$0x0], $0xffff;
	_ =	sdelay $0x4  }
0x357: {  	[tilespmem:s2+$0xC010] =	vst v1;
	v1 =	vld [tilespmem:s2+$0x8020];
	_ =	sdelay $0x1  }
0x358: {  	v0 =	vld.idx.msk [tilespmem:v0+s25+$0x0], $0xffff;
	_ =	sdelay $0x4  }
0x359: {  	[tilespmem:s2+$0x10010] =	vst v0  }
0x35a: {  	v0 =	vld.idx.msk [tilespmem:v1+s1+$0x0], $0xffff;
	_ =	sdelay $0x4  }
0x35b: {  	[tilespmem:s2+$0xC020] =	vst v0;
	v0 =	vld [tilespmem:s2+$0x8030];
	_ =	sdelay $0x1  }
0x35c: {  	v1 =	vld.idx.msk [tilespmem:v1+s25+$0x0], $0xffff;
	_ =	sdelay $0x4  }
0x35d: {  	[tilespmem:s2+$0x10020] =	vst v1  }
0x35e: {  	v1 =	vld.idx.msk [tilespmem:v0+s1+$0x0], $0xffff;
	_ =	sdelay $0x4  }
0x35f: {  	[tilespmem:s2+$0xC030] =	vst v1  }
0x360: {  	v0 =	vld.idx.msk [tilespmem:v0+s25+$0x0], $0xffff;
	_ =	sdelay $0x4  }
0x361: {  	s0 =	rddreg [dreg:$0x1c];
	[tilespmem:s2+$0x10030] =	vst v0  }
0x362: {  	[hbm4b:s0+s22] =	stream.strided.scatter [tilespmem:s28], [sflag:$0x1], $0x4000, s23, s22, $0x38;
	[tilespmem:$0x14000] =	vst v63  }
0x363: {  	_ =	swait.ge [sflag:s24], $0x4000  }
0x364: {  	[sflag:s24] =	ssyncset.done $0x0  }
0x365: {  	s2 =	rddreg [dreg:$0x1d];
	[sflag:s24] =	ssyncadd.s32 $0xFFFFC000  }
0x366: {  	[hbm4b:s2+s22] =	stream.strided.scatter [tilespmem:s29], [sflag:$0x1], $0x4000, s23, s22, $0x38;
	[tilespmem:$0x14000] =	vst v63  }
0x367: {  	_ =	swait.ge [sflag:s24], $0x4000  }
0x368: {  	[sflag:s24] =	ssyncset.done $0x0  }
0x369: {  	s2 =	simm.s32 $0x0;
	[sflag:s24] =	ssyncadd.s32 $0xFFFFC000  }
0x36a: {  	[tilespmem:s26], [sflag:$0x1] =	stream.linear.gather [hbm4b:s18+s2], $0x4000, $0x38;
	[tilespmem:$0x14000] =	vst v63  }
0x36b: {  	_ =	swait.ge [sflag:s24], $0x4000  }
0x36c: {  	[sflag:s24] =	ssyncset.done $0x0  }
0x36d: {  	s31 =	simm.s32 $0x0;
	[sflag:s24] =	ssyncadd.s32 $0xFFFFC000  }
0x36e: {  	v0 =	vld [tilespmem:s31+$0x8000];
	_ =	sdelay $0x7  }
0x36f: {  	v1 =	vld.idx.msk [tilespmem:v0+s1+$0x0], $0xffff;
	_ =	sdelay $0x4  }
0x370: {  	[tilespmem:s31+$0xC000] =	vst v1;
	v1 =	vld [tilespmem:s31+$0x8010];
	_ =	sdelay $0x1  }
0x371: {  	v0 =	vld.idx.msk [tilespmem:v0+s25+$0x0], $0xffff;
	_ =	sdelay $0x4  }
0x372: {  	[tilespmem:s31+$0x10000] =	vst v0  }
0x373: {  	v0 =	vld.idx.msk [tilespmem:v1+s1+$0x0], $0xffff;
	_ =	sdelay $0x3  }
0x374: {  	v2 =	vld [tilespmem:s31+$0x8020]  }
0x375: {  	[tilespmem:s31+$0xC010] =	vst v0  }
0x376: {  	v0 =	vld.idx.msk [tilespmem:v1+s25+$0x0], $0xffff;
	_ =	sdelay $0x4  }
0x377: {  	[tilespmem:s31+$0x10010] =	vst v0  }
0x378: {  	v0 =	vld.idx.msk [tilespmem:v2+s1+$0x0], $0xffff;
	_ =	sdelay $0x4  }
0x379: {  	[tilespmem:s31+$0xC020] =	vst v0;
	v0 =	vld [tilespmem:s31+$0x8030];
	_ =	sdelay $0x1  }
0x37a: {  	v1 =	vld.idx.msk [tilespmem:v2+s25+$0x0], $0xffff;
	_ =	sdelay $0x4  }
0x37b: {  	[tilespmem:s31+$0x10020] =	vst v1  }
0x37c: {  	v1 =	vld.idx.msk [tilespmem:v0+s1+$0x0], $0xffff;
	_ =	sdelay $0x3  }
0x37d: {  	s0 =	simm.s32 $0x200;
	s2 =	simm.s32 $0x40  }
.LBB2_26:
0x37e: {  	p0 =	sne.s32 s0, $0xFF00;
	v2 =	vld [tilespmem:s2+$0x8000];
	[tilespmem:s31+$0xC030] =	vst v1  }
0x37f: {  	v0 =	vld.idx.msk [tilespmem:v0+s25+$0x0], $0xffff;
	_ =	sdelay $0x5  }
0x380: {  	[tilespmem:s31+$0x10030] =	vst v0;
	s31 =	smov.u32 s2  }
0x381: {  	v0 =	vld.idx.msk [tilespmem:v2+s1+$0x0], $0xffff;
	_ =	sdelay $0x5  }
0x382: {  	[tilespmem:s31+$0xC000] =	vst v0;
	v0 =	vld [tilespmem:s31+$0x8010]  }
0x383: {  	v1 =	vld.idx.msk [tilespmem:v2+s25+$0x0], $0xffff;
	_ =	sdelay $0x5  }
0x384: {  	[tilespmem:s31+$0x10000] =	vst v1  }
0x385: {  	v1 =	vld.idx.msk [tilespmem:v0+s1+$0x0], $0xffff;
	_ =	sdelay $0x5  }
0x386: {  	[tilespmem:s31+$0xC010] =	vst v1;
	v1 =	vld [tilespmem:s31+$0x8020]  }
0x387: {  	v0 =	vld.idx.msk [tilespmem:v0+s25+$0x0], $0xffff;
	_ =	sdelay $0x5  }
0x388: {  	[tilespmem:s31+$0x10010] =	vst v0  }
0x389: {  	v0 =	vld.idx.msk [tilespmem:v1+s1+$0x0], $0xffff;
	_ =	sdelay $0x5  }
0x38a: {  	[tilespmem:s31+$0xC020] =	vst v0;
	v0 =	vld [tilespmem:s31+$0x8030]  }
0x38b: {  	v1 =	vld.idx.msk [tilespmem:v1+s25+$0x0], $0xffff;
	_ =	sdelay $0x5  }
0x38c: {  	[tilespmem:s31+$0x10020] =	vst v1  }
0x38d: {  	v1 =	vld.idx.msk [tilespmem:v0+s1+$0x0], $0xffff  }
.Ltmp12:
0x38e: {  	(pc) =	sbr.rel @p0 .LBB2_26-.Ltmp12, $2  }
0x38f: {  	_ =	sdelay $0x2  }
0x390: {  	s2 =	sshra.s32 s0, $0x2;
	s0 =	sadd.s32 $0x100, s0  }
0x391: {  	_ =	sdelay $0x1  }
0x392: {  	v2 =	vld [tilespmem:s2+$0x8000]  }
0x393: {  	[tilespmem:s31+$0xC030] =	vst v1  }
0x394: {  	v0 =	vld.idx.msk [tilespmem:v0+s25+$0x0], $0xffff;
	_ =	sdelay $0x4  }
0x395: {  	[tilespmem:s31+$0x10030] =	vst v0  }
0x396: {  	v0 =	vld.idx.msk [tilespmem:v2+s1+$0x0], $0xffff;
	_ =	sdelay $0x4  }
0x397: {  	[tilespmem:s2+$0xC000] =	vst v0;
	v0 =	vld [tilespmem:s2+$0x8010];
	_ =	sdelay $0x1  }
0x398: {  	v1 =	vld.idx.msk [tilespmem:v2+s25+$0x0], $0xffff;
	_ =	sdelay $0x4  }
0x399: {  	[tilespmem:s2+$0x10000] =	vst v1  }
0x39a: {  	v1 =	vld.idx.msk [tilespmem:v0+s1+$0x0], $0xffff;
	_ =	sdelay $0x4  }
0x39b: {  	[tilespmem:s2+$0xC010] =	vst v1;
	v1 =	vld [tilespmem:s2+$0x8020];
	_ =	sdelay $0x1  }
0x39c: {  	v0 =	vld.idx.msk [tilespmem:v0+s25+$0x0], $0xffff;
	_ =	sdelay $0x4  }
0x39d: {  	[tilespmem:s2+$0x10010] =	vst v0  }
0x39e: {  	v0 =	vld.idx.msk [tilespmem:v1+s1+$0x0], $0xffff;
	_ =	sdelay $0x4  }
0x39f: {  	[tilespmem:s2+$0xC020] =	vst v0;
	v0 =	vld [tilespmem:s2+$0x8030];
	_ =	sdelay $0x1  }
0x3a0: {  	v1 =	vld.idx.msk [tilespmem:v1+s25+$0x0], $0xffff;
	_ =	sdelay $0x4  }
0x3a1: {  	[tilespmem:s2+$0x10020] =	vst v1  }
0x3a2: {  	v1 =	vld.idx.msk [tilespmem:v0+s1+$0x0], $0xffff;
	_ =	sdelay $0x4  }
0x3a3: {  	[tilespmem:s2+$0xC030] =	vst v1  }
0x3a4: {  	v0 =	vld.idx.msk [tilespmem:v0+s25+$0x0], $0xffff;
	_ =	sdelay $0x4  }
0x3a5: {  	s0 =	rddreg [dreg:$0x1e];
	[tilespmem:s2+$0x10030] =	vst v0  }
0x3a6: {  	[hbm4b:s0+s22] =	stream.strided.scatter [tilespmem:s28], [sflag:$0x1], $0x4000, s23, s22, $0x38;
	[tilespmem:$0x14000] =	vst v63  }
0x3a7: {  	_ =	swait.ge [sflag:s24], $0x4000  }
0x3a8: {  	[sflag:s24] =	ssyncset.done $0x0  }
0x3a9: {  	s2 =	rddreg [dreg:$0x1f];
	[sflag:s24] =	ssyncadd.s32 $0xFFFFC000  }
0x3aa: {  	[hbm4b:s2+s22] =	stream.strided.scatter [tilespmem:s29], [sflag:$0x1], $0x4000, s23, s22, $0x38;
	[tilespmem:$0x14000] =	vst v63  }
0x3ab: {  	_ =	swait.ge [sflag:s24], $0x4000  }
0x3ac: {  	[sflag:s24] =	ssyncset.done $0x0  }
0x3ad: {  	s2 =	simm.s32 $0x0;
	[sflag:s24] =	ssyncadd.s32 $0xFFFFC000  }
0x3ae: {  	[tilespmem:s26], [sflag:$0x1] =	stream.linear.gather [hbm4b:s19+s2], $0x4000, $0x38;
	[tilespmem:$0x14000] =	vst v63  }
0x3af: {  	_ =	swait.ge [sflag:s24], $0x4000  }
0x3b0: {  	[sflag:s24] =	ssyncset.done $0x0  }
0x3b1: {  	s31 =	simm.s32 $0x0;
	[sflag:s24] =	ssyncadd.s32 $0xFFFFC000  }
0x3b2: {  	v0 =	vld [tilespmem:s31+$0x8000];
	_ =	sdelay $0x7  }
0x3b3: {  	v1 =	vld.idx.msk [tilespmem:v0+s1+$0x0], $0xffff;
	_ =	sdelay $0x4  }
0x3b4: {  	[tilespmem:s31+$0xC000] =	vst v1;
	v1 =	vld [tilespmem:s31+$0x8010];
	_ =	sdelay $0x1  }
0x3b5: {  	v0 =	vld.idx.msk [tilespmem:v0+s25+$0x0], $0xffff;
	_ =	sdelay $0x4  }
0x3b6: {  	[tilespmem:s31+$0x10000] =	vst v0  }
0x3b7: {  	v0 =	vld.idx.msk [tilespmem:v1+s1+$0x0], $0xffff;
	_ =	sdelay $0x3  }
0x3b8: {  	v2 =	vld [tilespmem:s31+$0x8020]  }
0x3b9: {  	[tilespmem:s31+$0xC010] =	vst v0  }
0x3ba: {  	v0 =	vld.idx.msk [tilespmem:v1+s25+$0x0], $0xffff;
	_ =	sdelay $0x4  }
0x3bb: {  	[tilespmem:s31+$0x10010] =	vst v0  }
0x3bc: {  	v0 =	vld.idx.msk [tilespmem:v2+s1+$0x0], $0xffff;
	_ =	sdelay $0x4  }
0x3bd: {  	[tilespmem:s31+$0xC020] =	vst v0;
	v0 =	vld [tilespmem:s31+$0x8030];
	_ =	sdelay $0x1  }
0x3be: {  	v1 =	vld.idx.msk [tilespmem:v2+s25+$0x0], $0xffff;
	_ =	sdelay $0x4  }
0x3bf: {  	[tilespmem:s31+$0x10020] =	vst v1  }
0x3c0: {  	v1 =	vld.idx.msk [tilespmem:v0+s1+$0x0], $0xffff;
	_ =	sdelay $0x3  }
0x3c1: {  	s0 =	simm.s32 $0x200;
	s2 =	simm.s32 $0x40  }
.LBB2_28:
0x3c2: {  	p0 =	sne.s32 s0, $0xFF00;
	v2 =	vld [tilespmem:s2+$0x8000];
	[tilespmem:s31+$0xC030] =	vst v1  }
0x3c3: {  	v0 =	vld.idx.msk [tilespmem:v0+s25+$0x0], $0xffff;
	_ =	sdelay $0x5  }
0x3c4: {  	[tilespmem:s31+$0x10030] =	vst v0;
	s31 =	smov.u32 s2  }
0x3c5: {  	v0 =	vld.idx.msk [tilespmem:v2+s1+$0x0], $0xffff;
	_ =	sdelay $0x5  }
0x3c6: {  	[tilespmem:s31+$0xC000] =	vst v0;
	v0 =	vld [tilespmem:s31+$0x8010]  }
0x3c7: {  	v1 =	vld.idx.msk [tilespmem:v2+s25+$0x0], $0xffff;
	_ =	sdelay $0x5  }
0x3c8: {  	[tilespmem:s31+$0x10000] =	vst v1  }
0x3c9: {  	v1 =	vld.idx.msk [tilespmem:v0+s1+$0x0], $0xffff;
	_ =	sdelay $0x5  }
0x3ca: {  	[tilespmem:s31+$0xC010] =	vst v1;
	v1 =	vld [tilespmem:s31+$0x8020]  }
0x3cb: {  	v0 =	vld.idx.msk [tilespmem:v0+s25+$0x0], $0xffff;
	_ =	sdelay $0x5  }
0x3cc: {  	[tilespmem:s31+$0x10010] =	vst v0  }
0x3cd: {  	v0 =	vld.idx.msk [tilespmem:v1+s1+$0x0], $0xffff;
	_ =	sdelay $0x5  }
0x3ce: {  	[tilespmem:s31+$0xC020] =	vst v0;
	v0 =	vld [tilespmem:s31+$0x8030]  }
0x3cf: {  	v1 =	vld.idx.msk [tilespmem:v1+s25+$0x0], $0xffff;
	_ =	sdelay $0x5  }
0x3d0: {  	[tilespmem:s31+$0x10020] =	vst v1  }
0x3d1: {  	v1 =	vld.idx.msk [tilespmem:v0+s1+$0x0], $0xffff  }
.Ltmp13:
0x3d2: {  	(pc) =	sbr.rel @p0 .LBB2_28-.Ltmp13, $2  }
0x3d3: {  	_ =	sdelay $0x2  }
0x3d4: {  	s2 =	sshra.s32 s0, $0x2;
	s0 =	sadd.s32 $0x100, s0  }
0x3d5: {  	_ =	sdelay $0x1  }
0x3d6: {  	v2 =	vld [tilespmem:s2+$0x8000]  }
0x3d7: {  	[tilespmem:s31+$0xC030] =	vst v1  }
0x3d8: {  	v0 =	vld.idx.msk [tilespmem:v0+s25+$0x0], $0xffff;
	_ =	sdelay $0x4  }
0x3d9: {  	[tilespmem:s31+$0x10030] =	vst v0  }
0x3da: {  	v0 =	vld.idx.msk [tilespmem:v2+s1+$0x0], $0xffff;
	_ =	sdelay $0x4  }
0x3db: {  	[tilespmem:s2+$0xC000] =	vst v0;
	v0 =	vld [tilespmem:s2+$0x8010];
	_ =	sdelay $0x1  }
0x3dc: {  	v1 =	vld.idx.msk [tilespmem:v2+s25+$0x0], $0xffff;
	_ =	sdelay $0x4  }
0x3dd: {  	[tilespmem:s2+$0x10000] =	vst v1  }
0x3de: {  	v1 =	vld.idx.msk [tilespmem:v0+s1+$0x0], $0xffff;
	_ =	sdelay $0x4  }
0x3df: {  	[tilespmem:s2+$0xC010] =	vst v1;
	v1 =	vld [tilespmem:s2+$0x8020];
	_ =	sdelay $0x1  }
0x3e0: {  	v0 =	vld.idx.msk [tilespmem:v0+s25+$0x0], $0xffff;
	_ =	sdelay $0x4  }
0x3e1: {  	[tilespmem:s2+$0x10010] =	vst v0  }
0x3e2: {  	v0 =	vld.idx.msk [tilespmem:v1+s1+$0x0], $0xffff;
	_ =	sdelay $0x4  }
0x3e3: {  	[tilespmem:s2+$0xC020] =	vst v0;
	v0 =	vld [tilespmem:s2+$0x8030];
	_ =	sdelay $0x1  }
0x3e4: {  	v1 =	vld.idx.msk [tilespmem:v1+s25+$0x0], $0xffff;
	_ =	sdelay $0x4  }
0x3e5: {  	[tilespmem:s2+$0x10020] =	vst v1  }
0x3e6: {  	v1 =	vld.idx.msk [tilespmem:v0+s1+$0x0], $0xffff;
	_ =	sdelay $0x4  }
0x3e7: {  	[tilespmem:s2+$0xC030] =	vst v1  }
0x3e8: {  	v0 =	vld.idx.msk [tilespmem:v0+s25+$0x0], $0xffff;
	_ =	sdelay $0x2  }
0x3e9: {  	s0 =	sld [smem:$0x7FB];
	_ =	sdelay $0x1  }
0x3ea: {  	[tilespmem:s2+$0x10030] =	vst v0  }
0x3eb: {  	[hbm4b:s0+s22] =	stream.strided.scatter [tilespmem:s28], [sflag:$0x1], $0x4000, s23, s22, $0x38;
	[tilespmem:$0x14000] =	vst v63  }
0x3ec: {  	_ =	swait.ge [sflag:s24], $0x4000  }
0x3ed: {  	s2 =	sld [smem:$0x7FC]  }
0x3ee: {  	[sflag:s24] =	ssyncset.done $0x0  }
0x3ef: {  	[sflag:s24] =	ssyncadd.s32 $0xFFFFC000  }
0x3f0: {  	[hbm4b:s2+s22] =	stream.strided.scatter [tilespmem:s29], [sflag:$0x1], $0x4000, s23, s22, $0x38;
	[tilespmem:$0x14000] =	vst v63  }
0x3f1: {  	_ =	swait.ge [sflag:s24], $0x4000  }
0x3f2: {  	[sflag:s24] =	ssyncset.done $0x0  }
0x3f3: {  	s2 =	simm.s32 $0x0;
	[sflag:s24] =	ssyncadd.s32 $0xFFFFC000  }
0x3f4: {  	[tilespmem:s26], [sflag:$0x1] =	stream.linear.gather [hbm4b:s20+s2], $0x4000, $0x38;
	[tilespmem:$0x14000] =	vst v63  }
0x3f5: {  	_ =	swait.ge [sflag:s24], $0x4000  }
0x3f6: {  	[sflag:s24] =	ssyncset.done $0x0  }
0x3f7: {  	s31 =	simm.s32 $0x0;
	[sflag:s24] =	ssyncadd.s32 $0xFFFFC000  }
0x3f8: {  	v0 =	vld [tilespmem:s31+$0x8000];
	_ =	sdelay $0x7  }
0x3f9: {  	v1 =	vld.idx.msk [tilespmem:v0+s1+$0x0], $0xffff;
	_ =	sdelay $0x4  }
0x3fa: {  	[tilespmem:s31+$0xC000] =	vst v1;
	v1 =	vld [tilespmem:s31+$0x8010];
	_ =	sdelay $0x1  }
0x3fb: {  	v0 =	vld.idx.msk [tilespmem:v0+s25+$0x0], $0xffff;
	_ =	sdelay $0x4  }
0x3fc: {  	[tilespmem:s31+$0x10000] =	vst v0  }
0x3fd: {  	v0 =	vld.idx.msk [tilespmem:v1+s1+$0x0], $0xffff;
	_ =	sdelay $0x3  }
0x3fe: {  	v2 =	vld [tilespmem:s31+$0x8020]  }
0x3ff: {  	[tilespmem:s31+$0xC010] =	vst v0  }
0x400: {  	v0 =	vld.idx.msk [tilespmem:v1+s25+$0x0], $0xffff;
	_ =	sdelay $0x4  }
0x401: {  	[tilespmem:s31+$0x10010] =	vst v0  }
0x402: {  	v0 =	vld.idx.msk [tilespmem:v2+s1+$0x0], $0xffff;
	_ =	sdelay $0x4  }
0x403: {  	[tilespmem:s31+$0xC020] =	vst v0;
	v0 =	vld [tilespmem:s31+$0x8030];
	_ =	sdelay $0x1  }
0x404: {  	v1 =	vld.idx.msk [tilespmem:v2+s25+$0x0], $0xffff;
	_ =	sdelay $0x4  }
0x405: {  	[tilespmem:s31+$0x10020] =	vst v1  }
0x406: {  	v1 =	vld.idx.msk [tilespmem:v0+s1+$0x0], $0xffff;
	_ =	sdelay $0x3  }
0x407: {  	s0 =	simm.s32 $0x200;
	s2 =	simm.s32 $0x40  }
.LBB2_30:
0x408: {  	p0 =	sne.s32 s0, $0xFF00;
	v2 =	vld [tilespmem:s2+$0x8000];
	[tilespmem:s31+$0xC030] =	vst v1  }
0x409: {  	v0 =	vld.idx.msk [tilespmem:v0+s25+$0x0], $0xffff;
	_ =	sdelay $0x5  }
0x40a: {  	[tilespmem:s31+$0x10030] =	vst v0;
	s31 =	smov.u32 s2  }
0x40b: {  	v0 =	vld.idx.msk [tilespmem:v2+s1+$0x0], $0xffff;
	_ =	sdelay $0x5  }
0x40c: {  	[tilespmem:s31+$0xC000] =	vst v0;
	v0 =	vld [tilespmem:s31+$0x8010]  }
0x40d: {  	v1 =	vld.idx.msk [tilespmem:v2+s25+$0x0], $0xffff;
	_ =	sdelay $0x5  }
0x40e: {  	[tilespmem:s31+$0x10000] =	vst v1  }
0x40f: {  	v1 =	vld.idx.msk [tilespmem:v0+s1+$0x0], $0xffff;
	_ =	sdelay $0x5  }
0x410: {  	[tilespmem:s31+$0xC010] =	vst v1;
	v1 =	vld [tilespmem:s31+$0x8020]  }
0x411: {  	v0 =	vld.idx.msk [tilespmem:v0+s25+$0x0], $0xffff;
	_ =	sdelay $0x5  }
0x412: {  	[tilespmem:s31+$0x10010] =	vst v0  }
0x413: {  	v0 =	vld.idx.msk [tilespmem:v1+s1+$0x0], $0xffff;
	_ =	sdelay $0x5  }
0x414: {  	[tilespmem:s31+$0xC020] =	vst v0;
	v0 =	vld [tilespmem:s31+$0x8030]  }
0x415: {  	v1 =	vld.idx.msk [tilespmem:v1+s25+$0x0], $0xffff;
	_ =	sdelay $0x5  }
0x416: {  	[tilespmem:s31+$0x10020] =	vst v1  }
0x417: {  	v1 =	vld.idx.msk [tilespmem:v0+s1+$0x0], $0xffff  }
.Ltmp14:
0x418: {  	(pc) =	sbr.rel @p0 .LBB2_30-.Ltmp14, $2  }
0x419: {  	_ =	sdelay $0x2  }
0x41a: {  	s2 =	sshra.s32 s0, $0x2;
	s0 =	sadd.s32 $0x100, s0  }
0x41b: {  	_ =	sdelay $0x1  }
0x41c: {  	v2 =	vld [tilespmem:s2+$0x8000]  }
0x41d: {  	[tilespmem:s31+$0xC030] =	vst v1  }
0x41e: {  	v0 =	vld.idx.msk [tilespmem:v0+s25+$0x0], $0xffff;
	_ =	sdelay $0x4  }
0x41f: {  	[tilespmem:s31+$0x10030] =	vst v0  }
0x420: {  	v0 =	vld.idx.msk [tilespmem:v2+s1+$0x0], $0xffff;
	_ =	sdelay $0x4  }
0x421: {  	[tilespmem:s2+$0xC000] =	vst v0;
	v0 =	vld [tilespmem:s2+$0x8010];
	_ =	sdelay $0x1  }
0x422: {  	v1 =	vld.idx.msk [tilespmem:v2+s25+$0x0], $0xffff;
	_ =	sdelay $0x4  }
0x423: {  	[tilespmem:s2+$0x10000] =	vst v1  }
0x424: {  	v1 =	vld.idx.msk [tilespmem:v0+s1+$0x0], $0xffff;
	_ =	sdelay $0x4  }
0x425: {  	[tilespmem:s2+$0xC010] =	vst v1;
	v1 =	vld [tilespmem:s2+$0x8020];
	_ =	sdelay $0x1  }
0x426: {  	v0 =	vld.idx.msk [tilespmem:v0+s25+$0x0], $0xffff;
	_ =	sdelay $0x4  }
0x427: {  	[tilespmem:s2+$0x10010] =	vst v0  }
0x428: {  	v0 =	vld.idx.msk [tilespmem:v1+s1+$0x0], $0xffff;
	_ =	sdelay $0x4  }
0x429: {  	[tilespmem:s2+$0xC020] =	vst v0;
	v0 =	vld [tilespmem:s2+$0x8030];
	_ =	sdelay $0x1  }
0x42a: {  	v1 =	vld.idx.msk [tilespmem:v1+s25+$0x0], $0xffff;
	_ =	sdelay $0x4  }
0x42b: {  	[tilespmem:s2+$0x10020] =	vst v1  }
0x42c: {  	v1 =	vld.idx.msk [tilespmem:v0+s1+$0x0], $0xffff;
	_ =	sdelay $0x4  }
0x42d: {  	[tilespmem:s2+$0xC030] =	vst v1  }
0x42e: {  	v0 =	vld.idx.msk [tilespmem:v0+s25+$0x0], $0xffff;
	_ =	sdelay $0x2  }
0x42f: {  	s0 =	sld [smem:$0x7FD];
	_ =	sdelay $0x1  }
0x430: {  	[tilespmem:s2+$0x10030] =	vst v0  }
0x431: {  	[hbm4b:s0+s22] =	stream.strided.scatter [tilespmem:s28], [sflag:$0x1], $0x4000, s23, s22, $0x38;
	[tilespmem:$0x14000] =	vst v63  }
0x432: {  	_ =	swait.ge [sflag:s24], $0x4000  }
0x433: {  	[sflag:s24] =	ssyncset.done $0x0  }
0x434: {  	[sflag:s24] =	ssyncadd.s32 $0xFFFFC000  }
0x435: {  	[hbm4b:s3+s22] =	stream.strided.scatter [tilespmem:s29], [sflag:$0x1], $0x4000, s23, s22, $0x38;
	[tilespmem:$0x14000] =	vst v63  }
0x436: {  	_ =	swait.ge [sflag:s24], $0x4000  }
0x437: {  	[sflag:s24] =	ssyncset.done $0x0  }
0x438: {  	s2 =	simm.s32 $0x0;
	[sflag:s24] =	ssyncadd.s32 $0xFFFFC000  }
0x439: {  	[tilespmem:s26], [sflag:$0x1] =	stream.linear.gather [hbm4b:s21+s2], $0x4000, $0x38;
	[tilespmem:$0x14000] =	vst v63  }
0x43a: {  	_ =	swait.ge [sflag:s24], $0x4000  }
0x43b: {  	[sflag:s24] =	ssyncset.done $0x0  }
0x43c: {  	s31 =	simm.s32 $0x0;
	[sflag:s24] =	ssyncadd.s32 $0xFFFFC000  }
0x43d: {  	v0 =	vld [tilespmem:s31+$0x8000];
	_ =	sdelay $0x7  }
0x43e: {  	v1 =	vld.idx.msk [tilespmem:v0+s1+$0x0], $0xffff;
	_ =	sdelay $0x4  }
0x43f: {  	[tilespmem:s31+$0xC000] =	vst v1;
	v1 =	vld [tilespmem:s31+$0x8010];
	_ =	sdelay $0x1  }
0x440: {  	v0 =	vld.idx.msk [tilespmem:v0+s25+$0x0], $0xffff;
	_ =	sdelay $0x4  }
0x441: {  	[tilespmem:s31+$0x10000] =	vst v0  }
0x442: {  	v0 =	vld.idx.msk [tilespmem:v1+s1+$0x0], $0xffff;
	_ =	sdelay $0x3  }
0x443: {  	v2 =	vld [tilespmem:s31+$0x8020]  }
0x444: {  	[tilespmem:s31+$0xC010] =	vst v0  }
0x445: {  	v0 =	vld.idx.msk [tilespmem:v1+s25+$0x0], $0xffff;
	_ =	sdelay $0x4  }
0x446: {  	[tilespmem:s31+$0x10010] =	vst v0  }
0x447: {  	v0 =	vld.idx.msk [tilespmem:v2+s1+$0x0], $0xffff;
	_ =	sdelay $0x4  }
0x448: {  	[tilespmem:s31+$0xC020] =	vst v0;
	v0 =	vld [tilespmem:s31+$0x8030];
	_ =	sdelay $0x1  }
0x449: {  	v1 =	vld.idx.msk [tilespmem:v2+s25+$0x0], $0xffff;
	_ =	sdelay $0x4  }
0x44a: {  	[tilespmem:s31+$0x10020] =	vst v1  }
0x44b: {  	v1 =	vld.idx.msk [tilespmem:v0+s1+$0x0], $0xffff;
	_ =	sdelay $0x3  }
0x44c: {  	s0 =	simm.s32 $0x200;
	s2 =	simm.s32 $0x40  }
.LBB2_32:
0x44d: {  	p0 =	sne.s32 s0, $0xFF00;
	v2 =	vld [tilespmem:s2+$0x8000];
	[tilespmem:s31+$0xC030] =	vst v1  }
0x44e: {  	v0 =	vld.idx.msk [tilespmem:v0+s25+$0x0], $0xffff;
	_ =	sdelay $0x5  }
0x44f: {  	[tilespmem:s31+$0x10030] =	vst v0;
	s31 =	smov.u32 s2  }
0x450: {  	v0 =	vld.idx.msk [tilespmem:v2+s1+$0x0], $0xffff;
	_ =	sdelay $0x5  }
0x451: {  	[tilespmem:s31+$0xC000] =	vst v0;
	v0 =	vld [tilespmem:s31+$0x8010]  }
0x452: {  	v1 =	vld.idx.msk [tilespmem:v2+s25+$0x0], $0xffff;
	_ =	sdelay $0x5  }
0x453: {  	[tilespmem:s31+$0x10000] =	vst v1  }
0x454: {  	v1 =	vld.idx.msk [tilespmem:v0+s1+$0x0], $0xffff;
	_ =	sdelay $0x5  }
0x455: {  	[tilespmem:s31+$0xC010] =	vst v1;
	v1 =	vld [tilespmem:s31+$0x8020]  }
0x456: {  	v0 =	vld.idx.msk [tilespmem:v0+s25+$0x0], $0xffff;
	_ =	sdelay $0x5  }
0x457: {  	[tilespmem:s31+$0x10010] =	vst v0  }
0x458: {  	v0 =	vld.idx.msk [tilespmem:v1+s1+$0x0], $0xffff;
	_ =	sdelay $0x5  }
0x459: {  	[tilespmem:s31+$0xC020] =	vst v0;
	v0 =	vld [tilespmem:s31+$0x8030]  }
0x45a: {  	v1 =	vld.idx.msk [tilespmem:v1+s25+$0x0], $0xffff;
	_ =	sdelay $0x5  }
0x45b: {  	[tilespmem:s31+$0x10020] =	vst v1  }
0x45c: {  	v1 =	vld.idx.msk [tilespmem:v0+s1+$0x0], $0xffff  }
.Ltmp15:
0x45d: {  	(pc) =	sbr.rel @p0 .LBB2_32-.Ltmp15, $2  }
0x45e: {  	_ =	sdelay $0x2  }
0x45f: {  	s2 =	sshra.s32 s0, $0x2;
	s0 =	sadd.s32 $0x100, s0  }
0x460: {  	_ =	sdelay $0x1  }
0x461: {  	v2 =	vld [tilespmem:s2+$0x8000]  }
0x462: {  	[tilespmem:s31+$0xC030] =	vst v1  }
0x463: {  	v0 =	vld.idx.msk [tilespmem:v0+s25+$0x0], $0xffff;
	_ =	sdelay $0x4  }
0x464: {  	[tilespmem:s31+$0x10030] =	vst v0  }
0x465: {  	v0 =	vld.idx.msk [tilespmem:v2+s1+$0x0], $0xffff;
	_ =	sdelay $0x3  }
0x466: {  	v61 =	vld [tilespmem:s2+$0x8010]  }
0x467: {  	[tilespmem:s2+$0xC000] =	vst v0  }
0x468: {  	v1 =	vld.idx.msk [tilespmem:v2+s25+$0x0], $0xffff;
	_ =	sdelay $0x4  }
0x469: {  	[tilespmem:s2+$0x10000] =	vst v1  }
0x46a: {  	v1 =	vld.idx.msk [tilespmem:v61+s1+$0x0], $0xffff;
	_ =	sdelay $0x3  }
0x46b: {  	v62 =	vld [tilespmem:s2+$0x8020]  }
0x46c: {  	[tilespmem:s2+$0xC010] =	vst v1  }
0x46d: {  	v0 =	vld.idx.msk [tilespmem:v61+s25+$0x0], $0xffff;
	_ =	sdelay $0x4  }
0x46e: {  	[tilespmem:s2+$0x10010] =	vst v0  }
0x46f: {  	v0 =	vld.idx.msk [tilespmem:v62+s1+$0x0], $0xffff;
	_ =	sdelay $0x3  }
0x470: {  	v63 =	vld [tilespmem:s2+$0x8030]  }
0x471: {  	[tilespmem:s2+$0xC020] =	vst v0  }
0x472: {  	v1 =	vld.idx.msk [tilespmem:v62+s25+$0x0], $0xffff;
	_ =	sdelay $0x4  }
0x473: {  	[tilespmem:s2+$0x10020] =	vst v1  }
0x474: {  	v1 =	vld.idx.msk [tilespmem:v63+s1+$0x0], $0xffff;
	_ =	sdelay $0x4  }
0x475: {  	[tilespmem:s2+$0xC030] =	vst v1  }
0x476: {  	v0 =	vld.idx.msk [tilespmem:v63+s25+$0x0], $0xffff;
	_ =	sdelay $0x4  }
0x477: {  	[tilespmem:s2+$0x10030] =	vst v0  }
0x478: {  	[hbm4b:s4+s22] =	stream.strided.scatter [tilespmem:s28], [sflag:$0x1], $0x4000, s23, s22, $0x38;
	[tilespmem:$0x14000] =	vst v63  }
0x479: {  	s30 =	sadd.s32 $0x1, s30;
	_ =	swait.ge [sflag:s24], $0x4000  }
0x47a: {  	p0 =	sne.s32 s30, s6;
	[sflag:s24] =	ssyncset.done $0x0  }
.Ltmp16:
0x47b: {  	[sflag:s24] =	ssyncadd.s32 $0xFFFFC000;
	(pc) =	sbr.rel @p0 .LBB2_1-.Ltmp16, $4  }
0x47c: {  	[hbm4b:s5+s22] =	stream.strided.scatter [tilespmem:s29], [sflag:$0x1], $0x4000, s23, s22, $0x38;
	[tilespmem:$0x14000] =	vst v63  }
0x47d: {  	_ =	swait.ge [sflag:s24], $0x4000  }
0x47e: {  	[sflag:s24] =	ssyncset.done $0x0  }
0x47f: {  	[sflag:s24] =	ssyncadd.s32 $0xFFFFC000  }
0x480: {  	_ =	sfence.sel $0x180000  }
0x481: {  	[bflag:$0x0] =	sbarrier.arrive $0xFFFF  }
0x482: {  	_ =	strace $0x9000004A  }
0x483: {  	s0 =	stileid.u32;
	[bflag:$0x2] =	sbarrier.arrive $0xFFFF  }
0x484: {  	p0 =	sne.s32 s0, $0x0;
	s0 =	rddreg [dreg:$0x3]  }
0x485: {  	s0 =	sadd.s32 @!p0 $0x100000, s0  }
0x486: {  	[sflag:s0] =	ssyncadd.tile.s32 @!p0 $0x1;
	_ =	shalt  }
.Lfunc_end2:
_tile_overlayer_lowered:
.L_overlay_start_2:
0x487: {  	(tag) =	ssettag $0x2  }
0x488: {  	s0 =	rddreg [dreg:$0x0];
	s2 =	stileid.u32  }
0x489: {  	s1 =	rddreg [dreg:$0x1];
	p0 =	sne.s32 s2, $0x0  }
0x48a: {  	s3 =	rddreg [dreg:$0x2];
	[bflag:$0x3] =	sbarrier.arrive $0xFFFF;
	s2 =	simm.s32 @!p0 $0x1C01  }
0x48b: {  	[timem:s3], [sflag:s2] =	dma.local @!p0 [hbm:s0], s1  }
0x48c: {  	s0 =	simm.s32 @!p0 $0x1  }
0x48d: {  	_ =	swait.ge @!p0 [sflag:s0], s1  }
0x48e: {  	s1 =	ssub.s32 @!p0 $0x0, s1;
	[sflag:s0] =	ssyncset.done @!p0 $0x0  }
0x48f: {  	[sflag:s0] =	ssyncadd.s32 @!p0 s1  }
0x490: {  	[bflag:$0x3] =	sbarrier.arrive $0xFFFF  }
0x491: {  	_ =	shalt  }

</sc_bundles>
